<compile_context>
chip_gen: v7x
topology: tpu7x:2x2x1
jax: 0.10.2.dev20260603
libtpu: 0.0.44.dev20260713+nightly
codegen_flags: <defaults>
</compile_context>

<pallas_src>
import functools

import jax
import jax.numpy as jnp
from jax import lax
from jax.experimental import pallas as pl
from jax.experimental.pallas import tpu as pltpu
from jax.experimental.pallas import tpu_sc as plsc

N = 10000
E = 320000
D = 128
DE = 16
R = 4
L = 512

NC = 2
NS = 16
NW = NC * NS
EPW = E // NW
C = 80
NCH = EPW // C
NP = 10240
NPT = NP // NS

_f32 = jnp.float32
_i32 = jnp.int32


def _zero_vmem_f32(ref, rows, cols):
    z = jnp.zeros((16,), _f32)

    def body(i, _):
        for j in range(cols // 16):
            ref[i, pl.ds(j * 16, 16)] = z
        return 0

    lax.fori_loop(0, rows, body, 0)


def _zero_stripe(zbuf, acc, base):
    for b in range(NPT // C):
        pltpu.sync_copy(zbuf, acc.at[pl.ds(base + b * C, C)])


def _sc_gidx(src2d, typ2d):
    mesh = plsc.VectorSubcoreMesh(core_axis_name="c", subcore_axis_name="s")

    @functools.partial(
        pl.kernel,
        out_type=jax.ShapeDtypeStruct((NW, NCH, C), _i32),
        mesh=mesh,
        scratch_types=[
            pltpu.VMEM((NCH, C), _i32),
            pltpu.VMEM((NCH, C), _i32),
        ],
    )
    def k(src_h, typ_h, gidx_h, gidx_v, typ_v):
        cid = lax.axis_index("c")
        sid = lax.axis_index("s")
        wid = sid * NC + cid

        pltpu.sync_copy(src_h.at[wid], gidx_v)
        pltpu.sync_copy(typ_h.at[wid], typ_v)

        def build(i, _):
            for j in range(C // 16):
                sl = pl.ds(j * 16, 16)
                gidx_v[i, sl] = typ_v[i, sl] * N + gidx_v[i, sl]
            return 0

        lax.fori_loop(0, NCH, build, 0)
        pltpu.sync_copy(gidx_v, gidx_h.at[wid])

    return k(src2d, typ2d)


def _sc_ea_sum(edge_attr, dst2d):
    mesh = plsc.VectorSubcoreMesh(core_axis_name="c", subcore_axis_name="s")

    @functools.partial(
        pl.kernel,
        out_type=[
            jax.ShapeDtypeStruct((NP, D), _f32),
            jax.ShapeDtypeStruct((NP, D), _f32),
        ],
        mesh=mesh,
        scratch_types=[
            pltpu.VMEM((2, C), _i32),
            pltpu.VMEM((2 * C, DE), _f32),
            pltpu.VMEM((2 * C, D), _f32),
            pltpu.VMEM_SHARED((NP, D), _f32),
            pltpu.SemaphoreType.DMA,
            pltpu.SemaphoreType.DMA,
        ],
    )
    def k(ea_h, dst_h, u0_h, u1_h,
          db, eb, er, eacc, sem, semi):
        cid = lax.axis_index("c")
        sid = lax.axis_index("s")
        wid = sid * NC + cid

        _zero_vmem_f32(er, 2 * C, D)
        for b in range(NPT // C // 2):
            pltpu.sync_copy(er, eacc.at[pl.ds(sid * NPT + b * 2 * C, 2 * C)])
        plsc.subcore_barrier()

        def load(i):
            s = i % 2
            ebase = (wid * NCH + i) * C
            pltpu.async_copy(ea_h.at[pl.ds(ebase, C)],
                             eb.at[pl.ds(s * C, C)], sem)
            pltpu.async_copy(dst_h.at[wid, i], db.at[s], semi)

        def wait():
            pltpu.make_async_copy(
                ea_h.at[pl.ds(0, C)], eb.at[pl.ds(0, C)], sem).wait()
            pltpu.make_async_copy(dst_h.at[wid, 0], db.at[0], semi).wait()

        load(0)

        def step(i, _):
            wait()

            @pl.when(i + 1 < NCH)
            def _():
                load(i + 1)

            off = (i % 2) * C

            def widen(r, _):
                er[off + r, pl.ds(0, 16)] = eb[off + r, pl.ds(0, 16)]
                return 0

            lax.fori_loop(0, C, widen, 0)
            pltpu.sync_copy(er.at[pl.ds(off, C)], eacc.at[db.at[i % 2]],
                            add=True)
            return 0

        lax.fori_loop(0, NCH, step, 0)
        plsc.subcore_barrier()

        base = sid * NPT

        @pl.when(cid == 0)
        def _():
            pltpu.sync_copy(eacc.at[pl.ds(base, NPT)], u0_h.at[pl.ds(base, NPT)])

        @pl.when(cid == 1)
        def _():
            pltpu.sync_copy(eacc.at[pl.ds(base, NPT)], u1_h.at[pl.ds(base, NPT)])

    return k(edge_attr, dst2d)


def _sc_layer(table, gidx2d, dst2d, dep):
    mesh = plsc.VectorSubcoreMesh(core_axis_name="c", subcore_axis_name="s")

    @functools.partial(
        pl.kernel,
        out_type=[
            jax.ShapeDtypeStruct((NP, D), _f32),
            jax.ShapeDtypeStruct((NP, D), _f32),
        ],
        mesh=mesh,
        scratch_types=[
            pltpu.VMEM((3, C), _i32),
            pltpu.VMEM((3, C), _i32),
            pltpu.VMEM((3 * C, D), _f32),
            pltpu.VMEM_SHARED((NP, D), _f32),
            pltpu.SemaphoreType.DMA,
            pltpu.SemaphoreType.DMA,
        ],
    )
    def k(table_h, gidx_h, dst_h, dep_h, agg0_h, agg1_h,
          gb, db, rb, acc, sem, semi):
        del dep_h
        cid = lax.axis_index("c")
        sid = lax.axis_index("s")
        wid = sid * NC + cid

        _zero_vmem_f32(rb, 3 * C, D)
        nfull = NPT // (3 * C)
        for b in range(nfull):
            pltpu.sync_copy(rb, acc.at[pl.ds(sid * NPT + b * 3 * C, 3 * C)])
        rem = NPT - nfull * 3 * C
        pltpu.sync_copy(rb.at[pl.ds(0, rem)],
                        acc.at[pl.ds(sid * NPT + nfull * 3 * C, rem)])
        plsc.subcore_barrier()

        def load_idx(i):
            s = i % 3
            pltpu.async_copy(gidx_h.at[wid, i], gb.at[s], semi)
            pltpu.async_copy(dst_h.at[wid, i], db.at[s], semi)

        def wait_idx():
            pltpu.make_async_copy(gidx_h.at[wid, 0], gb.at[0], semi).wait()
            pltpu.make_async_copy(dst_h.at[wid, 0], db.at[0], semi).wait()

        def gather(i):
            off = (i % 3) * C
            pltpu.async_copy(
                table_h.at[gb.at[i % 3]], rb.at[pl.ds(off, C)], sem)

        def wait():
            pltpu.make_async_copy(
                table_h.at[gb.at[0]], rb.at[pl.ds(0, C)], sem).wait()

        load_idx(0)
        load_idx(1)
        wait_idx()
        gather(0)
        wait_idx()
        gather(1)

        def step(i, _):
            wait()

            @pl.when(i + 2 < NCH)
            def _():
                load_idx(i + 2)

            off = (i % 3) * C
            pltpu.sync_copy(rb.at[pl.ds(off, C)], acc.at[db.at[i % 3]], add=True)

            @pl.when(i + 2 < NCH)
            def _():
                wait_idx()
                gather(i + 2)

            return 0

        lax.fori_loop(0, NCH, step, 0)
        plsc.subcore_barrier()

        base = sid * NPT

        @pl.when(cid == 0)
        def _():
            pltpu.sync_copy(acc.at[pl.ds(base, NPT)], agg0_h.at[pl.ds(base, NPT)])

        @pl.when(cid == 1)
        def _():
            pltpu.sync_copy(acc.at[pl.ds(base, NPT)], agg1_h.at[pl.ds(base, NPT)])

    return k(table, gidx2d, dst2d, dep)


def _sc_label_gather(x, h1, agg10, agg11, eaw1, labels):
    mesh = plsc.VectorSubcoreMesh(core_axis_name="c", subcore_axis_name="s")
    LPW = L // NW

    @functools.partial(
        pl.kernel,
        out_type=[
            jax.ShapeDtypeStruct((L, D), _f32),
            jax.ShapeDtypeStruct((L, D), _f32),
            jax.ShapeDtypeStruct((L, D), _f32),
            jax.ShapeDtypeStruct((L, D), _f32),
            jax.ShapeDtypeStruct((L, D), _f32),
        ],
        mesh=mesh,
        scratch_types=[
            pltpu.VMEM((LPW,), _i32),
            pltpu.VMEM((LPW, D), _f32),
            pltpu.SemaphoreType.DMA,
        ],
    )
    def k(x_h, h1_h, a0_h, a1_h, e_h, lab_h,
          xg_h, hg_h, ag0_h, ag1_h, eg_h,
          lab_v, buf_v, sem):
        cid = lax.axis_index("c")
        sid = lax.axis_index("s")
        wid = sid * NC + cid
        base = wid * LPW
        pltpu.sync_copy(lab_h.at[pl.ds(base, LPW)], lab_v)
        for src_h, out_h in ((x_h, xg_h), (h1_h, hg_h), (a0_h, ag0_h),
                             (a1_h, ag1_h), (e_h, eg_h)):
            pltpu.async_copy(src_h.at[lab_v], buf_v, sem).wait()
            pltpu.sync_copy(buf_v, out_h.at[pl.ds(base, LPW)])

    return k(x, h1, agg10, agg11, eaw1, labels)


def _tc_round_ea(ea):
    BE = 8000

    def body(e_ref, o_ref):
        o_ref[...] = e_ref[...].astype(jnp.bfloat16).astype(_f32)

    return pl.pallas_call(
        body,
        grid=(E // BE,),
        in_specs=[pl.BlockSpec((BE, DE), lambda b: (b, 0))],
        out_specs=pl.BlockSpec((BE, DE), lambda b: (b, 0)),
        out_shape=jax.ShapeDtypeStruct((E, DE), _f32),
    )(ea)



def _tc_rel_table(x, W_rel):
    BN = 1000

    def body(x_ref, w_ref, out_ref):
        out_ref[0] = jnp.dot(x_ref[...], w_ref[0], preferred_element_type=_f32)

    return pl.pallas_call(
        body,
        grid=(N // BN, R),
        in_specs=[
            pl.BlockSpec((BN, D), lambda nb, r: (nb, 0)),
            pl.BlockSpec((1, D, D), lambda nb, r: (r, 0, 0)),
        ],
        out_specs=pl.BlockSpec((1, BN, D), lambda nb, r: (r, nb, 0)),
        out_shape=jax.ShapeDtypeStruct((R, N, D), _f32),
    )(x, W_rel)


def _tc_layer_update(x, agg0, agg1, u0, u1, W_self, W_edge, b, W_rel_next,
                     W_edge_next):
    BN = 1000

    def body(x_ref, a0_ref, a1_ref, u0_ref, u1_ref, ws_ref, we_ref, b_ref,
             wr_ref, wen_ref, h_ref, t_ref, ew_ref):
        ea = u0_ref[:, :DE] + u1_ref[:, :DE]
        h = jnp.dot(x_ref[...], ws_ref[...], preferred_element_type=_f32)
        h = h + a0_ref[...] + a1_ref[...] + b_ref[...]
        h = h + jnp.dot(ea, we_ref[...], preferred_element_type=_f32)
        h = jnp.maximum(h, 0.0)
        h_ref[...] = h
        ew_ref[...] = jnp.dot(ea, wen_ref[...], preferred_element_type=_f32)
        for r in range(R):
            t_ref[r] = jnp.dot(h, wr_ref[r], preferred_element_type=_f32)

    return pl.pallas_call(
        body,
        grid=(N // BN,),
        in_specs=[
            pl.BlockSpec((BN, D), lambda nb: (nb, 0)),
            pl.BlockSpec((BN, D), lambda nb: (nb, 0)),
            pl.BlockSpec((BN, D), lambda nb: (nb, 0)),
            pl.BlockSpec((BN, D), lambda nb: (nb, 0)),
            pl.BlockSpec((BN, D), lambda nb: (nb, 0)),
            pl.BlockSpec((D, D), lambda nb: (0, 0)),
            pl.BlockSpec((DE, D), lambda nb: (0, 0)),
            pl.BlockSpec((1, D), lambda nb: (0, 0)),
            pl.BlockSpec((R, D, D), lambda nb: (0, 0, 0)),
            pl.BlockSpec((DE, D), lambda nb: (0, 0)),
        ],
        out_specs=[
            pl.BlockSpec((BN, D), lambda nb: (nb, 0)),
            pl.BlockSpec((R, BN, D), lambda nb: (0, nb, 0)),
            pl.BlockSpec((BN, D), lambda nb: (nb, 0)),
        ],
        out_shape=[
            jax.ShapeDtypeStruct((N, D), _f32),
            jax.ShapeDtypeStruct((R, N, D), _f32),
            jax.ShapeDtypeStruct((N, D), _f32),
        ],
    )(x, agg0, agg1, u0, u1, W_self, W_edge, b, W_rel_next, W_edge_next)


def _tc_head(xg, hg, ag0, ag1, eg, W_self1, b1,
             Wq, Wk, Wv, w1, bm1, w2, bm2, w3, bm3):

    def body(xg_ref, hg_ref, a0_ref, a1_ref, eg_ref, ws_ref,
             b_ref, wq_ref, wk_ref, wv_ref, w1_ref, b1_ref, w2_ref, b2_ref,
             w3_ref, b3_ref, out_ref):
        h2 = jnp.dot(hg_ref[...], ws_ref[...], preferred_element_type=_f32)
        h2 = h2 + a0_ref[...] + a1_ref[...] + eg_ref[...] + b_ref[...]
        h2 = jnp.maximum(h2, 0.0)

        qh = jnp.dot(xg_ref[...], wq_ref[...], preferred_element_type=_f32)
        kh = jnp.dot(h2, wk_ref[...], preferred_element_type=_f32)
        vh = jnp.dot(h2, wv_ref[...], preferred_element_type=_f32)
        score = jnp.sum(qh * kh, axis=-1, keepdims=True) / jnp.sqrt(_f32(D))
        attn = jax.nn.sigmoid(score) * vh

        z = jnp.dot(attn, w1_ref[...], preferred_element_type=_f32) + b1_ref[...]
        z = jnp.maximum(z, 0.0)
        z = jnp.dot(z, w2_ref[...], preferred_element_type=_f32) + b2_ref[...]
        z = jnp.maximum(z, 0.0)
        logit = jnp.dot(z, w3_ref[...], preferred_element_type=_f32) + b3_ref[...]
        out_ref[...] = jnp.broadcast_to(logit, (L, D))

    return pl.pallas_call(
        body,
        out_shape=jax.ShapeDtypeStruct((L, D), _f32),
    )(xg, hg, ag0, ag1, eg, W_self1, b1,
      Wq, Wk, Wv, w1, bm1, w2, bm2, w3, bm3)


def kernel(x, edge_index, edge_attr, edge_type, label_indices,
           correct_label_mask, W_rel0, W_self0, W_edge0, b0, W_rel1, W_self1,
           W_edge1, b1, Wq, Wk, Wv, mlp_w1, mlp_b1, mlp_w2, mlp_b2, mlp_w3,
           mlp_b3):
    src2d = edge_index[0].reshape(NW, NCH, C)
    dst2d = edge_index[1].reshape(NW, NCH, C)
    typ2d = edge_type.reshape(NW, NCH, C)

    gidx2d = _sc_gidx(src2d, typ2d)
    u0, u1 = _sc_ea_sum(_tc_round_ea(edge_attr), dst2d)
    table0 = _tc_rel_table(x, W_rel0).reshape(R * N, D)
    agg00, agg01 = _sc_layer(table0, gidx2d, dst2d, u0)

    h1, table1, eaw1 = _tc_layer_update(
        x, agg00, agg01, u0, u1, W_self0, W_edge0, b0.reshape(1, D), W_rel1,
        W_edge1)
    agg10, agg11 = _sc_layer(table1.reshape(R * N, D), gidx2d, dst2d, u0)

    xg, hg, ag0, ag1, eg = _sc_label_gather(
        x, h1, agg10, agg11, eaw1, label_indices)

    out = _tc_head(
        xg, hg, ag0, ag1, eg, W_self1, b1.reshape(1, D),
        Wq, Wk, Wv, mlp_w1, mlp_b1.reshape(1, 2 * D), mlp_w2,
        mlp_b2.reshape(1, D), mlp_w3, mlp_b3.reshape(1, 1))
    logits = out[:, :1]
    return (logits, correct_label_mask)

# --- scband reference (transcript-rebuilt; emitter-appended) ---
"""Pipeline reference for scband-super-model-46651934769355 (READ-ONLY COPY).

The authoritative reference and input builder live on the scoring server;
editing this copy changes nothing except your own understanding.
"""

import jax, jax.numpy as jnp
import numpy as np

N = 10000
E = 320000
D_IN = 128
D_OUT = 128
D_EDGE = 16
R = 4
L = 512


def setup_inputs(seed: int = 0) -> dict:
    key = jax.random.key(seed)
    ks = jax.random.split(key, 32)
    s = 0.05
    inp = {}
    inp['x'] = jax.random.normal(ks[0], (N, D_IN), dtype=jnp.float32)
    inp['edge_index'] = jax.random.randint(ks[1], (2, E), 0, N, dtype=jnp.int32)
    inp['edge_attr'] = jax.random.normal(ks[2], (E, D_EDGE), dtype=jnp.float32)
    inp['edge_type'] = jax.random.randint(ks[3], (E,), 0, R, dtype=jnp.int32)
    inp['label_indices'] = jax.random.randint(ks[4], (L,), 0, N, dtype=jnp.int32)
    inp['correct_label_mask'] = jax.random.randint(ks[5], (L,), 0, 2, dtype=jnp.int32) > 0
    # EdgeTypeMultiLayerMessagePassing params (2 layers, per-edge-type relation weights)
    inp['W_rel0'] = jax.random.normal(ks[6], (R, D_IN, D_IN), dtype=jnp.float32) * s
    inp['W_self0'] = jax.random.normal(ks[7], (D_IN, D_IN), dtype=jnp.float32) * s
    inp['W_edge0'] = jax.random.normal(ks[8], (D_EDGE, D_IN), dtype=jnp.float32) * s
    inp['b0'] = jnp.zeros((D_IN,), dtype=jnp.float32)
    inp['W_rel1'] = jax.random.normal(ks[9], (R, D_IN, D_OUT), dtype=jnp.float32) * s
    inp['W_self1'] = jax.random.normal(ks[10], (D_IN, D_OUT), dtype=jnp.float32) * s
    inp['W_edge1'] = jax.random.normal(ks[11], (D_EDGE, D_OUT), dtype=jnp.float32) * s
    inp['b1'] = jnp.zeros((D_OUT,), dtype=jnp.float32)
    # SingleHeadAttention params (per-node q/k gating over v)
    inp['Wq'] = jax.random.normal(ks[12], (D_IN, D_OUT), dtype=jnp.float32) * s
    inp['Wk'] = jax.random.normal(ks[13], (D_OUT, D_OUT), dtype=jnp.float32) * s
    inp['Wv'] = jax.random.normal(ks[14], (D_OUT, D_OUT), dtype=jnp.float32) * s
    # link_pred_mlp params
    inp['mlp_w1'] = jax.random.normal(ks[15], (D_OUT, 2 * D_OUT), dtype=jnp.float32) * s
    inp['mlp_b1'] = jnp.zeros((2 * D_OUT,), dtype=jnp.float32)
    inp['mlp_w2'] = jax.random.normal(ks[16], (2 * D_OUT, D_OUT), dtype=jnp.float32) * s
    inp['mlp_b2'] = jnp.zeros((D_OUT,), dtype=jnp.float32)
    inp['mlp_w3'] = jax.random.normal(ks[17], (D_OUT, 1), dtype=jnp.float32) * s
    inp['mlp_b3'] = jnp.zeros((1,), dtype=jnp.float32)
    return inp


def reference(x, edge_index, edge_attr, edge_type, label_indices, correct_label_mask,
              W_rel0, W_self0, W_edge0, b0, W_rel1, W_self1, W_edge1, b1,
              Wq, Wk, Wv, mlp_w1, mlp_b1, mlp_w2, mlp_b2, mlp_w3, mlp_b3):
    src = edge_index[0]
    dst = edge_index[1]

    def layer(h, W_rel, W_self, W_edge, b):
        # per-edge-type transform: precompute per-relation node features, then gather per edge
        ht = jnp.einsum('nd,rdo->rno', h, W_rel)
        msg = ht[edge_type, src] + edge_attr @ W_edge
        agg = jax.ops.segment_sum(msg, dst, num_segments=h.shape[0])
        return jax.nn.relu(h @ W_self + agg + b)

    h = layer(x, W_rel0, W_self0, W_edge0, b0)
    h = layer(h, W_rel1, W_self1, W_edge1, b1)

    # SingleHeadAttention: k=h, q=x, v=h (per-node scaled dot-product gating)
    qh = x @ Wq
    kh = h @ Wk
    vh = h @ Wv
    score = jnp.sum(qh * kh, axis=-1) / jnp.sqrt(jnp.float32(D_OUT))
    attn_out = jax.nn.sigmoid(score)[:, None] * vh

    class_embeddings = attn_out[label_indices]
    z = jax.nn.relu(class_embeddings @ mlp_w1 + mlp_b1)
    z = jax.nn.relu(z @ mlp_w2 + mlp_b2)
    logits = z @ mlp_w3 + mlp_b3
    return (logits, correct_label_mask)

if __name__ == "__main__":
    import jax
    _d = setup_inputs()
    print(jax.jit(kernel)(*tuple(_d.values())))

</pallas_src>

<mosaic_0001>
#map = affine_map<(d0, d1) -> (0, 0, 0)>
module attributes {stable_mosaic.version = 14 : i64} {
  func.func @k(%arg0: i32, %arg1: i32, %arg2: memref<32x125x80xi32, #tpu.memory_space<hbm>>, %arg3: memref<32x125x80xi32, #tpu.memory_space<hbm>>, %arg4: memref<32x125x80xi32, #tpu.memory_space<hbm>>, %arg5: memref<125x80xi32, #tpu.memory_space<vmem>>, %arg6: memref<125x80xi32, #tpu.memory_space<vmem>>) attributes {dimension_semantics = [#tpu.dimension_semantics<core_parallel>, #tpu.dimension_semantics<subcore_parallel>], iteration_bounds = array<i64: 2, 16>, scalar_prefetch = 0 : i64, scratch_operands = 2 : i64, tpu.core_type = #tpu.core_type<sc_vector_subcore>, window_params = [{transform_indices = #map}, {transform_indices = #map}, {transform_indices = #map}]} {
    %mul3A = arith.constant 2 : i32
    %mul3A_0 = arith.muli %arg1, %mul3A : i32
    %add3A = arith.addi %mul3A_0, %arg0 : i32
    "tpu.region"() ({
      %run_scoped3A = tpu.sem_alloc : memref<!tpu.dma_semaphore, #tpu.memory_space<semaphore_mem>>
      %dma_start3A = arith.constant 0 : i32
      %dma_start3A_7 = arith.constant 0 : i32
      %dma_start3A_8 = tpu.memref_slice %arg2[%add3A, %dma_start3A, %dma_start3A_7] : memref<32x125x80xi32, #tpu.memory_space<hbm>> -> memref<1x125x80xi32, #tpu.memory_space<hbm>>
      %dma_start3A_9 = tpu.memref_squeeze %dma_start3A_8 : memref<1x125x80xi32, #tpu.memory_space<hbm>> -> memref<125x80xi32, #tpu.memory_space<hbm>>
      %dma_start3A_10 = arith.constant 0 : i32
      %dma_start3A_11 = arith.constant 0 : i32
      %dma_start3A_12 = tpu.memref_slice %arg2[%add3A, %dma_start3A_10, %dma_start3A_11] : memref<32x125x80xi32, #tpu.memory_space<hbm>> -> memref<1x125x80xi32, #tpu.memory_space<hbm>>
      %dma_start3A_13 = tpu.memref_squeeze %dma_start3A_12 : memref<1x125x80xi32, #tpu.memory_space<hbm>> -> memref<125x80xi32, #tpu.memory_space<hbm>>
      tpu.enqueue_dma source(%dma_start3A_13 : memref<125x80xi32, #tpu.memory_space<hbm>>) target(%arg5 : memref<125x80xi32, #tpu.memory_space<vmem>>) target_semaphore(%run_scoped3A : memref<!tpu.dma_semaphore, #tpu.memory_space<semaphore_mem>>)
      %dma_wait3A = arith.constant 0 : i32
      %dma_wait3A_14 = arith.constant 0 : i32
      %dma_wait3A_15 = tpu.memref_slice %arg2[%add3A, %dma_wait3A, %dma_wait3A_14] : memref<32x125x80xi32, #tpu.memory_space<hbm>> -> memref<1x125x80xi32, #tpu.memory_space<hbm>>
      %dma_wait3A_16 = tpu.memref_squeeze %dma_wait3A_15 : memref<1x125x80xi32, #tpu.memory_space<hbm>> -> memref<125x80xi32, #tpu.memory_space<hbm>>
      %dma_wait3A_17 = arith.constant 0 : i32
      %dma_wait3A_18 = arith.constant 0 : i32
      %dma_wait3A_19 = tpu.memref_slice %arg2[%add3A, %dma_wait3A_17, %dma_wait3A_18] : memref<32x125x80xi32, #tpu.memory_space<hbm>> -> memref<1x125x80xi32, #tpu.memory_space<hbm>>
      %dma_wait3A_20 = tpu.memref_squeeze %dma_wait3A_19 : memref<1x125x80xi32, #tpu.memory_space<hbm>> -> memref<125x80xi32, #tpu.memory_space<hbm>>
      tpu.wait_dma2 semaphore(%run_scoped3A : memref<!tpu.dma_semaphore, #tpu.memory_space<semaphore_mem>>) src(%dma_wait3A_20 : memref<125x80xi32, #tpu.memory_space<hbm>>) dst(%arg5 : memref<125x80xi32, #tpu.memory_space<vmem>>)
      tpu.yield
    }) : () -> ()
    "tpu.region"() ({
      %run_scoped3A = tpu.sem_alloc : memref<!tpu.dma_semaphore, #tpu.memory_space<semaphore_mem>>
      %dma_start3A = arith.constant 0 : i32
      %dma_start3A_7 = arith.constant 0 : i32
      %dma_start3A_8 = tpu.memref_slice %arg3[%add3A, %dma_start3A, %dma_start3A_7] : memref<32x125x80xi32, #tpu.memory_space<hbm>> -> memref<1x125x80xi32, #tpu.memory_space<hbm>>
      %dma_start3A_9 = tpu.memref_squeeze %dma_start3A_8 : memref<1x125x80xi32, #tpu.memory_space<hbm>> -> memref<125x80xi32, #tpu.memory_space<hbm>>
      %dma_start3A_10 = arith.constant 0 : i32
      %dma_start3A_11 = arith.constant 0 : i32
      %dma_start3A_12 = tpu.memref_slice %arg3[%add3A, %dma_start3A_10, %dma_start3A_11] : memref<32x125x80xi32, #tpu.memory_space<hbm>> -> memref<1x125x80xi32, #tpu.memory_space<hbm>>
      %dma_start3A_13 = tpu.memref_squeeze %dma_start3A_12 : memref<1x125x80xi32, #tpu.memory_space<hbm>> -> memref<125x80xi32, #tpu.memory_space<hbm>>
      tpu.enqueue_dma source(%dma_start3A_13 : memref<125x80xi32, #tpu.memory_space<hbm>>) target(%arg6 : memref<125x80xi32, #tpu.memory_space<vmem>>) target_semaphore(%run_scoped3A : memref<!tpu.dma_semaphore, #tpu.memory_space<semaphore_mem>>)
      %dma_wait3A = arith.constant 0 : i32
      %dma_wait3A_14 = arith.constant 0 : i32
      %dma_wait3A_15 = tpu.memref_slice %arg3[%add3A, %dma_wait3A, %dma_wait3A_14] : memref<32x125x80xi32, #tpu.memory_space<hbm>> -> memref<1x125x80xi32, #tpu.memory_space<hbm>>
      %dma_wait3A_16 = tpu.memref_squeeze %dma_wait3A_15 : memref<1x125x80xi32, #tpu.memory_space<hbm>> -> memref<125x80xi32, #tpu.memory_space<hbm>>
      %dma_wait3A_17 = arith.constant 0 : i32
      %dma_wait3A_18 = arith.constant 0 : i32
      %dma_wait3A_19 = tpu.memref_slice %arg3[%add3A, %dma_wait3A_17, %dma_wait3A_18] : memref<32x125x80xi32, #tpu.memory_space<hbm>> -> memref<1x125x80xi32, #tpu.memory_space<hbm>>
      %dma_wait3A_20 = tpu.memref_squeeze %dma_wait3A_19 : memref<1x125x80xi32, #tpu.memory_space<hbm>> -> memref<125x80xi32, #tpu.memory_space<hbm>>
      tpu.wait_dma2 semaphore(%run_scoped3A : memref<!tpu.dma_semaphore, #tpu.memory_space<semaphore_mem>>) src(%dma_wait3A_20 : memref<125x80xi32, #tpu.memory_space<hbm>>) dst(%arg6 : memref<125x80xi32, #tpu.memory_space<vmem>>)
      tpu.yield
    }) : () -> ()
    %scan3A = arith.constant 0 : i32
    %scan3A_1 = arith.constant 0 : i32
    %scan3A_2 = arith.constant 125 : i32
    %scan3A_3 = arith.addi %scan3A_1, %scan3A_2 : i32
    %scan3A_4 = arith.constant 1 : i32
    %scan3A_5 = scf.for %scan3A_7 = %scan3A_1 to %scan3A_3 step %scan3A_4 iter_args(%scan3A_8 = %scan3A) -> (i32)  : i32 {
      %get3A = arith.index_cast %scan3A_7 : i32 to index
      %get3A_9 = arith.constant 0 : index
      %get3A_10 = tpu.vector_load %arg6[%get3A, %get3A_9] {strides = array<i32>} : memref<125x80xi32, #tpu.memory_space<vmem>>, vector<1x16xi32>,
      %get3A_11 = vector.shape_cast %get3A_10 : vector<1x16xi32> to vector<16xi32>
      %mul3A_12 = arith.constant 10000 : i32
      %mul3A_13 = vector.broadcast %mul3A_12 : i32 to vector<16xi32>
      %mul3A_14 = arith.muli %get3A_11, %mul3A_13 : vector<16xi32>
      %get3A_15 = arith.index_cast %scan3A_7 : i32 to index
      %get3A_16 = arith.constant 0 : index
      %get3A_17 = tpu.vector_load %arg5[%get3A_15, %get3A_16] {strides = array<i32>} : memref<125x80xi32, #tpu.memory_space<vmem>>, vector<1x16xi32>,
      %get3A_18 = vector.shape_cast %get3A_17 : vector<1x16xi32> to vector<16xi32>
      %add3A_19 = arith.addi %mul3A_14, %get3A_18 : vector<16xi32>
      %swap3A = arith.index_cast %scan3A_7 : i32 to index
      %swap3A_20 = arith.constant 0 : index
      %swap3A_21 = tpu.vector_load %arg5[%swap3A, %swap3A_20] {strides = array<i32>} : memref<125x80xi32, #tpu.memory_space<vmem>>, vector<1x16xi32>,
      %swap3A_22 = vector.shape_cast %swap3A_21 : vector<1x16xi32> to vector<16xi32>
      %swap3A_23 = vector.shape_cast %add3A_19 : vector<16xi32> to vector<1x16xi32>
      tpu.vector_store %arg5[%swap3A, %swap3A_20], %swap3A_23 {strides = array<i32>} : memref<125x80xi32, #tpu.memory_space<vmem>>, vector<1x16xi32>,
      %get3A_24 = arith.index_cast %scan3A_7 : i32 to index
      %get3A_25 = arith.constant 16 : index
      %get3A_26 = tpu.vector_load %arg6[%get3A_24, %get3A_25] {strides = array<i32>} : memref<125x80xi32, #tpu.memory_space<vmem>>, vector<1x16xi32>,
      %get3A_27 = vector.shape_cast %get3A_26 : vector<1x16xi32> to vector<16xi32>
      %mul3A_28 = arith.constant 10000 : i32
      %mul3A_29 = vector.broadcast %mul3A_28 : i32 to vector<16xi32>
      %mul3A_30 = arith.muli %get3A_27, %mul3A_29 : vector<16xi32>
      %get3A_31 = arith.index_cast %scan3A_7 : i32 to index
      %get3A_32 = arith.constant 16 : index
      %get3A_33 = tpu.vector_load %arg5[%get3A_31, %get3A_32] {strides = array<i32>} : memref<125x80xi32, #tpu.memory_space<vmem>>, vector<1x16xi32>,
      %get3A_34 = vector.shape_cast %get3A_33 : vector<1x16xi32> to vector<16xi32>
      %add3A_35 = arith.addi %mul3A_30, %get3A_34 : vector<16xi32>
      %swap3A_36 = arith.index_cast %scan3A_7 : i32 to index
      %swap3A_37 = arith.constant 16 : index
      %swap3A_38 = tpu.vector_load %arg5[%swap3A_36, %swap3A_37] {strides = array<i32>} : memref<125x80xi32, #tpu.memory_space<vmem>>, vector<1x16xi32>,
      %swap3A_39 = vector.shape_cast %swap3A_38 : vector<1x16xi32> to vector<16xi32>
      %swap3A_40 = vector.shape_cast %add3A_35 : vector<16xi32> to vector<1x16xi32>
      tpu.vector_store %arg5[%swap3A_36, %swap3A_37], %swap3A_40 {strides = array<i32>} : memref<125x80xi32, #tpu.memory_space<vmem>>, vector<1x16xi32>,
      %get3A_41 = arith.index_cast %scan3A_7 : i32 to index
      %get3A_42 = arith.constant 32 : index
      %get3A_43 = tpu.vector_load %arg6[%get3A_41, %get3A_42] {strides = array<i32>} : memref<125x80xi32, #tpu.memory_space<vmem>>, vector<1x16xi32>,
      %get3A_44 = vector.shape_cast %get3A_43 : vector<1x16xi32> to vector<16xi32>
      %mul3A_45 = arith.constant 10000 : i32
      %mul3A_46 = vector.broadcast %mul3A_45 : i32 to vector<16xi32>
      %mul3A_47 = arith.muli %get3A_44, %mul3A_46 : vector<16xi32>
      %get3A_48 = arith.index_cast %scan3A_7 : i32 to index
      %get3A_49 = arith.constant 32 : index
      %get3A_50 = tpu.vector_load %arg5[%get3A_48, %get3A_49] {strides = array<i32>} : memref<125x80xi32, #tpu.memory_space<vmem>>, vector<1x16xi32>,
      %get3A_51 = vector.shape_cast %get3A_50 : vector<1x16xi32> to vector<16xi32>
      %add3A_52 = arith.addi %mul3A_47, %get3A_51 : vector<16xi32>
      %swap3A_53 = arith.index_cast %scan3A_7 : i32 to index
      %swap3A_54 = arith.constant 32 : index
      %swap3A_55 = tpu.vector_load %arg5[%swap3A_53, %swap3A_54] {strides = array<i32>} : memref<125x80xi32, #tpu.memory_space<vmem>>, vector<1x16xi32>,
      %swap3A_56 = vector.shape_cast %swap3A_55 : vector<1x16xi32> to vector<16xi32>
      %swap3A_57 = vector.shape_cast %add3A_52 : vector<16xi32> to vector<1x16xi32>
      tpu.vector_store %arg5[%swap3A_53, %swap3A_54], %swap3A_57 {strides = array<i32>} : memref<125x80xi32, #tpu.memory_space<vmem>>, vector<1x16xi32>,
      %get3A_58 = arith.index_cast %scan3A_7 : i32 to index
      %get3A_59 = arith.constant 48 : index
      %get3A_60 = tpu.vector_load %arg6[%get3A_58, %get3A_59] {strides = array<i32>} : memref<125x80xi32, #tpu.memory_space<vmem>>, vector<1x16xi32>,
      %get3A_61 = vector.shape_cast %get3A_60 : vector<1x16xi32> to vector<16xi32>
      %mul3A_62 = arith.constant 10000 : i32
      %mul3A_63 = vector.broadcast %mul3A_62 : i32 to vector<16xi32>
      %mul3A_64 = arith.muli %get3A_61, %mul3A_63 : vector<16xi32>
      %get3A_65 = arith.index_cast %scan3A_7 : i32 to index
      %get3A_66 = arith.constant 48 : index
      %get3A_67 = tpu.vector_load %arg5[%get3A_65, %get3A_66] {strides = array<i32>} : memref<125x80xi32, #tpu.memory_space<vmem>>, vector<1x16xi32>,
      %get3A_68 = vector.shape_cast %get3A_67 : vector<1x16xi32> to vector<16xi32>
      %add3A_69 = arith.addi %mul3A_64, %get3A_68 : vector<16xi32>
      %swap3A_70 = arith.index_cast %scan3A_7 : i32 to index
      %swap3A_71 = arith.constant 48 : index
      %swap3A_72 = tpu.vector_load %arg5[%swap3A_70, %swap3A_71] {strides = array<i32>} : memref<125x80xi32, #tpu.memory_space<vmem>>, vector<1x16xi32>,
      %swap3A_73 = vector.shape_cast %swap3A_72 : vector<1x16xi32> to vector<16xi32>
      %swap3A_74 = vector.shape_cast %add3A_69 : vector<16xi32> to vector<1x16xi32>
      tpu.vector_store %arg5[%swap3A_70, %swap3A_71], %swap3A_74 {strides = array<i32>} : memref<125x80xi32, #tpu.memory_space<vmem>>, vector<1x16xi32>,
      %get3A_75 = arith.index_cast %scan3A_7 : i32 to index
      %get3A_76 = arith.constant 64 : index
      %get3A_77 = tpu.vector_load %arg6[%get3A_75, %get3A_76] {strides = array<i32>} : memref<125x80xi32, #tpu.memory_space<vmem>>, vector<1x16xi32>,
      %get3A_78 = vector.shape_cast %get3A_77 : vector<1x16xi32> to vector<16xi32>
      %mul3A_79 = arith.constant 10000 : i32
      %mul3A_80 = vector.broadcast %mul3A_79 : i32 to vector<16xi32>
      %mul3A_81 = arith.muli %get3A_78, %mul3A_80 : vector<16xi32>
      %get3A_82 = arith.index_cast %scan3A_7 : i32 to index
      %get3A_83 = arith.constant 64 : index
      %get3A_84 = tpu.vector_load %arg5[%get3A_82, %get3A_83] {strides = array<i32>} : memref<125x80xi32, #tpu.memory_space<vmem>>, vector<1x16xi32>,
      %get3A_85 = vector.shape_cast %get3A_84 : vector<1x16xi32> to vector<16xi32>
      %add3A_86 = arith.addi %mul3A_81, %get3A_85 : vector<16xi32>
      %swap3A_87 = arith.index_cast %scan3A_7 : i32 to index
      %swap3A_88 = arith.constant 64 : index
      %swap3A_89 = tpu.vector_load %arg5[%swap3A_87, %swap3A_88] {strides = array<i32>} : memref<125x80xi32, #tpu.memory_space<vmem>>, vector<1x16xi32>,
      %swap3A_90 = vector.shape_cast %swap3A_89 : vector<1x16xi32> to vector<16xi32>
      %swap3A_91 = vector.shape_cast %add3A_86 : vector<16xi32> to vector<1x16xi32>
      tpu.vector_store %arg5[%swap3A_87, %swap3A_88], %swap3A_91 {strides = array<i32>} : memref<125x80xi32, #tpu.memory_space<vmem>>, vector<1x16xi32>,
      %scan3A_92 = arith.constant 0 : i32
      scf.yield %scan3A_92 : i32
    }
    %scan3A_6 = arith.constant 125 : i32
    "tpu.region"() ({
      %run_scoped3A = tpu.sem_alloc : memref<!tpu.dma_semaphore, #tpu.memory_space<semaphore_mem>>
      %dma_start3A = arith.constant 0 : i32
      %dma_start3A_7 = arith.constant 0 : i32
      %dma_start3A_8 = tpu.memref_slice %arg4[%add3A, %dma_start3A, %dma_start3A_7] : memref<32x125x80xi32, #tpu.memory_space<hbm>> -> memref<1x125x80xi32, #tpu.memory_space<hbm>>
      %dma_start3A_9 = tpu.memref_squeeze %dma_start3A_8 : memref<1x125x80xi32, #tpu.memory_space<hbm>> -> memref<125x80xi32, #tpu.memory_space<hbm>>
      %dma_start3A_10 = arith.constant 0 : i32
      %dma_start3A_11 = arith.constant 0 : i32
      %dma_start3A_12 = tpu.memref_slice %arg4[%add3A, %dma_start3A_10, %dma_start3A_11] : memref<32x125x80xi32, #tpu.memory_space<hbm>> -> memref<1x125x80xi32, #tpu.memory_space<hbm>>
      %dma_start3A_13 = tpu.memref_squeeze %dma_start3A_12 : memref<1x125x80xi32, #tpu.memory_space<hbm>> -> memref<125x80xi32, #tpu.memory_space<hbm>>
      tpu.enqueue_dma source(%arg5 : memref<125x80xi32, #tpu.memory_space<vmem>>) target(%dma_start3A_13 : memref<125x80xi32, #tpu.memory_space<hbm>>) target_semaphore(%run_scoped3A : memref<!tpu.dma_semaphore, #tpu.memory_space<semaphore_mem>>)
      %dma_wait3A = arith.constant 0 : i32
      %dma_wait3A_14 = arith.constant 0 : i32
      %dma_wait3A_15 = tpu.memref_slice %arg4[%add3A, %dma_wait3A, %dma_wait3A_14] : memref<32x125x80xi32, #tpu.memory_space<hbm>> -> memref<1x125x80xi32, #tpu.memory_space<hbm>>
      %dma_wait3A_16 = tpu.memref_squeeze %dma_wait3A_15 : memref<1x125x80xi32, #tpu.memory_space<hbm>> -> memref<125x80xi32, #tpu.memory_space<hbm>>
      %dma_wait3A_17 = arith.constant 0 : i32
      %dma_wait3A_18 = arith.constant 0 : i32
      %dma_wait3A_19 = tpu.memref_slice %arg4[%add3A, %dma_wait3A_17, %dma_wait3A_18] : memref<32x125x80xi32, #tpu.memory_space<hbm>> -> memref<1x125x80xi32, #tpu.memory_space<hbm>>
      %dma_wait3A_20 = tpu.memref_squeeze %dma_wait3A_19 : memref<1x125x80xi32, #tpu.memory_space<hbm>> -> memref<125x80xi32, #tpu.memory_space<hbm>>
      tpu.wait_dma2 semaphore(%run_scoped3A : memref<!tpu.dma_semaphore, #tpu.memory_space<semaphore_mem>>) src(%arg5 : memref<125x80xi32, #tpu.memory_space<vmem>>) dst(%dma_wait3A_20 : memref<125x80xi32, #tpu.memory_space<hbm>>)
      tpu.yield
    }) : () -> ()
    return
  }
}

#map = affine_map<(d0, d1) -> (0, 0)>
#map1 = affine_map<(d0, d1) -> (0, 0, 0)>
module attributes {stable_mosaic.version = 14 : i64} {
  func.func @k(%arg0: i32, %arg1: i32, %arg2: memref<40000x128xf32, #tpu.memory_space<hbm>>, %arg3: memref<32x125x80xi32, #tpu.memory_space<hbm>>, %arg4: memref<32x125x80xi32, #tpu.memory_space<hbm>>, %arg5: memref<10240x128xf32, #tpu.memory_space<hbm>>, %arg6: memref<10240x128xf32, #tpu.memory_space<hbm>>, %arg7: memref<10240x128xf32, #tpu.memory_space<hbm>>, %arg8: memref<3x80xi32, #tpu.memory_space<vmem>>, %arg9: memref<3x80xi32, #tpu.memory_space<vmem>>, %arg10: memref<240x128xf32, #tpu.memory_space<vmem>>, %arg11: memref<10240x128xf32, #tpu.memory_space<vmem_shared>>, %arg12: memref<!tpu.dma_semaphore, #tpu.memory_space<semaphore_mem>>, %arg13: memref<!tpu.dma_semaphore, #tpu.memory_space<semaphore_mem>>) attributes {dimension_semantics = [#tpu.dimension_semantics<core_parallel>, #tpu.dimension_semantics<subcore_parallel>], iteration_bounds = array<i64: 2, 16>, scalar_prefetch = 0 : i64, scratch_operands = 6 : i64, tpu.core_type = #tpu.core_type<sc_vector_subcore>, window_params = [{transform_indices = #map}, {transform_indices = #map1}, {transform_indices = #map1}, {transform_indices = #map}, {transform_indices = #map}, {transform_indices = #map}]} {
    %mul3A = arith.constant 2 : i32
    %mul3A_0 = arith.muli %arg1, %mul3A : i32
    %add3A = arith.addi %mul3A_0, %arg0 : i32
    %broadcast_in_dim3A = arith.constant 0.000000e+00 : f32
    %broadcast_in_dim3A_1 = vector.broadcast %broadcast_in_dim3A : f32 to vector<16xf32>
    %scan3A = arith.constant 0 : i32
    %scan3A_2 = arith.constant 0 : i32
    %scan3A_3 = arith.constant 240 : i32
    %scan3A_4 = arith.addi %scan3A_2, %scan3A_3 : i32
    %scan3A_5 = arith.constant 1 : i32
    %scan3A_6 = scf.for %scan3A_167 = %scan3A_2 to %scan3A_4 step %scan3A_5 iter_args(%scan3A_168 = %scan3A) -> (i32)  : i32 {
      %swap3A = arith.index_cast %scan3A_167 : i32 to index
      %swap3A_169 = arith.constant 0 : index
      %swap3A_170 = tpu.vector_load %arg10[%swap3A, %swap3A_169] {strides = array<i32>} : memref<240x128xf32, #tpu.memory_space<vmem>>, vector<1x16xf32>,
      %swap3A_171 = vector.shape_cast %swap3A_170 : vector<1x16xf32> to vector<16xf32>
      %swap3A_172 = vector.shape_cast %broadcast_in_dim3A_1 : vector<16xf32> to vector<1x16xf32>
      tpu.vector_store %arg10[%swap3A, %swap3A_169], %swap3A_172 {strides = array<i32>} : memref<240x128xf32, #tpu.memory_space<vmem>>, vector<1x16xf32>,
      %swap3A_173 = arith.index_cast %scan3A_167 : i32 to index
      %swap3A_174 = arith.constant 16 : index
      %swap3A_175 = tpu.vector_load %arg10[%swap3A_173, %swap3A_174] {strides = array<i32>} : memref<240x128xf32, #tpu.memory_space<vmem>>, vector<1x16xf32>,
      %swap3A_176 = vector.shape_cast %swap3A_175 : vector<1x16xf32> to vector<16xf32>
      %swap3A_177 = vector.shape_cast %broadcast_in_dim3A_1 : vector<16xf32> to vector<1x16xf32>
      tpu.vector_store %arg10[%swap3A_173, %swap3A_174], %swap3A_177 {strides = array<i32>} : memref<240x128xf32, #tpu.memory_space<vmem>>, vector<1x16xf32>,
      %swap3A_178 = arith.index_cast %scan3A_167 : i32 to index
      %swap3A_179 = arith.constant 32 : index
      %swap3A_180 = tpu.vector_load %arg10[%swap3A_178, %swap3A_179] {strides = array<i32>} : memref<240x128xf32, #tpu.memory_space<vmem>>, vector<1x16xf32>,
      %swap3A_181 = vector.shape_cast %swap3A_180 : vector<1x16xf32> to vector<16xf32>
      %swap3A_182 = vector.shape_cast %broadcast_in_dim3A_1 : vector<16xf32> to vector<1x16xf32>
      tpu.vector_store %arg10[%swap3A_178, %swap3A_179], %swap3A_182 {strides = array<i32>} : memref<240x128xf32, #tpu.memory_space<vmem>>, vector<1x16xf32>,
      %swap3A_183 = arith.index_cast %scan3A_167 : i32 to index
      %swap3A_184 = arith.constant 48 : index
      %swap3A_185 = tpu.vector_load %arg10[%swap3A_183, %swap3A_184] {strides = array<i32>} : memref<240x128xf32, #tpu.memory_space<vmem>>, vector<1x16xf32>,
      %swap3A_186 = vector.shape_cast %swap3A_185 : vector<1x16xf32> to vector<16xf32>
      %swap3A_187 = vector.shape_cast %broadcast_in_dim3A_1 : vector<16xf32> to vector<1x16xf32>
      tpu.vector_store %arg10[%swap3A_183, %swap3A_184], %swap3A_187 {strides = array<i32>} : memref<240x128xf32, #tpu.memory_space<vmem>>, vector<1x16xf32>,
      %swap3A_188 = arith.index_cast %scan3A_167 : i32 to index
      %swap3A_189 = arith.constant 64 : index
      %swap3A_190 = tpu.vector_load %arg10[%swap3A_188, %swap3A_189] {strides = array<i32>} : memref<240x128xf32, #tpu.memory_space<vmem>>, vector<1x16xf32>,
      %swap3A_191 = vector.shape_cast %swap3A_190 : vector<1x16xf32> to vector<16xf32>
      %swap3A_192 = vector.shape_cast %broadcast_in_dim3A_1 : vector<16xf32> to vector<1x16xf32>
      tpu.vector_store %arg10[%swap3A_188, %swap3A_189], %swap3A_192 {strides = array<i32>} : memref<240x128xf32, #tpu.memory_space<vmem>>, vector<1x16xf32>,
      %swap3A_193 = arith.index_cast %scan3A_167 : i32 to index
      %swap3A_194 = arith.constant 80 : index
      %swap3A_195 = tpu.vector_load %arg10[%swap3A_193, %swap3A_194] {strides = array<i32>} : memref<240x128xf32, #tpu.memory_space<vmem>>, vector<1x16xf32>,
      %swap3A_196 = vector.shape_cast %swap3A_195 : vector<1x16xf32> to vector<16xf32>
      %swap3A_197 = vector.shape_cast %broadcast_in_dim3A_1 : vector<16xf32> to vector<1x16xf32>
      tpu.vector_store %arg10[%swap3A_193, %swap3A_194], %swap3A_197 {strides = array<i32>} : memref<240x128xf32, #tpu.memory_space<vmem>>, vector<1x16xf32>,
      %swap3A_198 = arith.index_cast %scan3A_167 : i32 to index
      %swap3A_199 = arith.constant 96 : index
      %swap3A_200 = tpu.vector_load %arg10[%swap3A_198, %swap3A_199] {strides = array<i32>} : memref<240x128xf32, #tpu.memory_space<vmem>>, vector<1x16xf32>,
      %swap3A_201 = vector.shape_cast %swap3A_200 : vector<1x16xf32> to vector<16xf32>
      %swap3A_202 = vector.shape_cast %broadcast_in_dim3A_1 : vector<16xf32> to vector<1x16xf32>
      tpu.vector_store %arg10[%swap3A_198, %swap3A_199], %swap3A_202 {strides = array<i32>} : memref<240x128xf32, #tpu.memory_space<vmem>>, vector<1x16xf32>,
      %swap3A_203 = arith.index_cast %scan3A_167 : i32 to index
      %swap3A_204 = arith.constant 112 : index
      %swap3A_205 = tpu.vector_load %arg10[%swap3A_203, %swap3A_204] {strides = array<i32>} : memref<240x128xf32, #tpu.memory_space<vmem>>, vector<1x16xf32>,
      %swap3A_206 = vector.shape_cast %swap3A_205 : vector<1x16xf32> to vector<16xf32>
      %swap3A_207 = vector.shape_cast %broadcast_in_dim3A_1 : vector<16xf32> to vector<1x16xf32>
      tpu.vector_store %arg10[%swap3A_203, %swap3A_204], %swap3A_207 {strides = array<i32>} : memref<240x128xf32, #tpu.memory_space<vmem>>, vector<1x16xf32>,
      %scan3A_208 = arith.constant 0 : i32
      scf.yield %scan3A_208 : i32
    }
    %scan3A_7 = arith.constant 240 : i32
    %mul3A_8 = arith.constant 640 : i32
    %mul3A_9 = arith.muli %arg1, %mul3A_8 : i32
    %add3A_10 = arith.constant 0 : i32
    %add3A_11 = arith.addi %mul3A_9, %add3A_10 : i32
    "tpu.region"() ({
      %run_scoped3A = tpu.sem_alloc : memref<!tpu.dma_semaphore, #tpu.memory_space<semaphore_mem>>
      %dma_start3A_167 = arith.constant 0 : i32
      %dma_start3A_168 = tpu.memref_slice %arg11[%add3A_11, %dma_start3A_167] : memref<10240x128xf32, #tpu.memory_space<vmem_shared>> -> memref<240x128xf32, #tpu.memory_space<vmem_shared>>
      %dma_start3A_169 = arith.constant 0 : i32
      %dma_start3A_170 = tpu.memref_slice %arg11[%add3A_11, %dma_start3A_169] : memref<10240x128xf32, #tpu.memory_space<vmem_shared>> -> memref<240x128xf32, #tpu.memory_space<vmem_shared>>
      tpu.enqueue_dma source(%arg10 : memref<240x128xf32, #tpu.memory_space<vmem>>) target(%dma_start3A_170 : memref<240x128xf32, #tpu.memory_space<vmem_shared>>) target_semaphore(%run_scoped3A : memref<!tpu.dma_semaphore, #tpu.memory_space<semaphore_mem>>)
      %dma_wait3A_171 = arith.constant 0 : i32
      %dma_wait3A_172 = tpu.memref_slice %arg11[%add3A_11, %dma_wait3A_171] : memref<10240x128xf32, #tpu.memory_space<vmem_shared>> -> memref<240x128xf32, #tpu.memory_space<vmem_shared>>
      %dma_wait3A_173 = arith.constant 0 : i32
      %dma_wait3A_174 = tpu.memref_slice %arg11[%add3A_11, %dma_wait3A_173] : memref<10240x128xf32, #tpu.memory_space<vmem_shared>> -> memref<240x128xf32, #tpu.memory_space<vmem_shared>>
      tpu.wait_dma2 semaphore(%run_scoped3A : memref<!tpu.dma_semaphore, #tpu.memory_space<semaphore_mem>>) src(%arg10 : memref<240x128xf32, #tpu.memory_space<vmem>>) dst(%dma_wait3A_174 : memref<240x128xf32, #tpu.memory_space<vmem_shared>>)
      tpu.yield
    }) : () -> ()
    %mul3A_12 = arith.constant 640 : i32
    %mul3A_13 = arith.muli %arg1, %mul3A_12 : i32
    %add3A_14 = arith.constant 240 : i32
    %add3A_15 = arith.addi %mul3A_13, %add3A_14 : i32
    "tpu.region"() ({
      %run_scoped3A = tpu.sem_alloc : memref<!tpu.dma_semaphore, #tpu.memory_space<semaphore_mem>>
      %dma_start3A_167 = arith.constant 0 : i32
      %dma_start3A_168 = tpu.memref_slice %arg11[%add3A_15, %dma_start3A_167] : memref<10240x128xf32, #tpu.memory_space<vmem_shared>> -> memref<240x128xf32, #tpu.memory_space<vmem_shared>>
      %dma_start3A_169 = arith.constant 0 : i32
      %dma_start3A_170 = tpu.memref_slice %arg11[%add3A_15, %dma_start3A_169] : memref<10240x128xf32, #tpu.memory_space<vmem_shared>> -> memref<240x128xf32, #tpu.memory_space<vmem_shared>>
      tpu.enqueue_dma source(%arg10 : memref<240x128xf32, #tpu.memory_space<vmem>>) target(%dma_start3A_170 : memref<240x128xf32, #tpu.memory_space<vmem_shared>>) target_semaphore(%run_scoped3A : memref<!tpu.dma_semaphore, #tpu.memory_space<semaphore_mem>>)
      %dma_wait3A_171 = arith.constant 0 : i32
      %dma_wait3A_172 = tpu.memref_slice %arg11[%add3A_15, %dma_wait3A_171] : memref<10240x128xf32, #tpu.memory_space<vmem_shared>> -> memref<240x128xf32, #tpu.memory_space<vmem_shared>>
      %dma_wait3A_173 = arith.constant 0 : i32
      %dma_wait3A_174 = tpu.memref_slice %arg11[%add3A_15, %dma_wait3A_173] : memref<10240x128xf32, #tpu.memory_space<vmem_shared>> -> memref<240x128xf32, #tpu.memory_space<vmem_shared>>
      tpu.wait_dma2 semaphore(%run_scoped3A : memref<!tpu.dma_semaphore, #tpu.memory_space<semaphore_mem>>) src(%arg10 : memref<240x128xf32, #tpu.memory_space<vmem>>) dst(%dma_wait3A_174 : memref<240x128xf32, #tpu.memory_space<vmem_shared>>)
      tpu.yield
    }) : () -> ()
    %mul3A_16 = arith.constant 640 : i32
    %mul3A_17 = arith.muli %arg1, %mul3A_16 : i32
    %add3A_18 = arith.constant 480 : i32
    %add3A_19 = arith.addi %mul3A_17, %add3A_18 : i32
    "tpu.region"() ({
      %run_scoped3A = tpu.sem_alloc : memref<!tpu.dma_semaphore, #tpu.memory_space<semaphore_mem>>
      %dma_start3A_167 = arith.constant 0 : i32
      %dma_start3A_168 = arith.constant 0 : i32
      %dma_start3A_169 = tpu.memref_slice %arg10[%dma_start3A_167, %dma_start3A_168] : memref<240x128xf32, #tpu.memory_space<vmem>> -> memref<160x128xf32, #tpu.memory_space<vmem>>
      %dma_start3A_170 = arith.constant 0 : i32
      %dma_start3A_171 = tpu.memref_slice %arg11[%add3A_19, %dma_start3A_170] : memref<10240x128xf32, #tpu.memory_space<vmem_shared>> -> memref<160x128xf32, #tpu.memory_space<vmem_shared>>
      %dma_start3A_172 = arith.constant 0 : i32
      %dma_start3A_173 = tpu.memref_slice %arg11[%add3A_19, %dma_start3A_172] : memref<10240x128xf32, #tpu.memory_space<vmem_shared>> -> memref<160x128xf32, #tpu.memory_space<vmem_shared>>
      %dma_start3A_174 = arith.constant 0 : i32
      %dma_start3A_175 = arith.constant 0 : i32
      %dma_start3A_176 = tpu.memref_slice %arg10[%dma_start3A_174, %dma_start3A_175] : memref<240x128xf32, #tpu.memory_space<vmem>> -> memref<160x128xf32, #tpu.memory_space<vmem>>
      tpu.enqueue_dma source(%dma_start3A_176 : memref<160x128xf32, #tpu.memory_space<vmem>>) target(%dma_start3A_173 : memref<160x128xf32, #tpu.memory_space<vmem_shared>>) target_semaphore(%run_scoped3A : memref<!tpu.dma_semaphore, #tpu.memory_space<semaphore_mem>>)
      %dma_wait3A_177 = arith.constant 0 : i32
      %dma_wait3A_178 = arith.constant 0 : i32
      %dma_wait3A_179 = tpu.memref_slice %arg10[%dma_wait3A_177, %dma_wait3A_178] : memref<240x128xf32, #tpu.memory_space<vmem>> -> memref<160x128xf32, #tpu.memory_space<vmem>>
      %dma_wait3A_180 = arith.constant 0 : i32
      %dma_wait3A_181 = tpu.memref_slice %arg11[%add3A_19, %dma_wait3A_180] : memref<10240x128xf32, #tpu.memory_space<vmem_shared>> -> memref<160x128xf32, #tpu.memory_space<vmem_shared>>
      %dma_wait3A_182 = arith.constant 0 : i32
      %dma_wait3A_183 = tpu.memref_slice %arg11[%add3A_19, %dma_wait3A_182] : memref<10240x128xf32, #tpu.memory_space<vmem_shared>> -> memref<160x128xf32, #tpu.memory_space<vmem_shared>>
      %dma_wait3A_184 = arith.constant 0 : i32
      %dma_wait3A_185 = arith.constant 0 : i32
      %dma_wait3A_186 = tpu.memref_slice %arg10[%dma_wait3A_184, %dma_wait3A_185] : memref<240x128xf32, #tpu.memory_space<vmem>> -> memref<160x128xf32, #tpu.memory_space<vmem>>
      tpu.wait_dma2 semaphore(%run_scoped3A : memref<!tpu.dma_semaphore, #tpu.memory_space<semaphore_mem>>) src(%dma_wait3A_186 : memref<160x128xf32, #tpu.memory_space<vmem>>) dst(%dma_wait3A_183 : memref<160x128xf32, #tpu.memory_space<vmem_shared>>)
      tpu.yield
    }) : () -> ()
    %barrier3A = arith.constant 0 : index
    tpu.barrier barrier_id(%barrier3A)
    %dma_start3A = arith.constant 0 : i32
    %dma_start3A_20 = arith.constant 0 : i32
    %dma_start3A_21 = arith.constant 0 : i32
    %dma_start3A_22 = tpu.memref_slice %arg8[%dma_start3A_20, %dma_start3A_21] : memref<3x80xi32, #tpu.memory_space<vmem>> -> memref<1x80xi32, #tpu.memory_space<vmem>>
    %dma_start3A_23 = tpu.memref_squeeze %dma_start3A_22 : memref<1x80xi32, #tpu.memory_space<vmem>> -> memref<80xi32, #tpu.memory_space<vmem>>
    %dma_start3A_24 = arith.constant 0 : i32
    %dma_start3A_25 = tpu.memref_slice %arg3[%add3A, %dma_start3A, %dma_start3A_24] : memref<32x125x80xi32, #tpu.memory_space<hbm>> -> memref<1x1x80xi32, #tpu.memory_space<hbm>>
    %dma_start3A_26 = tpu.memref_squeeze %dma_start3A_25 : memref<1x1x80xi32, #tpu.memory_space<hbm>> -> memref<80xi32, #tpu.memory_space<hbm>>
    %dma_start3A_27 = arith.constant 0 : i32
    %dma_start3A_28 = tpu.memref_slice %arg8[%dma_start3A_20, %dma_start3A_27] : memref<3x80xi32, #tpu.memory_space<vmem>> -> memref<1x80xi32, #tpu.memory_space<vmem>>
    %dma_start3A_29 = tpu.memref_squeeze %dma_start3A_28 : memref<1x80xi32, #tpu.memory_space<vmem>> -> memref<80xi32, #tpu.memory_space<vmem>>
    %dma_start3A_30 = arith.constant 0 : i32
    %dma_start3A_31 = tpu.memref_slice %arg3[%add3A, %dma_start3A, %dma_start3A_30] : memref<32x125x80xi32, #tpu.memory_space<hbm>> -> memref<1x1x80xi32, #tpu.memory_space<hbm>>
    %dma_start3A_32 = tpu.memref_squeeze %dma_start3A_31 : memref<1x1x80xi32, #tpu.memory_space<hbm>> -> memref<80xi32, #tpu.memory_space<hbm>>
    tpu.enqueue_dma source(%dma_start3A_32 : memref<80xi32, #tpu.memory_space<hbm>>) target(%dma_start3A_29 : memref<80xi32, #tpu.memory_space<vmem>>) target_semaphore(%arg13 : memref<!tpu.dma_semaphore, #tpu.memory_space<semaphore_mem>>)
    %dma_start3A_33 = arith.constant 0 : i32
    %dma_start3A_34 = arith.constant 0 : i32
    %dma_start3A_35 = arith.constant 0 : i32
    %dma_start3A_36 = tpu.memref_slice %arg9[%dma_start3A_34, %dma_start3A_35] : memref<3x80xi32, #tpu.memory_space<vmem>> -> memref<1x80xi32, #tpu.memory_space<vmem>>
    %dma_start3A_37 = tpu.memref_squeeze %dma_start3A_36 : memref<1x80xi32, #tpu.memory_space<vmem>> -> memref<80xi32, #tpu.memory_space<vmem>>
    %dma_start3A_38 = arith.constant 0 : i32
    %dma_start3A_39 = tpu.memref_slice %arg4[%add3A, %dma_start3A_33, %dma_start3A_38] : memref<32x125x80xi32, #tpu.memory_space<hbm>> -> memref<1x1x80xi32, #tpu.memory_space<hbm>>
    %dma_start3A_40 = tpu.memref_squeeze %dma_start3A_39 : memref<1x1x80xi32, #tpu.memory_space<hbm>> -> memref<80xi32, #tpu.memory_space<hbm>>
    %dma_start3A_41 = arith.constant 0 : i32
    %dma_start3A_42 = tpu.memref_slice %arg9[%dma_start3A_34, %dma_start3A_41] : memref<3x80xi32, #tpu.memory_space<vmem>> -> memref<1x80xi32, #tpu.memory_space<vmem>>
    %dma_start3A_43 = tpu.memref_squeeze %dma_start3A_42 : memref<1x80xi32, #tpu.memory_space<vmem>> -> memref<80xi32, #tpu.memory_space<vmem>>
    %dma_start3A_44 = arith.constant 0 : i32
    %dma_start3A_45 = tpu.memref_slice %arg4[%add3A, %dma_start3A_33, %dma_start3A_44] : memref<32x125x80xi32, #tpu.memory_space<hbm>> -> memref<1x1x80xi32, #tpu.memory_space<hbm>>
    %dma_start3A_46 = tpu.memref_squeeze %dma_start3A_45 : memref<1x1x80xi32, #tpu.memory_space<hbm>> -> memref<80xi32, #tpu.memory_space<hbm>>
    tpu.enqueue_dma source(%dma_start3A_46 : memref<80xi32, #tpu.memory_space<hbm>>) target(%dma_start3A_43 : memref<80xi32, #tpu.memory_space<vmem>>) target_semaphore(%arg13 : memref<!tpu.dma_semaphore, #tpu.memory_space<semaphore_mem>>)
    %dma_start3A_47 = arith.constant 1 : i32
    %dma_start3A_48 = arith.constant 1 : i32
    %dma_start3A_49 = arith.constant 0 : i32
    %dma_start3A_50 = tpu.memref_slice %arg8[%dma_start3A_48, %dma_start3A_49] : memref<3x80xi32, #tpu.memory_space<vmem>> -> memref<1x80xi32, #tpu.memory_space<vmem>>
    %dma_start3A_51 = tpu.memref_squeeze %dma_start3A_50 : memref<1x80xi32, #tpu.memory_space<vmem>> -> memref<80xi32, #tpu.memory_space<vmem>>
    %dma_start3A_52 = arith.constant 0 : i32
    %dma_start3A_53 = tpu.memref_slice %arg3[%add3A, %dma_start3A_47, %dma_start3A_52] : memref<32x125x80xi32, #tpu.memory_space<hbm>> -> memref<1x1x80xi32, #tpu.memory_space<hbm>>
    %dma_start3A_54 = tpu.memref_squeeze %dma_start3A_53 : memref<1x1x80xi32, #tpu.memory_space<hbm>> -> memref<80xi32, #tpu.memory_space<hbm>>
    %dma_start3A_55 = arith.constant 0 : i32
    %dma_start3A_56 = tpu.memref_slice %arg8[%dma_start3A_48, %dma_start3A_55] : memref<3x80xi32, #tpu.memory_space<vmem>> -> memref<1x80xi32, #tpu.memory_space<vmem>>
    %dma_start3A_57 = tpu.memref_squeeze %dma_start3A_56 : memref<1x80xi32, #tpu.memory_space<vmem>> -> memref<80xi32, #tpu.memory_space<vmem>>
    %dma_start3A_58 = arith.constant 0 : i32
    %dma_start3A_59 = tpu.memref_slice %arg3[%add3A, %dma_start3A_47, %dma_start3A_58] : memref<32x125x80xi32, #tpu.memory_space<hbm>> -> memref<1x1x80xi32, #tpu.memory_space<hbm>>
    %dma_start3A_60 = tpu.memref_squeeze %dma_start3A_59 : memref<1x1x80xi32, #tpu.memory_space<hbm>> -> memref<80xi32, #tpu.memory_space<hbm>>
    tpu.enqueue_dma source(%dma_start3A_60 : memref<80xi32, #tpu.memory_space<hbm>>) target(%dma_start3A_57 : memref<80xi32, #tpu.memory_space<vmem>>) target_semaphore(%arg13 : memref<!tpu.dma_semaphore, #tpu.memory_space<semaphore_mem>>)
    %dma_start3A_61 = arith.constant 1 : i32
    %dma_start3A_62 = arith.constant 1 : i32
    %dma_start3A_63 = arith.constant 0 : i32
    %dma_start3A_64 = tpu.memref_slice %arg9[%dma_start3A_62, %dma_start3A_63] : memref<3x80xi32, #tpu.memory_space<vmem>> -> memref<1x80xi32, #tpu.memory_space<vmem>>
    %dma_start3A_65 = tpu.memref_squeeze %dma_start3A_64 : memref<1x80xi32, #tpu.memory_space<vmem>> -> memref<80xi32, #tpu.memory_space<vmem>>
    %dma_start3A_66 = arith.constant 0 : i32
    %dma_start3A_67 = tpu.memref_slice %arg4[%add3A, %dma_start3A_61, %dma_start3A_66] : memref<32x125x80xi32, #tpu.memory_space<hbm>> -> memref<1x1x80xi32, #tpu.memory_space<hbm>>
    %dma_start3A_68 = tpu.memref_squeeze %dma_start3A_67 : memref<1x1x80xi32, #tpu.memory_space<hbm>> -> memref<80xi32, #tpu.memory_space<hbm>>
    %dma_start3A_69 = arith.constant 0 : i32
    %dma_start3A_70 = tpu.memref_slice %arg9[%dma_start3A_62, %dma_start3A_69] : memref<3x80xi32, #tpu.memory_space<vmem>> -> memref<1x80xi32, #tpu.memory_space<vmem>>
    %dma_start3A_71 = tpu.memref_squeeze %dma_start3A_70 : memref<1x80xi32, #tpu.memory_space<vmem>> -> memref<80xi32, #tpu.memory_space<vmem>>
    %dma_start3A_72 = arith.constant 0 : i32
    %dma_start3A_73 = tpu.memref_slice %arg4[%add3A, %dma_start3A_61, %dma_start3A_72] : memref<32x125x80xi32, #tpu.memory_space<hbm>> -> memref<1x1x80xi32, #tpu.memory_space<hbm>>
    %dma_start3A_74 = tpu.memref_squeeze %dma_start3A_73 : memref<1x1x80xi32, #tpu.memory_space<hbm>> -> memref<80xi32, #tpu.memory_space<hbm>>
    tpu.enqueue_dma source(%dma_start3A_74 : memref<80xi32, #tpu.memory_space<hbm>>) target(%dma_start3A_71 : memref<80xi32, #tpu.memory_space<vmem>>) target_semaphore(%arg13 : memref<!tpu.dma_semaphore, #tpu.memory_space<semaphore_mem>>)
    %dma_wait3A = arith.constant 0 : i32
    %dma_wait3A_75 = arith.constant 0 : i32
    %dma_wait3A_76 = arith.constant 0 : i32
    %dma_wait3A_77 = tpu.memref_slice %arg8[%dma_wait3A_75, %dma_wait3A_76] : memref<3x80xi32, #tpu.memory_space<vmem>> -> memref<1x80xi32, #tpu.memory_space<vmem>>
    %dma_wait3A_78 = tpu.memref_squeeze %dma_wait3A_77 : memref<1x80xi32, #tpu.memory_space<vmem>> -> memref<80xi32, #tpu.memory_space<vmem>>
    %dma_wait3A_79 = arith.constant 0 : i32
    %dma_wait3A_80 = tpu.memref_slice %arg3[%add3A, %dma_wait3A, %dma_wait3A_79] : memref<32x125x80xi32, #tpu.memory_space<hbm>> -> memref<1x1x80xi32, #tpu.memory_space<hbm>>
    %dma_wait3A_81 = tpu.memref_squeeze %dma_wait3A_80 : memref<1x1x80xi32, #tpu.memory_space<hbm>> -> memref<80xi32, #tpu.memory_space<hbm>>
    %dma_wait3A_82 = arith.constant 0 : i32
    %dma_wait3A_83 = tpu.memref_slice %arg8[%dma_wait3A_75, %dma_wait3A_82] : memref<3x80xi32, #tpu.memory_space<vmem>> -> memref<1x80xi32, #tpu.memory_space<vmem>>
    %dma_wait3A_84 = tpu.memref_squeeze %dma_wait3A_83 : memref<1x80xi32, #tpu.memory_space<vmem>> -> memref<80xi32, #tpu.memory_space<vmem>>
    %dma_wait3A_85 = arith.constant 0 : i32
    %dma_wait3A_86 = tpu.memref_slice %arg3[%add3A, %dma_wait3A, %dma_wait3A_85] : memref<32x125x80xi32, #tpu.memory_space<hbm>> -> memref<1x1x80xi32, #tpu.memory_space<hbm>>
    %dma_wait3A_87 = tpu.memref_squeeze %dma_wait3A_86 : memref<1x1x80xi32, #tpu.memory_space<hbm>> -> memref<80xi32, #tpu.memory_space<hbm>>
    tpu.wait_dma2 semaphore(%arg13 : memref<!tpu.dma_semaphore, #tpu.memory_space<semaphore_mem>>) src(%dma_wait3A_87 : memref<80xi32, #tpu.memory_space<hbm>>) dst(%dma_wait3A_84 : memref<80xi32, #tpu.memory_space<vmem>>)
    %dma_wait3A_88 = arith.constant 0 : i32
    %dma_wait3A_89 = arith.constant 0 : i32
    %dma_wait3A_90 = arith.constant 0 : i32
    %dma_wait3A_91 = tpu.memref_slice %arg9[%dma_wait3A_89, %dma_wait3A_90] : memref<3x80xi32, #tpu.memory_space<vmem>> -> memref<1x80xi32, #tpu.memory_space<vmem>>
    %dma_wait3A_92 = tpu.memref_squeeze %dma_wait3A_91 : memref<1x80xi32, #tpu.memory_space<vmem>> -> memref<80xi32, #tpu.memory_space<vmem>>
    %dma_wait3A_93 = arith.constant 0 : i32
    %dma_wait3A_94 = tpu.memref_slice %arg4[%add3A, %dma_wait3A_88, %dma_wait3A_93] : memref<32x125x80xi32, #tpu.memory_space<hbm>> -> memref<1x1x80xi32, #tpu.memory_space<hbm>>
    %dma_wait3A_95 = tpu.memref_squeeze %dma_wait3A_94 : memref<1x1x80xi32, #tpu.memory_space<hbm>> -> memref<80xi32, #tpu.memory_space<hbm>>
    %dma_wait3A_96 = arith.constant 0 : i32
    %dma_wait3A_97 = tpu.memref_slice %arg9[%dma_wait3A_89, %dma_wait3A_96] : memref<3x80xi32, #tpu.memory_space<vmem>> -> memref<1x80xi32, #tpu.memory_space<vmem>>
    %dma_wait3A_98 = tpu.memref_squeeze %dma_wait3A_97 : memref<1x80xi32, #tpu.memory_space<vmem>> -> memref<80xi32, #tpu.memory_space<vmem>>
    %dma_wait3A_99 = arith.constant 0 : i32
    %dma_wait3A_100 = tpu.memref_slice %arg4[%add3A, %dma_wait3A_88, %dma_wait3A_99] : memref<32x125x80xi32, #tpu.memory_space<hbm>> -> memref<1x1x80xi32, #tpu.memory_space<hbm>>
    %dma_wait3A_101 = tpu.memref_squeeze %dma_wait3A_100 : memref<1x1x80xi32, #tpu.memory_space<hbm>> -> memref<80xi32, #tpu.memory_space<hbm>>
    tpu.wait_dma2 semaphore(%arg13 : memref<!tpu.dma_semaphore, #tpu.memory_space<semaphore_mem>>) src(%dma_wait3A_101 : memref<80xi32, #tpu.memory_space<hbm>>) dst(%dma_wait3A_98 : memref<80xi32, #tpu.memory_space<vmem>>)
    %dma_start3A_102 = arith.constant 0 : i32
    %dma_start3A_103 = arith.constant 0 : i32
    %dma_start3A_104 = arith.constant 0 : i32
    %dma_start3A_105 = tpu.memref_slice %arg10[%dma_start3A_103, %dma_start3A_104] : memref<240x128xf32, #tpu.memory_space<vmem>> -> memref<80x128xf32, #tpu.memory_space<vmem>>
    %dma_start3A_106 = arith.constant 0 : i32
    %dma_start3A_107 = tpu.memref_slice %arg8[%dma_start3A_102, %dma_start3A_106] : memref<3x80xi32, #tpu.memory_space<vmem>> -> memref<1x80xi32, #tpu.memory_space<vmem>>
    %dma_start3A_108 = tpu.memref_squeeze %dma_start3A_107 : memref<1x80xi32, #tpu.memory_space<vmem>> -> memref<80xi32, #tpu.memory_space<vmem>>
    %dma_start3A_109 = arith.constant 0 : i32
    %dma_start3A_110 = arith.constant 0 : i32
    %dma_start3A_111 = tpu.memref_slice %arg2[%dma_start3A_109, %dma_start3A_110] : memref<40000x128xf32, #tpu.memory_space<hbm>> -> memref<40000x128xf32, #tpu.memory_space<hbm>>
    tpu.enqueue_indirect_dma source(%dma_start3A_111 : memref<40000x128xf32, #tpu.memory_space<hbm>>) target(%dma_start3A_105 : memref<80x128xf32, #tpu.memory_space<vmem>>) offsets(%dma_start3A_108 : memref<80xi32, #tpu.memory_space<vmem>>) semaphore(%arg12 : memref<!tpu.dma_semaphore, #tpu.memory_space<semaphore_mem>>)
    %dma_wait3A_112 = arith.constant 0 : i32
    %dma_wait3A_113 = arith.constant 0 : i32
    %dma_wait3A_114 = arith.constant 0 : i32
    %dma_wait3A_115 = tpu.memref_slice %arg8[%dma_wait3A_113, %dma_wait3A_114] : memref<3x80xi32, #tpu.memory_space<vmem>> -> memref<1x80xi32, #tpu.memory_space<vmem>>
    %dma_wait3A_116 = tpu.memref_squeeze %dma_wait3A_115 : memref<1x80xi32, #tpu.memory_space<vmem>> -> memref<80xi32, #tpu.memory_space<vmem>>
    %dma_wait3A_117 = arith.constant 0 : i32
    %dma_wait3A_118 = tpu.memref_slice %arg3[%add3A, %dma_wait3A_112, %dma_wait3A_117] : memref<32x125x80xi32, #tpu.memory_space<hbm>> -> memref<1x1x80xi32, #tpu.memory_space<hbm>>
    %dma_wait3A_119 = tpu.memref_squeeze %dma_wait3A_118 : memref<1x1x80xi32, #tpu.memory_space<hbm>> -> memref<80xi32, #tpu.memory_space<hbm>>
    %dma_wait3A_120 = arith.constant 0 : i32
    %dma_wait3A_121 = tpu.memref_slice %arg8[%dma_wait3A_113, %dma_wait3A_120] : memref<3x80xi32, #tpu.memory_space<vmem>> -> memref<1x80xi32, #tpu.memory_space<vmem>>
    %dma_wait3A_122 = tpu.memref_squeeze %dma_wait3A_121 : memref<1x80xi32, #tpu.memory_space<vmem>> -> memref<80xi32, #tpu.memory_space<vmem>>
    %dma_wait3A_123 = arith.constant 0 : i32
    %dma_wait3A_124 = tpu.memref_slice %arg3[%add3A, %dma_wait3A_112, %dma_wait3A_123] : memref<32x125x80xi32, #tpu.memory_space<hbm>> -> memref<1x1x80xi32, #tpu.memory_space<hbm>>
    %dma_wait3A_125 = tpu.memref_squeeze %dma_wait3A_124 : memref<1x1x80xi32, #tpu.memory_space<hbm>> -> memref<80xi32, #tpu.memory_space<hbm>>
    tpu.wait_dma2 semaphore(%arg13 : memref<!tpu.dma_semaphore, #tpu.memory_space<semaphore_mem>>) src(%dma_wait3A_125 : memref<80xi32, #tpu.memory_space<hbm>>) dst(%dma_wait3A_122 : memref<80xi32, #tpu.memory_space<vmem>>)
    %dma_wait3A_126 = arith.constant 0 : i32
    %dma_wait3A_127 = arith.constant 0 : i32
    %dma_wait3A_128 = arith.constant 0 : i32
    %dma_wait3A_129 = tpu.memref_slice %arg9[%dma_wait3A_127, %dma_wait3A_128] : memref<3x80xi32, #tpu.memory_space<vmem>> -> memref<1x80xi32, #tpu.memory_space<vmem>>
    %dma_wait3A_130 = tpu.memref_squeeze %dma_wait3A_129 : memref<1x80xi32, #tpu.memory_space<vmem>> -> memref<80xi32, #tpu.memory_space<vmem>>
    %dma_wait3A_131 = arith.constant 0 : i32
    %dma_wait3A_132 = tpu.memref_slice %arg4[%add3A, %dma_wait3A_126, %dma_wait3A_131] : memref<32x125x80xi32, #tpu.memory_space<hbm>> -> memref<1x1x80xi32, #tpu.memory_space<hbm>>
    %dma_wait3A_133 = tpu.memref_squeeze %dma_wait3A_132 : memref<1x1x80xi32, #tpu.memory_space<hbm>> -> memref<80xi32, #tpu.memory_space<hbm>>
    %dma_wait3A_134 = arith.constant 0 : i32
    %dma_wait3A_135 = tpu.memref_slice %arg9[%dma_wait3A_127, %dma_wait3A_134] : memref<3x80xi32, #tpu.memory_space<vmem>> -> memref<1x80xi32, #tpu.memory_space<vmem>>
    %dma_wait3A_136 = tpu.memref_squeeze %dma_wait3A_135 : memref<1x80xi32, #tpu.memory_space<vmem>> -> memref<80xi32, #tpu.memory_space<vmem>>
    %dma_wait3A_137 = arith.constant 0 : i32
    %dma_wait3A_138 = tpu.memref_slice %arg4[%add3A, %dma_wait3A_126, %dma_wait3A_137] : memref<32x125x80xi32, #tpu.memory_space<hbm>> -> memref<1x1x80xi32, #tpu.memory_space<hbm>>
    %dma_wait3A_139 = tpu.memref_squeeze %dma_wait3A_138 : memref<1x1x80xi32, #tpu.memory_space<hbm>> -> memref<80xi32, #tpu.memory_space<hbm>>
    tpu.wait_dma2 semaphore(%arg13 : memref<!tpu.dma_semaphore, #tpu.memory_space<semaphore_mem>>) src(%dma_wait3A_139 : memref<80xi32, #tpu.memory_space<hbm>>) dst(%dma_wait3A_136 : memref<80xi32, #tpu.memory_space<vmem>>)
    %dma_start3A_140 = arith.constant 1 : i32
    %dma_start3A_141 = arith.constant 80 : i32
    %dma_start3A_142 = arith.constant 0 : i32
    %dma_start3A_143 = tpu.memref_slice %arg10[%dma_start3A_141, %dma_start3A_142] : memref<240x128xf32, #tpu.memory_space<vmem>> -> memref<80x128xf32, #tpu.memory_space<vmem>>
    %dma_start3A_144 = arith.constant 0 : i32
    %dma_start3A_145 = tpu.memref_slice %arg8[%dma_start3A_140, %dma_start3A_144] : memref<3x80xi32, #tpu.memory_space<vmem>> -> memref<1x80xi32, #tpu.memory_space<vmem>>
    %dma_start3A_146 = tpu.memref_squeeze %dma_start3A_145 : memref<1x80xi32, #tpu.memory_space<vmem>> -> memref<80xi32, #tpu.memory_space<vmem>>
    %dma_start3A_147 = arith.constant 0 : i32
    %dma_start3A_148 = arith.constant 0 : i32
    %dma_start3A_149 = tpu.memref_slice %arg2[%dma_start3A_147, %dma_start3A_148] : memref<40000x128xf32, #tpu.memory_space<hbm>> -> memref<40000x128xf32, #tpu.memory_space<hbm>>
    tpu.enqueue_indirect_dma source(%dma_start3A_149 : memref<40000x128xf32, #tpu.memory_space<hbm>>) target(%dma_start3A_143 : memref<80x128xf32, #tpu.memory_space<vmem>>) offsets(%dma_start3A_146 : memref<80xi32, #tpu.memory_space<vmem>>) semaphore(%arg12 : memref<!tpu.dma_semaphore, #tpu.memory_space<semaphore_mem>>)
    %scan3A_150 = arith.constant 0 : i32
    %scan3A_151 = arith.constant 0 : i32
    %scan3A_152 = arith.constant 125 : i32
    %scan3A_153 = arith.addi %scan3A_151, %scan3A_152 : i32
    %scan3A_154 = arith.constant 1 : i32
    %scan3A_155 = scf.for %scan3A_167 = %scan3A_151 to %scan3A_153 step %scan3A_154 iter_args(%scan3A_168 = %scan3A_150) -> (i32)  : i32 {
      %dma_wait3A_169 = arith.constant 0 : i32
      %dma_wait3A_170 = arith.constant 0 : i32
      %dma_wait3A_171 = arith.constant 0 : i32
      %dma_wait3A_172 = tpu.memref_slice %arg10[%dma_wait3A_170, %dma_wait3A_171] : memref<240x128xf32, #tpu.memory_space<vmem>> -> memref<80x128xf32, #tpu.memory_space<vmem>>
      %dma_wait3A_173 = arith.constant 0 : i32
      %dma_wait3A_174 = tpu.memref_slice %arg8[%dma_wait3A_169, %dma_wait3A_173] : memref<3x80xi32, #tpu.memory_space<vmem>> -> memref<1x80xi32, #tpu.memory_space<vmem>>
      %dma_wait3A_175 = tpu.memref_squeeze %dma_wait3A_174 : memref<1x80xi32, #tpu.memory_space<vmem>> -> memref<80xi32, #tpu.memory_space<vmem>>
      %dma_wait3A_176 = arith.constant 0 : i32
      %dma_wait3A_177 = arith.constant 0 : i32
      %dma_wait3A_178 = tpu.memref_slice %arg2[%dma_wait3A_176, %dma_wait3A_177] : memref<40000x128xf32, #tpu.memory_space<hbm>> -> memref<40000x128xf32, #tpu.memory_space<hbm>>
      tpu.wait_indirect_dma semaphore(%arg12 : memref<!tpu.dma_semaphore, #tpu.memory_space<semaphore_mem>>) src(%dma_wait3A_178 : memref<40000x128xf32, #tpu.memory_space<hbm>>) dst(%dma_wait3A_172 : memref<80x128xf32, #tpu.memory_space<vmem>>)
      %add3A_179 = arith.constant 2 : i32
      %add3A_180 = arith.addi %scan3A_167, %add3A_179 : i32
      %lt3A = arith.constant 125 : i32
      %lt3A_181 = arith.cmpi slt, %add3A_180, %lt3A : i32
      %convert_element_type3A_182 = arith.extui %lt3A_181 : i1 to i32
      %cond3A_183 = arith.constant 0 : i32
      %cond3A_184 = arith.cmpi ne, %convert_element_type3A_182, %cond3A_183 : i32
      scf.if %cond3A_184 {
        %add3A_222 = arith.constant 2 : i32
        %add3A_223 = arith.addi %scan3A_167, %add3A_222 : i32
        %jit3A_224 = arith.constant 3 : i32
        %eq3A_225 = arith.constant 0 : i32
        %eq3A_226 = arith.cmpi eq, %jit3A_224, %eq3A_225 : i32
        %jit3A_227 = arith.constant 1 : i32
        %select_n3A_228 = arith.select %eq3A_226, %jit3A_227, %jit3A_224 : i32
        %rem3A_229 = arith.remsi %add3A_223, %select_n3A_228 : i32
        %ne3A_230 = arith.constant 0 : i32
        %ne3A_231 = arith.cmpi ne, %rem3A_229, %ne3A_230 : i32
        %lt3A_232 = arith.constant 0 : i32
        %lt3A_233 = arith.cmpi slt, %rem3A_229, %lt3A_232 : i32
        %lt3A_234 = arith.constant 0 : i32
        %lt3A_235 = arith.cmpi slt, %select_n3A_228, %lt3A_234 : i32
        %ne3A_236 = arith.xori %lt3A_233, %lt3A_235 : i1
        %and3A_237 = arith.andi %ne3A_236, %ne3A_231 : i1
        %add3A_238 = arith.addi %rem3A_229, %select_n3A_228 : i32
        %select_n3A_239 = arith.select %and3A_237, %add3A_238, %rem3A_229 : i32
        %dma_start3A_240 = arith.constant 0 : i32
        %dma_start3A_241 = tpu.memref_slice %arg8[%select_n3A_239, %dma_start3A_240] : memref<3x80xi32, #tpu.memory_space<vmem>> -> memref<1x80xi32, #tpu.memory_space<vmem>>
        %dma_start3A_242 = tpu.memref_squeeze %dma_start3A_241 : memref<1x80xi32, #tpu.memory_space<vmem>> -> memref<80xi32, #tpu.memory_space<vmem>>
        %dma_start3A_243 = arith.constant 0 : i32
        %dma_start3A_244 = tpu.memref_slice %arg3[%add3A, %add3A_223, %dma_start3A_243] : memref<32x125x80xi32, #tpu.memory_space<hbm>> -> memref<1x1x80xi32, #tpu.memory_space<hbm>>
        %dma_start3A_245 = tpu.memref_squeeze %dma_start3A_244 : memref<1x1x80xi32, #tpu.memory_space<hbm>> -> memref<80xi32, #tpu.memory_space<hbm>>
        %dma_start3A_246 = arith.constant 0 : i32
        %dma_start3A_247 = tpu.memref_slice %arg8[%select_n3A_239, %dma_start3A_246] : memref<3x80xi32, #tpu.memory_space<vmem>> -> memref<1x80xi32, #tpu.memory_space<vmem>>
        %dma_start3A_248 = tpu.memref_squeeze %dma_start3A_247 : memref<1x80xi32, #tpu.memory_space<vmem>> -> memref<80xi32, #tpu.memory_space<vmem>>
        %dma_start3A_249 = arith.constant 0 : i32
        %dma_start3A_250 = tpu.memref_slice %arg3[%add3A, %add3A_223, %dma_start3A_249] : memref<32x125x80xi32, #tpu.memory_space<hbm>> -> memref<1x1x80xi32, #tpu.memory_space<hbm>>
        %dma_start3A_251 = tpu.memref_squeeze %dma_start3A_250 : memref<1x1x80xi32, #tpu.memory_space<hbm>> -> memref<80xi32, #tpu.memory_space<hbm>>
        tpu.enqueue_dma source(%dma_start3A_251 : memref<80xi32, #tpu.memory_space<hbm>>) target(%dma_start3A_248 : memref<80xi32, #tpu.memory_space<vmem>>) target_semaphore(%arg13 : memref<!tpu.dma_semaphore, #tpu.memory_space<semaphore_mem>>)
        %dma_start3A_252 = arith.constant 0 : i32
        %dma_start3A_253 = tpu.memref_slice %arg9[%select_n3A_239, %dma_start3A_252] : memref<3x80xi32, #tpu.memory_space<vmem>> -> memref<1x80xi32, #tpu.memory_space<vmem>>
        %dma_start3A_254 = tpu.memref_squeeze %dma_start3A_253 : memref<1x80xi32, #tpu.memory_space<vmem>> -> memref<80xi32, #tpu.memory_space<vmem>>
        %dma_start3A_255 = arith.constant 0 : i32
        %dma_start3A_256 = tpu.memref_slice %arg4[%add3A, %add3A_223, %dma_start3A_255] : memref<32x125x80xi32, #tpu.memory_space<hbm>> -> memref<1x1x80xi32, #tpu.memory_space<hbm>>
        %dma_start3A_257 = tpu.memref_squeeze %dma_start3A_256 : memref<1x1x80xi32, #tpu.memory_space<hbm>> -> memref<80xi32, #tpu.memory_space<hbm>>
        %dma_start3A_258 = arith.constant 0 : i32
        %dma_start3A_259 = tpu.memref_slice %arg9[%select_n3A_239, %dma_start3A_258] : memref<3x80xi32, #tpu.memory_space<vmem>> -> memref<1x80xi32, #tpu.memory_space<vmem>>
        %dma_start3A_260 = tpu.memref_squeeze %dma_start3A_259 : memref<1x80xi32, #tpu.memory_space<vmem>> -> memref<80xi32, #tpu.memory_space<vmem>>
        %dma_start3A_261 = arith.constant 0 : i32
        %dma_start3A_262 = tpu.memref_slice %arg4[%add3A, %add3A_223, %dma_start3A_261] : memref<32x125x80xi32, #tpu.memory_space<hbm>> -> memref<1x1x80xi32, #tpu.memory_space<hbm>>
        %dma_start3A_263 = tpu.memref_squeeze %dma_start3A_262 : memref<1x1x80xi32, #tpu.memory_space<hbm>> -> memref<80xi32, #tpu.memory_space<hbm>>
        tpu.enqueue_dma source(%dma_start3A_263 : memref<80xi32, #tpu.memory_space<hbm>>) target(%dma_start3A_260 : memref<80xi32, #tpu.memory_space<vmem>>) target_semaphore(%arg13 : memref<!tpu.dma_semaphore, #tpu.memory_space<semaphore_mem>>)
      } else {
      }
      %jit3A = arith.constant 3 : i32
      %eq3A_185 = arith.constant 0 : i32
      %eq3A_186 = arith.cmpi eq, %jit3A, %eq3A_185 : i32
      %jit3A_187 = arith.constant 1 : i32
      %select_n3A = arith.select %eq3A_186, %jit3A_187, %jit3A : i32
      %rem3A = arith.remsi %scan3A_167, %select_n3A : i32
      %ne3A = arith.constant 0 : i32
      %ne3A_188 = arith.cmpi ne, %rem3A, %ne3A : i32
      %lt3A_189 = arith.constant 0 : i32
      %lt3A_190 = arith.cmpi slt, %rem3A, %lt3A_189 : i32
      %lt3A_191 = arith.constant 0 : i32
      %lt3A_192 = arith.cmpi slt, %select_n3A, %lt3A_191 : i32
      %ne3A_193 = arith.xori %lt3A_190, %lt3A_192 : i1
      %and3A = arith.andi %ne3A_193, %ne3A_188 : i1
      %add3A_194 = arith.addi %rem3A, %select_n3A : i32
      %select_n3A_195 = arith.select %and3A, %add3A_194, %rem3A : i32
      %mul3A_196 = arith.constant 80 : i32
      %mul3A_197 = arith.muli %select_n3A_195, %mul3A_196 : i32
      %jit3A_198 = arith.constant 3 : i32
      %eq3A_199 = arith.constant 0 : i32
      %eq3A_200 = arith.cmpi eq, %jit3A_198, %eq3A_199 : i32
      %jit3A_201 = arith.constant 1 : i32
      %select_n3A_202 = arith.select %eq3A_200, %jit3A_201, %jit3A_198 : i32
      %rem3A_203 = arith.remsi %scan3A_167, %select_n3A_202 : i32
      %ne3A_204 = arith.constant 0 : i32
      %ne3A_205 = arith.cmpi ne, %rem3A_203, %ne3A_204 : i32
      %lt3A_206 = arith.constant 0 : i32
      %lt3A_207 = arith.cmpi slt, %rem3A_203, %lt3A_206 : i32
      %lt3A_208 = arith.constant 0 : i32
      %lt3A_209 = arith.cmpi slt, %select_n3A_202, %lt3A_208 : i32
      %ne3A_210 = arith.xori %lt3A_207, %lt3A_209 : i1
      %and3A_211 = arith.andi %ne3A_210, %ne3A_205 : i1
      %add3A_212 = arith.addi %rem3A_203, %select_n3A_202 : i32
      %select_n3A_213 = arith.select %and3A_211, %add3A_212, %rem3A_203 : i32
      "tpu.region"() ({
        %run_scoped3A = tpu.sem_alloc : memref<!tpu.dma_semaphore, #tpu.memory_space<semaphore_mem>>
        %dma_start3A_222 = arith.constant 0 : i32
        %dma_start3A_223 = tpu.memref_slice %arg10[%mul3A_197, %dma_start3A_222] : memref<240x128xf32, #tpu.memory_space<vmem>> -> memref<80x128xf32, #tpu.memory_space<vmem>>
        %dma_start3A_224 = arith.constant 0 : i32
        %dma_start3A_225 = tpu.memref_slice %arg9[%select_n3A_213, %dma_start3A_224] : memref<3x80xi32, #tpu.memory_space<vmem>> -> memref<1x80xi32, #tpu.memory_space<vmem>>
        %dma_start3A_226 = tpu.memref_squeeze %dma_start3A_225 : memref<1x80xi32, #tpu.memory_space<vmem>> -> memref<80xi32, #tpu.memory_space<vmem>>
        %dma_start3A_227 = arith.constant 0 : i32
        %dma_start3A_228 = arith.constant 0 : i32
        %dma_start3A_229 = tpu.memref_slice %arg11[%dma_start3A_227, %dma_start3A_228] : memref<10240x128xf32, #tpu.memory_space<vmem_shared>> -> memref<10240x128xf32, #tpu.memory_space<vmem_shared>>
        tpu.enqueue_indirect_dma source(%dma_start3A_223 : memref<80x128xf32, #tpu.memory_space<vmem>>) target(%dma_start3A_229 : memref<10240x128xf32, #tpu.memory_space<vmem_shared>>) offsets(%dma_start3A_226 : memref<80xi32, #tpu.memory_space<vmem>>) semaphore(%run_scoped3A : memref<!tpu.dma_semaphore, #tpu.memory_space<semaphore_mem>>) {add = true}
        %dma_wait3A_230 = arith.constant 0 : i32
        %dma_wait3A_231 = tpu.memref_slice %arg10[%mul3A_197, %dma_wait3A_230] : memref<240x128xf32, #tpu.memory_space<vmem>> -> memref<80x128xf32, #tpu.memory_space<vmem>>
        %dma_wait3A_232 = arith.constant 0 : i32
        %dma_wait3A_233 = tpu.memref_slice %arg9[%select_n3A_213, %dma_wait3A_232] : memref<3x80xi32, #tpu.memory_space<vmem>> -> memref<1x80xi32, #tpu.memory_space<vmem>>
        %dma_wait3A_234 = tpu.memref_squeeze %dma_wait3A_233 : memref<1x80xi32, #tpu.memory_space<vmem>> -> memref<80xi32, #tpu.memory_space<vmem>>
        %dma_wait3A_235 = arith.constant 0 : i32
        %dma_wait3A_236 = arith.constant 0 : i32
        %dma_wait3A_237 = tpu.memref_slice %arg11[%dma_wait3A_235, %dma_wait3A_236] : memref<10240x128xf32, #tpu.memory_space<vmem_shared>> -> memref<10240x128xf32, #tpu.memory_space<vmem_shared>>
        tpu.wait_indirect_dma semaphore(%run_scoped3A : memref<!tpu.dma_semaphore, #tpu.memory_space<semaphore_mem>>) src(%dma_wait3A_231 : memref<80x128xf32, #tpu.memory_space<vmem>>) dst(%dma_wait3A_237 : memref<10240x128xf32, #tpu.memory_space<vmem_shared>>)
        tpu.yield
      }) : () -> ()
      %add3A_214 = arith.constant 2 : i32
      %add3A_215 = arith.addi %scan3A_167, %add3A_214 : i32
      %lt3A_216 = arith.constant 125 : i32
      %lt3A_217 = arith.cmpi slt, %add3A_215, %lt3A_216 : i32
      %convert_element_type3A_218 = arith.extui %lt3A_217 : i1 to i32
      %cond3A_219 = arith.constant 0 : i32
      %cond3A_220 = arith.cmpi ne, %convert_element_type3A_218, %cond3A_219 : i32
      scf.if %cond3A_220 {
        %dma_wait3A_222 = arith.constant 0 : i32
        %dma_wait3A_223 = arith.constant 0 : i32
        %dma_wait3A_224 = arith.constant 0 : i32
        %dma_wait3A_225 = tpu.memref_slice %arg8[%dma_wait3A_223, %dma_wait3A_224] : memref<3x80xi32, #tpu.memory_space<vmem>> -> memref<1x80xi32, #tpu.memory_space<vmem>>
        %dma_wait3A_226 = tpu.memref_squeeze %dma_wait3A_225 : memref<1x80xi32, #tpu.memory_space<vmem>> -> memref<80xi32, #tpu.memory_space<vmem>>
        %dma_wait3A_227 = arith.constant 0 : i32
        %dma_wait3A_228 = tpu.memref_slice %arg3[%add3A, %dma_wait3A_222, %dma_wait3A_227] : memref<32x125x80xi32, #tpu.memory_space<hbm>> -> memref<1x1x80xi32, #tpu.memory_space<hbm>>
        %dma_wait3A_229 = tpu.memref_squeeze %dma_wait3A_228 : memref<1x1x80xi32, #tpu.memory_space<hbm>> -> memref<80xi32, #tpu.memory_space<hbm>>
        %dma_wait3A_230 = arith.constant 0 : i32
        %dma_wait3A_231 = tpu.memref_slice %arg8[%dma_wait3A_223, %dma_wait3A_230] : memref<3x80xi32, #tpu.memory_space<vmem>> -> memref<1x80xi32, #tpu.memory_space<vmem>>
        %dma_wait3A_232 = tpu.memref_squeeze %dma_wait3A_231 : memref<1x80xi32, #tpu.memory_space<vmem>> -> memref<80xi32, #tpu.memory_space<vmem>>
        %dma_wait3A_233 = arith.constant 0 : i32
        %dma_wait3A_234 = tpu.memref_slice %arg3[%add3A, %dma_wait3A_222, %dma_wait3A_233] : memref<32x125x80xi32, #tpu.memory_space<hbm>> -> memref<1x1x80xi32, #tpu.memory_space<hbm>>
        %dma_wait3A_235 = tpu.memref_squeeze %dma_wait3A_234 : memref<1x1x80xi32, #tpu.memory_space<hbm>> -> memref<80xi32, #tpu.memory_space<hbm>>
        tpu.wait_dma2 semaphore(%arg13 : memref<!tpu.dma_semaphore, #tpu.memory_space<semaphore_mem>>) src(%dma_wait3A_235 : memref<80xi32, #tpu.memory_space<hbm>>) dst(%dma_wait3A_232 : memref<80xi32, #tpu.memory_space<vmem>>)
        %dma_wait3A_236 = arith.constant 0 : i32
        %dma_wait3A_237 = arith.constant 0 : i32
        %dma_wait3A_238 = arith.constant 0 : i32
        %dma_wait3A_239 = tpu.memref_slice %arg9[%dma_wait3A_237, %dma_wait3A_238] : memref<3x80xi32, #tpu.memory_space<vmem>> -> memref<1x80xi32, #tpu.memory_space<vmem>>
        %dma_wait3A_240 = tpu.memref_squeeze %dma_wait3A_239 : memref<1x80xi32, #tpu.memory_space<vmem>> -> memref<80xi32, #tpu.memory_space<vmem>>
        %dma_wait3A_241 = arith.constant 0 : i32
        %dma_wait3A_242 = tpu.memref_slice %arg4[%add3A, %dma_wait3A_236, %dma_wait3A_241] : memref<32x125x80xi32, #tpu.memory_space<hbm>> -> memref<1x1x80xi32, #tpu.memory_space<hbm>>
        %dma_wait3A_243 = tpu.memref_squeeze %dma_wait3A_242 : memref<1x1x80xi32, #tpu.memory_space<hbm>> -> memref<80xi32, #tpu.memory_space<hbm>>
        %dma_wait3A_244 = arith.constant 0 : i32
        %dma_wait3A_245 = tpu.memref_slice %arg9[%dma_wait3A_237, %dma_wait3A_244] : memref<3x80xi32, #tpu.memory_space<vmem>> -> memref<1x80xi32, #tpu.memory_space<vmem>>
        %dma_wait3A_246 = tpu.memref_squeeze %dma_wait3A_245 : memref<1x80xi32, #tpu.memory_space<vmem>> -> memref<80xi32, #tpu.memory_space<vmem>>
        %dma_wait3A_247 = arith.constant 0 : i32
        %dma_wait3A_248 = tpu.memref_slice %arg4[%add3A, %dma_wait3A_236, %dma_wait3A_247] : memref<32x125x80xi32, #tpu.memory_space<hbm>> -> memref<1x1x80xi32, #tpu.memory_space<hbm>>
        %dma_wait3A_249 = tpu.memref_squeeze %dma_wait3A_248 : memref<1x1x80xi32, #tpu.memory_space<hbm>> -> memref<80xi32, #tpu.memory_space<hbm>>
        tpu.wait_dma2 semaphore(%arg13 : memref<!tpu.dma_semaphore, #tpu.memory_space<semaphore_mem>>) src(%dma_wait3A_249 : memref<80xi32, #tpu.memory_space<hbm>>) dst(%dma_wait3A_246 : memref<80xi32, #tpu.memory_space<vmem>>)
        %add3A_250 = arith.constant 2 : i32
        %add3A_251 = arith.addi %scan3A_167, %add3A_250 : i32
        %jit3A_252 = arith.constant 3 : i32
        %eq3A_253 = arith.constant 0 : i32
        %eq3A_254 = arith.cmpi eq, %jit3A_252, %eq3A_253 : i32
        %jit3A_255 = arith.constant 1 : i32
        %select_n3A_256 = arith.select %eq3A_254, %jit3A_255, %jit3A_252 : i32
        %rem3A_257 = arith.remsi %add3A_251, %select_n3A_256 : i32
        %ne3A_258 = arith.constant 0 : i32
        %ne3A_259 = arith.cmpi ne, %rem3A_257, %ne3A_258 : i32
        %lt3A_260 = arith.constant 0 : i32
        %lt3A_261 = arith.cmpi slt, %rem3A_257, %lt3A_260 : i32
        %lt3A_262 = arith.constant 0 : i32
        %lt3A_263 = arith.cmpi slt, %select_n3A_256, %lt3A_262 : i32
        %ne3A_264 = arith.xori %lt3A_261, %lt3A_263 : i1
        %and3A_265 = arith.andi %ne3A_264, %ne3A_259 : i1
        %add3A_266 = arith.addi %rem3A_257, %select_n3A_256 : i32
        %select_n3A_267 = arith.select %and3A_265, %add3A_266, %rem3A_257 : i32
        %mul3A_268 = arith.constant 80 : i32
        %mul3A_269 = arith.muli %select_n3A_267, %mul3A_268 : i32
        %jit3A_270 = arith.constant 3 : i32
        %eq3A_271 = arith.constant 0 : i32
        %eq3A_272 = arith.cmpi eq, %jit3A_270, %eq3A_271 : i32
        %jit3A_273 = arith.constant 1 : i32
        %select_n3A_274 = arith.select %eq3A_272, %jit3A_273, %jit3A_270 : i32
        %rem3A_275 = arith.remsi %add3A_251, %select_n3A_274 : i32
        %ne3A_276 = arith.constant 0 : i32
        %ne3A_277 = arith.cmpi ne, %rem3A_275, %ne3A_276 : i32
        %lt3A_278 = arith.constant 0 : i32
        %lt3A_279 = arith.cmpi slt, %rem3A_275, %lt3A_278 : i32
        %lt3A_280 = arith.constant 0 : i32
        %lt3A_281 = arith.cmpi slt, %select_n3A_274, %lt3A_280 : i32
        %ne3A_282 = arith.xori %lt3A_279, %lt3A_281 : i1
        %and3A_283 = arith.andi %ne3A_282, %ne3A_277 : i1
        %add3A_284 = arith.addi %rem3A_275, %select_n3A_274 : i32
        %select_n3A_285 = arith.select %and3A_283, %add3A_284, %rem3A_275 : i32
        %dma_start3A_286 = arith.constant 0 : i32
        %dma_start3A_287 = tpu.memref_slice %arg10[%mul3A_269, %dma_start3A_286] : memref<240x128xf32, #tpu.memory_space<vmem>> -> memref<80x128xf32, #tpu.memory_space<vmem>>
        %dma_start3A_288 = arith.constant 0 : i32
        %dma_start3A_289 = tpu.memref_slice %arg8[%select_n3A_285, %dma_start3A_288] : memref<3x80xi32, #tpu.memory_space<vmem>> -> memref<1x80xi32, #tpu.memory_space<vmem>>
        %dma_start3A_290 = tpu.memref_squeeze %dma_start3A_289 : memref<1x80xi32, #tpu.memory_space<vmem>> -> memref<80xi32, #tpu.memory_space<vmem>>
        %dma_start3A_291 = arith.constant 0 : i32
        %dma_start3A_292 = arith.constant 0 : i32
        %dma_start3A_293 = tpu.memref_slice %arg2[%dma_start3A_291, %dma_start3A_292] : memref<40000x128xf32, #tpu.memory_space<hbm>> -> memref<40000x128xf32, #tpu.memory_space<hbm>>
        tpu.enqueue_indirect_dma source(%dma_start3A_293 : memref<40000x128xf32, #tpu.memory_space<hbm>>) target(%dma_start3A_287 : memref<80x128xf32, #tpu.memory_space<vmem>>) offsets(%dma_start3A_290 : memref<80xi32, #tpu.memory_space<vmem>>) semaphore(%arg12 : memref<!tpu.dma_semaphore, #tpu.memory_space<semaphore_mem>>)
      } else {
      }
      %scan3A_221 = arith.constant 0 : i32
      scf.yield %scan3A_221 : i32
    }
    %scan3A_156 = arith.constant 125 : i32
    %barrier3A_157 = arith.constant 0 : index
    tpu.barrier barrier_id(%barrier3A_157)
    %mul3A_158 = arith.constant 640 : i32
    %mul3A_159 = arith.muli %arg1, %mul3A_158 : i32
    %eq3A = arith.constant 0 : i32
    %eq3A_160 = arith.cmpi eq, %arg0, %eq3A : i32
    %convert_element_type3A = arith.extui %eq3A_160 : i1 to i32
    %cond3A = arith.constant 0 : i32
    %cond3A_161 = arith.cmpi ne, %convert_element_type3A, %cond3A : i32
    scf.if %cond3A_161 {
      "tpu.region"() ({
        %run_scoped3A = tpu.sem_alloc : memref<!tpu.dma_semaphore, #tpu.memory_space<semaphore_mem>>
        %dma_start3A_167 = arith.constant 0 : i32
        %dma_start3A_168 = tpu.memref_slice %arg6[%mul3A_159, %dma_start3A_167] : memref<10240x128xf32, #tpu.memory_space<hbm>> -> memref<640x128xf32, #tpu.memory_space<hbm>>
        %dma_start3A_169 = arith.constant 0 : i32
        %dma_start3A_170 = tpu.memref_slice %arg11[%mul3A_159, %dma_start3A_169] : memref<10240x128xf32, #tpu.memory_space<vmem_shared>> -> memref<640x128xf32, #tpu.memory_space<vmem_shared>>
        tpu.enqueue_dma source(%dma_start3A_170 : memref<640x128xf32, #tpu.memory_space<vmem_shared>>) target(%dma_start3A_168 : memref<640x128xf32, #tpu.memory_space<hbm>>) target_semaphore(%run_scoped3A : memref<!tpu.dma_semaphore, #tpu.memory_space<semaphore_mem>>)
        %dma_wait3A_171 = arith.constant 0 : i32
        %dma_wait3A_172 = tpu.memref_slice %arg6[%mul3A_159, %dma_wait3A_171] : memref<10240x128xf32, #tpu.memory_space<hbm>> -> memref<640x128xf32, #tpu.memory_space<hbm>>
        %dma_wait3A_173 = arith.constant 0 : i32
        %dma_wait3A_174 = tpu.memref_slice %arg11[%mul3A_159, %dma_wait3A_173] : memref<10240x128xf32, #tpu.memory_space<vmem_shared>> -> memref<640x128xf32, #tpu.memory_space<vmem_shared>>
        tpu.wait_dma2 semaphore(%run_scoped3A : memref<!tpu.dma_semaphore, #tpu.memory_space<semaphore_mem>>) src(%dma_wait3A_174 : memref<640x128xf32, #tpu.memory_space<vmem_shared>>) dst(%dma_wait3A_172 : memref<640x128xf32, #tpu.memory_space<hbm>>)
        tpu.yield
      }) : () -> ()
    } else {
    }
    %eq3A_162 = arith.constant 1 : i32
    %eq3A_163 = arith.cmpi eq, %arg0, %eq3A_162 : i32
    %convert_element_type3A_164 = arith.extui %eq3A_163 : i1 to i32
    %cond3A_165 = arith.constant 0 : i32
    %cond3A_166 = arith.cmpi ne, %convert_element_type3A_164, %cond3A_165 : i32
    scf.if %cond3A_166 {
      "tpu.region"() ({
        %run_scoped3A = tpu.sem_alloc : memref<!tpu.dma_semaphore, #tpu.memory_space<semaphore_mem>>
        %dma_start3A_167 = arith.constant 0 : i32
        %dma_start3A_168 = tpu.memref_slice %arg7[%mul3A_159, %dma_start3A_167] : memref<10240x128xf32, #tpu.memory_space<hbm>> -> memref<640x128xf32, #tpu.memory_space<hbm>>
        %dma_start3A_169 = arith.constant 0 : i32
        %dma_start3A_170 = tpu.memref_slice %arg11[%mul3A_159, %dma_start3A_169] : memref<10240x128xf32, #tpu.memory_space<vmem_shared>> -> memref<640x128xf32, #tpu.memory_space<vmem_shared>>
        tpu.enqueue_dma source(%dma_start3A_170 : memref<640x128xf32, #tpu.memory_space<vmem_shared>>) target(%dma_start3A_168 : memref<640x128xf32, #tpu.memory_space<hbm>>) target_semaphore(%run_scoped3A : memref<!tpu.dma_semaphore, #tpu.memory_space<semaphore_mem>>)
        %dma_wait3A_171 = arith.constant 0 : i32
        %dma_wait3A_172 = tpu.memref_slice %arg7[%mul3A_159, %dma_wait3A_171] : memref<10240x128xf32, #tpu.memory_space<hbm>> -> memref<640x128xf32, #tpu.memory_space<hbm>>
        %dma_wait3A_173 = arith.constant 0 : i32
        %dma_wait3A_174 = tpu.memref_slice %arg11[%mul3A_159, %dma_wait3A_173] : memref<10240x128xf32, #tpu.memory_space<vmem_shared>> -> memref<640x128xf32, #tpu.memory_space<vmem_shared>>
        tpu.wait_dma2 semaphore(%run_scoped3A : memref<!tpu.dma_semaphore, #tpu.memory_space<semaphore_mem>>) src(%dma_wait3A_174 : memref<640x128xf32, #tpu.memory_space<vmem_shared>>) dst(%dma_wait3A_172 : memref<640x128xf32, #tpu.memory_space<hbm>>)
        tpu.yield
      }) : () -> ()
    } else {
    }
    return
  }
}

#map = affine_map<(d0, d1) -> (0, 0)>
#map1 = affine_map<(d0, d1) -> (0, 0, 0)>
module attributes {stable_mosaic.version = 14 : i64} {
  func.func @k(%arg0: i32, %arg1: i32, %arg2: memref<320000x16xf32, #tpu.memory_space<hbm>>, %arg3: memref<32x125x80xi32, #tpu.memory_space<hbm>>, %arg4: memref<10240x128xf32, #tpu.memory_space<hbm>>, %arg5: memref<10240x128xf32, #tpu.memory_space<hbm>>, %arg6: memref<2x80xi32, #tpu.memory_space<vmem>>, %arg7: memref<160x16xf32, #tpu.memory_space<vmem>>, %arg8: memref<160x128xf32, #tpu.memory_space<vmem>>, %arg9: memref<10240x128xf32, #tpu.memory_space<vmem_shared>>, %arg10: memref<!tpu.dma_semaphore, #tpu.memory_space<semaphore_mem>>, %arg11: memref<!tpu.dma_semaphore, #tpu.memory_space<semaphore_mem>>) attributes {dimension_semantics = [#tpu.dimension_semantics<core_parallel>, #tpu.dimension_semantics<subcore_parallel>], iteration_bounds = array<i64: 2, 16>, scalar_prefetch = 0 : i64, scratch_operands = 6 : i64, tpu.core_type = #tpu.core_type<sc_vector_subcore>, window_params = [{transform_indices = #map}, {transform_indices = #map1}, {transform_indices = #map}, {transform_indices = #map}]} {
    %mul3A = arith.constant 2 : i32
    %mul3A_0 = arith.muli %arg1, %mul3A : i32
    %add3A = arith.addi %mul3A_0, %arg0 : i32
    %broadcast_in_dim3A = arith.constant 0.000000e+00 : f32
    %broadcast_in_dim3A_1 = vector.broadcast %broadcast_in_dim3A : f32 to vector<16xf32>
    %scan3A = arith.constant 0 : i32
    %scan3A_2 = arith.constant 0 : i32
    %scan3A_3 = arith.constant 160 : i32
    %scan3A_4 = arith.addi %scan3A_2, %scan3A_3 : i32
    %scan3A_5 = arith.constant 1 : i32
    %scan3A_6 = scf.for %scan3A_70 = %scan3A_2 to %scan3A_4 step %scan3A_5 iter_args(%scan3A_71 = %scan3A) -> (i32)  : i32 {
      %swap3A = arith.index_cast %scan3A_70 : i32 to index
      %swap3A_72 = arith.constant 0 : index
      %swap3A_73 = tpu.vector_load %arg8[%swap3A, %swap3A_72] {strides = array<i32>} : memref<160x128xf32, #tpu.memory_space<vmem>>, vector<1x16xf32>,
      %swap3A_74 = vector.shape_cast %swap3A_73 : vector<1x16xf32> to vector<16xf32>
      %swap3A_75 = vector.shape_cast %broadcast_in_dim3A_1 : vector<16xf32> to vector<1x16xf32>
      tpu.vector_store %arg8[%swap3A, %swap3A_72], %swap3A_75 {strides = array<i32>} : memref<160x128xf32, #tpu.memory_space<vmem>>, vector<1x16xf32>,
      %swap3A_76 = arith.index_cast %scan3A_70 : i32 to index
      %swap3A_77 = arith.constant 16 : index
      %swap3A_78 = tpu.vector_load %arg8[%swap3A_76, %swap3A_77] {strides = array<i32>} : memref<160x128xf32, #tpu.memory_space<vmem>>, vector<1x16xf32>,
      %swap3A_79 = vector.shape_cast %swap3A_78 : vector<1x16xf32> to vector<16xf32>
      %swap3A_80 = vector.shape_cast %broadcast_in_dim3A_1 : vector<16xf32> to vector<1x16xf32>
      tpu.vector_store %arg8[%swap3A_76, %swap3A_77], %swap3A_80 {strides = array<i32>} : memref<160x128xf32, #tpu.memory_space<vmem>>, vector<1x16xf32>,
      %swap3A_81 = arith.index_cast %scan3A_70 : i32 to index
      %swap3A_82 = arith.constant 32 : index
      %swap3A_83 = tpu.vector_load %arg8[%swap3A_81, %swap3A_82] {strides = array<i32>} : memref<160x128xf32, #tpu.memory_space<vmem>>, vector<1x16xf32>,
      %swap3A_84 = vector.shape_cast %swap3A_83 : vector<1x16xf32> to vector<16xf32>
      %swap3A_85 = vector.shape_cast %broadcast_in_dim3A_1 : vector<16xf32> to vector<1x16xf32>
      tpu.vector_store %arg8[%swap3A_81, %swap3A_82], %swap3A_85 {strides = array<i32>} : memref<160x128xf32, #tpu.memory_space<vmem>>, vector<1x16xf32>,
      %swap3A_86 = arith.index_cast %scan3A_70 : i32 to index
      %swap3A_87 = arith.constant 48 : index
      %swap3A_88 = tpu.vector_load %arg8[%swap3A_86, %swap3A_87] {strides = array<i32>} : memref<160x128xf32, #tpu.memory_space<vmem>>, vector<1x16xf32>,
      %swap3A_89 = vector.shape_cast %swap3A_88 : vector<1x16xf32> to vector<16xf32>
      %swap3A_90 = vector.shape_cast %broadcast_in_dim3A_1 : vector<16xf32> to vector<1x16xf32>
      tpu.vector_store %arg8[%swap3A_86, %swap3A_87], %swap3A_90 {strides = array<i32>} : memref<160x128xf32, #tpu.memory_space<vmem>>, vector<1x16xf32>,
      %swap3A_91 = arith.index_cast %scan3A_70 : i32 to index
      %swap3A_92 = arith.constant 64 : index
      %swap3A_93 = tpu.vector_load %arg8[%swap3A_91, %swap3A_92] {strides = array<i32>} : memref<160x128xf32, #tpu.memory_space<vmem>>, vector<1x16xf32>,
      %swap3A_94 = vector.shape_cast %swap3A_93 : vector<1x16xf32> to vector<16xf32>
      %swap3A_95 = vector.shape_cast %broadcast_in_dim3A_1 : vector<16xf32> to vector<1x16xf32>
      tpu.vector_store %arg8[%swap3A_91, %swap3A_92], %swap3A_95 {strides = array<i32>} : memref<160x128xf32, #tpu.memory_space<vmem>>, vector<1x16xf32>,
      %swap3A_96 = arith.index_cast %scan3A_70 : i32 to index
      %swap3A_97 = arith.constant 80 : index
      %swap3A_98 = tpu.vector_load %arg8[%swap3A_96, %swap3A_97] {strides = array<i32>} : memref<160x128xf32, #tpu.memory_space<vmem>>, vector<1x16xf32>,
      %swap3A_99 = vector.shape_cast %swap3A_98 : vector<1x16xf32> to vector<16xf32>
      %swap3A_100 = vector.shape_cast %broadcast_in_dim3A_1 : vector<16xf32> to vector<1x16xf32>
      tpu.vector_store %arg8[%swap3A_96, %swap3A_97], %swap3A_100 {strides = array<i32>} : memref<160x128xf32, #tpu.memory_space<vmem>>, vector<1x16xf32>,
      %swap3A_101 = arith.index_cast %scan3A_70 : i32 to index
      %swap3A_102 = arith.constant 96 : index
      %swap3A_103 = tpu.vector_load %arg8[%swap3A_101, %swap3A_102] {strides = array<i32>} : memref<160x128xf32, #tpu.memory_space<vmem>>, vector<1x16xf32>,
      %swap3A_104 = vector.shape_cast %swap3A_103 : vector<1x16xf32> to vector<16xf32>
      %swap3A_105 = vector.shape_cast %broadcast_in_dim3A_1 : vector<16xf32> to vector<1x16xf32>
      tpu.vector_store %arg8[%swap3A_101, %swap3A_102], %swap3A_105 {strides = array<i32>} : memref<160x128xf32, #tpu.memory_space<vmem>>, vector<1x16xf32>,
      %swap3A_106 = arith.index_cast %scan3A_70 : i32 to index
      %swap3A_107 = arith.constant 112 : index
      %swap3A_108 = tpu.vector_load %arg8[%swap3A_106, %swap3A_107] {strides = array<i32>} : memref<160x128xf32, #tpu.memory_space<vmem>>, vector<1x16xf32>,
      %swap3A_109 = vector.shape_cast %swap3A_108 : vector<1x16xf32> to vector<16xf32>
      %swap3A_110 = vector.shape_cast %broadcast_in_dim3A_1 : vector<16xf32> to vector<1x16xf32>
      tpu.vector_store %arg8[%swap3A_106, %swap3A_107], %swap3A_110 {strides = array<i32>} : memref<160x128xf32, #tpu.memory_space<vmem>>, vector<1x16xf32>,
      %scan3A_111 = arith.constant 0 : i32
      scf.yield %scan3A_111 : i32
    }
    %scan3A_7 = arith.constant 160 : i32
    %mul3A_8 = arith.constant 640 : i32
    %mul3A_9 = arith.muli %arg1, %mul3A_8 : i32
    %add3A_10 = arith.constant 0 : i32
    %add3A_11 = arith.addi %mul3A_9, %add3A_10 : i32
    "tpu.region"() ({
      %run_scoped3A = tpu.sem_alloc : memref<!tpu.dma_semaphore, #tpu.memory_space<semaphore_mem>>
      %dma_start3A_70 = arith.constant 0 : i32
      %dma_start3A_71 = tpu.memref_slice %arg9[%add3A_11, %dma_start3A_70] : memref<10240x128xf32, #tpu.memory_space<vmem_shared>> -> memref<160x128xf32, #tpu.memory_space<vmem_shared>>
      %dma_start3A_72 = arith.constant 0 : i32
      %dma_start3A_73 = tpu.memref_slice %arg9[%add3A_11, %dma_start3A_72] : memref<10240x128xf32, #tpu.memory_space<vmem_shared>> -> memref<160x128xf32, #tpu.memory_space<vmem_shared>>
      tpu.enqueue_dma source(%arg8 : memref<160x128xf32, #tpu.memory_space<vmem>>) target(%dma_start3A_73 : memref<160x128xf32, #tpu.memory_space<vmem_shared>>) target_semaphore(%run_scoped3A : memref<!tpu.dma_semaphore, #tpu.memory_space<semaphore_mem>>)
      %dma_wait3A = arith.constant 0 : i32
      %dma_wait3A_74 = tpu.memref_slice %arg9[%add3A_11, %dma_wait3A] : memref<10240x128xf32, #tpu.memory_space<vmem_shared>> -> memref<160x128xf32, #tpu.memory_space<vmem_shared>>
      %dma_wait3A_75 = arith.constant 0 : i32
      %dma_wait3A_76 = tpu.memref_slice %arg9[%add3A_11, %dma_wait3A_75] : memref<10240x128xf32, #tpu.memory_space<vmem_shared>> -> memref<160x128xf32, #tpu.memory_space<vmem_shared>>
      tpu.wait_dma2 semaphore(%run_scoped3A : memref<!tpu.dma_semaphore, #tpu.memory_space<semaphore_mem>>) src(%arg8 : memref<160x128xf32, #tpu.memory_space<vmem>>) dst(%dma_wait3A_76 : memref<160x128xf32, #tpu.memory_space<vmem_shared>>)
      tpu.yield
    }) : () -> ()
    %mul3A_12 = arith.constant 640 : i32
    %mul3A_13 = arith.muli %arg1, %mul3A_12 : i32
    %add3A_14 = arith.constant 160 : i32
    %add3A_15 = arith.addi %mul3A_13, %add3A_14 : i32
    "tpu.region"() ({
      %run_scoped3A = tpu.sem_alloc : memref<!tpu.dma_semaphore, #tpu.memory_space<semaphore_mem>>
      %dma_start3A_70 = arith.constant 0 : i32
      %dma_start3A_71 = tpu.memref_slice %arg9[%add3A_15, %dma_start3A_70] : memref<10240x128xf32, #tpu.memory_space<vmem_shared>> -> memref<160x128xf32, #tpu.memory_space<vmem_shared>>
      %dma_start3A_72 = arith.constant 0 : i32
      %dma_start3A_73 = tpu.memref_slice %arg9[%add3A_15, %dma_start3A_72] : memref<10240x128xf32, #tpu.memory_space<vmem_shared>> -> memref<160x128xf32, #tpu.memory_space<vmem_shared>>
      tpu.enqueue_dma source(%arg8 : memref<160x128xf32, #tpu.memory_space<vmem>>) target(%dma_start3A_73 : memref<160x128xf32, #tpu.memory_space<vmem_shared>>) target_semaphore(%run_scoped3A : memref<!tpu.dma_semaphore, #tpu.memory_space<semaphore_mem>>)
      %dma_wait3A = arith.constant 0 : i32
      %dma_wait3A_74 = tpu.memref_slice %arg9[%add3A_15, %dma_wait3A] : memref<10240x128xf32, #tpu.memory_space<vmem_shared>> -> memref<160x128xf32, #tpu.memory_space<vmem_shared>>
      %dma_wait3A_75 = arith.constant 0 : i32
      %dma_wait3A_76 = tpu.memref_slice %arg9[%add3A_15, %dma_wait3A_75] : memref<10240x128xf32, #tpu.memory_space<vmem_shared>> -> memref<160x128xf32, #tpu.memory_space<vmem_shared>>
      tpu.wait_dma2 semaphore(%run_scoped3A : memref<!tpu.dma_semaphore, #tpu.memory_space<semaphore_mem>>) src(%arg8 : memref<160x128xf32, #tpu.memory_space<vmem>>) dst(%dma_wait3A_76 : memref<160x128xf32, #tpu.memory_space<vmem_shared>>)
      tpu.yield
    }) : () -> ()
    %mul3A_16 = arith.constant 640 : i32
    %mul3A_17 = arith.muli %arg1, %mul3A_16 : i32
    %add3A_18 = arith.constant 320 : i32
    %add3A_19 = arith.addi %mul3A_17, %add3A_18 : i32
    "tpu.region"() ({
      %run_scoped3A = tpu.sem_alloc : memref<!tpu.dma_semaphore, #tpu.memory_space<semaphore_mem>>
      %dma_start3A_70 = arith.constant 0 : i32
      %dma_start3A_71 = tpu.memref_slice %arg9[%add3A_19, %dma_start3A_70] : memref<10240x128xf32, #tpu.memory_space<vmem_shared>> -> memref<160x128xf32, #tpu.memory_space<vmem_shared>>
      %dma_start3A_72 = arith.constant 0 : i32
      %dma_start3A_73 = tpu.memref_slice %arg9[%add3A_19, %dma_start3A_72] : memref<10240x128xf32, #tpu.memory_space<vmem_shared>> -> memref<160x128xf32, #tpu.memory_space<vmem_shared>>
      tpu.enqueue_dma source(%arg8 : memref<160x128xf32, #tpu.memory_space<vmem>>) target(%dma_start3A_73 : memref<160x128xf32, #tpu.memory_space<vmem_shared>>) target_semaphore(%run_scoped3A : memref<!tpu.dma_semaphore, #tpu.memory_space<semaphore_mem>>)
      %dma_wait3A = arith.constant 0 : i32
      %dma_wait3A_74 = tpu.memref_slice %arg9[%add3A_19, %dma_wait3A] : memref<10240x128xf32, #tpu.memory_space<vmem_shared>> -> memref<160x128xf32, #tpu.memory_space<vmem_shared>>
      %dma_wait3A_75 = arith.constant 0 : i32
      %dma_wait3A_76 = tpu.memref_slice %arg9[%add3A_19, %dma_wait3A_75] : memref<10240x128xf32, #tpu.memory_space<vmem_shared>> -> memref<160x128xf32, #tpu.memory_space<vmem_shared>>
      tpu.wait_dma2 semaphore(%run_scoped3A : memref<!tpu.dma_semaphore, #tpu.memory_space<semaphore_mem>>) src(%arg8 : memref<160x128xf32, #tpu.memory_space<vmem>>) dst(%dma_wait3A_76 : memref<160x128xf32, #tpu.memory_space<vmem_shared>>)
      tpu.yield
    }) : () -> ()
    %mul3A_20 = arith.constant 640 : i32
    %mul3A_21 = arith.muli %arg1, %mul3A_20 : i32
    %add3A_22 = arith.constant 480 : i32
    %add3A_23 = arith.addi %mul3A_21, %add3A_22 : i32
    "tpu.region"() ({
      %run_scoped3A = tpu.sem_alloc : memref<!tpu.dma_semaphore, #tpu.memory_space<semaphore_mem>>
      %dma_start3A_70 = arith.constant 0 : i32
      %dma_start3A_71 = tpu.memref_slice %arg9[%add3A_23, %dma_start3A_70] : memref<10240x128xf32, #tpu.memory_space<vmem_shared>> -> memref<160x128xf32, #tpu.memory_space<vmem_shared>>
      %dma_start3A_72 = arith.constant 0 : i32
      %dma_start3A_73 = tpu.memref_slice %arg9[%add3A_23, %dma_start3A_72] : memref<10240x128xf32, #tpu.memory_space<vmem_shared>> -> memref<160x128xf32, #tpu.memory_space<vmem_shared>>
      tpu.enqueue_dma source(%arg8 : memref<160x128xf32, #tpu.memory_space<vmem>>) target(%dma_start3A_73 : memref<160x128xf32, #tpu.memory_space<vmem_shared>>) target_semaphore(%run_scoped3A : memref<!tpu.dma_semaphore, #tpu.memory_space<semaphore_mem>>)
      %dma_wait3A = arith.constant 0 : i32
      %dma_wait3A_74 = tpu.memref_slice %arg9[%add3A_23, %dma_wait3A] : memref<10240x128xf32, #tpu.memory_space<vmem_shared>> -> memref<160x128xf32, #tpu.memory_space<vmem_shared>>
      %dma_wait3A_75 = arith.constant 0 : i32
      %dma_wait3A_76 = tpu.memref_slice %arg9[%add3A_23, %dma_wait3A_75] : memref<10240x128xf32, #tpu.memory_space<vmem_shared>> -> memref<160x128xf32, #tpu.memory_space<vmem_shared>>
      tpu.wait_dma2 semaphore(%run_scoped3A : memref<!tpu.dma_semaphore, #tpu.memory_space<semaphore_mem>>) src(%arg8 : memref<160x128xf32, #tpu.memory_space<vmem>>) dst(%dma_wait3A_76 : memref<160x128xf32, #tpu.memory_space<vmem_shared>>)
      tpu.yield
    }) : () -> ()
    %barrier3A = arith.constant 0 : index
    tpu.barrier barrier_id(%barrier3A)
    %mul3A_24 = arith.constant 125 : i32
    %mul3A_25 = arith.muli %add3A, %mul3A_24 : i32
    %add3A_26 = arith.constant 0 : i32
    %add3A_27 = arith.addi %mul3A_25, %add3A_26 : i32
    %mul3A_28 = arith.constant 80 : i32
    %mul3A_29 = arith.muli %add3A_27, %mul3A_28 : i32
    %dma_start3A = arith.constant 0 : i32
    %dma_start3A_30 = arith.constant 0 : i32
    %dma_start3A_31 = tpu.memref_slice %arg7[%dma_start3A, %dma_start3A_30] : memref<160x16xf32, #tpu.memory_space<vmem>> -> memref<80x16xf32, #tpu.memory_space<vmem>>
    %dma_start3A_32 = arith.constant 0 : i32
    %dma_start3A_33 = tpu.memref_slice %arg2[%mul3A_29, %dma_start3A_32] : memref<320000x16xf32, #tpu.memory_space<hbm>> -> memref<80x16xf32, #tpu.memory_space<hbm>>
    %dma_start3A_34 = arith.constant 0 : i32
    %dma_start3A_35 = arith.constant 0 : i32
    %dma_start3A_36 = tpu.memref_slice %arg7[%dma_start3A_34, %dma_start3A_35] : memref<160x16xf32, #tpu.memory_space<vmem>> -> memref<80x16xf32, #tpu.memory_space<vmem>>
    %dma_start3A_37 = arith.constant 0 : i32
    %dma_start3A_38 = tpu.memref_slice %arg2[%mul3A_29, %dma_start3A_37] : memref<320000x16xf32, #tpu.memory_space<hbm>> -> memref<80x16xf32, #tpu.memory_space<hbm>>
    tpu.enqueue_dma source(%dma_start3A_38 : memref<80x16xf32, #tpu.memory_space<hbm>>) target(%dma_start3A_36 : memref<80x16xf32, #tpu.memory_space<vmem>>) target_semaphore(%arg10 : memref<!tpu.dma_semaphore, #tpu.memory_space<semaphore_mem>>)
    %dma_start3A_39 = arith.constant 0 : i32
    %dma_start3A_40 = arith.constant 0 : i32
    %dma_start3A_41 = arith.constant 0 : i32
    %dma_start3A_42 = tpu.memref_slice %arg6[%dma_start3A_40, %dma_start3A_41] : memref<2x80xi32, #tpu.memory_space<vmem>> -> memref<1x80xi32, #tpu.memory_space<vmem>>
    %dma_start3A_43 = tpu.memref_squeeze %dma_start3A_42 : memref<1x80xi32, #tpu.memory_space<vmem>> -> memref<80xi32, #tpu.memory_space<vmem>>
    %dma_start3A_44 = arith.constant 0 : i32
    %dma_start3A_45 = tpu.memref_slice %arg3[%add3A, %dma_start3A_39, %dma_start3A_44] : memref<32x125x80xi32, #tpu.memory_space<hbm>> -> memref<1x1x80xi32, #tpu.memory_space<hbm>>
    %dma_start3A_46 = tpu.memref_squeeze %dma_start3A_45 : memref<1x1x80xi32, #tpu.memory_space<hbm>> -> memref<80xi32, #tpu.memory_space<hbm>>
    %dma_start3A_47 = arith.constant 0 : i32
    %dma_start3A_48 = tpu.memref_slice %arg6[%dma_start3A_40, %dma_start3A_47] : memref<2x80xi32, #tpu.memory_space<vmem>> -> memref<1x80xi32, #tpu.memory_space<vmem>>
    %dma_start3A_49 = tpu.memref_squeeze %dma_start3A_48 : memref<1x80xi32, #tpu.memory_space<vmem>> -> memref<80xi32, #tpu.memory_space<vmem>>
    %dma_start3A_50 = arith.constant 0 : i32
    %dma_start3A_51 = tpu.memref_slice %arg3[%add3A, %dma_start3A_39, %dma_start3A_50] : memref<32x125x80xi32, #tpu.memory_space<hbm>> -> memref<1x1x80xi32, #tpu.memory_space<hbm>>
    %dma_start3A_52 = tpu.memref_squeeze %dma_start3A_51 : memref<1x1x80xi32, #tpu.memory_space<hbm>> -> memref<80xi32, #tpu.memory_space<hbm>>
    tpu.enqueue_dma source(%dma_start3A_52 : memref<80xi32, #tpu.memory_space<hbm>>) target(%dma_start3A_49 : memref<80xi32, #tpu.memory_space<vmem>>) target_semaphore(%arg11 : memref<!tpu.dma_semaphore, #tpu.memory_space<semaphore_mem>>)
    %scan3A_53 = arith.constant 0 : i32
    %scan3A_54 = arith.constant 0 : i32
    %scan3A_55 = arith.constant 125 : i32
    %scan3A_56 = arith.addi %scan3A_54, %scan3A_55 : i32
    %scan3A_57 = arith.constant 1 : i32
    %scan3A_58 = scf.for %scan3A_70 = %scan3A_54 to %scan3A_56 step %scan3A_57 iter_args(%scan3A_71 = %scan3A_53) -> (i32)  : i32 {
      %dma_wait3A = arith.constant 0 : i32
      %dma_wait3A_72 = arith.constant 0 : i32
      %dma_wait3A_73 = tpu.memref_slice %arg7[%dma_wait3A, %dma_wait3A_72] : memref<160x16xf32, #tpu.memory_space<vmem>> -> memref<80x16xf32, #tpu.memory_space<vmem>>
      %dma_wait3A_74 = arith.constant 0 : i32
      %dma_wait3A_75 = arith.constant 0 : i32
      %dma_wait3A_76 = tpu.memref_slice %arg2[%dma_wait3A_74, %dma_wait3A_75] : memref<320000x16xf32, #tpu.memory_space<hbm>> -> memref<80x16xf32, #tpu.memory_space<hbm>>
      %dma_wait3A_77 = arith.constant 0 : i32
      %dma_wait3A_78 = arith.constant 0 : i32
      %dma_wait3A_79 = tpu.memref_slice %arg7[%dma_wait3A_77, %dma_wait3A_78] : memref<160x16xf32, #tpu.memory_space<vmem>> -> memref<80x16xf32, #tpu.memory_space<vmem>>
      %dma_wait3A_80 = arith.constant 0 : i32
      %dma_wait3A_81 = arith.constant 0 : i32
      %dma_wait3A_82 = tpu.memref_slice %arg2[%dma_wait3A_80, %dma_wait3A_81] : memref<320000x16xf32, #tpu.memory_space<hbm>> -> memref<80x16xf32, #tpu.memory_space<hbm>>
      tpu.wait_dma2 semaphore(%arg10 : memref<!tpu.dma_semaphore, #tpu.memory_space<semaphore_mem>>) src(%dma_wait3A_82 : memref<80x16xf32, #tpu.memory_space<hbm>>) dst(%dma_wait3A_79 : memref<80x16xf32, #tpu.memory_space<vmem>>)
      %dma_wait3A_83 = arith.constant 0 : i32
      %dma_wait3A_84 = arith.constant 0 : i32
      %dma_wait3A_85 = arith.constant 0 : i32
      %dma_wait3A_86 = tpu.memref_slice %arg6[%dma_wait3A_84, %dma_wait3A_85] : memref<2x80xi32, #tpu.memory_space<vmem>> -> memref<1x80xi32, #tpu.memory_space<vmem>>
      %dma_wait3A_87 = tpu.memref_squeeze %dma_wait3A_86 : memref<1x80xi32, #tpu.memory_space<vmem>> -> memref<80xi32, #tpu.memory_space<vmem>>
      %dma_wait3A_88 = arith.constant 0 : i32
      %dma_wait3A_89 = tpu.memref_slice %arg3[%add3A, %dma_wait3A_83, %dma_wait3A_88] : memref<32x125x80xi32, #tpu.memory_space<hbm>> -> memref<1x1x80xi32, #tpu.memory_space<hbm>>
      %dma_wait3A_90 = tpu.memref_squeeze %dma_wait3A_89 : memref<1x1x80xi32, #tpu.memory_space<hbm>> -> memref<80xi32, #tpu.memory_space<hbm>>
      %dma_wait3A_91 = arith.constant 0 : i32
      %dma_wait3A_92 = tpu.memref_slice %arg6[%dma_wait3A_84, %dma_wait3A_91] : memref<2x80xi32, #tpu.memory_space<vmem>> -> memref<1x80xi32, #tpu.memory_space<vmem>>
      %dma_wait3A_93 = tpu.memref_squeeze %dma_wait3A_92 : memref<1x80xi32, #tpu.memory_space<vmem>> -> memref<80xi32, #tpu.memory_space<vmem>>
      %dma_wait3A_94 = arith.constant 0 : i32
      %dma_wait3A_95 = tpu.memref_slice %arg3[%add3A, %dma_wait3A_83, %dma_wait3A_94] : memref<32x125x80xi32, #tpu.memory_space<hbm>> -> memref<1x1x80xi32, #tpu.memory_space<hbm>>
      %dma_wait3A_96 = tpu.memref_squeeze %dma_wait3A_95 : memref<1x1x80xi32, #tpu.memory_space<hbm>> -> memref<80xi32, #tpu.memory_space<hbm>>
      tpu.wait_dma2 semaphore(%arg11 : memref<!tpu.dma_semaphore, #tpu.memory_space<semaphore_mem>>) src(%dma_wait3A_96 : memref<80xi32, #tpu.memory_space<hbm>>) dst(%dma_wait3A_93 : memref<80xi32, #tpu.memory_space<vmem>>)
      %add3A_97 = arith.constant 1 : i32
      %add3A_98 = arith.addi %scan3A_70, %add3A_97 : i32
      %lt3A = arith.constant 125 : i32
      %lt3A_99 = arith.cmpi slt, %add3A_98, %lt3A : i32
      %convert_element_type3A_100 = arith.extui %lt3A_99 : i1 to i32
      %cond3A_101 = arith.constant 0 : i32
      %cond3A_102 = arith.cmpi ne, %convert_element_type3A_100, %cond3A_101 : i32
      scf.if %cond3A_102 {
        %add3A_140 = arith.constant 1 : i32
        %add3A_141 = arith.addi %scan3A_70, %add3A_140 : i32
        %jit3A_142 = arith.constant 2 : i32
        %eq3A_143 = arith.constant 0 : i32
        %eq3A_144 = arith.cmpi eq, %jit3A_142, %eq3A_143 : i32
        %jit3A_145 = arith.constant 1 : i32
        %select_n3A_146 = arith.select %eq3A_144, %jit3A_145, %jit3A_142 : i32
        %rem3A_147 = arith.remsi %add3A_141, %select_n3A_146 : i32
        %ne3A_148 = arith.constant 0 : i32
        %ne3A_149 = arith.cmpi ne, %rem3A_147, %ne3A_148 : i32
        %lt3A_150 = arith.constant 0 : i32
        %lt3A_151 = arith.cmpi slt, %rem3A_147, %lt3A_150 : i32
        %lt3A_152 = arith.constant 0 : i32
        %lt3A_153 = arith.cmpi slt, %select_n3A_146, %lt3A_152 : i32
        %ne3A_154 = arith.xori %lt3A_151, %lt3A_153 : i1
        %and3A_155 = arith.andi %ne3A_154, %ne3A_149 : i1
        %add3A_156 = arith.addi %rem3A_147, %select_n3A_146 : i32
        %select_n3A_157 = arith.select %and3A_155, %add3A_156, %rem3A_147 : i32
        %mul3A_158 = arith.constant 125 : i32
        %mul3A_159 = arith.muli %add3A, %mul3A_158 : i32
        %add3A_160 = arith.addi %mul3A_159, %add3A_141 : i32
        %mul3A_161 = arith.constant 80 : i32
        %mul3A_162 = arith.muli %add3A_160, %mul3A_161 : i32
        %mul3A_163 = arith.constant 80 : i32
        %mul3A_164 = arith.muli %select_n3A_157, %mul3A_163 : i32
        %dma_start3A_165 = arith.constant 0 : i32
        %dma_start3A_166 = tpu.memref_slice %arg7[%mul3A_164, %dma_start3A_165] : memref<160x16xf32, #tpu.memory_space<vmem>> -> memref<80x16xf32, #tpu.memory_space<vmem>>
        %dma_start3A_167 = arith.constant 0 : i32
        %dma_start3A_168 = tpu.memref_slice %arg2[%mul3A_162, %dma_start3A_167] : memref<320000x16xf32, #tpu.memory_space<hbm>> -> memref<80x16xf32, #tpu.memory_space<hbm>>
        %dma_start3A_169 = arith.constant 0 : i32
        %dma_start3A_170 = tpu.memref_slice %arg7[%mul3A_164, %dma_start3A_169] : memref<160x16xf32, #tpu.memory_space<vmem>> -> memref<80x16xf32, #tpu.memory_space<vmem>>
        %dma_start3A_171 = arith.constant 0 : i32
        %dma_start3A_172 = tpu.memref_slice %arg2[%mul3A_162, %dma_start3A_171] : memref<320000x16xf32, #tpu.memory_space<hbm>> -> memref<80x16xf32, #tpu.memory_space<hbm>>
        tpu.enqueue_dma source(%dma_start3A_172 : memref<80x16xf32, #tpu.memory_space<hbm>>) target(%dma_start3A_170 : memref<80x16xf32, #tpu.memory_space<vmem>>) target_semaphore(%arg10 : memref<!tpu.dma_semaphore, #tpu.memory_space<semaphore_mem>>)
        %dma_start3A_173 = arith.constant 0 : i32
        %dma_start3A_174 = tpu.memref_slice %arg6[%select_n3A_157, %dma_start3A_173] : memref<2x80xi32, #tpu.memory_space<vmem>> -> memref<1x80xi32, #tpu.memory_space<vmem>>
        %dma_start3A_175 = tpu.memref_squeeze %dma_start3A_174 : memref<1x80xi32, #tpu.memory_space<vmem>> -> memref<80xi32, #tpu.memory_space<vmem>>
        %dma_start3A_176 = arith.constant 0 : i32
        %dma_start3A_177 = tpu.memref_slice %arg3[%add3A, %add3A_141, %dma_start3A_176] : memref<32x125x80xi32, #tpu.memory_space<hbm>> -> memref<1x1x80xi32, #tpu.memory_space<hbm>>
        %dma_start3A_178 = tpu.memref_squeeze %dma_start3A_177 : memref<1x1x80xi32, #tpu.memory_space<hbm>> -> memref<80xi32, #tpu.memory_space<hbm>>
        %dma_start3A_179 = arith.constant 0 : i32
        %dma_start3A_180 = tpu.memref_slice %arg6[%select_n3A_157, %dma_start3A_179] : memref<2x80xi32, #tpu.memory_space<vmem>> -> memref<1x80xi32, #tpu.memory_space<vmem>>
        %dma_start3A_181 = tpu.memref_squeeze %dma_start3A_180 : memref<1x80xi32, #tpu.memory_space<vmem>> -> memref<80xi32, #tpu.memory_space<vmem>>
        %dma_start3A_182 = arith.constant 0 : i32
        %dma_start3A_183 = tpu.memref_slice %arg3[%add3A, %add3A_141, %dma_start3A_182] : memref<32x125x80xi32, #tpu.memory_space<hbm>> -> memref<1x1x80xi32, #tpu.memory_space<hbm>>
        %dma_start3A_184 = tpu.memref_squeeze %dma_start3A_183 : memref<1x1x80xi32, #tpu.memory_space<hbm>> -> memref<80xi32, #tpu.memory_space<hbm>>
        tpu.enqueue_dma source(%dma_start3A_184 : memref<80xi32, #tpu.memory_space<hbm>>) target(%dma_start3A_181 : memref<80xi32, #tpu.memory_space<vmem>>) target_semaphore(%arg11 : memref<!tpu.dma_semaphore, #tpu.memory_space<semaphore_mem>>)
      } else {
      }
      %jit3A = arith.constant 2 : i32
      %eq3A_103 = arith.constant 0 : i32
      %eq3A_104 = arith.cmpi eq, %jit3A, %eq3A_103 : i32
      %jit3A_105 = arith.constant 1 : i32
      %select_n3A = arith.select %eq3A_104, %jit3A_105, %jit3A : i32
      %rem3A = arith.remsi %scan3A_70, %select_n3A : i32
      %ne3A = arith.constant 0 : i32
      %ne3A_106 = arith.cmpi ne, %rem3A, %ne3A : i32
      %lt3A_107 = arith.constant 0 : i32
      %lt3A_108 = arith.cmpi slt, %rem3A, %lt3A_107 : i32
      %lt3A_109 = arith.constant 0 : i32
      %lt3A_110 = arith.cmpi slt, %select_n3A, %lt3A_109 : i32
      %ne3A_111 = arith.xori %lt3A_108, %lt3A_110 : i1
      %and3A = arith.andi %ne3A_111, %ne3A_106 : i1
      %add3A_112 = arith.addi %rem3A, %select_n3A : i32
      %select_n3A_113 = arith.select %and3A, %add3A_112, %rem3A : i32
      %mul3A_114 = arith.constant 80 : i32
      %mul3A_115 = arith.muli %select_n3A_113, %mul3A_114 : i32
      %scan3A_116 = arith.constant 0 : i32
      %scan3A_117 = arith.constant 0 : i32
      %scan3A_118 = arith.constant 80 : i32
      %scan3A_119 = arith.addi %scan3A_117, %scan3A_118 : i32
      %scan3A_120 = arith.constant 1 : i32
      %scan3A_121 = scf.for %scan3A_140 = %scan3A_117 to %scan3A_119 step %scan3A_120 iter_args(%scan3A_141 = %scan3A_116) -> (i32)  : i32 {
        %add3A_142 = arith.addi %mul3A_115, %scan3A_140 : i32
        %get3A = arith.index_cast %add3A_142 : i32 to index
        %get3A_143 = arith.constant 0 : index
        %get3A_144 = tpu.vector_load %arg7[%get3A, %get3A_143] {strides = array<i32>} : memref<160x16xf32, #tpu.memory_space<vmem>>, vector<1x16xf32>,
        %get3A_145 = vector.shape_cast %get3A_144 : vector<1x16xf32> to vector<16xf32>
        %add3A_146 = arith.addi %mul3A_115, %scan3A_140 : i32
        %swap3A = arith.index_cast %add3A_146 : i32 to index
        %swap3A_147 = arith.constant 0 : index
        %swap3A_148 = tpu.vector_load %arg8[%swap3A, %swap3A_147] {strides = array<i32>} : memref<160x128xf32, #tpu.memory_space<vmem>>, vector<1x16xf32>,
        %swap3A_149 = vector.shape_cast %swap3A_148 : vector<1x16xf32> to vector<16xf32>
        %swap3A_150 = vector.shape_cast %get3A_145 : vector<16xf32> to vector<1x16xf32>
        tpu.vector_store %arg8[%swap3A, %swap3A_147], %swap3A_150 {strides = array<i32>} : memref<160x128xf32, #tpu.memory_space<vmem>>, vector<1x16xf32>,
        %scan3A_151 = arith.constant 0 : i32
        scf.yield %scan3A_151 : i32
      }
      %scan3A_122 = arith.constant 80 : i32
      %jit3A_123 = arith.constant 2 : i32
      %eq3A_124 = arith.constant 0 : i32
      %eq3A_125 = arith.cmpi eq, %jit3A_123, %eq3A_124 : i32
      %jit3A_126 = arith.constant 1 : i32
      %select_n3A_127 = arith.select %eq3A_125, %jit3A_126, %jit3A_123 : i32
      %rem3A_128 = arith.remsi %scan3A_70, %select_n3A_127 : i32
      %ne3A_129 = arith.constant 0 : i32
      %ne3A_130 = arith.cmpi ne, %rem3A_128, %ne3A_129 : i32
      %lt3A_131 = arith.constant 0 : i32
      %lt3A_132 = arith.cmpi slt, %rem3A_128, %lt3A_131 : i32
      %lt3A_133 = arith.constant 0 : i32
      %lt3A_134 = arith.cmpi slt, %select_n3A_127, %lt3A_133 : i32
      %ne3A_135 = arith.xori %lt3A_132, %lt3A_134 : i1
      %and3A_136 = arith.andi %ne3A_135, %ne3A_130 : i1
      %add3A_137 = arith.addi %rem3A_128, %select_n3A_127 : i32
      %select_n3A_138 = arith.select %and3A_136, %add3A_137, %rem3A_128 : i32
      "tpu.region"() ({
        %run_scoped3A = tpu.sem_alloc : memref<!tpu.dma_semaphore, #tpu.memory_space<semaphore_mem>>
        %dma_start3A_140 = arith.constant 0 : i32
        %dma_start3A_141 = tpu.memref_slice %arg8[%mul3A_115, %dma_start3A_140] : memref<160x128xf32, #tpu.memory_space<vmem>> -> memref<80x128xf32, #tpu.memory_space<vmem>>
        %dma_start3A_142 = arith.constant 0 : i32
        %dma_start3A_143 = tpu.memref_slice %arg6[%select_n3A_138, %dma_start3A_142] : memref<2x80xi32, #tpu.memory_space<vmem>> -> memref<1x80xi32, #tpu.memory_space<vmem>>
        %dma_start3A_144 = tpu.memref_squeeze %dma_start3A_143 : memref<1x80xi32, #tpu.memory_space<vmem>> -> memref<80xi32, #tpu.memory_space<vmem>>
        %dma_start3A_145 = arith.constant 0 : i32
        %dma_start3A_146 = arith.constant 0 : i32
        %dma_start3A_147 = tpu.memref_slice %arg9[%dma_start3A_145, %dma_start3A_146] : memref<10240x128xf32, #tpu.memory_space<vmem_shared>> -> memref<10240x128xf32, #tpu.memory_space<vmem_shared>>
        tpu.enqueue_indirect_dma source(%dma_start3A_141 : memref<80x128xf32, #tpu.memory_space<vmem>>) target(%dma_start3A_147 : memref<10240x128xf32, #tpu.memory_space<vmem_shared>>) offsets(%dma_start3A_144 : memref<80xi32, #tpu.memory_space<vmem>>) semaphore(%run_scoped3A : memref<!tpu.dma_semaphore, #tpu.memory_space<semaphore_mem>>) {add = true}
        %dma_wait3A_148 = arith.constant 0 : i32
        %dma_wait3A_149 = tpu.memref_slice %arg8[%mul3A_115, %dma_wait3A_148] : memref<160x128xf32, #tpu.memory_space<vmem>> -> memref<80x128xf32, #tpu.memory_space<vmem>>
        %dma_wait3A_150 = arith.constant 0 : i32
        %dma_wait3A_151 = tpu.memref_slice %arg6[%select_n3A_138, %dma_wait3A_150] : memref<2x80xi32, #tpu.memory_space<vmem>> -> memref<1x80xi32, #tpu.memory_space<vmem>>
        %dma_wait3A_152 = tpu.memref_squeeze %dma_wait3A_151 : memref<1x80xi32, #tpu.memory_space<vmem>> -> memref<80xi32, #tpu.memory_space<vmem>>
        %dma_wait3A_153 = arith.constant 0 : i32
        %dma_wait3A_154 = arith.constant 0 : i32
        %dma_wait3A_155 = tpu.memref_slice %arg9[%dma_wait3A_153, %dma_wait3A_154] : memref<10240x128xf32, #tpu.memory_space<vmem_shared>> -> memref<10240x128xf32, #tpu.memory_space<vmem_shared>>
        tpu.wait_indirect_dma semaphore(%run_scoped3A : memref<!tpu.dma_semaphore, #tpu.memory_space<semaphore_mem>>) src(%dma_wait3A_149 : memref<80x128xf32, #tpu.memory_space<vmem>>) dst(%dma_wait3A_155 : memref<10240x128xf32, #tpu.memory_space<vmem_shared>>)
        tpu.yield
      }) : () -> ()
      %scan3A_139 = arith.constant 0 : i32
      scf.yield %scan3A_139 : i32
    }
    %scan3A_59 = arith.constant 125 : i32
    %barrier3A_60 = arith.constant 0 : index
    tpu.barrier barrier_id(%barrier3A_60)
    %mul3A_61 = arith.constant 640 : i32
    %mul3A_62 = arith.muli %arg1, %mul3A_61 : i32
    %eq3A = arith.constant 0 : i32
    %eq3A_63 = arith.cmpi eq, %arg0, %eq3A : i32
    %convert_element_type3A = arith.extui %eq3A_63 : i1 to i32
    %cond3A = arith.constant 0 : i32
    %cond3A_64 = arith.cmpi ne, %convert_element_type3A, %cond3A : i32
    scf.if %cond3A_64 {
      "tpu.region"() ({
        %run_scoped3A = tpu.sem_alloc : memref<!tpu.dma_semaphore, #tpu.memory_space<semaphore_mem>>
        %dma_start3A_70 = arith.constant 0 : i32
        %dma_start3A_71 = tpu.memref_slice %arg4[%mul3A_62, %dma_start3A_70] : memref<10240x128xf32, #tpu.memory_space<hbm>> -> memref<640x128xf32, #tpu.memory_space<hbm>>
        %dma_start3A_72 = arith.constant 0 : i32
        %dma_start3A_73 = tpu.memref_slice %arg9[%mul3A_62, %dma_start3A_72] : memref<10240x128xf32, #tpu.memory_space<vmem_shared>> -> memref<640x128xf32, #tpu.memory_space<vmem_shared>>
        tpu.enqueue_dma source(%dma_start3A_73 : memref<640x128xf32, #tpu.memory_space<vmem_shared>>) target(%dma_start3A_71 : memref<640x128xf32, #tpu.memory_space<hbm>>) target_semaphore(%run_scoped3A : memref<!tpu.dma_semaphore, #tpu.memory_space<semaphore_mem>>)
        %dma_wait3A = arith.constant 0 : i32
        %dma_wait3A_74 = tpu.memref_slice %arg4[%mul3A_62, %dma_wait3A] : memref<10240x128xf32, #tpu.memory_space<hbm>> -> memref<640x128xf32, #tpu.memory_space<hbm>>
        %dma_wait3A_75 = arith.constant 0 : i32
        %dma_wait3A_76 = tpu.memref_slice %arg9[%mul3A_62, %dma_wait3A_75] : memref<10240x128xf32, #tpu.memory_space<vmem_shared>> -> memref<640x128xf32, #tpu.memory_space<vmem_shared>>
        tpu.wait_dma2 semaphore(%run_scoped3A : memref<!tpu.dma_semaphore, #tpu.memory_space<semaphore_mem>>) src(%dma_wait3A_76 : memref<640x128xf32, #tpu.memory_space<vmem_shared>>) dst(%dma_wait3A_74 : memref<640x128xf32, #tpu.memory_space<hbm>>)
        tpu.yield
      }) : () -> ()
    } else {
    }
    %eq3A_65 = arith.constant 1 : i32
    %eq3A_66 = arith.cmpi eq, %arg0, %eq3A_65 : i32
    %convert_element_type3A_67 = arith.extui %eq3A_66 : i1 to i32
    %cond3A_68 = arith.constant 0 : i32
    %cond3A_69 = arith.cmpi ne, %convert_element_type3A_67, %cond3A_68 : i32
    scf.if %cond3A_69 {
      "tpu.region"() ({
        %run_scoped3A = tpu.sem_alloc : memref<!tpu.dma_semaphore, #tpu.memory_space<semaphore_mem>>
        %dma_start3A_70 = arith.constant 0 : i32
        %dma_start3A_71 = tpu.memref_slice %arg5[%mul3A_62, %dma_start3A_70] : memref<10240x128xf32, #tpu.memory_space<hbm>> -> memref<640x128xf32, #tpu.memory_space<hbm>>
        %dma_start3A_72 = arith.constant 0 : i32
        %dma_start3A_73 = tpu.memref_slice %arg9[%mul3A_62, %dma_start3A_72] : memref<10240x128xf32, #tpu.memory_space<vmem_shared>> -> memref<640x128xf32, #tpu.memory_space<vmem_shared>>
        tpu.enqueue_dma source(%dma_start3A_73 : memref<640x128xf32, #tpu.memory_space<vmem_shared>>) target(%dma_start3A_71 : memref<640x128xf32, #tpu.memory_space<hbm>>) target_semaphore(%run_scoped3A : memref<!tpu.dma_semaphore, #tpu.memory_space<semaphore_mem>>)
        %dma_wait3A = arith.constant 0 : i32
        %dma_wait3A_74 = tpu.memref_slice %arg5[%mul3A_62, %dma_wait3A] : memref<10240x128xf32, #tpu.memory_space<hbm>> -> memref<640x128xf32, #tpu.memory_space<hbm>>
        %dma_wait3A_75 = arith.constant 0 : i32
        %dma_wait3A_76 = tpu.memref_slice %arg9[%mul3A_62, %dma_wait3A_75] : memref<10240x128xf32, #tpu.memory_space<vmem_shared>> -> memref<640x128xf32, #tpu.memory_space<vmem_shared>>
        tpu.wait_dma2 semaphore(%run_scoped3A : memref<!tpu.dma_semaphore, #tpu.memory_space<semaphore_mem>>) src(%dma_wait3A_76 : memref<640x128xf32, #tpu.memory_space<vmem_shared>>) dst(%dma_wait3A_74 : memref<640x128xf32, #tpu.memory_space<hbm>>)
        tpu.yield
      }) : () -> ()
    } else {
    }
    return
  }
}

#map = affine_map<(d0, d1) -> (0, 0)>
#map1 = affine_map<(d0, d1) -> (0, 0, 0)>
module attributes {stable_mosaic.version = 14 : i64} {
  func.func @k(%arg0: i32, %arg1: i32, %arg2: memref<40000x128xf32, #tpu.memory_space<hbm>>, %arg3: memref<32x125x80xi32, #tpu.memory_space<hbm>>, %arg4: memref<32x125x80xi32, #tpu.memory_space<hbm>>, %arg5: memref<10240x128xf32, #tpu.memory_space<hbm>>, %arg6: memref<10240x128xf32, #tpu.memory_space<hbm>>, %arg7: memref<10240x128xf32, #tpu.memory_space<hbm>>, %arg8: memref<3x80xi32, #tpu.memory_space<vmem>>, %arg9: memref<3x80xi32, #tpu.memory_space<vmem>>, %arg10: memref<240x128xf32, #tpu.memory_space<vmem>>, %arg11: memref<10240x128xf32, #tpu.memory_space<vmem_shared>>, %arg12: memref<!tpu.dma_semaphore, #tpu.memory_space<semaphore_mem>>, %arg13: memref<!tpu.dma_semaphore, #tpu.memory_space<semaphore_mem>>) attributes {dimension_semantics = [#tpu.dimension_semantics<core_parallel>, #tpu.dimension_semantics<subcore_parallel>], iteration_bounds = array<i64: 2, 16>, scalar_prefetch = 0 : i64, scratch_operands = 6 : i64, tpu.core_type = #tpu.core_type<sc_vector_subcore>, window_params = [{transform_indices = #map}, {transform_indices = #map1}, {transform_indices = #map1}, {transform_indices = #map}, {transform_indices = #map}, {transform_indices = #map}]} {
    %mul3A = arith.constant 2 : i32
    %mul3A_0 = arith.muli %arg1, %mul3A : i32
    %add3A = arith.addi %mul3A_0, %arg0 : i32
    %broadcast_in_dim3A = arith.constant 0.000000e+00 : f32
    %broadcast_in_dim3A_1 = vector.broadcast %broadcast_in_dim3A : f32 to vector<16xf32>
    %scan3A = arith.constant 0 : i32
    %scan3A_2 = arith.constant 0 : i32
    %scan3A_3 = arith.constant 240 : i32
    %scan3A_4 = arith.addi %scan3A_2, %scan3A_3 : i32
    %scan3A_5 = arith.constant 1 : i32
    %scan3A_6 = scf.for %scan3A_167 = %scan3A_2 to %scan3A_4 step %scan3A_5 iter_args(%scan3A_168 = %scan3A) -> (i32)  : i32 {
      %swap3A = arith.index_cast %scan3A_167 : i32 to index
      %swap3A_169 = arith.constant 0 : index
      %swap3A_170 = tpu.vector_load %arg10[%swap3A, %swap3A_169] {strides = array<i32>} : memref<240x128xf32, #tpu.memory_space<vmem>>, vector<1x16xf32>,
      %swap3A_171 = vector.shape_cast %swap3A_170 : vector<1x16xf32> to vector<16xf32>
      %swap3A_172 = vector.shape_cast %broadcast_in_dim3A_1 : vector<16xf32> to vector<1x16xf32>
      tpu.vector_store %arg10[%swap3A, %swap3A_169], %swap3A_172 {strides = array<i32>} : memref<240x128xf32, #tpu.memory_space<vmem>>, vector<1x16xf32>,
      %swap3A_173 = arith.index_cast %scan3A_167 : i32 to index
      %swap3A_174 = arith.constant 16 : index
      %swap3A_175 = tpu.vector_load %arg10[%swap3A_173, %swap3A_174] {strides = array<i32>} : memref<240x128xf32, #tpu.memory_space<vmem>>, vector<1x16xf32>,
      %swap3A_176 = vector.shape_cast %swap3A_175 : vector<1x16xf32> to vector<16xf32>
      %swap3A_177 = vector.shape_cast %broadcast_in_dim3A_1 : vector<16xf32> to vector<1x16xf32>
      tpu.vector_store %arg10[%swap3A_173, %swap3A_174], %swap3A_177 {strides = array<i32>} : memref<240x128xf32, #tpu.memory_space<vmem>>, vector<1x16xf32>,
      %swap3A_178 = arith.index_cast %scan3A_167 : i32 to index
      %swap3A_179 = arith.constant 32 : index
      %swap3A_180 = tpu.vector_load %arg10[%swap3A_178, %swap3A_179] {strides = array<i32>} : memref<240x128xf32, #tpu.memory_space<vmem>>, vector<1x16xf32>,
      %swap3A_181 = vector.shape_cast %swap3A_180 : vector<1x16xf32> to vector<16xf32>
      %swap3A_182 = vector.shape_cast %broadcast_in_dim3A_1 : vector<16xf32> to vector<1x16xf32>
      tpu.vector_store %arg10[%swap3A_178, %swap3A_179], %swap3A_182 {strides = array<i32>} : memref<240x128xf32, #tpu.memory_space<vmem>>, vector<1x16xf32>,
      %swap3A_183 = arith.index_cast %scan3A_167 : i32 to index
      %swap3A_184 = arith.constant 48 : index
      %swap3A_185 = tpu.vector_load %arg10[%swap3A_183, %swap3A_184] {strides = array<i32>} : memref<240x128xf32, #tpu.memory_space<vmem>>, vector<1x16xf32>,
      %swap3A_186 = vector.shape_cast %swap3A_185 : vector<1x16xf32> to vector<16xf32>
      %swap3A_187 = vector.shape_cast %broadcast_in_dim3A_1 : vector<16xf32> to vector<1x16xf32>
      tpu.vector_store %arg10[%swap3A_183, %swap3A_184], %swap3A_187 {strides = array<i32>} : memref<240x128xf32, #tpu.memory_space<vmem>>, vector<1x16xf32>,
      %swap3A_188 = arith.index_cast %scan3A_167 : i32 to index
      %swap3A_189 = arith.constant 64 : index
      %swap3A_190 = tpu.vector_load %arg10[%swap3A_188, %swap3A_189] {strides = array<i32>} : memref<240x128xf32, #tpu.memory_space<vmem>>, vector<1x16xf32>,
      %swap3A_191 = vector.shape_cast %swap3A_190 : vector<1x16xf32> to vector<16xf32>
      %swap3A_192 = vector.shape_cast %broadcast_in_dim3A_1 : vector<16xf32> to vector<1x16xf32>
      tpu.vector_store %arg10[%swap3A_188, %swap3A_189], %swap3A_192 {strides = array<i32>} : memref<240x128xf32, #tpu.memory_space<vmem>>, vector<1x16xf32>,
      %swap3A_193 = arith.index_cast %scan3A_167 : i32 to index
      %swap3A_194 = arith.constant 80 : index
      %swap3A_195 = tpu.vector_load %arg10[%swap3A_193, %swap3A_194] {strides = array<i32>} : memref<240x128xf32, #tpu.memory_space<vmem>>, vector<1x16xf32>,
      %swap3A_196 = vector.shape_cast %swap3A_195 : vector<1x16xf32> to vector<16xf32>
      %swap3A_197 = vector.shape_cast %broadcast_in_dim3A_1 : vector<16xf32> to vector<1x16xf32>
      tpu.vector_store %arg10[%swap3A_193, %swap3A_194], %swap3A_197 {strides = array<i32>} : memref<240x128xf32, #tpu.memory_space<vmem>>, vector<1x16xf32>,
      %swap3A_198 = arith.index_cast %scan3A_167 : i32 to index
      %swap3A_199 = arith.constant 96 : index
      %swap3A_200 = tpu.vector_load %arg10[%swap3A_198, %swap3A_199] {strides = array<i32>} : memref<240x128xf32, #tpu.memory_space<vmem>>, vector<1x16xf32>,
      %swap3A_201 = vector.shape_cast %swap3A_200 : vector<1x16xf32> to vector<16xf32>
      %swap3A_202 = vector.shape_cast %broadcast_in_dim3A_1 : vector<16xf32> to vector<1x16xf32>
      tpu.vector_store %arg10[%swap3A_198, %swap3A_199], %swap3A_202 {strides = array<i32>} : memref<240x128xf32, #tpu.memory_space<vmem>>, vector<1x16xf32>,
      %swap3A_203 = arith.index_cast %scan3A_167 : i32 to index
      %swap3A_204 = arith.constant 112 : index
      %swap3A_205 = tpu.vector_load %arg10[%swap3A_203, %swap3A_204] {strides = array<i32>} : memref<240x128xf32, #tpu.memory_space<vmem>>, vector<1x16xf32>,
      %swap3A_206 = vector.shape_cast %swap3A_205 : vector<1x16xf32> to vector<16xf32>
      %swap3A_207 = vector.shape_cast %broadcast_in_dim3A_1 : vector<16xf32> to vector<1x16xf32>
      tpu.vector_store %arg10[%swap3A_203, %swap3A_204], %swap3A_207 {strides = array<i32>} : memref<240x128xf32, #tpu.memory_space<vmem>>, vector<1x16xf32>,
      %scan3A_208 = arith.constant 0 : i32
      scf.yield %scan3A_208 : i32
    }
    %scan3A_7 = arith.constant 240 : i32
    %mul3A_8 = arith.constant 640 : i32
    %mul3A_9 = arith.muli %arg1, %mul3A_8 : i32
    %add3A_10 = arith.constant 0 : i32
    %add3A_11 = arith.addi %mul3A_9, %add3A_10 : i32
    "tpu.region"() ({
      %run_scoped3A = tpu.sem_alloc : memref<!tpu.dma_semaphore, #tpu.memory_space<semaphore_mem>>
      %dma_start3A_167 = arith.constant 0 : i32
      %dma_start3A_168 = tpu.memref_slice %arg11[%add3A_11, %dma_start3A_167] : memref<10240x128xf32, #tpu.memory_space<vmem_shared>> -> memref<240x128xf32, #tpu.memory_space<vmem_shared>>
      %dma_start3A_169 = arith.constant 0 : i32
      %dma_start3A_170 = tpu.memref_slice %arg11[%add3A_11, %dma_start3A_169] : memref<10240x128xf32, #tpu.memory_space<vmem_shared>> -> memref<240x128xf32, #tpu.memory_space<vmem_shared>>
      tpu.enqueue_dma source(%arg10 : memref<240x128xf32, #tpu.memory_space<vmem>>) target(%dma_start3A_170 : memref<240x128xf32, #tpu.memory_space<vmem_shared>>) target_semaphore(%run_scoped3A : memref<!tpu.dma_semaphore, #tpu.memory_space<semaphore_mem>>)
      %dma_wait3A_171 = arith.constant 0 : i32
      %dma_wait3A_172 = tpu.memref_slice %arg11[%add3A_11, %dma_wait3A_171] : memref<10240x128xf32, #tpu.memory_space<vmem_shared>> -> memref<240x128xf32, #tpu.memory_space<vmem_shared>>
      %dma_wait3A_173 = arith.constant 0 : i32
      %dma_wait3A_174 = tpu.memref_slice %arg11[%add3A_11, %dma_wait3A_173] : memref<10240x128xf32, #tpu.memory_space<vmem_shared>> -> memref<240x128xf32, #tpu.memory_space<vmem_shared>>
      tpu.wait_dma2 semaphore(%run_scoped3A : memref<!tpu.dma_semaphore, #tpu.memory_space<semaphore_mem>>) src(%arg10 : memref<240x128xf32, #tpu.memory_space<vmem>>) dst(%dma_wait3A_174 : memref<240x128xf32, #tpu.memory_space<vmem_shared>>)
      tpu.yield
    }) : () -> ()
    %mul3A_12 = arith.constant 640 : i32
    %mul3A_13 = arith.muli %arg1, %mul3A_12 : i32
    %add3A_14 = arith.constant 240 : i32
    %add3A_15 = arith.addi %mul3A_13, %add3A_14 : i32
    "tpu.region"() ({
      %run_scoped3A = tpu.sem_alloc : memref<!tpu.dma_semaphore, #tpu.memory_space<semaphore_mem>>
      %dma_start3A_167 = arith.constant 0 : i32
      %dma_start3A_168 = tpu.memref_slice %arg11[%add3A_15, %dma_start3A_167] : memref<10240x128xf32, #tpu.memory_space<vmem_shared>> -> memref<240x128xf32, #tpu.memory_space<vmem_shared>>
      %dma_start3A_169 = arith.constant 0 : i32
      %dma_start3A_170 = tpu.memref_slice %arg11[%add3A_15, %dma_start3A_169] : memref<10240x128xf32, #tpu.memory_space<vmem_shared>> -> memref<240x128xf32, #tpu.memory_space<vmem_shared>>
      tpu.enqueue_dma source(%arg10 : memref<240x128xf32, #tpu.memory_space<vmem>>) target(%dma_start3A_170 : memref<240x128xf32, #tpu.memory_space<vmem_shared>>) target_semaphore(%run_scoped3A : memref<!tpu.dma_semaphore, #tpu.memory_space<semaphore_mem>>)
      %dma_wait3A_171 = arith.constant 0 : i32
      %dma_wait3A_172 = tpu.memref_slice %arg11[%add3A_15, %dma_wait3A_171] : memref<10240x128xf32, #tpu.memory_space<vmem_shared>> -> memref<240x128xf32, #tpu.memory_space<vmem_shared>>
      %dma_wait3A_173 = arith.constant 0 : i32
      %dma_wait3A_174 = tpu.memref_slice %arg11[%add3A_15, %dma_wait3A_173] : memref<10240x128xf32, #tpu.memory_space<vmem_shared>> -> memref<240x128xf32, #tpu.memory_space<vmem_shared>>
      tpu.wait_dma2 semaphore(%run_scoped3A : memref<!tpu.dma_semaphore, #tpu.memory_space<semaphore_mem>>) src(%arg10 : memref<240x128xf32, #tpu.memory_space<vmem>>) dst(%dma_wait3A_174 : memref<240x128xf32, #tpu.memory_space<vmem_shared>>)
      tpu.yield
    }) : () -> ()
    %mul3A_16 = arith.constant 640 : i32
    %mul3A_17 = arith.muli %arg1, %mul3A_16 : i32
    %add3A_18 = arith.constant 480 : i32
    %add3A_19 = arith.addi %mul3A_17, %add3A_18 : i32
    "tpu.region"() ({
      %run_scoped3A = tpu.sem_alloc : memref<!tpu.dma_semaphore, #tpu.memory_space<semaphore_mem>>
      %dma_start3A_167 = arith.constant 0 : i32
      %dma_start3A_168 = arith.constant 0 : i32
      %dma_start3A_169 = tpu.memref_slice %arg10[%dma_start3A_167, %dma_start3A_168] : memref<240x128xf32, #tpu.memory_space<vmem>> -> memref<160x128xf32, #tpu.memory_space<vmem>>
      %dma_start3A_170 = arith.constant 0 : i32
      %dma_start3A_171 = tpu.memref_slice %arg11[%add3A_19, %dma_start3A_170] : memref<10240x128xf32, #tpu.memory_space<vmem_shared>> -> memref<160x128xf32, #tpu.memory_space<vmem_shared>>
      %dma_start3A_172 = arith.constant 0 : i32
      %dma_start3A_173 = tpu.memref_slice %arg11[%add3A_19, %dma_start3A_172] : memref<10240x128xf32, #tpu.memory_space<vmem_shared>> -> memref<160x128xf32, #tpu.memory_space<vmem_shared>>
      %dma_start3A_174 = arith.constant 0 : i32
      %dma_start3A_175 = arith.constant 0 : i32
      %dma_start3A_176 = tpu.memref_slice %arg10[%dma_start3A_174, %dma_start3A_175] : memref<240x128xf32, #tpu.memory_space<vmem>> -> memref<160x128xf32, #tpu.memory_space<vmem>>
      tpu.enqueue_dma source(%dma_start3A_176 : memref<160x128xf32, #tpu.memory_space<vmem>>) target(%dma_start3A_173 : memref<160x128xf32, #tpu.memory_space<vmem_shared>>) target_semaphore(%run_scoped3A : memref<!tpu.dma_semaphore, #tpu.memory_space<semaphore_mem>>)
      %dma_wait3A_177 = arith.constant 0 : i32
      %dma_wait3A_178 = arith.constant 0 : i32
      %dma_wait3A_179 = tpu.memref_slice %arg10[%dma_wait3A_177, %dma_wait3A_178] : memref<240x128xf32, #tpu.memory_space<vmem>> -> memref<160x128xf32, #tpu.memory_space<vmem>>
      %dma_wait3A_180 = arith.constant 0 : i32
      %dma_wait3A_181 = tpu.memref_slice %arg11[%add3A_19, %dma_wait3A_180] : memref<10240x128xf32, #tpu.memory_space<vmem_shared>> -> memref<160x128xf32, #tpu.memory_space<vmem_shared>>
      %dma_wait3A_182 = arith.constant 0 : i32
      %dma_wait3A_183 = tpu.memref_slice %arg11[%add3A_19, %dma_wait3A_182] : memref<10240x128xf32, #tpu.memory_space<vmem_shared>> -> memref<160x128xf32, #tpu.memory_space<vmem_shared>>
      %dma_wait3A_184 = arith.constant 0 : i32
      %dma_wait3A_185 = arith.constant 0 : i32
      %dma_wait3A_186 = tpu.memref_slice %arg10[%dma_wait3A_184, %dma_wait3A_185] : memref<240x128xf32, #tpu.memory_space<vmem>> -> memref<160x128xf32, #tpu.memory_space<vmem>>
      tpu.wait_dma2 semaphore(%run_scoped3A : memref<!tpu.dma_semaphore, #tpu.memory_space<semaphore_mem>>) src(%dma_wait3A_186 : memref<160x128xf32, #tpu.memory_space<vmem>>) dst(%dma_wait3A_183 : memref<160x128xf32, #tpu.memory_space<vmem_shared>>)
      tpu.yield
    }) : () -> ()
    %barrier3A = arith.constant 0 : index
    tpu.barrier barrier_id(%barrier3A)
    %dma_start3A = arith.constant 0 : i32
    %dma_start3A_20 = arith.constant 0 : i32
    %dma_start3A_21 = arith.constant 0 : i32
    %dma_start3A_22 = tpu.memref_slice %arg8[%dma_start3A_20, %dma_start3A_21] : memref<3x80xi32, #tpu.memory_space<vmem>> -> memref<1x80xi32, #tpu.memory_space<vmem>>
    %dma_start3A_23 = tpu.memref_squeeze %dma_start3A_22 : memref<1x80xi32, #tpu.memory_space<vmem>> -> memref<80xi32, #tpu.memory_space<vmem>>
    %dma_start3A_24 = arith.constant 0 : i32
    %dma_start3A_25 = tpu.memref_slice %arg3[%add3A, %dma_start3A, %dma_start3A_24] : memref<32x125x80xi32, #tpu.memory_space<hbm>> -> memref<1x1x80xi32, #tpu.memory_space<hbm>>
    %dma_start3A_26 = tpu.memref_squeeze %dma_start3A_25 : memref<1x1x80xi32, #tpu.memory_space<hbm>> -> memref<80xi32, #tpu.memory_space<hbm>>
    %dma_start3A_27 = arith.constant 0 : i32
    %dma_start3A_28 = tpu.memref_slice %arg8[%dma_start3A_20, %dma_start3A_27] : memref<3x80xi32, #tpu.memory_space<vmem>> -> memref<1x80xi32, #tpu.memory_space<vmem>>
    %dma_start3A_29 = tpu.memref_squeeze %dma_start3A_28 : memref<1x80xi32, #tpu.memory_space<vmem>> -> memref<80xi32, #tpu.memory_space<vmem>>
    %dma_start3A_30 = arith.constant 0 : i32
    %dma_start3A_31 = tpu.memref_slice %arg3[%add3A, %dma_start3A, %dma_start3A_30] : memref<32x125x80xi32, #tpu.memory_space<hbm>> -> memref<1x1x80xi32, #tpu.memory_space<hbm>>
    %dma_start3A_32 = tpu.memref_squeeze %dma_start3A_31 : memref<1x1x80xi32, #tpu.memory_space<hbm>> -> memref<80xi32, #tpu.memory_space<hbm>>
    tpu.enqueue_dma source(%dma_start3A_32 : memref<80xi32, #tpu.memory_space<hbm>>) target(%dma_start3A_29 : memref<80xi32, #tpu.memory_space<vmem>>) target_semaphore(%arg13 : memref<!tpu.dma_semaphore, #tpu.memory_space<semaphore_mem>>)
    %dma_start3A_33 = arith.constant 0 : i32
    %dma_start3A_34 = arith.constant 0 : i32
    %dma_start3A_35 = arith.constant 0 : i32
    %dma_start3A_36 = tpu.memref_slice %arg9[%dma_start3A_34, %dma_start3A_35] : memref<3x80xi32, #tpu.memory_space<vmem>> -> memref<1x80xi32, #tpu.memory_space<vmem>>
    %dma_start3A_37 = tpu.memref_squeeze %dma_start3A_36 : memref<1x80xi32, #tpu.memory_space<vmem>> -> memref<80xi32, #tpu.memory_space<vmem>>
    %dma_start3A_38 = arith.constant 0 : i32
    %dma_start3A_39 = tpu.memref_slice %arg4[%add3A, %dma_start3A_33, %dma_start3A_38] : memref<32x125x80xi32, #tpu.memory_space<hbm>> -> memref<1x1x80xi32, #tpu.memory_space<hbm>>
    %dma_start3A_40 = tpu.memref_squeeze %dma_start3A_39 : memref<1x1x80xi32, #tpu.memory_space<hbm>> -> memref<80xi32, #tpu.memory_space<hbm>>
    %dma_start3A_41 = arith.constant 0 : i32
    %dma_start3A_42 = tpu.memref_slice %arg9[%dma_start3A_34, %dma_start3A_41] : memref<3x80xi32, #tpu.memory_space<vmem>> -> memref<1x80xi32, #tpu.memory_space<vmem>>
    %dma_start3A_43 = tpu.memref_squeeze %dma_start3A_42 : memref<1x80xi32, #tpu.memory_space<vmem>> -> memref<80xi32, #tpu.memory_space<vmem>>
    %dma_start3A_44 = arith.constant 0 : i32
    %dma_start3A_45 = tpu.memref_slice %arg4[%add3A, %dma_start3A_33, %dma_start3A_44] : memref<32x125x80xi32, #tpu.memory_space<hbm>> -> memref<1x1x80xi32, #tpu.memory_space<hbm>>
    %dma_start3A_46 = tpu.memref_squeeze %dma_start3A_45 : memref<1x1x80xi32, #tpu.memory_space<hbm>> -> memref<80xi32, #tpu.memory_space<hbm>>
    tpu.enqueue_dma source(%dma_start3A_46 : memref<80xi32, #tpu.memory_space<hbm>>) target(%dma_start3A_43 : memref<80xi32, #tpu.memory_space<vmem>>) target_semaphore(%arg13 : memref<!tpu.dma_semaphore, #tpu.memory_space<semaphore_mem>>)
    %dma_start3A_47 = arith.constant 1 : i32
    %dma_start3A_48 = arith.constant 1 : i32
    %dma_start3A_49 = arith.constant 0 : i32
    %dma_start3A_50 = tpu.memref_slice %arg8[%dma_start3A_48, %dma_start3A_49] : memref<3x80xi32, #tpu.memory_space<vmem>> -> memref<1x80xi32, #tpu.memory_space<vmem>>
    %dma_start3A_51 = tpu.memref_squeeze %dma_start3A_50 : memref<1x80xi32, #tpu.memory_space<vmem>> -> memref<80xi32, #tpu.memory_space<vmem>>
    %dma_start3A_52 = arith.constant 0 : i32
    %dma_start3A_53 = tpu.memref_slice %arg3[%add3A, %dma_start3A_47, %dma_start3A_52] : memref<32x125x80xi32, #tpu.memory_space<hbm>> -> memref<1x1x80xi32, #tpu.memory_space<hbm>>
    %dma_start3A_54 = tpu.memref_squeeze %dma_start3A_53 : memref<1x1x80xi32, #tpu.memory_space<hbm>> -> memref<80xi32, #tpu.memory_space<hbm>>
    %dma_start3A_55 = arith.constant 0 : i32
    %dma_start3A_56 = tpu.memref_slice %arg8[%dma_start3A_48, %dma_start3A_55] : memref<3x80xi32, #tpu.memory_space<vmem>> -> memref<1x80xi32, #tpu.memory_space<vmem>>
    %dma_start3A_57 = tpu.memref_squeeze %dma_start3A_56 : memref<1x80xi32, #tpu.memory_space<vmem>> -> memref<80xi32, #tpu.memory_space<vmem>>
    %dma_start3A_58 = arith.constant 0 : i32
    %dma_start3A_59 = tpu.memref_slice %arg3[%add3A, %dma_start3A_47, %dma_start3A_58] : memref<32x125x80xi32, #tpu.memory_space<hbm>> -> memref<1x1x80xi32, #tpu.memory_space<hbm>>
    %dma_start3A_60 = tpu.memref_squeeze %dma_start3A_59 : memref<1x1x80xi32, #tpu.memory_space<hbm>> -> memref<80xi32, #tpu.memory_space<hbm>>
    tpu.enqueue_dma source(%dma_start3A_60 : memref<80xi32, #tpu.memory_space<hbm>>) target(%dma_start3A_57 : memref<80xi32, #tpu.memory_space<vmem>>) target_semaphore(%arg13 : memref<!tpu.dma_semaphore, #tpu.memory_space<semaphore_mem>>)
    %dma_start3A_61 = arith.constant 1 : i32
    %dma_start3A_62 = arith.constant 1 : i32
    %dma_start3A_63 = arith.constant 0 : i32
    %dma_start3A_64 = tpu.memref_slice %arg9[%dma_start3A_62, %dma_start3A_63] : memref<3x80xi32, #tpu.memory_space<vmem>> -> memref<1x80xi32, #tpu.memory_space<vmem>>
    %dma_start3A_65 = tpu.memref_squeeze %dma_start3A_64 : memref<1x80xi32, #tpu.memory_space<vmem>> -> memref<80xi32, #tpu.memory_space<vmem>>
    %dma_start3A_66 = arith.constant 0 : i32
    %dma_start3A_67 = tpu.memref_slice %arg4[%add3A, %dma_start3A_61, %dma_start3A_66] : memref<32x125x80xi32, #tpu.memory_space<hbm>> -> memref<1x1x80xi32, #tpu.memory_space<hbm>>
    %dma_start3A_68 = tpu.memref_squeeze %dma_start3A_67 : memref<1x1x80xi32, #tpu.memory_space<hbm>> -> memref<80xi32, #tpu.memory_space<hbm>>
    %dma_start3A_69 = arith.constant 0 : i32
    %dma_start3A_70 = tpu.memref_slice %arg9[%dma_start3A_62, %dma_start3A_69] : memref<3x80xi32, #tpu.memory_space<vmem>> -> memref<1x80xi32, #tpu.memory_space<vmem>>
    %dma_start3A_71 = tpu.memref_squeeze %dma_start3A_70 : memref<1x80xi32, #tpu.memory_space<vmem>> -> memref<80xi32, #tpu.memory_space<vmem>>
    %dma_start3A_72 = arith.constant 0 : i32
    %dma_start3A_73 = tpu.memref_slice %arg4[%add3A, %dma_start3A_61, %dma_start3A_72] : memref<32x125x80xi32, #tpu.memory_space<hbm>> -> memref<1x1x80xi32, #tpu.memory_space<hbm>>
    %dma_start3A_74 = tpu.memref_squeeze %dma_start3A_73 : memref<1x1x80xi32, #tpu.memory_space<hbm>> -> memref<80xi32, #tpu.memory_space<hbm>>
    tpu.enqueue_dma source(%dma_start3A_74 : memref<80xi32, #tpu.memory_space<hbm>>) target(%dma_start3A_71 : memref<80xi32, #tpu.memory_space<vmem>>) target_semaphore(%arg13 : memref<!tpu.dma_semaphore, #tpu.memory_space<semaphore_mem>>)
    %dma_wait3A = arith.constant 0 : i32
    %dma_wait3A_75 = arith.constant 0 : i32
    %dma_wait3A_76 = arith.constant 0 : i32
    %dma_wait3A_77 = tpu.memref_slice %arg8[%dma_wait3A_75, %dma_wait3A_76] : memref<3x80xi32, #tpu.memory_space<vmem>> -> memref<1x80xi32, #tpu.memory_space<vmem>>
    %dma_wait3A_78 = tpu.memref_squeeze %dma_wait3A_77 : memref<1x80xi32, #tpu.memory_space<vmem>> -> memref<80xi32, #tpu.memory_space<vmem>>
    %dma_wait3A_79 = arith.constant 0 : i32
    %dma_wait3A_80 = tpu.memref_slice %arg3[%add3A, %dma_wait3A, %dma_wait3A_79] : memref<32x125x80xi32, #tpu.memory_space<hbm>> -> memref<1x1x80xi32, #tpu.memory_space<hbm>>
    %dma_wait3A_81 = tpu.memref_squeeze %dma_wait3A_80 : memref<1x1x80xi32, #tpu.memory_space<hbm>> -> memref<80xi32, #tpu.memory_space<hbm>>
    %dma_wait3A_82 = arith.constant 0 : i32
    %dma_wait3A_83 = tpu.memref_slice %arg8[%dma_wait3A_75, %dma_wait3A_82] : memref<3x80xi32, #tpu.memory_space<vmem>> -> memref<1x80xi32, #tpu.memory_space<vmem>>
    %dma_wait3A_84 = tpu.memref_squeeze %dma_wait3A_83 : memref<1x80xi32, #tpu.memory_space<vmem>> -> memref<80xi32, #tpu.memory_space<vmem>>
    %dma_wait3A_85 = arith.constant 0 : i32
    %dma_wait3A_86 = tpu.memref_slice %arg3[%add3A, %dma_wait3A, %dma_wait3A_85] : memref<32x125x80xi32, #tpu.memory_space<hbm>> -> memref<1x1x80xi32, #tpu.memory_space<hbm>>
    %dma_wait3A_87 = tpu.memref_squeeze %dma_wait3A_86 : memref<1x1x80xi32, #tpu.memory_space<hbm>> -> memref<80xi32, #tpu.memory_space<hbm>>
    tpu.wait_dma2 semaphore(%arg13 : memref<!tpu.dma_semaphore, #tpu.memory_space<semaphore_mem>>) src(%dma_wait3A_87 : memref<80xi32, #tpu.memory_space<hbm>>) dst(%dma_wait3A_84 : memref<80xi32, #tpu.memory_space<vmem>>)
    %dma_wait3A_88 = arith.constant 0 : i32
    %dma_wait3A_89 = arith.constant 0 : i32
    %dma_wait3A_90 = arith.constant 0 : i32
    %dma_wait3A_91 = tpu.memref_slice %arg9[%dma_wait3A_89, %dma_wait3A_90] : memref<3x80xi32, #tpu.memory_space<vmem>> -> memref<1x80xi32, #tpu.memory_space<vmem>>
    %dma_wait3A_92 = tpu.memref_squeeze %dma_wait3A_91 : memref<1x80xi32, #tpu.memory_space<vmem>> -> memref<80xi32, #tpu.memory_space<vmem>>
    %dma_wait3A_93 = arith.constant 0 : i32
    %dma_wait3A_94 = tpu.memref_slice %arg4[%add3A, %dma_wait3A_88, %dma_wait3A_93] : memref<32x125x80xi32, #tpu.memory_space<hbm>> -> memref<1x1x80xi32, #tpu.memory_space<hbm>>
    %dma_wait3A_95 = tpu.memref_squeeze %dma_wait3A_94 : memref<1x1x80xi32, #tpu.memory_space<hbm>> -> memref<80xi32, #tpu.memory_space<hbm>>
    %dma_wait3A_96 = arith.constant 0 : i32
    %dma_wait3A_97 = tpu.memref_slice %arg9[%dma_wait3A_89, %dma_wait3A_96] : memref<3x80xi32, #tpu.memory_space<vmem>> -> memref<1x80xi32, #tpu.memory_space<vmem>>
    %dma_wait3A_98 = tpu.memref_squeeze %dma_wait3A_97 : memref<1x80xi32, #tpu.memory_space<vmem>> -> memref<80xi32, #tpu.memory_space<vmem>>
    %dma_wait3A_99 = arith.constant 0 : i32
    %dma_wait3A_100 = tpu.memref_slice %arg4[%add3A, %dma_wait3A_88, %dma_wait3A_99] : memref<32x125x80xi32, #tpu.memory_space<hbm>> -> memref<1x1x80xi32, #tpu.memory_space<hbm>>
    %dma_wait3A_101 = tpu.memref_squeeze %dma_wait3A_100 : memref<1x1x80xi32, #tpu.memory_space<hbm>> -> memref<80xi32, #tpu.memory_space<hbm>>
    tpu.wait_dma2 semaphore(%arg13 : memref<!tpu.dma_semaphore, #tpu.memory_space<semaphore_mem>>) src(%dma_wait3A_101 : memref<80xi32, #tpu.memory_space<hbm>>) dst(%dma_wait3A_98 : memref<80xi32, #tpu.memory_space<vmem>>)
    %dma_start3A_102 = arith.constant 0 : i32
    %dma_start3A_103 = arith.constant 0 : i32
    %dma_start3A_104 = arith.constant 0 : i32
    %dma_start3A_105 = tpu.memref_slice %arg10[%dma_start3A_103, %dma_start3A_104] : memref<240x128xf32, #tpu.memory_space<vmem>> -> memref<80x128xf32, #tpu.memory_space<vmem>>
    %dma_start3A_106 = arith.constant 0 : i32
    %dma_start3A_107 = tpu.memref_slice %arg8[%dma_start3A_102, %dma_start3A_106] : memref<3x80xi32, #tpu.memory_space<vmem>> -> memref<1x80xi32, #tpu.memory_space<vmem>>
    %dma_start3A_108 = tpu.memref_squeeze %dma_start3A_107 : memref<1x80xi32, #tpu.memory_space<vmem>> -> memref<80xi32, #tpu.memory_space<vmem>>
    %dma_start3A_109 = arith.constant 0 : i32
    %dma_start3A_110 = arith.constant 0 : i32
    %dma_start3A_111 = tpu.memref_slice %arg2[%dma_start3A_109, %dma_start3A_110] : memref<40000x128xf32, #tpu.memory_space<hbm>> -> memref<40000x128xf32, #tpu.memory_space<hbm>>
    tpu.enqueue_indirect_dma source(%dma_start3A_111 : memref<40000x128xf32, #tpu.memory_space<hbm>>) target(%dma_start3A_105 : memref<80x128xf32, #tpu.memory_space<vmem>>) offsets(%dma_start3A_108 : memref<80xi32, #tpu.memory_space<vmem>>) semaphore(%arg12 : memref<!tpu.dma_semaphore, #tpu.memory_space<semaphore_mem>>)
    %dma_wait3A_112 = arith.constant 0 : i32
    %dma_wait3A_113 = arith.constant 0 : i32
    %dma_wait3A_114 = arith.constant 0 : i32
    %dma_wait3A_115 = tpu.memref_slice %arg8[%dma_wait3A_113, %dma_wait3A_114] : memref<3x80xi32, #tpu.memory_space<vmem>> -> memref<1x80xi32, #tpu.memory_space<vmem>>
    %dma_wait3A_116 = tpu.memref_squeeze %dma_wait3A_115 : memref<1x80xi32, #tpu.memory_space<vmem>> -> memref<80xi32, #tpu.memory_space<vmem>>
    %dma_wait3A_117 = arith.constant 0 : i32
    %dma_wait3A_118 = tpu.memref_slice %arg3[%add3A, %dma_wait3A_112, %dma_wait3A_117] : memref<32x125x80xi32, #tpu.memory_space<hbm>> -> memref<1x1x80xi32, #tpu.memory_space<hbm>>
    %dma_wait3A_119 = tpu.memref_squeeze %dma_wait3A_118 : memref<1x1x80xi32, #tpu.memory_space<hbm>> -> memref<80xi32, #tpu.memory_space<hbm>>
    %dma_wait3A_120 = arith.constant 0 : i32
    %dma_wait3A_121 = tpu.memref_slice %arg8[%dma_wait3A_113, %dma_wait3A_120] : memref<3x80xi32, #tpu.memory_space<vmem>> -> memref<1x80xi32, #tpu.memory_space<vmem>>
    %dma_wait3A_122 = tpu.memref_squeeze %dma_wait3A_121 : memref<1x80xi32, #tpu.memory_space<vmem>> -> memref<80xi32, #tpu.memory_space<vmem>>
    %dma_wait3A_123 = arith.constant 0 : i32
    %dma_wait3A_124 = tpu.memref_slice %arg3[%add3A, %dma_wait3A_112, %dma_wait3A_123] : memref<32x125x80xi32, #tpu.memory_space<hbm>> -> memref<1x1x80xi32, #tpu.memory_space<hbm>>
    %dma_wait3A_125 = tpu.memref_squeeze %dma_wait3A_124 : memref<1x1x80xi32, #tpu.memory_space<hbm>> -> memref<80xi32, #tpu.memory_space<hbm>>
    tpu.wait_dma2 semaphore(%arg13 : memref<!tpu.dma_semaphore, #tpu.memory_space<semaphore_mem>>) src(%dma_wait3A_125 : memref<80xi32, #tpu.memory_space<hbm>>) dst(%dma_wait3A_122 : memref<80xi32, #tpu.memory_space<vmem>>)
    %dma_wait3A_126 = arith.constant 0 : i32
    %dma_wait3A_127 = arith.constant 0 : i32
    %dma_wait3A_128 = arith.constant 0 : i32
    %dma_wait3A_129 = tpu.memref_slice %arg9[%dma_wait3A_127, %dma_wait3A_128] : memref<3x80xi32, #tpu.memory_space<vmem>> -> memref<1x80xi32, #tpu.memory_space<vmem>>
    %dma_wait3A_130 = tpu.memref_squeeze %dma_wait3A_129 : memref<1x80xi32, #tpu.memory_space<vmem>> -> memref<80xi32, #tpu.memory_space<vmem>>
    %dma_wait3A_131 = arith.constant 0 : i32
    %dma_wait3A_132 = tpu.memref_slice %arg4[%add3A, %dma_wait3A_126, %dma_wait3A_131] : memref<32x125x80xi32, #tpu.memory_space<hbm>> -> memref<1x1x80xi32, #tpu.memory_space<hbm>>
    %dma_wait3A_133 = tpu.memref_squeeze %dma_wait3A_132 : memref<1x1x80xi32, #tpu.memory_space<hbm>> -> memref<80xi32, #tpu.memory_space<hbm>>
    %dma_wait3A_134 = arith.constant 0 : i32
    %dma_wait3A_135 = tpu.memref_slice %arg9[%dma_wait3A_127, %dma_wait3A_134] : memref<3x80xi32, #tpu.memory_space<vmem>> -> memref<1x80xi32, #tpu.memory_space<vmem>>
    %dma_wait3A_136 = tpu.memref_squeeze %dma_wait3A_135 : memref<1x80xi32, #tpu.memory_space<vmem>> -> memref<80xi32, #tpu.memory_space<vmem>>
    %dma_wait3A_137 = arith.constant 0 : i32
    %dma_wait3A_138 = tpu.memref_slice %arg4[%add3A, %dma_wait3A_126, %dma_wait3A_137] : memref<32x125x80xi32, #tpu.memory_space<hbm>> -> memref<1x1x80xi32, #tpu.memory_space<hbm>>
    %dma_wait3A_139 = tpu.memref_squeeze %dma_wait3A_138 : memref<1x1x80xi32, #tpu.memory_space<hbm>> -> memref<80xi32, #tpu.memory_space<hbm>>
    tpu.wait_dma2 semaphore(%arg13 : memref<!tpu.dma_semaphore, #tpu.memory_space<semaphore_mem>>) src(%dma_wait3A_139 : memref<80xi32, #tpu.memory_space<hbm>>) dst(%dma_wait3A_136 : memref<80xi32, #tpu.memory_space<vmem>>)
    %dma_start3A_140 = arith.constant 1 : i32
    %dma_start3A_141 = arith.constant 80 : i32
    %dma_start3A_142 = arith.constant 0 : i32
    %dma_start3A_143 = tpu.memref_slice %arg10[%dma_start3A_141, %dma_start3A_142] : memref<240x128xf32, #tpu.memory_space<vmem>> -> memref<80x128xf32, #tpu.memory_space<vmem>>
    %dma_start3A_144 = arith.constant 0 : i32
    %dma_start3A_145 = tpu.memref_slice %arg8[%dma_start3A_140, %dma_start3A_144] : memref<3x80xi32, #tpu.memory_space<vmem>> -> memref<1x80xi32, #tpu.memory_space<vmem>>
    %dma_start3A_146 = tpu.memref_squeeze %dma_start3A_145 : memref<1x80xi32, #tpu.memory_space<vmem>> -> memref<80xi32, #tpu.memory_space<vmem>>
    %dma_start3A_147 = arith.constant 0 : i32
    %dma_start3A_148 = arith.constant 0 : i32
    %dma_start3A_149 = tpu.memref_slice %arg2[%dma_start3A_147, %dma_start3A_148] : memref<40000x128xf32, #tpu.memory_space<hbm>> -> memref<40000x128xf32, #tpu.memory_space<hbm>>
    tpu.enqueue_indirect_dma source(%dma_start3A_149 : memref<40000x128xf32, #tpu.memory_space<hbm>>) target(%dma_start3A_143 : memref<80x128xf32, #tpu.memory_space<vmem>>) offsets(%dma_start3A_146 : memref<80xi32, #tpu.memory_space<vmem>>) semaphore(%arg12 : memref<!tpu.dma_semaphore, #tpu.memory_space<semaphore_mem>>)
    %scan3A_150 = arith.constant 0 : i32
    %scan3A_151 = arith.constant 0 : i32
    %scan3A_152 = arith.constant 125 : i32
    %scan3A_153 = arith.addi %scan3A_151, %scan3A_152 : i32
    %scan3A_154 = arith.constant 1 : i32
    %scan3A_155 = scf.for %scan3A_167 = %scan3A_151 to %scan3A_153 step %scan3A_154 iter_args(%scan3A_168 = %scan3A_150) -> (i32)  : i32 {
      %dma_wait3A_169 = arith.constant 0 : i32
      %dma_wait3A_170 = arith.constant 0 : i32
      %dma_wait3A_171 = arith.constant 0 : i32
      %dma_wait3A_172 = tpu.memref_slice %arg10[%dma_wait3A_170, %dma_wait3A_171] : memref<240x128xf32, #tpu.memory_space<vmem>> -> memref<80x128xf32, #tpu.memory_space<vmem>>
      %dma_wait3A_173 = arith.constant 0 : i32
      %dma_wait3A_174 = tpu.memref_slice %arg8[%dma_wait3A_169, %dma_wait3A_173] : memref<3x80xi32, #tpu.memory_space<vmem>> -> memref<1x80xi32, #tpu.memory_space<vmem>>
      %dma_wait3A_175 = tpu.memref_squeeze %dma_wait3A_174 : memref<1x80xi32, #tpu.memory_space<vmem>> -> memref<80xi32, #tpu.memory_space<vmem>>
      %dma_wait3A_176 = arith.constant 0 : i32
      %dma_wait3A_177 = arith.constant 0 : i32
      %dma_wait3A_178 = tpu.memref_slice %arg2[%dma_wait3A_176, %dma_wait3A_177] : memref<40000x128xf32, #tpu.memory_space<hbm>> -> memref<40000x128xf32, #tpu.memory_space<hbm>>
      tpu.wait_indirect_dma semaphore(%arg12 : memref<!tpu.dma_semaphore, #tpu.memory_space<semaphore_mem>>) src(%dma_wait3A_178 : memref<40000x128xf32, #tpu.memory_space<hbm>>) dst(%dma_wait3A_172 : memref<80x128xf32, #tpu.memory_space<vmem>>)
      %add3A_179 = arith.constant 2 : i32
      %add3A_180 = arith.addi %scan3A_167, %add3A_179 : i32
      %lt3A = arith.constant 125 : i32
      %lt3A_181 = arith.cmpi slt, %add3A_180, %lt3A : i32
      %convert_element_type3A_182 = arith.extui %lt3A_181 : i1 to i32
      %cond3A_183 = arith.constant 0 : i32
      %cond3A_184 = arith.cmpi ne, %convert_element_type3A_182, %cond3A_183 : i32
      scf.if %cond3A_184 {
        %add3A_222 = arith.constant 2 : i32
        %add3A_223 = arith.addi %scan3A_167, %add3A_222 : i32
        %jit3A_224 = arith.constant 3 : i32
        %eq3A_225 = arith.constant 0 : i32
        %eq3A_226 = arith.cmpi eq, %jit3A_224, %eq3A_225 : i32
        %jit3A_227 = arith.constant 1 : i32
        %select_n3A_228 = arith.select %eq3A_226, %jit3A_227, %jit3A_224 : i32
        %rem3A_229 = arith.remsi %add3A_223, %select_n3A_228 : i32
        %ne3A_230 = arith.constant 0 : i32
        %ne3A_231 = arith.cmpi ne, %rem3A_229, %ne3A_230 : i32
        %lt3A_232 = arith.constant 0 : i32
        %lt3A_233 = arith.cmpi slt, %rem3A_229, %lt3A_232 : i32
        %lt3A_234 = arith.constant 0 : i32
        %lt3A_235 = arith.cmpi slt, %select_n3A_228, %lt3A_234 : i32
        %ne3A_236 = arith.xori %lt3A_233, %lt3A_235 : i1
        %and3A_237 = arith.andi %ne3A_236, %ne3A_231 : i1
        %add3A_238 = arith.addi %rem3A_229, %select_n3A_228 : i32
        %select_n3A_239 = arith.select %and3A_237, %add3A_238, %rem3A_229 : i32
        %dma_start3A_240 = arith.constant 0 : i32
        %dma_start3A_241 = tpu.memref_slice %arg8[%select_n3A_239, %dma_start3A_240] : memref<3x80xi32, #tpu.memory_space<vmem>> -> memref<1x80xi32, #tpu.memory_space<vmem>>
        %dma_start3A_242 = tpu.memref_squeeze %dma_start3A_241 : memref<1x80xi32, #tpu.memory_space<vmem>> -> memref<80xi32, #tpu.memory_space<vmem>>
        %dma_start3A_243 = arith.constant 0 : i32
        %dma_start3A_244 = tpu.memref_slice %arg3[%add3A, %add3A_223, %dma_start3A_243] : memref<32x125x80xi32, #tpu.memory_space<hbm>> -> memref<1x1x80xi32, #tpu.memory_space<hbm>>
        %dma_start3A_245 = tpu.memref_squeeze %dma_start3A_244 : memref<1x1x80xi32, #tpu.memory_space<hbm>> -> memref<80xi32, #tpu.memory_space<hbm>>
        %dma_start3A_246 = arith.constant 0 : i32
        %dma_start3A_247 = tpu.memref_slice %arg8[%select_n3A_239, %dma_start3A_246] : memref<3x80xi32, #tpu.memory_space<vmem>> -> memref<1x80xi32, #tpu.memory_space<vmem>>
        %dma_start3A_248 = tpu.memref_squeeze %dma_start3A_247 : memref<1x80xi32, #tpu.memory_space<vmem>> -> memref<80xi32, #tpu.memory_space<vmem>>
        %dma_start3A_249 = arith.constant 0 : i32
        %dma_start3A_250 = tpu.memref_slice %arg3[%add3A, %add3A_223, %dma_start3A_249] : memref<32x125x80xi32, #tpu.memory_space<hbm>> -> memref<1x1x80xi32, #tpu.memory_space<hbm>>
        %dma_start3A_251 = tpu.memref_squeeze %dma_start3A_250 : memref<1x1x80xi32, #tpu.memory_space<hbm>> -> memref<80xi32, #tpu.memory_space<hbm>>
        tpu.enqueue_dma source(%dma_start3A_251 : memref<80xi32, #tpu.memory_space<hbm>>) target(%dma_start3A_248 : memref<80xi32, #tpu.memory_space<vmem>>) target_semaphore(%arg13 : memref<!tpu.dma_semaphore, #tpu.memory_space<semaphore_mem>>)
        %dma_start3A_252 = arith.constant 0 : i32
        %dma_start3A_253 = tpu.memref_slice %arg9[%select_n3A_239, %dma_start3A_252] : memref<3x80xi32, #tpu.memory_space<vmem>> -> memref<1x80xi32, #tpu.memory_space<vmem>>
        %dma_start3A_254 = tpu.memref_squeeze %dma_start3A_253 : memref<1x80xi32, #tpu.memory_space<vmem>> -> memref<80xi32, #tpu.memory_space<vmem>>
        %dma_start3A_255 = arith.constant 0 : i32
        %dma_start3A_256 = tpu.memref_slice %arg4[%add3A, %add3A_223, %dma_start3A_255] : memref<32x125x80xi32, #tpu.memory_space<hbm>> -> memref<1x1x80xi32, #tpu.memory_space<hbm>>
        %dma_start3A_257 = tpu.memref_squeeze %dma_start3A_256 : memref<1x1x80xi32, #tpu.memory_space<hbm>> -> memref<80xi32, #tpu.memory_space<hbm>>
        %dma_start3A_258 = arith.constant 0 : i32
        %dma_start3A_259 = tpu.memref_slice %arg9[%select_n3A_239, %dma_start3A_258] : memref<3x80xi32, #tpu.memory_space<vmem>> -> memref<1x80xi32, #tpu.memory_space<vmem>>
        %dma_start3A_260 = tpu.memref_squeeze %dma_start3A_259 : memref<1x80xi32, #tpu.memory_space<vmem>> -> memref<80xi32, #tpu.memory_space<vmem>>
        %dma_start3A_261 = arith.constant 0 : i32
        %dma_start3A_262 = tpu.memref_slice %arg4[%add3A, %add3A_223, %dma_start3A_261] : memref<32x125x80xi32, #tpu.memory_space<hbm>> -> memref<1x1x80xi32, #tpu.memory_space<hbm>>
        %dma_start3A_263 = tpu.memref_squeeze %dma_start3A_262 : memref<1x1x80xi32, #tpu.memory_space<hbm>> -> memref<80xi32, #tpu.memory_space<hbm>>
        tpu.enqueue_dma source(%dma_start3A_263 : memref<80xi32, #tpu.memory_space<hbm>>) target(%dma_start3A_260 : memref<80xi32, #tpu.memory_space<vmem>>) target_semaphore(%arg13 : memref<!tpu.dma_semaphore, #tpu.memory_space<semaphore_mem>>)
      } else {
      }
      %jit3A = arith.constant 3 : i32
      %eq3A_185 = arith.constant 0 : i32
      %eq3A_186 = arith.cmpi eq, %jit3A, %eq3A_185 : i32
      %jit3A_187 = arith.constant 1 : i32
      %select_n3A = arith.select %eq3A_186, %jit3A_187, %jit3A : i32
      %rem3A = arith.remsi %scan3A_167, %select_n3A : i32
      %ne3A = arith.constant 0 : i32
      %ne3A_188 = arith.cmpi ne, %rem3A, %ne3A : i32
      %lt3A_189 = arith.constant 0 : i32
      %lt3A_190 = arith.cmpi slt, %rem3A, %lt3A_189 : i32
      %lt3A_191 = arith.constant 0 : i32
      %lt3A_192 = arith.cmpi slt, %select_n3A, %lt3A_191 : i32
      %ne3A_193 = arith.xori %lt3A_190, %lt3A_192 : i1
      %and3A = arith.andi %ne3A_193, %ne3A_188 : i1
      %add3A_194 = arith.addi %rem3A, %select_n3A : i32
      %select_n3A_195 = arith.select %and3A, %add3A_194, %rem3A : i32
      %mul3A_196 = arith.constant 80 : i32
      %mul3A_197 = arith.muli %select_n3A_195, %mul3A_196 : i32
      %jit3A_198 = arith.constant 3 : i32
      %eq3A_199 = arith.constant 0 : i32
      %eq3A_200 = arith.cmpi eq, %jit3A_198, %eq3A_199 : i32
      %jit3A_201 = arith.constant 1 : i32
      %select_n3A_202 = arith.select %eq3A_200, %jit3A_201, %jit3A_198 : i32
      %rem3A_203 = arith.remsi %scan3A_167, %select_n3A_202 : i32
      %ne3A_204 = arith.constant 0 : i32
      %ne3A_205 = arith.cmpi ne, %rem3A_203, %ne3A_204 : i32
      %lt3A_206 = arith.constant 0 : i32
      %lt3A_207 = arith.cmpi slt, %rem3A_203, %lt3A_206 : i32
      %lt3A_208 = arith.constant 0 : i32
      %lt3A_209 = arith.cmpi slt, %select_n3A_202, %lt3A_208 : i32
      %ne3A_210 = arith.xori %lt3A_207, %lt3A_209 : i1
      %and3A_211 = arith.andi %ne3A_210, %ne3A_205 : i1
      %add3A_212 = arith.addi %rem3A_203, %select_n3A_202 : i32
      %select_n3A_213 = arith.select %and3A_211, %add3A_212, %rem3A_203 : i32
      "tpu.region"() ({
        %run_scoped3A = tpu.sem_alloc : memref<!tpu.dma_semaphore, #tpu.memory_space<semaphore_mem>>
        %dma_start3A_222 = arith.constant 0 : i32
        %dma_start3A_223 = tpu.memref_slice %arg10[%mul3A_197, %dma_start3A_222] : memref<240x128xf32, #tpu.memory_space<vmem>> -> memref<80x128xf32, #tpu.memory_space<vmem>>
        %dma_start3A_224 = arith.constant 0 : i32
        %dma_start3A_225 = tpu.memref_slice %arg9[%select_n3A_213, %dma_start3A_224] : memref<3x80xi32, #tpu.memory_space<vmem>> -> memref<1x80xi32, #tpu.memory_space<vmem>>
        %dma_start3A_226 = tpu.memref_squeeze %dma_start3A_225 : memref<1x80xi32, #tpu.memory_space<vmem>> -> memref<80xi32, #tpu.memory_space<vmem>>
        %dma_start3A_227 = arith.constant 0 : i32
        %dma_start3A_228 = arith.constant 0 : i32
        %dma_start3A_229 = tpu.memref_slice %arg11[%dma_start3A_227, %dma_start3A_228] : memref<10240x128xf32, #tpu.memory_space<vmem_shared>> -> memref<10240x128xf32, #tpu.memory_space<vmem_shared>>
        tpu.enqueue_indirect_dma source(%dma_start3A_223 : memref<80x128xf32, #tpu.memory_space<vmem>>) target(%dma_start3A_229 : memref<10240x128xf32, #tpu.memory_space<vmem_shared>>) offsets(%dma_start3A_226 : memref<80xi32, #tpu.memory_space<vmem>>) semaphore(%run_scoped3A : memref<!tpu.dma_semaphore, #tpu.memory_space<semaphore_mem>>) {add = true}
        %dma_wait3A_230 = arith.constant 0 : i32
        %dma_wait3A_231 = tpu.memref_slice %arg10[%mul3A_197, %dma_wait3A_230] : memref<240x128xf32, #tpu.memory_space<vmem>> -> memref<80x128xf32, #tpu.memory_space<vmem>>
        %dma_wait3A_232 = arith.constant 0 : i32
        %dma_wait3A_233 = tpu.memref_slice %arg9[%select_n3A_213, %dma_wait3A_232] : memref<3x80xi32, #tpu.memory_space<vmem>> -> memref<1x80xi32, #tpu.memory_space<vmem>>
        %dma_wait3A_234 = tpu.memref_squeeze %dma_wait3A_233 : memref<1x80xi32, #tpu.memory_space<vmem>> -> memref<80xi32, #tpu.memory_space<vmem>>
        %dma_wait3A_235 = arith.constant 0 : i32
        %dma_wait3A_236 = arith.constant 0 : i32
        %dma_wait3A_237 = tpu.memref_slice %arg11[%dma_wait3A_235, %dma_wait3A_236] : memref<10240x128xf32, #tpu.memory_space<vmem_shared>> -> memref<10240x128xf32, #tpu.memory_space<vmem_shared>>
        tpu.wait_indirect_dma semaphore(%run_scoped3A : memref<!tpu.dma_semaphore, #tpu.memory_space<semaphore_mem>>) src(%dma_wait3A_231 : memref<80x128xf32, #tpu.memory_space<vmem>>) dst(%dma_wait3A_237 : memref<10240x128xf32, #tpu.memory_space<vmem_shared>>)
        tpu.yield
      }) : () -> ()
      %add3A_214 = arith.constant 2 : i32
      %add3A_215 = arith.addi %scan3A_167, %add3A_214 : i32
      %lt3A_216 = arith.constant 125 : i32
      %lt3A_217 = arith.cmpi slt, %add3A_215, %lt3A_216 : i32
      %convert_element_type3A_218 = arith.extui %lt3A_217 : i1 to i32
      %cond3A_219 = arith.constant 0 : i32
      %cond3A_220 = arith.cmpi ne, %convert_element_type3A_218, %cond3A_219 : i32
      scf.if %cond3A_220 {
        %dma_wait3A_222 = arith.constant 0 : i32
        %dma_wait3A_223 = arith.constant 0 : i32
        %dma_wait3A_224 = arith.constant 0 : i32
        %dma_wait3A_225 = tpu.memref_slice %arg8[%dma_wait3A_223, %dma_wait3A_224] : memref<3x80xi32, #tpu.memory_space<vmem>> -> memref<1x80xi32, #tpu.memory_space<vmem>>
        %dma_wait3A_226 = tpu.memref_squeeze %dma_wait3A_225 : memref<1x80xi32, #tpu.memory_space<vmem>> -> memref<80xi32, #tpu.memory_space<vmem>>
        %dma_wait3A_227 = arith.constant 0 : i32
        %dma_wait3A_228 = tpu.memref_slice %arg3[%add3A, %dma_wait3A_222, %dma_wait3A_227] : memref<32x125x80xi32, #tpu.memory_space<hbm>> -> memref<1x1x80xi32, #tpu.memory_space<hbm>>
        %dma_wait3A_229 = tpu.memref_squeeze %dma_wait3A_228 : memref<1x1x80xi32, #tpu.memory_space<hbm>> -> memref<80xi32, #tpu.memory_space<hbm>>
        %dma_wait3A_230 = arith.constant 0 : i32
        %dma_wait3A_231 = tpu.memref_slice %arg8[%dma_wait3A_223, %dma_wait3A_230] : memref<3x80xi32, #tpu.memory_space<vmem>> -> memref<1x80xi32, #tpu.memory_space<vmem>>
        %dma_wait3A_232 = tpu.memref_squeeze %dma_wait3A_231 : memref<1x80xi32, #tpu.memory_space<vmem>> -> memref<80xi32, #tpu.memory_space<vmem>>
        %dma_wait3A_233 = arith.constant 0 : i32
        %dma_wait3A_234 = tpu.memref_slice %arg3[%add3A, %dma_wait3A_222, %dma_wait3A_233] : memref<32x125x80xi32, #tpu.memory_space<hbm>> -> memref<1x1x80xi32, #tpu.memory_space<hbm>>
        %dma_wait3A_235 = tpu.memref_squeeze %dma_wait3A_234 : memref<1x1x80xi32, #tpu.memory_space<hbm>> -> memref<80xi32, #tpu.memory_space<hbm>>
        tpu.wait_dma2 semaphore(%arg13 : memref<!tpu.dma_semaphore, #tpu.memory_space<semaphore_mem>>) src(%dma_wait3A_235 : memref<80xi32, #tpu.memory_space<hbm>>) dst(%dma_wait3A_232 : memref<80xi32, #tpu.memory_space<vmem>>)
        %dma_wait3A_236 = arith.constant 0 : i32
        %dma_wait3A_237 = arith.constant 0 : i32
        %dma_wait3A_238 = arith.constant 0 : i32
        %dma_wait3A_239 = tpu.memref_slice %arg9[%dma_wait3A_237, %dma_wait3A_238] : memref<3x80xi32, #tpu.memory_space<vmem>> -> memref<1x80xi32, #tpu.memory_space<vmem>>
        %dma_wait3A_240 = tpu.memref_squeeze %dma_wait3A_239 : memref<1x80xi32, #tpu.memory_space<vmem>> -> memref<80xi32, #tpu.memory_space<vmem>>
        %dma_wait3A_241 = arith.constant 0 : i32
        %dma_wait3A_242 = tpu.memref_slice %arg4[%add3A, %dma_wait3A_236, %dma_wait3A_241] : memref<32x125x80xi32, #tpu.memory_space<hbm>> -> memref<1x1x80xi32, #tpu.memory_space<hbm>>
        %dma_wait3A_243 = tpu.memref_squeeze %dma_wait3A_242 : memref<1x1x80xi32, #tpu.memory_space<hbm>> -> memref<80xi32, #tpu.memory_space<hbm>>
        %dma_wait3A_244 = arith.constant 0 : i32
        %dma_wait3A_245 = tpu.memref_slice %arg9[%dma_wait3A_237, %dma_wait3A_244] : memref<3x80xi32, #tpu.memory_space<vmem>> -> memref<1x80xi32, #tpu.memory_space<vmem>>
        %dma_wait3A_246 = tpu.memref_squeeze %dma_wait3A_245 : memref<1x80xi32, #tpu.memory_space<vmem>> -> memref<80xi32, #tpu.memory_space<vmem>>
        %dma_wait3A_247 = arith.constant 0 : i32
        %dma_wait3A_248 = tpu.memref_slice %arg4[%add3A, %dma_wait3A_236, %dma_wait3A_247] : memref<32x125x80xi32, #tpu.memory_space<hbm>> -> memref<1x1x80xi32, #tpu.memory_space<hbm>>
        %dma_wait3A_249 = tpu.memref_squeeze %dma_wait3A_248 : memref<1x1x80xi32, #tpu.memory_space<hbm>> -> memref<80xi32, #tpu.memory_space<hbm>>
        tpu.wait_dma2 semaphore(%arg13 : memref<!tpu.dma_semaphore, #tpu.memory_space<semaphore_mem>>) src(%dma_wait3A_249 : memref<80xi32, #tpu.memory_space<hbm>>) dst(%dma_wait3A_246 : memref<80xi32, #tpu.memory_space<vmem>>)
        %add3A_250 = arith.constant 2 : i32
        %add3A_251 = arith.addi %scan3A_167, %add3A_250 : i32
        %jit3A_252 = arith.constant 3 : i32
        %eq3A_253 = arith.constant 0 : i32
        %eq3A_254 = arith.cmpi eq, %jit3A_252, %eq3A_253 : i32
        %jit3A_255 = arith.constant 1 : i32
        %select_n3A_256 = arith.select %eq3A_254, %jit3A_255, %jit3A_252 : i32
        %rem3A_257 = arith.remsi %add3A_251, %select_n3A_256 : i32
        %ne3A_258 = arith.constant 0 : i32
        %ne3A_259 = arith.cmpi ne, %rem3A_257, %ne3A_258 : i32
        %lt3A_260 = arith.constant 0 : i32
        %lt3A_261 = arith.cmpi slt, %rem3A_257, %lt3A_260 : i32
        %lt3A_262 = arith.constant 0 : i32
        %lt3A_263 = arith.cmpi slt, %select_n3A_256, %lt3A_262 : i32
        %ne3A_264 = arith.xori %lt3A_261, %lt3A_263 : i1
        %and3A_265 = arith.andi %ne3A_264, %ne3A_259 : i1
        %add3A_266 = arith.addi %rem3A_257, %select_n3A_256 : i32
        %select_n3A_267 = arith.select %and3A_265, %add3A_266, %rem3A_257 : i32
        %mul3A_268 = arith.constant 80 : i32
        %mul3A_269 = arith.muli %select_n3A_267, %mul3A_268 : i32
        %jit3A_270 = arith.constant 3 : i32
        %eq3A_271 = arith.constant 0 : i32
        %eq3A_272 = arith.cmpi eq, %jit3A_270, %eq3A_271 : i32
        %jit3A_273 = arith.constant 1 : i32
        %select_n3A_274 = arith.select %eq3A_272, %jit3A_273, %jit3A_270 : i32
        %rem3A_275 = arith.remsi %add3A_251, %select_n3A_274 : i32
        %ne3A_276 = arith.constant 0 : i32
        %ne3A_277 = arith.cmpi ne, %rem3A_275, %ne3A_276 : i32
        %lt3A_278 = arith.constant 0 : i32
        %lt3A_279 = arith.cmpi slt, %rem3A_275, %lt3A_278 : i32
        %lt3A_280 = arith.constant 0 : i32
        %lt3A_281 = arith.cmpi slt, %select_n3A_274, %lt3A_280 : i32
        %ne3A_282 = arith.xori %lt3A_279, %lt3A_281 : i1
        %and3A_283 = arith.andi %ne3A_282, %ne3A_277 : i1
        %add3A_284 = arith.addi %rem3A_275, %select_n3A_274 : i32
        %select_n3A_285 = arith.select %and3A_283, %add3A_284, %rem3A_275 : i32
        %dma_start3A_286 = arith.constant 0 : i32
        %dma_start3A_287 = tpu.memref_slice %arg10[%mul3A_269, %dma_start3A_286] : memref<240x128xf32, #tpu.memory_space<vmem>> -> memref<80x128xf32, #tpu.memory_space<vmem>>
        %dma_start3A_288 = arith.constant 0 : i32
        %dma_start3A_289 = tpu.memref_slice %arg8[%select_n3A_285, %dma_start3A_288] : memref<3x80xi32, #tpu.memory_space<vmem>> -> memref<1x80xi32, #tpu.memory_space<vmem>>
        %dma_start3A_290 = tpu.memref_squeeze %dma_start3A_289 : memref<1x80xi32, #tpu.memory_space<vmem>> -> memref<80xi32, #tpu.memory_space<vmem>>
        %dma_start3A_291 = arith.constant 0 : i32
        %dma_start3A_292 = arith.constant 0 : i32
        %dma_start3A_293 = tpu.memref_slice %arg2[%dma_start3A_291, %dma_start3A_292] : memref<40000x128xf32, #tpu.memory_space<hbm>> -> memref<40000x128xf32, #tpu.memory_space<hbm>>
        tpu.enqueue_indirect_dma source(%dma_start3A_293 : memref<40000x128xf32, #tpu.memory_space<hbm>>) target(%dma_start3A_287 : memref<80x128xf32, #tpu.memory_space<vmem>>) offsets(%dma_start3A_290 : memref<80xi32, #tpu.memory_space<vmem>>) semaphore(%arg12 : memref<!tpu.dma_semaphore, #tpu.memory_space<semaphore_mem>>)
      } else {
      }
      %scan3A_221 = arith.constant 0 : i32
      scf.yield %scan3A_221 : i32
    }
    %scan3A_156 = arith.constant 125 : i32
    %barrier3A_157 = arith.constant 0 : index
    tpu.barrier barrier_id(%barrier3A_157)
    %mul3A_158 = arith.constant 640 : i32
    %mul3A_159 = arith.muli %arg1, %mul3A_158 : i32
    %eq3A = arith.constant 0 : i32
    %eq3A_160 = arith.cmpi eq, %arg0, %eq3A : i32
    %convert_element_type3A = arith.extui %eq3A_160 : i1 to i32
    %cond3A = arith.constant 0 : i32
    %cond3A_161 = arith.cmpi ne, %convert_element_type3A, %cond3A : i32
    scf.if %cond3A_161 {
      "tpu.region"() ({
        %run_scoped3A = tpu.sem_alloc : memref<!tpu.dma_semaphore, #tpu.memory_space<semaphore_mem>>
        %dma_start3A_167 = arith.constant 0 : i32
        %dma_start3A_168 = tpu.memref_slice %arg6[%mul3A_159, %dma_start3A_167] : memref<10240x128xf32, #tpu.memory_space<hbm>> -> memref<640x128xf32, #tpu.memory_space<hbm>>
        %dma_start3A_169 = arith.constant 0 : i32
        %dma_start3A_170 = tpu.memref_slice %arg11[%mul3A_159, %dma_start3A_169] : memref<10240x128xf32, #tpu.memory_space<vmem_shared>> -> memref<640x128xf32, #tpu.memory_space<vmem_shared>>
        tpu.enqueue_dma source(%dma_start3A_170 : memref<640x128xf32, #tpu.memory_space<vmem_shared>>) target(%dma_start3A_168 : memref<640x128xf32, #tpu.memory_space<hbm>>) target_semaphore(%run_scoped3A : memref<!tpu.dma_semaphore, #tpu.memory_space<semaphore_mem>>)
        %dma_wait3A_171 = arith.constant 0 : i32
        %dma_wait3A_172 = tpu.memref_slice %arg6[%mul3A_159, %dma_wait3A_171] : memref<10240x128xf32, #tpu.memory_space<hbm>> -> memref<640x128xf32, #tpu.memory_space<hbm>>
        %dma_wait3A_173 = arith.constant 0 : i32
        %dma_wait3A_174 = tpu.memref_slice %arg11[%mul3A_159, %dma_wait3A_173] : memref<10240x128xf32, #tpu.memory_space<vmem_shared>> -> memref<640x128xf32, #tpu.memory_space<vmem_shared>>
        tpu.wait_dma2 semaphore(%run_scoped3A : memref<!tpu.dma_semaphore, #tpu.memory_space<semaphore_mem>>) src(%dma_wait3A_174 : memref<640x128xf32, #tpu.memory_space<vmem_shared>>) dst(%dma_wait3A_172 : memref<640x128xf32, #tpu.memory_space<hbm>>)
        tpu.yield
      }) : () -> ()
    } else {
    }
    %eq3A_162 = arith.constant 1 : i32
    %eq3A_163 = arith.cmpi eq, %arg0, %eq3A_162 : i32
    %convert_element_type3A_164 = arith.extui %eq3A_163 : i1 to i32
    %cond3A_165 = arith.constant 0 : i32
    %cond3A_166 = arith.cmpi ne, %convert_element_type3A_164, %cond3A_165 : i32
    scf.if %cond3A_166 {
      "tpu.region"() ({
        %run_scoped3A = tpu.sem_alloc : memref<!tpu.dma_semaphore, #tpu.memory_space<semaphore_mem>>
        %dma_start3A_167 = arith.constant 0 : i32
        %dma_start3A_168 = tpu.memref_slice %arg7[%mul3A_159, %dma_start3A_167] : memref<10240x128xf32, #tpu.memory_space<hbm>> -> memref<640x128xf32, #tpu.memory_space<hbm>>
        %dma_start3A_169 = arith.constant 0 : i32
        %dma_start3A_170 = tpu.memref_slice %arg11[%mul3A_159, %dma_start3A_169] : memref<10240x128xf32, #tpu.memory_space<vmem_shared>> -> memref<640x128xf32, #tpu.memory_space<vmem_shared>>
        tpu.enqueue_dma source(%dma_start3A_170 : memref<640x128xf32, #tpu.memory_space<vmem_shared>>) target(%dma_start3A_168 : memref<640x128xf32, #tpu.memory_space<hbm>>) target_semaphore(%run_scoped3A : memref<!tpu.dma_semaphore, #tpu.memory_space<semaphore_mem>>)
        %dma_wait3A_171 = arith.constant 0 : i32
        %dma_wait3A_172 = tpu.memref_slice %arg7[%mul3A_159, %dma_wait3A_171] : memref<10240x128xf32, #tpu.memory_space<hbm>> -> memref<640x128xf32, #tpu.memory_space<hbm>>
        %dma_wait3A_173 = arith.constant 0 : i32
        %dma_wait3A_174 = tpu.memref_slice %arg11[%mul3A_159, %dma_wait3A_173] : memref<10240x128xf32, #tpu.memory_space<vmem_shared>> -> memref<640x128xf32, #tpu.memory_space<vmem_shared>>
        tpu.wait_dma2 semaphore(%run_scoped3A : memref<!tpu.dma_semaphore, #tpu.memory_space<semaphore_mem>>) src(%dma_wait3A_174 : memref<640x128xf32, #tpu.memory_space<vmem_shared>>) dst(%dma_wait3A_172 : memref<640x128xf32, #tpu.memory_space<hbm>>)
        tpu.yield
      }) : () -> ()
    } else {
    }
    return
  }
}

#map = affine_map<(d0, d1) -> (0, 0)>
#map1 = affine_map<(d0, d1) -> (0)>
module attributes {stable_mosaic.version = 14 : i64} {
  func.func @k(%arg0: i32, %arg1: i32, %arg2: memref<10000x128xf32, #tpu.memory_space<hbm>>, %arg3: memref<10000x128xf32, #tpu.memory_space<hbm>>, %arg4: memref<10240x128xf32, #tpu.memory_space<hbm>>, %arg5: memref<10240x128xf32, #tpu.memory_space<hbm>>, %arg6: memref<10000x128xf32, #tpu.memory_space<hbm>>, %arg7: memref<512xi32, #tpu.memory_space<hbm>>, %arg8: memref<512x128xf32, #tpu.memory_space<hbm>>, %arg9: memref<512x128xf32, #tpu.memory_space<hbm>>, %arg10: memref<512x128xf32, #tpu.memory_space<hbm>>, %arg11: memref<512x128xf32, #tpu.memory_space<hbm>>, %arg12: memref<512x128xf32, #tpu.memory_space<hbm>>, %arg13: memref<16xi32, #tpu.memory_space<vmem>>, %arg14: memref<16x128xf32, #tpu.memory_space<vmem>>, %arg15: memref<!tpu.dma_semaphore, #tpu.memory_space<semaphore_mem>>) attributes {dimension_semantics = [#tpu.dimension_semantics<core_parallel>, #tpu.dimension_semantics<subcore_parallel>], iteration_bounds = array<i64: 2, 16>, scalar_prefetch = 0 : i64, scratch_operands = 3 : i64, tpu.core_type = #tpu.core_type<sc_vector_subcore>, window_params = [{transform_indices = #map}, {transform_indices = #map}, {transform_indices = #map}, {transform_indices = #map}, {transform_indices = #map}, {transform_indices = #map1}, {transform_indices = #map}, {transform_indices = #map}, {transform_indices = #map}, {transform_indices = #map}, {transform_indices = #map}]} {
    %mul3A = arith.constant 2 : i32
    %mul3A_0 = arith.muli %arg1, %mul3A : i32
    %add3A = arith.addi %mul3A_0, %arg0 : i32
    %mul3A_1 = arith.constant 16 : i32
    %mul3A_2 = arith.muli %add3A, %mul3A_1 : i32
    "tpu.region"() ({
      %run_scoped3A = tpu.sem_alloc : memref<!tpu.dma_semaphore, #tpu.memory_space<semaphore_mem>>
      %dma_start3A_31 = tpu.memref_slice %arg7[%mul3A_2] : memref<512xi32, #tpu.memory_space<hbm>> -> memref<16xi32, #tpu.memory_space<hbm>>
      %dma_start3A_32 = tpu.memref_slice %arg7[%mul3A_2] : memref<512xi32, #tpu.memory_space<hbm>> -> memref<16xi32, #tpu.memory_space<hbm>>
      tpu.enqueue_dma source(%dma_start3A_32 : memref<16xi32, #tpu.memory_space<hbm>>) target(%arg13 : memref<16xi32, #tpu.memory_space<vmem>>) target_semaphore(%run_scoped3A : memref<!tpu.dma_semaphore, #tpu.memory_space<semaphore_mem>>)
      %dma_wait3A_33 = tpu.memref_slice %arg7[%mul3A_2] : memref<512xi32, #tpu.memory_space<hbm>> -> memref<16xi32, #tpu.memory_space<hbm>>
      %dma_wait3A_34 = tpu.memref_slice %arg7[%mul3A_2] : memref<512xi32, #tpu.memory_space<hbm>> -> memref<16xi32, #tpu.memory_space<hbm>>
      tpu.wait_dma2 semaphore(%run_scoped3A : memref<!tpu.dma_semaphore, #tpu.memory_space<semaphore_mem>>) src(%dma_wait3A_34 : memref<16xi32, #tpu.memory_space<hbm>>) dst(%arg13 : memref<16xi32, #tpu.memory_space<vmem>>)
      tpu.yield
    }) : () -> ()
    %dma_start3A = arith.constant 0 : i32
    %dma_start3A_3 = arith.constant 0 : i32
    %dma_start3A_4 = tpu.memref_slice %arg2[%dma_start3A, %dma_start3A_3] : memref<10000x128xf32, #tpu.memory_space<hbm>> -> memref<10000x128xf32, #tpu.memory_space<hbm>>
    tpu.enqueue_indirect_dma source(%dma_start3A_4 : memref<10000x128xf32, #tpu.memory_space<hbm>>) target(%arg14 : memref<16x128xf32, #tpu.memory_space<vmem>>) offsets(%arg13 : memref<16xi32, #tpu.memory_space<vmem>>) semaphore(%arg15 : memref<!tpu.dma_semaphore, #tpu.memory_space<semaphore_mem>>)
    %dma_wait3A = arith.constant 0 : i32
    %dma_wait3A_5 = arith.constant 0 : i32
    %dma_wait3A_6 = tpu.memref_slice %arg2[%dma_wait3A, %dma_wait3A_5] : memref<10000x128xf32, #tpu.memory_space<hbm>> -> memref<10000x128xf32, #tpu.memory_space<hbm>>
    tpu.wait_indirect_dma semaphore(%arg15 : memref<!tpu.dma_semaphore, #tpu.memory_space<semaphore_mem>>) src(%dma_wait3A_6 : memref<10000x128xf32, #tpu.memory_space<hbm>>) dst(%arg14 : memref<16x128xf32, #tpu.memory_space<vmem>>)
    "tpu.region"() ({
      %run_scoped3A = tpu.sem_alloc : memref<!tpu.dma_semaphore, #tpu.memory_space<semaphore_mem>>
      %dma_start3A_31 = arith.constant 0 : i32
      %dma_start3A_32 = tpu.memref_slice %arg8[%mul3A_2, %dma_start3A_31] : memref<512x128xf32, #tpu.memory_space<hbm>> -> memref<16x128xf32, #tpu.memory_space<hbm>>
      %dma_start3A_33 = arith.constant 0 : i32
      %dma_start3A_34 = tpu.memref_slice %arg8[%mul3A_2, %dma_start3A_33] : memref<512x128xf32, #tpu.memory_space<hbm>> -> memref<16x128xf32, #tpu.memory_space<hbm>>
      tpu.enqueue_dma source(%arg14 : memref<16x128xf32, #tpu.memory_space<vmem>>) target(%dma_start3A_34 : memref<16x128xf32, #tpu.memory_space<hbm>>) target_semaphore(%run_scoped3A : memref<!tpu.dma_semaphore, #tpu.memory_space<semaphore_mem>>)
      %dma_wait3A_35 = arith.constant 0 : i32
      %dma_wait3A_36 = tpu.memref_slice %arg8[%mul3A_2, %dma_wait3A_35] : memref<512x128xf32, #tpu.memory_space<hbm>> -> memref<16x128xf32, #tpu.memory_space<hbm>>
      %dma_wait3A_37 = arith.constant 0 : i32
      %dma_wait3A_38 = tpu.memref_slice %arg8[%mul3A_2, %dma_wait3A_37] : memref<512x128xf32, #tpu.memory_space<hbm>> -> memref<16x128xf32, #tpu.memory_space<hbm>>
      tpu.wait_dma2 semaphore(%run_scoped3A : memref<!tpu.dma_semaphore, #tpu.memory_space<semaphore_mem>>) src(%arg14 : memref<16x128xf32, #tpu.memory_space<vmem>>) dst(%dma_wait3A_38 : memref<16x128xf32, #tpu.memory_space<hbm>>)
      tpu.yield
    }) : () -> ()
    %dma_start3A_7 = arith.constant 0 : i32
    %dma_start3A_8 = arith.constant 0 : i32
    %dma_start3A_9 = tpu.memref_slice %arg3[%dma_start3A_7, %dma_start3A_8] : memref<10000x128xf32, #tpu.memory_space<hbm>> -> memref<10000x128xf32, #tpu.memory_space<hbm>>
    tpu.enqueue_indirect_dma source(%dma_start3A_9 : memref<10000x128xf32, #tpu.memory_space<hbm>>) target(%arg14 : memref<16x128xf32, #tpu.memory_space<vmem>>) offsets(%arg13 : memref<16xi32, #tpu.memory_space<vmem>>) semaphore(%arg15 : memref<!tpu.dma_semaphore, #tpu.memory_space<semaphore_mem>>)
    %dma_wait3A_10 = arith.constant 0 : i32
    %dma_wait3A_11 = arith.constant 0 : i32
    %dma_wait3A_12 = tpu.memref_slice %arg3[%dma_wait3A_10, %dma_wait3A_11] : memref<10000x128xf32, #tpu.memory_space<hbm>> -> memref<10000x128xf32, #tpu.memory_space<hbm>>
    tpu.wait_indirect_dma semaphore(%arg15 : memref<!tpu.dma_semaphore, #tpu.memory_space<semaphore_mem>>) src(%dma_wait3A_12 : memref<10000x128xf32, #tpu.memory_space<hbm>>) dst(%arg14 : memref<16x128xf32, #tpu.memory_space<vmem>>)
    "tpu.region"() ({
      %run_scoped3A = tpu.sem_alloc : memref<!tpu.dma_semaphore, #tpu.memory_space<semaphore_mem>>
      %dma_start3A_31 = arith.constant 0 : i32
      %dma_start3A_32 = tpu.memref_slice %arg9[%mul3A_2, %dma_start3A_31] : memref<512x128xf32, #tpu.memory_space<hbm>> -> memref<16x128xf32, #tpu.memory_space<hbm>>
      %dma_start3A_33 = arith.constant 0 : i32
      %dma_start3A_34 = tpu.memref_slice %arg9[%mul3A_2, %dma_start3A_33] : memref<512x128xf32, #tpu.memory_space<hbm>> -> memref<16x128xf32, #tpu.memory_space<hbm>>
      tpu.enqueue_dma source(%arg14 : memref<16x128xf32, #tpu.memory_space<vmem>>) target(%dma_start3A_34 : memref<16x128xf32, #tpu.memory_space<hbm>>) target_semaphore(%run_scoped3A : memref<!tpu.dma_semaphore, #tpu.memory_space<semaphore_mem>>)
      %dma_wait3A_35 = arith.constant 0 : i32
      %dma_wait3A_36 = tpu.memref_slice %arg9[%mul3A_2, %dma_wait3A_35] : memref<512x128xf32, #tpu.memory_space<hbm>> -> memref<16x128xf32, #tpu.memory_space<hbm>>
      %dma_wait3A_37 = arith.constant 0 : i32
      %dma_wait3A_38 = tpu.memref_slice %arg9[%mul3A_2, %dma_wait3A_37] : memref<512x128xf32, #tpu.memory_space<hbm>> -> memref<16x128xf32, #tpu.memory_space<hbm>>
      tpu.wait_dma2 semaphore(%run_scoped3A : memref<!tpu.dma_semaphore, #tpu.memory_space<semaphore_mem>>) src(%arg14 : memref<16x128xf32, #tpu.memory_space<vmem>>) dst(%dma_wait3A_38 : memref<16x128xf32, #tpu.memory_space<hbm>>)
      tpu.yield
    }) : () -> ()
    %dma_start3A_13 = arith.constant 0 : i32
    %dma_start3A_14 = arith.constant 0 : i32
    %dma_start3A_15 = tpu.memref_slice %arg4[%dma_start3A_13, %dma_start3A_14] : memref<10240x128xf32, #tpu.memory_space<hbm>> -> memref<10240x128xf32, #tpu.memory_space<hbm>>
    tpu.enqueue_indirect_dma source(%dma_start3A_15 : memref<10240x128xf32, #tpu.memory_space<hbm>>) target(%arg14 : memref<16x128xf32, #tpu.memory_space<vmem>>) offsets(%arg13 : memref<16xi32, #tpu.memory_space<vmem>>) semaphore(%arg15 : memref<!tpu.dma_semaphore, #tpu.memory_space<semaphore_mem>>)
    %dma_wait3A_16 = arith.constant 0 : i32
    %dma_wait3A_17 = arith.constant 0 : i32
    %dma_wait3A_18 = tpu.memref_slice %arg4[%dma_wait3A_16, %dma_wait3A_17] : memref<10240x128xf32, #tpu.memory_space<hbm>> -> memref<10240x128xf32, #tpu.memory_space<hbm>>
    tpu.wait_indirect_dma semaphore(%arg15 : memref<!tpu.dma_semaphore, #tpu.memory_space<semaphore_mem>>) src(%dma_wait3A_18 : memref<10240x128xf32, #tpu.memory_space<hbm>>) dst(%arg14 : memref<16x128xf32, #tpu.memory_space<vmem>>)
    "tpu.region"() ({
      %run_scoped3A = tpu.sem_alloc : memref<!tpu.dma_semaphore, #tpu.memory_space<semaphore_mem>>
      %dma_start3A_31 = arith.constant 0 : i32
      %dma_start3A_32 = tpu.memref_slice %arg10[%mul3A_2, %dma_start3A_31] : memref<512x128xf32, #tpu.memory_space<hbm>> -> memref<16x128xf32, #tpu.memory_space<hbm>>
      %dma_start3A_33 = arith.constant 0 : i32
      %dma_start3A_34 = tpu.memref_slice %arg10[%mul3A_2, %dma_start3A_33] : memref<512x128xf32, #tpu.memory_space<hbm>> -> memref<16x128xf32, #tpu.memory_space<hbm>>
      tpu.enqueue_dma source(%arg14 : memref<16x128xf32, #tpu.memory_space<vmem>>) target(%dma_start3A_34 : memref<16x128xf32, #tpu.memory_space<hbm>>) target_semaphore(%run_scoped3A : memref<!tpu.dma_semaphore, #tpu.memory_space<semaphore_mem>>)
      %dma_wait3A_35 = arith.constant 0 : i32
      %dma_wait3A_36 = tpu.memref_slice %arg10[%mul3A_2, %dma_wait3A_35] : memref<512x128xf32, #tpu.memory_space<hbm>> -> memref<16x128xf32, #tpu.memory_space<hbm>>
      %dma_wait3A_37 = arith.constant 0 : i32
      %dma_wait3A_38 = tpu.memref_slice %arg10[%mul3A_2, %dma_wait3A_37] : memref<512x128xf32, #tpu.memory_space<hbm>> -> memref<16x128xf32, #tpu.memory_space<hbm>>
      tpu.wait_dma2 semaphore(%run_scoped3A : memref<!tpu.dma_semaphore, #tpu.memory_space<semaphore_mem>>) src(%arg14 : memref<16x128xf32, #tpu.memory_space<vmem>>) dst(%dma_wait3A_38 : memref<16x128xf32, #tpu.memory_space<hbm>>)
      tpu.yield
    }) : () -> ()
    %dma_start3A_19 = arith.constant 0 : i32
    %dma_start3A_20 = arith.constant 0 : i32
    %dma_start3A_21 = tpu.memref_slice %arg5[%dma_start3A_19, %dma_start3A_20] : memref<10240x128xf32, #tpu.memory_space<hbm>> -> memref<10240x128xf32, #tpu.memory_space<hbm>>
    tpu.enqueue_indirect_dma source(%dma_start3A_21 : memref<10240x128xf32, #tpu.memory_space<hbm>>) target(%arg14 : memref<16x128xf32, #tpu.memory_space<vmem>>) offsets(%arg13 : memref<16xi32, #tpu.memory_space<vmem>>) semaphore(%arg15 : memref<!tpu.dma_semaphore, #tpu.memory_space<semaphore_mem>>)
    %dma_wait3A_22 = arith.constant 0 : i32
    %dma_wait3A_23 = arith.constant 0 : i32
    %dma_wait3A_24 = tpu.memref_slice %arg5[%dma_wait3A_22, %dma_wait3A_23] : memref<10240x128xf32, #tpu.memory_space<hbm>> -> memref<10240x128xf32, #tpu.memory_space<hbm>>
    tpu.wait_indirect_dma semaphore(%arg15 : memref<!tpu.dma_semaphore, #tpu.memory_space<semaphore_mem>>) src(%dma_wait3A_24 : memref<10240x128xf32, #tpu.memory_space<hbm>>) dst(%arg14 : memref<16x128xf32, #tpu.memory_space<vmem>>)
    "tpu.region"() ({
      %run_scoped3A = tpu.sem_alloc : memref<!tpu.dma_semaphore, #tpu.memory_space<semaphore_mem>>
      %dma_start3A_31 = arith.constant 0 : i32
      %dma_start3A_32 = tpu.memref_slice %arg11[%mul3A_2, %dma_start3A_31] : memref<512x128xf32, #tpu.memory_space<hbm>> -> memref<16x128xf32, #tpu.memory_space<hbm>>
      %dma_start3A_33 = arith.constant 0 : i32
      %dma_start3A_34 = tpu.memref_slice %arg11[%mul3A_2, %dma_start3A_33] : memref<512x128xf32, #tpu.memory_space<hbm>> -> memref<16x128xf32, #tpu.memory_space<hbm>>
      tpu.enqueue_dma source(%arg14 : memref<16x128xf32, #tpu.memory_space<vmem>>) target(%dma_start3A_34 : memref<16x128xf32, #tpu.memory_space<hbm>>) target_semaphore(%run_scoped3A : memref<!tpu.dma_semaphore, #tpu.memory_space<semaphore_mem>>)
      %dma_wait3A_35 = arith.constant 0 : i32
      %dma_wait3A_36 = tpu.memref_slice %arg11[%mul3A_2, %dma_wait3A_35] : memref<512x128xf32, #tpu.memory_space<hbm>> -> memref<16x128xf32, #tpu.memory_space<hbm>>
      %dma_wait3A_37 = arith.constant 0 : i32
      %dma_wait3A_38 = tpu.memref_slice %arg11[%mul3A_2, %dma_wait3A_37] : memref<512x128xf32, #tpu.memory_space<hbm>> -> memref<16x128xf32, #tpu.memory_space<hbm>>
      tpu.wait_dma2 semaphore(%run_scoped3A : memref<!tpu.dma_semaphore, #tpu.memory_space<semaphore_mem>>) src(%arg14 : memref<16x128xf32, #tpu.memory_space<vmem>>) dst(%dma_wait3A_38 : memref<16x128xf32, #tpu.memory_space<hbm>>)
      tpu.yield
    }) : () -> ()
    %dma_start3A_25 = arith.constant 0 : i32
    %dma_start3A_26 = arith.constant 0 : i32
    %dma_start3A_27 = tpu.memref_slice %arg6[%dma_start3A_25, %dma_start3A_26] : memref<10000x128xf32, #tpu.memory_space<hbm>> -> memref<10000x128xf32, #tpu.memory_space<hbm>>
    tpu.enqueue_indirect_dma source(%dma_start3A_27 : memref<10000x128xf32, #tpu.memory_space<hbm>>) target(%arg14 : memref<16x128xf32, #tpu.memory_space<vmem>>) offsets(%arg13 : memref<16xi32, #tpu.memory_space<vmem>>) semaphore(%arg15 : memref<!tpu.dma_semaphore, #tpu.memory_space<semaphore_mem>>)
    %dma_wait3A_28 = arith.constant 0 : i32
    %dma_wait3A_29 = arith.constant 0 : i32
    %dma_wait3A_30 = tpu.memref_slice %arg6[%dma_wait3A_28, %dma_wait3A_29] : memref<10000x128xf32, #tpu.memory_space<hbm>> -> memref<10000x128xf32, #tpu.memory_space<hbm>>
    tpu.wait_indirect_dma semaphore(%arg15 : memref<!tpu.dma_semaphore, #tpu.memory_space<semaphore_mem>>) src(%dma_wait3A_30 : memref<10000x128xf32, #tpu.memory_space<hbm>>) dst(%arg14 : memref<16x128xf32, #tpu.memory_space<vmem>>)
    "tpu.region"() ({
      %run_scoped3A = tpu.sem_alloc : memref<!tpu.dma_semaphore, #tpu.memory_space<semaphore_mem>>
      %dma_start3A_31 = arith.constant 0 : i32
      %dma_start3A_32 = tpu.memref_slice %arg12[%mul3A_2, %dma_start3A_31] : memref<512x128xf32, #tpu.memory_space<hbm>> -> memref<16x128xf32, #tpu.memory_space<hbm>>
      %dma_start3A_33 = arith.constant 0 : i32
      %dma_start3A_34 = tpu.memref_slice %arg12[%mul3A_2, %dma_start3A_33] : memref<512x128xf32, #tpu.memory_space<hbm>> -> memref<16x128xf32, #tpu.memory_space<hbm>>
      tpu.enqueue_dma source(%arg14 : memref<16x128xf32, #tpu.memory_space<vmem>>) target(%dma_start3A_34 : memref<16x128xf32, #tpu.memory_space<hbm>>) target_semaphore(%run_scoped3A : memref<!tpu.dma_semaphore, #tpu.memory_space<semaphore_mem>>)
      %dma_wait3A_35 = arith.constant 0 : i32
      %dma_wait3A_36 = tpu.memref_slice %arg12[%mul3A_2, %dma_wait3A_35] : memref<512x128xf32, #tpu.memory_space<hbm>> -> memref<16x128xf32, #tpu.memory_space<hbm>>
      %dma_wait3A_37 = arith.constant 0 : i32
      %dma_wait3A_38 = tpu.memref_slice %arg12[%mul3A_2, %dma_wait3A_37] : memref<512x128xf32, #tpu.memory_space<hbm>> -> memref<16x128xf32, #tpu.memory_space<hbm>>
      tpu.wait_dma2 semaphore(%run_scoped3A : memref<!tpu.dma_semaphore, #tpu.memory_space<semaphore_mem>>) src(%arg14 : memref<16x128xf32, #tpu.memory_space<vmem>>) dst(%dma_wait3A_38 : memref<16x128xf32, #tpu.memory_space<hbm>>)
      tpu.yield
    }) : () -> ()
    return
  }
}

module attributes {stable_mosaic.version = 14 : i64} {
  func.func @body(%arg0: i32, %arg1: memref<8000x16xf32, #tpu.memory_space<vmem>>, %arg2: memref<8000x16xf32, #tpu.memory_space<vmem>>) attributes {dimension_semantics = [#tpu.dimension_semantics<arbitrary>], iteration_bounds = array<i64: 40>, scalar_prefetch = 0 : i64, scratch_operands = 0 : i64, tpu.core_type = #tpu.core_type<tc>, window_params = [{transform_indices = @transform_0, window_bounds = array<i64: 8000, 16>}, {transform_indices = @transform_1, window_bounds = array<i64: 8000, 16>}]} {
    %get3A = arith.constant 0 : index
    %get3A_0 = arith.constant 0 : index
    %get3A_1 = vector.load %arg1[%get3A, %get3A_0] : memref<8000x16xf32, #tpu.memory_space<vmem>>, vector<8000x16xf32>
    %convert_element_type3A = arith.truncf %get3A_1 : vector<8000x16xf32> to vector<8000x16xbf16>
    %convert_element_type3A_2 = arith.extf %convert_element_type3A : vector<8000x16xbf16> to vector<8000x16xf32>
    %swap3A = arith.constant 0 : index
    %swap3A_3 = arith.constant 0 : index
    %swap3A_4 = vector.load %arg2[%swap3A, %swap3A_3] : memref<8000x16xf32, #tpu.memory_space<vmem>>, vector<8000x16xf32>
    tpu.vector_store %arg2[%swap3A, %swap3A_3], %convert_element_type3A_2 {strides = array<i32>} : memref<8000x16xf32, #tpu.memory_space<vmem>>, vector<8000x16xf32>,
    return
  }
  func.func @transform_0(%arg0: i32) -> (i32, i32) {
    %c0_i32 = arith.constant 0 : i32
    %c0_i32_0 = arith.constant 0 : i32
    return %arg0, %c0_i32 : i32, i32
  }
  func.func @transform_1(%arg0: i32) -> (i32, i32) {
    %c0_i32 = arith.constant 0 : i32
    %c0_i32_0 = arith.constant 0 : i32
    return %arg0, %c0_i32 : i32, i32
  }
}

module attributes {stable_mosaic.version = 14 : i64} {
  func.func @body(%arg0: i32, %arg1: i32, %arg2: memref<1000x128xf32, #tpu.memory_space<vmem>>, %arg3: memref<1x128x128xf32, #tpu.memory_space<vmem>>, %arg4: memref<1x1000x128xf32, #tpu.memory_space<vmem>>) attributes {dimension_semantics = [#tpu.dimension_semantics<arbitrary>, #tpu.dimension_semantics<arbitrary>], iteration_bounds = array<i64: 10, 4>, scalar_prefetch = 0 : i64, scratch_operands = 0 : i64, tpu.core_type = #tpu.core_type<tc>, window_params = [{transform_indices = @transform_0, window_bounds = array<i64: 1000, 128>}, {transform_indices = @transform_1, window_bounds = array<i64: 1, 128, 128>}, {transform_indices = @transform_2, window_bounds = array<i64: 1, 1000, 128>}]} {
    %get3A = arith.constant 0 : index
    %get3A_0 = arith.constant 0 : index
    %get3A_1 = vector.load %arg2[%get3A, %get3A_0] : memref<1000x128xf32, #tpu.memory_space<vmem>>, vector<1000x128xf32>
    %get3A_2 = arith.constant 0 : index
    %get3A_3 = arith.constant 0 : index
    %get3A_4 = arith.constant 0 : index
    %get3A_5 = vector.load %arg3[%get3A_2, %get3A_3, %get3A_4] : memref<1x128x128xf32, #tpu.memory_space<vmem>>, vector<1x128x128xf32>
    %get3A_6 = vector.shape_cast %get3A_5 : vector<1x128x128xf32> to vector<128x128xf32>
    %dot_general3A = arith.constant dense<0.000000e+00> : vector<1000x128xf32>
    %dot_general3A_7 = tpu.matmul %get3A_1, %get3A_6, %dot_general3A {dimension_numbers = #tpu.dot_dimension_numbers<[1], [0], [0], [1], [0, 0, 1, 1], [], []>, transpose_lhs_hint = false} : vector<1000x128xf32>, vector<128x128xf32>, vector<1000x128xf32> -> vector<1000x128xf32>
    %swap3A = arith.constant 0 : index
    %swap3A_8 = arith.constant 0 : index
    %swap3A_9 = arith.constant 0 : index
    %swap3A_10 = vector.load %arg4[%swap3A, %swap3A_8, %swap3A_9] : memref<1x1000x128xf32, #tpu.memory_space<vmem>>, vector<1x1000x128xf32>
    %swap3A_11 = vector.shape_cast %swap3A_10 : vector<1x1000x128xf32> to vector<1000x128xf32>
    %swap3A_12 = vector.shape_cast %dot_general3A_7 : vector<1000x128xf32> to vector<1x1000x128xf32>
    tpu.vector_store %arg4[%swap3A, %swap3A_8, %swap3A_9], %swap3A_12 {strides = array<i32>} : memref<1x1000x128xf32, #tpu.memory_space<vmem>>, vector<1x1000x128xf32>,
    return
  }
  func.func @transform_0(%arg0: i32, %arg1: i32) -> (i32, i32) {
    %c0_i32 = arith.constant 0 : i32
    %c0_i32_0 = arith.constant 0 : i32
    return %arg0, %c0_i32 : i32, i32
  }
  func.func @transform_1(%arg0: i32, %arg1: i32) -> (i32, i32, i32) {
    %c0_i32 = arith.constant 0 : i32
    %c0_i32_0 = arith.constant 0 : i32
    %c0_i32_1 = arith.constant 0 : i32
    return %arg1, %c0_i32, %c0_i32_0 : i32, i32, i32
  }
  func.func @transform_2(%arg0: i32, %arg1: i32) -> (i32, i32, i32) {
    %c0_i32 = arith.constant 0 : i32
    %c0_i32_0 = arith.constant 0 : i32
    return %arg1, %arg0, %c0_i32 : i32, i32, i32
  }
}

module attributes {stable_mosaic.version = 14 : i64} {
  func.func @body(%arg0: i32, %arg1: memref<1000x128xf32, #tpu.memory_space<vmem>>, %arg2: memref<1000x128xf32, #tpu.memory_space<vmem>>, %arg3: memref<1000x128xf32, #tpu.memory_space<vmem>>, %arg4: memref<1000x128xf32, #tpu.memory_space<vmem>>, %arg5: memref<1000x128xf32, #tpu.memory_space<vmem>>, %arg6: memref<128x128xf32, #tpu.memory_space<vmem>>, %arg7: memref<16x128xf32, #tpu.memory_space<vmem>>, %arg8: memref<1x128xf32, #tpu.memory_space<vmem>>, %arg9: memref<4x128x128xf32, #tpu.memory_space<vmem>>, %arg10: memref<16x128xf32, #tpu.memory_space<vmem>>, %arg11: memref<1000x128xf32, #tpu.memory_space<vmem>>, %arg12: memref<4x1000x128xf32, #tpu.memory_space<vmem>>, %arg13: memref<1000x128xf32, #tpu.memory_space<vmem>>) attributes {dimension_semantics = [#tpu.dimension_semantics<arbitrary>], iteration_bounds = array<i64: 10>, scalar_prefetch = 0 : i64, scratch_operands = 0 : i64, tpu.core_type = #tpu.core_type<tc>, window_params = [{transform_indices = @transform_0, window_bounds = array<i64: 1000, 128>}, {transform_indices = @transform_1, window_bounds = array<i64: 1000, 128>}, {transform_indices = @transform_2, window_bounds = array<i64: 1000, 128>}, {transform_indices = @transform_3, window_bounds = array<i64: 1000, 128>}, {transform_indices = @transform_4, window_bounds = array<i64: 1000, 128>}, {pipeline_mode = #tpu.pipeline_mode<synchronous>, transform_indices = @transform_5, window_bounds = array<i64: 128, 128>}, {pipeline_mode = #tpu.pipeline_mode<synchronous>, transform_indices = @transform_6, window_bounds = array<i64: 16, 128>}, {pipeline_mode = #tpu.pipeline_mode<synchronous>, transform_indices = @transform_7, window_bounds = array<i64: 1, 128>}, {pipeline_mode = #tpu.pipeline_mode<synchronous>, transform_indices = @transform_8, window_bounds = array<i64: 4, 128, 128>}, {pipeline_mode = #tpu.pipeline_mode<synchronous>, transform_indices = @transform_9, window_bounds = array<i64: 16, 128>}, {transform_indices = @transform_10, window_bounds = array<i64: 1000, 128>}, {transform_indices = @transform_11, window_bounds = array<i64: 4, 1000, 128>}, {transform_indices = @transform_12, window_bounds = array<i64: 1000, 128>}]} {
    %get3A = arith.constant 0 : index
    %get3A_0 = arith.constant 0 : index
    %get3A_1 = vector.load %arg4[%get3A, %get3A_0] : memref<1000x128xf32, #tpu.memory_space<vmem>>, vector<1000x16xf32>
    %get3A_2 = arith.constant 0 : index
    %get3A_3 = arith.constant 0 : index
    %get3A_4 = vector.load %arg5[%get3A_2, %get3A_3] : memref<1000x128xf32, #tpu.memory_space<vmem>>, vector<1000x16xf32>
    %add3A = arith.addf %get3A_1, %get3A_4 : vector<1000x16xf32>
    %get3A_5 = arith.constant 0 : index
    %get3A_6 = arith.constant 0 : index
    %get3A_7 = vector.load %arg1[%get3A_5, %get3A_6] : memref<1000x128xf32, #tpu.memory_space<vmem>>, vector<1000x128xf32>
    %get3A_8 = arith.constant 0 : index
    %get3A_9 = arith.constant 0 : index
    %get3A_10 = vector.load %arg6[%get3A_8, %get3A_9] : memref<128x128xf32, #tpu.memory_space<vmem>>, vector<128x128xf32>
    %dot_general3A = arith.constant dense<0.000000e+00> : vector<1000x128xf32>
    %dot_general3A_11 = tpu.matmul %get3A_7, %get3A_10, %dot_general3A {dimension_numbers = #tpu.dot_dimension_numbers<[1], [0], [0], [1], [0, 0, 1, 1], [], []>, transpose_lhs_hint = false} : vector<1000x128xf32>, vector<128x128xf32>, vector<1000x128xf32> -> vector<1000x128xf32>
    %get3A_12 = arith.constant 0 : index
    %get3A_13 = arith.constant 0 : index
    %get3A_14 = vector.load %arg2[%get3A_12, %get3A_13] : memref<1000x128xf32, #tpu.memory_space<vmem>>, vector<1000x128xf32>
    %add3A_15 = arith.addf %dot_general3A_11, %get3A_14 : vector<1000x128xf32>
    %get3A_16 = arith.constant 0 : index
    %get3A_17 = arith.constant 0 : index
    %get3A_18 = vector.load %arg3[%get3A_16, %get3A_17] : memref<1000x128xf32, #tpu.memory_space<vmem>>, vector<1000x128xf32>
    %add3A_19 = arith.addf %add3A_15, %get3A_18 : vector<1000x128xf32>
    %get3A_20 = arith.constant 0 : index
    %get3A_21 = arith.constant 0 : index
    %get3A_22 = vector.load %arg8[%get3A_20, %get3A_21] : memref<1x128xf32, #tpu.memory_space<vmem>>, vector<1x128xf32>
    %add3A_23 = vector.broadcast %get3A_22 : vector<1x128xf32> to vector<1000x128xf32>
    %add3A_24 = arith.addf %add3A_19, %add3A_23 : vector<1000x128xf32>
    %get3A_25 = arith.constant 0 : index
    %get3A_26 = arith.constant 0 : index
    %get3A_27 = vector.load %arg7[%get3A_25, %get3A_26] : memref<16x128xf32, #tpu.memory_space<vmem>>, vector<16x128xf32>
    %dot_general3A_28 = arith.constant dense<0.000000e+00> : vector<1000x128xf32>
    %dot_general3A_29 = tpu.matmul %add3A, %get3A_27, %dot_general3A_28 {dimension_numbers = #tpu.dot_dimension_numbers<[1], [0], [0], [1], [0, 0, 1, 1], [], []>, transpose_lhs_hint = false} : vector<1000x16xf32>, vector<16x128xf32>, vector<1000x128xf32> -> vector<1000x128xf32>
    %add3A_30 = arith.addf %add3A_24, %dot_general3A_29 : vector<1000x128xf32>
    %max3A = arith.constant 0.000000e+00 : f32
    %max3A_31 = vector.broadcast %max3A : f32 to vector<1000x128xf32>
    %max3A_32 = arith.maximumf %add3A_30, %max3A_31 : vector<1000x128xf32>
    %swap3A = arith.constant 0 : index
    %swap3A_33 = arith.constant 0 : index
    %swap3A_34 = vector.load %arg11[%swap3A, %swap3A_33] : memref<1000x128xf32, #tpu.memory_space<vmem>>, vector<1000x128xf32>
    tpu.vector_store %arg11[%swap3A, %swap3A_33], %max3A_32 {strides = array<i32>} : memref<1000x128xf32, #tpu.memory_space<vmem>>, vector<1000x128xf32>,
    %get3A_35 = arith.constant 0 : index
    %get3A_36 = arith.constant 0 : index
    %get3A_37 = vector.load %arg10[%get3A_35, %get3A_36] : memref<16x128xf32, #tpu.memory_space<vmem>>, vector<16x128xf32>
    %dot_general3A_38 = arith.constant dense<0.000000e+00> : vector<1000x128xf32>
    %dot_general3A_39 = tpu.matmul %add3A, %get3A_37, %dot_general3A_38 {dimension_numbers = #tpu.dot_dimension_numbers<[1], [0], [0], [1], [0, 0, 1, 1], [], []>, transpose_lhs_hint = false} : vector<1000x16xf32>, vector<16x128xf32>, vector<1000x128xf32> -> vector<1000x128xf32>
    %swap3A_40 = arith.constant 0 : index
    %swap3A_41 = arith.constant 0 : index
    %swap3A_42 = vector.load %arg13[%swap3A_40, %swap3A_41] : memref<1000x128xf32, #tpu.memory_space<vmem>>, vector<1000x128xf32>
    tpu.vector_store %arg13[%swap3A_40, %swap3A_41], %dot_general3A_39 {strides = array<i32>} : memref<1000x128xf32, #tpu.memory_space<vmem>>, vector<1000x128xf32>,
    %get3A_43 = arith.constant 0 : index
    %get3A_44 = arith.constant 0 : index
    %get3A_45 = arith.constant 0 : index
    %get3A_46 = vector.load %arg9[%get3A_43, %get3A_44, %get3A_45] : memref<4x128x128xf32, #tpu.memory_space<vmem>>, vector<1x128x128xf32>
    %get3A_47 = vector.shape_cast %get3A_46 : vector<1x128x128xf32> to vector<128x128xf32>
    %dot_general3A_48 = arith.constant dense<0.000000e+00> : vector<1000x128xf32>
    %dot_general3A_49 = tpu.matmul %max3A_32, %get3A_47, %dot_general3A_48 {dimension_numbers = #tpu.dot_dimension_numbers<[1], [0], [0], [1], [0, 0, 1, 1], [], []>, transpose_lhs_hint = false} : vector<1000x128xf32>, vector<128x128xf32>, vector<1000x128xf32> -> vector<1000x128xf32>
    %swap3A_50 = arith.constant 0 : index
    %swap3A_51 = arith.constant 0 : index
    %swap3A_52 = arith.constant 0 : index
    %swap3A_53 = vector.load %arg12[%swap3A_50, %swap3A_51, %swap3A_52] : memref<4x1000x128xf32, #tpu.memory_space<vmem>>, vector<1x1000x128xf32>
    %swap3A_54 = vector.shape_cast %swap3A_53 : vector<1x1000x128xf32> to vector<1000x128xf32>
    %swap3A_55 = vector.shape_cast %dot_general3A_49 : vector<1000x128xf32> to vector<1x1000x128xf32>
    tpu.vector_store %arg12[%swap3A_50, %swap3A_51, %swap3A_52], %swap3A_55 {strides = array<i32>} : memref<4x1000x128xf32, #tpu.memory_space<vmem>>, vector<1x1000x128xf32>,
    %get3A_56 = arith.constant 1 : index
    %get3A_57 = arith.constant 0 : index
    %get3A_58 = arith.constant 0 : index
    %get3A_59 = vector.load %arg9[%get3A_56, %get3A_57, %get3A_58] : memref<4x128x128xf32, #tpu.memory_space<vmem>>, vector<1x128x128xf32>
    %get3A_60 = vector.shape_cast %get3A_59 : vector<1x128x128xf32> to vector<128x128xf32>
    %dot_general3A_61 = arith.constant dense<0.000000e+00> : vector<1000x128xf32>
    %dot_general3A_62 = tpu.matmul %max3A_32, %get3A_60, %dot_general3A_61 {dimension_numbers = #tpu.dot_dimension_numbers<[1], [0], [0], [1], [0, 0, 1, 1], [], []>, transpose_lhs_hint = false} : vector<1000x128xf32>, vector<128x128xf32>, vector<1000x128xf32> -> vector<1000x128xf32>
    %swap3A_63 = arith.constant 1 : index
    %swap3A_64 = arith.constant 0 : index
    %swap3A_65 = arith.constant 0 : index
    %swap3A_66 = vector.load %arg12[%swap3A_63, %swap3A_64, %swap3A_65] : memref<4x1000x128xf32, #tpu.memory_space<vmem>>, vector<1x1000x128xf32>
    %swap3A_67 = vector.shape_cast %swap3A_66 : vector<1x1000x128xf32> to vector<1000x128xf32>
    %swap3A_68 = vector.shape_cast %dot_general3A_62 : vector<1000x128xf32> to vector<1x1000x128xf32>
    tpu.vector_store %arg12[%swap3A_63, %swap3A_64, %swap3A_65], %swap3A_68 {strides = array<i32>} : memref<4x1000x128xf32, #tpu.memory_space<vmem>>, vector<1x1000x128xf32>,
    %get3A_69 = arith.constant 2 : index
    %get3A_70 = arith.constant 0 : index
    %get3A_71 = arith.constant 0 : index
    %get3A_72 = vector.load %arg9[%get3A_69, %get3A_70, %get3A_71] : memref<4x128x128xf32, #tpu.memory_space<vmem>>, vector<1x128x128xf32>
    %get3A_73 = vector.shape_cast %get3A_72 : vector<1x128x128xf32> to vector<128x128xf32>
    %dot_general3A_74 = arith.constant dense<0.000000e+00> : vector<1000x128xf32>
    %dot_general3A_75 = tpu.matmul %max3A_32, %get3A_73, %dot_general3A_74 {dimension_numbers = #tpu.dot_dimension_numbers<[1], [0], [0], [1], [0, 0, 1, 1], [], []>, transpose_lhs_hint = false} : vector<1000x128xf32>, vector<128x128xf32>, vector<1000x128xf32> -> vector<1000x128xf32>
    %swap3A_76 = arith.constant 2 : index
    %swap3A_77 = arith.constant 0 : index
    %swap3A_78 = arith.constant 0 : index
    %swap3A_79 = vector.load %arg12[%swap3A_76, %swap3A_77, %swap3A_78] : memref<4x1000x128xf32, #tpu.memory_space<vmem>>, vector<1x1000x128xf32>
    %swap3A_80 = vector.shape_cast %swap3A_79 : vector<1x1000x128xf32> to vector<1000x128xf32>
    %swap3A_81 = vector.shape_cast %dot_general3A_75 : vector<1000x128xf32> to vector<1x1000x128xf32>
    tpu.vector_store %arg12[%swap3A_76, %swap3A_77, %swap3A_78], %swap3A_81 {strides = array<i32>} : memref<4x1000x128xf32, #tpu.memory_space<vmem>>, vector<1x1000x128xf32>,
    %get3A_82 = arith.constant 3 : index
    %get3A_83 = arith.constant 0 : index
    %get3A_84 = arith.constant 0 : index
    %get3A_85 = vector.load %arg9[%get3A_82, %get3A_83, %get3A_84] : memref<4x128x128xf32, #tpu.memory_space<vmem>>, vector<1x128x128xf32>
    %get3A_86 = vector.shape_cast %get3A_85 : vector<1x128x128xf32> to vector<128x128xf32>
    %dot_general3A_87 = arith.constant dense<0.000000e+00> : vector<1000x128xf32>
    %dot_general3A_88 = tpu.matmul %max3A_32, %get3A_86, %dot_general3A_87 {dimension_numbers = #tpu.dot_dimension_numbers<[1], [0], [0], [1], [0, 0, 1, 1], [], []>, transpose_lhs_hint = false} : vector<1000x128xf32>, vector<128x128xf32>, vector<1000x128xf32> -> vector<1000x128xf32>
    %swap3A_89 = arith.constant 3 : index
    %swap3A_90 = arith.constant 0 : index
    %swap3A_91 = arith.constant 0 : index
    %swap3A_92 = vector.load %arg12[%swap3A_89, %swap3A_90, %swap3A_91] : memref<4x1000x128xf32, #tpu.memory_space<vmem>>, vector<1x1000x128xf32>
    %swap3A_93 = vector.shape_cast %swap3A_92 : vector<1x1000x128xf32> to vector<1000x128xf32>
    %swap3A_94 = vector.shape_cast %dot_general3A_88 : vector<1000x128xf32> to vector<1x1000x128xf32>
    tpu.vector_store %arg12[%swap3A_89, %swap3A_90, %swap3A_91], %swap3A_94 {strides = array<i32>} : memref<4x1000x128xf32, #tpu.memory_space<vmem>>, vector<1x1000x128xf32>,
    return
  }
  func.func @transform_0(%arg0: i32) -> (i32, i32) {
    %c0_i32 = arith.constant 0 : i32
    %c0_i32_0 = arith.constant 0 : i32
    return %arg0, %c0_i32 : i32, i32
  }
  func.func @transform_1(%arg0: i32) -> (i32, i32) {
    %c0_i32 = arith.constant 0 : i32
    %c0_i32_0 = arith.constant 0 : i32
    return %arg0, %c0_i32 : i32, i32
  }
  func.func @transform_2(%arg0: i32) -> (i32, i32) {
    %c0_i32 = arith.constant 0 : i32
    %c0_i32_0 = arith.constant 0 : i32
    return %arg0, %c0_i32 : i32, i32
  }
  func.func @transform_3(%arg0: i32) -> (i32, i32) {
    %c0_i32 = arith.constant 0 : i32
    %c0_i32_0 = arith.constant 0 : i32
    return %arg0, %c0_i32 : i32, i32
  }
  func.func @transform_4(%arg0: i32) -> (i32, i32) {
    %c0_i32 = arith.constant 0 : i32
    %c0_i32_0 = arith.constant 0 : i32
    return %arg0, %c0_i32 : i32, i32
  }
  func.func @transform_5(%arg0: i32) -> (i32, i32) {
    %c0_i32 = arith.constant 0 : i32
    %c0_i32_0 = arith.constant 0 : i32
    %c0_i32_1 = arith.constant 0 : i32
    return %c0_i32, %c0_i32_0 : i32, i32
  }
  func.func @transform_6(%arg0: i32) -> (i32, i32) {
    %c0_i32 = arith.constant 0 : i32
    %c0_i32_0 = arith.constant 0 : i32
    %c0_i32_1 = arith.constant 0 : i32
    return %c0_i32, %c0_i32_0 : i32, i32
  }
  func.func @transform_7(%arg0: i32) -> (i32, i32) {
    %c0_i32 = arith.constant 0 : i32
    %c0_i32_0 = arith.constant 0 : i32
    %c0_i32_1 = arith.constant 0 : i32
    return %c0_i32, %c0_i32_0 : i32, i32
  }
  func.func @transform_8(%arg0: i32) -> (i32, i32, i32) {
    %c0_i32 = arith.constant 0 : i32
    %c0_i32_0 = arith.constant 0 : i32
    %c0_i32_1 = arith.constant 0 : i32
    %c0_i32_2 = arith.constant 0 : i32
    return %c0_i32, %c0_i32_0, %c0_i32_1 : i32, i32, i32
  }
  func.func @transform_9(%arg0: i32) -> (i32, i32) {
    %c0_i32 = arith.constant 0 : i32
    %c0_i32_0 = arith.constant 0 : i32
    %c0_i32_1 = arith.constant 0 : i32
    return %c0_i32, %c0_i32_0 : i32, i32
  }
  func.func @transform_10(%arg0: i32) -> (i32, i32) {
    %c0_i32 = arith.constant 0 : i32
    %c0_i32_0 = arith.constant 0 : i32
    return %arg0, %c0_i32 : i32, i32
  }
  func.func @transform_11(%arg0: i32) -> (i32, i32, i32) {
    %c0_i32 = arith.constant 0 : i32
    %c0_i32_0 = arith.constant 0 : i32
    %c0_i32_1 = arith.constant 0 : i32
    return %c0_i32, %arg0, %c0_i32_0 : i32, i32, i32
  }
  func.func @transform_12(%arg0: i32) -> (i32, i32) {
    %c0_i32 = arith.constant 0 : i32
    %c0_i32_0 = arith.constant 0 : i32
    return %arg0, %c0_i32 : i32, i32
  }
}

module attributes {stable_mosaic.version = 14 : i64} {
  func.func @body(%arg0: memref<512x128xf32, #tpu.memory_space<vmem>>, %arg1: memref<512x128xf32, #tpu.memory_space<vmem>>, %arg2: memref<512x128xf32, #tpu.memory_space<vmem>>, %arg3: memref<512x128xf32, #tpu.memory_space<vmem>>, %arg4: memref<512x128xf32, #tpu.memory_space<vmem>>, %arg5: memref<128x128xf32, #tpu.memory_space<vmem>>, %arg6: memref<1x128xf32, #tpu.memory_space<vmem>>, %arg7: memref<128x128xf32, #tpu.memory_space<vmem>>, %arg8: memref<128x128xf32, #tpu.memory_space<vmem>>, %arg9: memref<128x128xf32, #tpu.memory_space<vmem>>, %arg10: memref<128x256xf32, #tpu.memory_space<vmem>>, %arg11: memref<1x256xf32, #tpu.memory_space<vmem>>, %arg12: memref<256x128xf32, #tpu.memory_space<vmem>>, %arg13: memref<1x128xf32, #tpu.memory_space<vmem>>, %arg14: memref<128x1xf32, #tpu.memory_space<vmem>>, %arg15: memref<1x1xf32, #tpu.memory_space<vmem>>, %arg16: memref<512x128xf32, #tpu.memory_space<vmem>>) attributes {dimension_semantics = [], scalar_prefetch = 0 : i64, scratch_operands = 0 : i64, tpu.core_type = #tpu.core_type<tc>} {
    %get3A = arith.constant 0 : index
    %get3A_0 = arith.constant 0 : index
    %get3A_1 = vector.load %arg1[%get3A, %get3A_0] : memref<512x128xf32, #tpu.memory_space<vmem>>, vector<512x128xf32>
    %get3A_2 = arith.constant 0 : index
    %get3A_3 = arith.constant 0 : index
    %get3A_4 = vector.load %arg5[%get3A_2, %get3A_3] : memref<128x128xf32, #tpu.memory_space<vmem>>, vector<128x128xf32>
    %dot_general3A = arith.constant dense<0.000000e+00> : vector<512x128xf32>
    %dot_general3A_5 = tpu.matmul %get3A_1, %get3A_4, %dot_general3A {dimension_numbers = #tpu.dot_dimension_numbers<[1], [0], [0], [1], [0, 0, 1, 1], [], []>, transpose_lhs_hint = false} : vector<512x128xf32>, vector<128x128xf32>, vector<512x128xf32> -> vector<512x128xf32>
    %get3A_6 = arith.constant 0 : index
    %get3A_7 = arith.constant 0 : index
    %get3A_8 = vector.load %arg2[%get3A_6, %get3A_7] : memref<512x128xf32, #tpu.memory_space<vmem>>, vector<512x128xf32>
    %add3A = arith.addf %dot_general3A_5, %get3A_8 : vector<512x128xf32>
    %get3A_9 = arith.constant 0 : index
    %get3A_10 = arith.constant 0 : index
    %get3A_11 = vector.load %arg3[%get3A_9, %get3A_10] : memref<512x128xf32, #tpu.memory_space<vmem>>, vector<512x128xf32>
    %add3A_12 = arith.addf %add3A, %get3A_11 : vector<512x128xf32>
    %get3A_13 = arith.constant 0 : index
    %get3A_14 = arith.constant 0 : index
    %get3A_15 = vector.load %arg4[%get3A_13, %get3A_14] : memref<512x128xf32, #tpu.memory_space<vmem>>, vector<512x128xf32>
    %add3A_16 = arith.addf %add3A_12, %get3A_15 : vector<512x128xf32>
    %get3A_17 = arith.constant 0 : index
    %get3A_18 = arith.constant 0 : index
    %get3A_19 = vector.load %arg6[%get3A_17, %get3A_18] : memref<1x128xf32, #tpu.memory_space<vmem>>, vector<1x128xf32>
    %add3A_20 = vector.broadcast %get3A_19 : vector<1x128xf32> to vector<512x128xf32>
    %add3A_21 = arith.addf %add3A_16, %add3A_20 : vector<512x128xf32>
    %max3A = arith.constant 0.000000e+00 : f32
    %max3A_22 = vector.broadcast %max3A : f32 to vector<512x128xf32>
    %max3A_23 = arith.maximumf %add3A_21, %max3A_22 : vector<512x128xf32>
    %get3A_24 = arith.constant 0 : index
    %get3A_25 = arith.constant 0 : index
    %get3A_26 = vector.load %arg0[%get3A_24, %get3A_25] : memref<512x128xf32, #tpu.memory_space<vmem>>, vector<512x128xf32>
    %get3A_27 = arith.constant 0 : index
    %get3A_28 = arith.constant 0 : index
    %get3A_29 = vector.load %arg7[%get3A_27, %get3A_28] : memref<128x128xf32, #tpu.memory_space<vmem>>, vector<128x128xf32>
    %dot_general3A_30 = arith.constant dense<0.000000e+00> : vector<512x128xf32>
    %dot_general3A_31 = tpu.matmul %get3A_26, %get3A_29, %dot_general3A_30 {dimension_numbers = #tpu.dot_dimension_numbers<[1], [0], [0], [1], [0, 0, 1, 1], [], []>, transpose_lhs_hint = false} : vector<512x128xf32>, vector<128x128xf32>, vector<512x128xf32> -> vector<512x128xf32>
    %get3A_32 = arith.constant 0 : index
    %get3A_33 = arith.constant 0 : index
    %get3A_34 = vector.load %arg8[%get3A_32, %get3A_33] : memref<128x128xf32, #tpu.memory_space<vmem>>, vector<128x128xf32>
    %dot_general3A_35 = arith.constant dense<0.000000e+00> : vector<512x128xf32>
    %dot_general3A_36 = tpu.matmul %max3A_23, %get3A_34, %dot_general3A_35 {dimension_numbers = #tpu.dot_dimension_numbers<[1], [0], [0], [1], [0, 0, 1, 1], [], []>, transpose_lhs_hint = false} : vector<512x128xf32>, vector<128x128xf32>, vector<512x128xf32> -> vector<512x128xf32>
    %get3A_37 = arith.constant 0 : index
    %get3A_38 = arith.constant 0 : index
    %get3A_39 = vector.load %arg9[%get3A_37, %get3A_38] : memref<128x128xf32, #tpu.memory_space<vmem>>, vector<128x128xf32>
    %dot_general3A_40 = arith.constant dense<0.000000e+00> : vector<512x128xf32>
    %dot_general3A_41 = tpu.matmul %max3A_23, %get3A_39, %dot_general3A_40 {dimension_numbers = #tpu.dot_dimension_numbers<[1], [0], [0], [1], [0, 0, 1, 1], [], []>, transpose_lhs_hint = false} : vector<512x128xf32>, vector<128x128xf32>, vector<512x128xf32> -> vector<512x128xf32>
    %mul3A = arith.mulf %dot_general3A_31, %dot_general3A_36 : vector<512x128xf32>
    %reduce_sum3A = arith.constant dense<0.000000e+00> : vector<512xf32>
    %reduce_sum3A_42 = vector.multi_reduction <add>, %mul3A, %reduce_sum3A [1] : vector<512x128xf32> to vector<512xf32>
    %broadcast_in_dim3A = vector.shape_cast %reduce_sum3A_42 : vector<512xf32> to vector<512x1xf32>
    %sqrt3A = arith.constant 1.280000e+02 : f32
    %sqrt3A_43 = math.sqrt %sqrt3A : f32
    %div3A = vector.broadcast %sqrt3A_43 : f32 to vector<512x1xf32>
    %div3A_44 = arith.divf %broadcast_in_dim3A, %div3A : vector<512x1xf32>
    %logistic3A = arith.negf %div3A_44 : vector<512x1xf32>
    %logistic3A_45 = math.exp %logistic3A : vector<512x1xf32>
    %logistic3A_46 = arith.constant 1.000000e+00 : f32
    %logistic3A_47 = vector.broadcast %logistic3A_46 : f32 to vector<512x1xf32>
    %logistic3A_48 = arith.addf %logistic3A_47, %logistic3A_45 : vector<512x1xf32>
    %logistic3A_49 = arith.divf %logistic3A_47, %logistic3A_48 : vector<512x1xf32>
    %mul3A_50 = vector.broadcast %logistic3A_49 : vector<512x1xf32> to vector<512x128xf32>
    %mul3A_51 = arith.mulf %mul3A_50, %dot_general3A_41 : vector<512x128xf32>
    %get3A_52 = arith.constant 0 : index
    %get3A_53 = arith.constant 0 : index
    %get3A_54 = vector.load %arg10[%get3A_52, %get3A_53] : memref<128x256xf32, #tpu.memory_space<vmem>>, vector<128x256xf32>
    %dot_general3A_55 = arith.constant dense<0.000000e+00> : vector<512x256xf32>
    %dot_general3A_56 = tpu.matmul %mul3A_51, %get3A_54, %dot_general3A_55 {dimension_numbers = #tpu.dot_dimension_numbers<[1], [0], [0], [1], [0, 0, 1, 1], [], []>, transpose_lhs_hint = false} : vector<512x128xf32>, vector<128x256xf32>, vector<512x256xf32> -> vector<512x256xf32>
    %get3A_57 = arith.constant 0 : index
    %get3A_58 = arith.constant 0 : index
    %get3A_59 = vector.load %arg11[%get3A_57, %get3A_58] : memref<1x256xf32, #tpu.memory_space<vmem>>, vector<1x256xf32>
    %add3A_60 = vector.broadcast %get3A_59 : vector<1x256xf32> to vector<512x256xf32>
    %add3A_61 = arith.addf %dot_general3A_56, %add3A_60 : vector<512x256xf32>
    %max3A_62 = arith.constant 0.000000e+00 : f32
    %max3A_63 = vector.broadcast %max3A_62 : f32 to vector<512x256xf32>
    %max3A_64 = arith.maximumf %add3A_61, %max3A_63 : vector<512x256xf32>
    %get3A_65 = arith.constant 0 : index
    %get3A_66 = arith.constant 0 : index
    %get3A_67 = vector.load %arg12[%get3A_65, %get3A_66] : memref<256x128xf32, #tpu.memory_space<vmem>>, vector<256x128xf32>
    %dot_general3A_68 = arith.constant dense<0.000000e+00> : vector<512x128xf32>
    %dot_general3A_69 = tpu.matmul %max3A_64, %get3A_67, %dot_general3A_68 {dimension_numbers = #tpu.dot_dimension_numbers<[1], [0], [0], [1], [0, 0, 1, 1], [], []>, transpose_lhs_hint = false} : vector<512x256xf32>, vector<256x128xf32>, vector<512x128xf32> -> vector<512x128xf32>
    %get3A_70 = arith.constant 0 : index
    %get3A_71 = arith.constant 0 : index
    %get3A_72 = vector.load %arg13[%get3A_70, %get3A_71] : memref<1x128xf32, #tpu.memory_space<vmem>>, vector<1x128xf32>
    %add3A_73 = vector.broadcast %get3A_72 : vector<1x128xf32> to vector<512x128xf32>
    %add3A_74 = arith.addf %dot_general3A_69, %add3A_73 : vector<512x128xf32>
    %max3A_75 = arith.constant 0.000000e+00 : f32
    %max3A_76 = vector.broadcast %max3A_75 : f32 to vector<512x128xf32>
    %max3A_77 = arith.maximumf %add3A_74, %max3A_76 : vector<512x128xf32>
    %get3A_78 = arith.constant 0 : index
    %get3A_79 = arith.constant 0 : index
    %get3A_80 = vector.load %arg14[%get3A_78, %get3A_79] : memref<128x1xf32, #tpu.memory_space<vmem>>, vector<128x1xf32>
    %dot_general3A_81 = arith.constant dense<0.000000e+00> : vector<512x1xf32>
    %dot_general3A_82 = tpu.matmul %max3A_77, %get3A_80, %dot_general3A_81 {dimension_numbers = #tpu.dot_dimension_numbers<[1], [0], [0], [1], [0, 0, 1, 1], [], []>, transpose_lhs_hint = false} : vector<512x128xf32>, vector<128x1xf32>, vector<512x1xf32> -> vector<512x1xf32>
    %get3A_83 = arith.constant 0 : index
    %get3A_84 = arith.constant 0 : index
    %get3A_85 = vector.load %arg15[%get3A_83, %get3A_84] : memref<1x1xf32, #tpu.memory_space<vmem>>, vector<1x1xf32>
    %add3A_86 = vector.broadcast %get3A_85 : vector<1x1xf32> to vector<512x1xf32>
    %add3A_87 = arith.addf %dot_general3A_82, %add3A_86 : vector<512x1xf32>
    %broadcast_in_dim3A_88 = vector.shape_cast %add3A_87 : vector<512x1xf32> to vector<512x1xf32>
    %broadcast_in_dim3A_89 = vector.broadcast %broadcast_in_dim3A_88 : vector<512x1xf32> to vector<512x128xf32>
    %swap3A = arith.constant 0 : index
    %swap3A_90 = arith.constant 0 : index
    %swap3A_91 = vector.load %arg16[%swap3A, %swap3A_90] : memref<512x128xf32, #tpu.memory_space<vmem>>, vector<512x128xf32>
    tpu.vector_store %arg16[%swap3A, %swap3A_90], %broadcast_in_dim3A_89 {strides = array<i32>} : memref<512x128xf32, #tpu.memory_space<vmem>>, vector<512x128xf32>,
    return
  }
}

</mosaic_0001>

<sc_bundles>
// kernel: kernel.11.cloned.1.call-start
scs
__scs_entry_jumppad:
0x0: {  	(pc) =	sbr.rel $0x88, $3  }
0x1: {  	(tag) =	ssettag $0x0;
	lr =	simm.s32 $0x1  }
0x2: {  	[smem:$0x3F8A] =	sst lr;
	_ =	strace $0xD0000000  }
0x3: {  	_ = 	snop  }
0x4: {  	_ = 	snop  }
0x5: {  	_ = 	snop  }
0x6: {  	_ = 	snop  }
0x7: {  	_ = 	snop  }
__scs_overlays_trampoline_lowered:
0x8: {  	[smem:$0x3F99] =	sst s0  }
0x9: {  	[smem:$0x3F9A] =	sst s1  }
0xa: {  	[smem:$0x3F9B] =	sst s2  }
0xb: {  	[smem:$0x3F9C] =	sst s3  }
0xc: {  	[smem:$0x3F9D] =	sst s4  }
0xd: {  	[smem:$0x3F9E] =	sst s5  }
0xe: {  	[smem:$0x3F9F] =	sst s6  }
0xf: {  	[smem:$0x3FA0] =	sst s7  }
0x10: {  	[smem:$0x3FA1] =	sst s8  }
0x11: {  	[smem:$0x3FA2] =	sst s9;
	s0 =	simm.s32 @!p0 $0x0  }
0x12: {  	s1 =	sld [smem:$0x3F88];
	s0 =	simm.s32 @p0 $0x1  }
0x13: {  	[smem:$0x3FA3] =	sst s0;
	s0 =	simm.s32 @!p1 $0x0  }
0x14: {  	s2 =	sld [smem:$0x3F87];
	s0 =	simm.s32 @p1 $0x1  }
0x15: {  	[smem:$0x3FA4] =	sst s0;
	s0 =	simm.s32 @!p2 $0x0  }
0x16: {  	s3 =	sld [smem:$0x3FDB];
	s0 =	simm.s32 @p2 $0x1  }
0x17: {  	s4 =	simm.s32 $0x1BF5;
	[smem:$0x3FA6] =	sst s0  }
0x18: {  	s0 =	sld [smem:$0x3F89];
	_ =	swait.ge [sflag:s4], $0x0  }
0x19: {  	s7 =	sld [smem:$0x3F8A]  }
0x1a: {  	s8 =	sadd.s32 $0xFFFFE003, lr  }
0x1b: {  	s9 =	sadd.s32 $0xFFFFFEF7, lr;
	s5 =	simm.s32 $0xFFFFFFFF;
	p2 =	slt.u32 s8, $0xFFFFF086  }
0x1c: {  	p1 =	slt.u32 s9, $0xF7A;
	s5 =	simm.s32 @!p2 $0x0  }
0x1d: {  	s5 =	simm.s32 @p1 $0x1;
	p0 =	seq.s32 s7, s2  }
0x1e: {  	s7 =	smul.u32 @!p0 $0xF7A, s2;
	p2 =	seq.s32 @!p0 s5, $0x0  }
0x1f: {  	s9 =	smul.u32 $0xF7A, s1;
	s8 =	simm.s32 @!p0 $0x1BF5;
	p2 =	por !p2, p0  }
0x20: {  	[sflag:s8] =	ssyncset.s32 @!p0 $0xFFFFF086;
	s6 =	sadd.s32 @!p0 s3, s7;
	s7 =	simm.s32 @!p0 $0x108  }
0x21: {  	s3 =	sadd.s32 s3, s9;
	s6 =	sadd.s32 @!p0 $0x88, s6;
	s7 =	simm.s32 @p2 $0x1082  }
0x22: {  	[simem:s7], [sflag:s8] =	dma.local @!p0 [hbm:s6], $0xF7A  }
0x23: {  	s9 =	sor.u32 $0xD0000000, s2;
	s6 =	simm.s32 $0x108;
	_ =	swait.ge @!p0 [sflag:s8], $0x0  }
0x24: {  	s3 =	sadd.s32 $0x88, s3;
	s6 =	simm.s32 @!p1 $0x1082;
	[sflag:s4] =	ssyncset.s32 $0xFFFFF086  }
0x25: {  	[simem:s6], [sflag:s4] =	dma.local [hbm:s3], $0xF7A  }
0x26: {  	[smem:$0x3F8A] =	sst s1;
	(tag) =	ssettag s2;
	_ =	strace s9  }
0x27: {  	s1 =	sld [smem:$0x3F9A]  }
0x28: {  	s2 =	sld [smem:$0x3F9B]  }
0x29: {  	s4 =	sld [smem:$0x3F9D]  }
0x2a: {  	p0 =	seq.s32 s5, $0x0;
	s5 =	sld [smem:$0x3F9E]  }
0x2b: {  	s6 =	sld [smem:$0x3F9F]  }
0x2c: {  	s7 =	sld [smem:$0x3FA0]  }
0x2d: {  	s3 =	simm.s32 $0x108;
	s8 =	sld [smem:$0x3FA1]  }
0x2e: {  	s3 =	simm.s32 @!p0 $0x1082;
	s9 =	sld [smem:$0x3FA2]  }
0x2f: {  	lr =	sadd.s32 s0, s3;
	s0 =	sld [smem:$0x3F99]  }
0x30: {  	s3 =	sld [smem:$0x3F9C]  }
0x31: {  	[smem:$0x3FA5] =	sst s10  }
0x32: {  	s10 =	sld [smem:$0x3FA3];
	_ =	sdelay $0x3  }
0x33: {  	p0 =	seq.s32 s10, $0x1;
	s10 =	sld [smem:$0x3FA5];
	_ =	sdelay $0x3  }
0x34: {  	[smem:$0x3FA5] =	sst s10  }
0x35: {  	s10 =	sld [smem:$0x3FA4];
	_ =	sdelay $0x3  }
0x36: {  	p1 =	seq.s32 s10, $0x1;
	s10 =	sld [smem:$0x3FA5];
	_ =	sdelay $0x3  }
0x37: {  	[smem:$0x3FA5] =	sst s10  }
0x38: {  	s10 =	sld [smem:$0x3FA6]  }
0x39: {  	_ = 	snop;
	(pc) =	sbr.ind lr, $3  }
0x3a: {  	_ = 	snop  }
0x3b: {  	_ = 	snop  }
0x3c: {  	p2 =	seq.s32 s10, $0x1;
	s10 =	sld [smem:$0x3FA5]  }
0x3d: {  	_ =	shalt  }
0x3e: {  	_ =	shalt  }
0x3f: {  	_ =	shalt  }
0x40: {  	_ =	shalt  }
0x41: {  	_ =	shalt  }
0x42: {  	_ =	shalt  }
0x43: {  	_ =	shalt  }
0x44: {  	_ =	shalt  }
0x45: {  	_ =	shalt  }
0x46: {  	_ =	shalt  }
0x47: {  	_ =	shalt  }
0x48: {  	_ =	shalt  }
0x49: {  	_ =	shalt  }
0x4a: {  	_ =	shalt  }
0x4b: {  	_ =	shalt  }
0x4c: {  	_ =	shalt  }
0x4d: {  	_ =	shalt  }
0x4e: {  	_ =	shalt  }
0x4f: {  	_ =	shalt  }
0x50: {  	_ =	shalt  }
0x51: {  	_ =	shalt  }
0x52: {  	_ =	shalt  }
0x53: {  	_ =	shalt  }
0x54: {  	_ =	shalt  }
0x55: {  	_ =	shalt  }
0x56: {  	_ =	shalt  }
0x57: {  	_ =	shalt  }
0x58: {  	_ =	shalt  }
0x59: {  	_ =	shalt  }
0x5a: {  	_ =	shalt  }
0x5b: {  	_ =	shalt  }
0x5c: {  	_ =	shalt  }
0x5d: {  	_ =	shalt  }
0x5e: {  	_ =	shalt  }
0x5f: {  	_ =	shalt  }
0x60: {  	_ =	shalt  }
0x61: {  	_ =	shalt  }
0x62: {  	_ =	shalt  }
0x63: {  	_ =	shalt  }
0x64: {  	_ =	shalt  }
0x65: {  	_ =	shalt  }
0x66: {  	_ =	shalt  }
0x67: {  	_ =	shalt  }
0x68: {  	_ =	shalt  }
0x69: {  	_ =	shalt  }
0x6a: {  	_ =	shalt  }
0x6b: {  	_ =	shalt  }
0x6c: {  	_ =	shalt  }
0x6d: {  	_ =	shalt  }
0x6e: {  	_ =	shalt  }
0x6f: {  	_ =	shalt  }
0x70: {  	_ =	shalt  }
0x71: {  	_ =	shalt  }
0x72: {  	_ =	shalt  }
0x73: {  	_ =	shalt  }
0x74: {  	_ =	shalt  }
0x75: {  	_ =	shalt  }
0x76: {  	_ =	shalt  }
0x77: {  	_ =	shalt  }
0x78: {  	_ =	shalt  }
0x79: {  	_ =	shalt  }
0x7a: {  	_ =	shalt  }
0x7b: {  	_ =	shalt  }
0x7c: {  	_ =	shalt  }
0x7d: {  	_ =	shalt  }
0x7e: {  	_ =	shalt  }
0x7f: {  	_ =	shalt  }
0x80: {  	_ =	shalt  }
0x81: {  	_ =	shalt  }
0x82: {  	_ =	shalt  }
0x83: {  	_ =	shalt  }
0x84: {  	_ =	shalt  }
0x85: {  	_ =	shalt  }
0x86: {  	_ =	shalt  }
0x87: {  	_ =	shalt  }
.Lfunc_end0:
.L_simem_size_0:
called_computation_lowered:
.L_overlay_start_0:
0x88: {  	s2 =	sld [smem:$0x3FD9]  }
0x89: {  	s3 =	sld [smem:$0x3FFE];
	_ =	sdelay $0x1  }
0x8a: {  	s1 =	srdreg.scid  }
0x8b: {  	s0 =	sand.u32 $0x1, s1  }
0x8c: {  	s17 =	sshll.u32 s0, $0xA;
	s2 =	sadd.s32 s3, s2  }
0x8d: {  	s2 =	sadd.s32 s2, s17  }
0x8e: {  	[smem:$0x3FB1] =	sst s2  }
0x8f: {  	_ = 	snop  }
0x90: {  	(tm) =	ssettm $0x1  }
0x91: {  	s18 =	sld [smem:$0x3FFB];
	_ =	sdelay $0x3  }
0x92: {  	_ =	strace s18  }
0x93: {  	s2 =	sld [smem:$0x3FFC];
	_ =	sdelay $0x3  }
0x94: {  	_ =	strace s2  }
0x95: {  	s2 =	sld [smem:$0x3FFD];
	_ =	sdelay $0x3  }
0x96: {  	_ =	strace s2  }
0x97: {  	_ =	strace $0x8FFFFFFF  }
0x98: {  	s19 =	sld [smem:$0x3FDB];
	_ =	sdelay $0x1  }
0x99: {  	s20 =	simm.s32 $_scs_section_size  }
0x9a: {  	s4 =	simm.s32 $_size__tile_overlayer_lowered;
	s5 =	simm.s32 $_tile_overlayer_lowered  }
0x9b: {  	s6 =	simm.s32 $0x1BFF;
	s21 =	sshll.u32 s5, $0x1;
	s3 =	sadd.s32 s20, s19  }
0x9c: {  	s22 =	simm.s32 $0x0;
	s4 =	sshll.u32 s4, $0x1;
	s5 =	sadd.s32 s21, s3  }
0x9d: {  	[timem:s22], [sflag:s6] =	dma.local [hbm:s5], s4  }
0x9e: {  	_ =	swait.ge [sflag:s6], s4  }
0x9f: {  	s4 =	ssub.s32 $0x0, s4;
	[sflag:s6] =	ssyncset.done $0x0  }
0xa0: {  	[sflag:s6] =	ssyncadd.s32 s4;
	_ =	sdelay $0x1  }
0xa1: {  	s23 =	simm.s32 $0x1B8B  }
0xa2: {  	_ =	swait.ge [sflag:s23], $0x1  }
0xa3: {  	[sflag:s23] =	ssyncset.done $0x0  }
0xa4: {  	[sflag:s23] =	ssyncadd.s32 $0xFFFFFFFF  }
0xa5: {  	s4 =	sld [smem:$0x0]  }
0xa6: {  	s5 =	sand.u32 $0xFFFFFFFE, s1  }
0xa7: {  	p0 =	sne.s32 s1, s5  }
0xa8: {  	s5 =	sshll.u32 @p0 s5, $0xE  }
0xa9: {  	s5 =	sadd.s32 @p0 $0x11B8D, s5;
	s6 =	sshll.u32 @p0 s4, $0x11  }
0xaa: {  	s5 =	sor.u32 @p0 s6, s5  }
0xab: {  	[sflag:s5] =	ssyncadd.remote.s32 @p0 $0x1;
	_ =	sdelay $0x1  }
0xac: {  	s5 =	simm.s32 @p0 $0x1B8D  }
0xad: {  	_ =	swait.eq @p0 [sflag:s5], $0x1  }
0xae: {  	[sflag:s5] =	ssyncadd.s32 @p0 $0xFFFFFFFF  }
0xaf: {  	s6 =	sshll.u32 @!p0 s1, $0xE  }
0xb0: {  	s6 =	sor.u32 @!p0 $0x4000, s6;
	s5 =	simm.s32 @!p0 $0x1B8D  }
0xb1: {  	s4 =	sshll.u32 @!p0 s4, $0x11;
	s6 =	sadd.s32 @!p0 $0x11B8D, s6;
	_ =	swait.eq @!p0 [sflag:s5], $0x1  }
0xb2: {  	s4 =	sor.u32 @!p0 s4, s6;
	[sflag:s5] =	ssyncadd.s32 @!p0 $0xFFFFFFFF  }
0xb3: {  	s25 =	simm.s32 $0x1B8E;
	s24 =	sld [smem:$0x3FFE];
	[sflag:s4] =	ssyncadd.remote.s32 @!p0 $0x1  }
0xb4: {  	s26 =	simm.s32 $execute0_lowered;
	[smem:$0x3FD2] =	sst s25  }
0xb5: {  	s5 =	sshll.u32 s26, $0x1;
	_ =	strace $0x80000049;
	[dreg:$0x1] =	wrdreg $0xFFFFFFFF  }
0xb6: {  	s28 =	simm.s32 $_size_execute0_lowered;
	s3 =	sadd.s32 s3, s5;
	[dreg:$0x0] =	wrdreg $0x0  }
0xb7: {  	s5 =	sshll.u32 s28, $0x1;
	[dreg:$0x2] =	wrdreg s3  }
0xb8: {  	[dreg:$0x3] =	wrdreg s5  }
0xb9: {  	[dreg:$0x4] =	wrdreg $0xC0  }
0xba: {  	_ =	task [dreg:s22], $0x5FFFF  }
0xbb: {  	[dreg:$0x1] =	wrdreg $0xFFFFFFFF  }
0xbc: {  	[dreg:$0x0] =	wrdreg $0x60  }
0xbd: {  	[dreg:$0x2] =	wrdreg s24  }
0xbe: {  	[dreg:$0x3] =	wrdreg $0x9  }
0xbf: {  	_ =	task.clear_ibuf [dreg:s22], $0x4FFFF;
	_ =	strace $0x90000049  }
0xc0: {  	s29 =	simm.s32 $0x9;
	_ =	strace $0x8000004B  }
0xc1: {  	_ =	swait.ge [sflag:s29], $0x1  }
0xc2: {  	[sflag:s29] =	ssyncadd.s32 $0xFFFFFFFF  }
0xc3: {  	_ =	strace $0x9000004B  }
0xc4: {  	_ =	sfence  }
0xc5: {  	s30 =	sld [smem:$0x0];
	_ =	sdelay $0x2  }
0xc6: {  	s31 =	sshll.u32 s1, $0xD;
	s1 =	sshrl.u32 s1, $0x2  }
0xc7: {  	s4 =	sand.u32 $0x4000, s31;
	s1 =	sadd.s32 s1, s30  }
0xc8: {  	s0 =	sor.u32 s4, s0;
	s1 =	sshll.u32 s1, $0x11  }
0xc9: {  	s0 =	sor.u32 s1, s0  }
0xca: {  	s0 =	sadd.s32 $0x8F2B, s0  }
0xcb: {  	[sflag:s0] =	ssyncadd.remote.s32 $0x1  }
0xcc: {  	_ =	sfence.sel $0xFFFF  }
0xcd: {  	[dreg:$0x0] =	wrdreg $0xFFFFFFFF;
	(pc) =	sbr.abs _section_cstart, $3  }
0xce: {  	[dreg:$0x1] =	wrdreg $0xFFFFFFFF  }
0xcf: {  	_ =	task.clear_ibuf [dreg:s22], $0x2FFFF;
	_ =	strace $0x9FFFFFFF  }
0xd0: {  	(tm) =	ssettm $0x7FFFFFFF  }
0xd1: {  	_ =	shalt  }
tec
execute0_lowered:
.L_overlay_start_1:
0x0: {  	(tag) =	ssettag $0x1  }
0x1: {  	s0 =	srdreg.scid  }
0x2: {  	s3 =	rddreg [dreg:$0x0];
	s1 =	stileid.u32;
	s2 =	simm.s32 $0x0  }
0x3: {  	s7 =	simm.s32 $0x1;
	s8 =	simm.s32 $0x4000;
	s4 =	sand.u32 $0x1, s0  }
0x4: {  	s9 =	simm.s32 $0x0;
	s5 =	sshll.u32 s1, $0xC;
	s6 =	sshll.u32 s4, $0xB  }
0x5: {  	s0 =	rddreg [dreg:$0x1];
	s4 =	ssub.s32 $0x2, s4;
	s5 =	sor.u32 s6, s5  }
0x6: {  	[smem:$0x7FF] =	sst s2;
	s30 =	sshrl.u32 s4, $0x1;
	s5 =	sadd.s32 s5, s3  }
0x7: {  	_ =	strace $0x8000004A;
	s31 =	ssub.s32 s4, s30;
	s3 =	sadd.s32 $0x6FA00, s5  }
0x8: {  	s4 =	sadd.s32 $0x7FA00, s5;
	s5 =	sadd.s32 $0x8FA00, s5;
	s6 =	smax.u32 s31, $0x1  }
.LBB2_1:
0x9: {  	[tilespmem:s2], [sflag:$0x1] =	stream.linear.gather [hbm4b:s3+s2], $0x3E80, $0x38;
	[tilespmem:$0x8000] =	vst v63  }
0xa: {  	_ =	swait.ge [sflag:s7], $0x3E80  }
0xb: {  	[sflag:s7] =	ssyncset.done $0x0  }
0xc: {  	[sflag:s7] =	ssyncadd.s32 $0xFFFFC180  }
0xd: {  	[tilespmem:s8], [sflag:$0x1] =	stream.linear.gather [hbm4b:s4+s2], $0x3E80, $0x38;
	[tilespmem:$0x8000] =	vst v63  }
0xe: {  	_ =	swait.ge [sflag:s7], $0x3E80  }
0xf: {  	[sflag:s7] =	ssyncset.done $0x0  }
0x10: {  	s10 =	simm.s32 $0x0;
	[sflag:s7] =	ssyncadd.s32 $0xFFFFC180  }
0x11: {  	v4 =	vld [tilespmem:s10+$0x4000]  }
0x12: {  	v3 =	vld [tilespmem:s10+$0x4010]  }
0x13: {  	v2 =	vld [tilespmem:s10+$0x4020]  }
0x14: {  	v1 =	vld [tilespmem:s10+$0x4030]  }
0x15: {  	v0 =	vld [tilespmem:s10+$0x4040]  }
0x16: {  	v6 =	vld [tilespmem:s10+$0x0]  }
0x17: {  	s11 =	simm.s32 $0x200;
	v5 =	vld [tilespmem:s10+$0x10]  }
.LBB2_2:
0x18: {  	p0 =	sne.s32 s11, $0xF800;
	v7 =	vld [tilespmem:s10+$0x20]  }
0x19: {  	v8 =	vmul.u32 $0x2710, v4;
	v9 =	vld [tilespmem:s10+$0x30]  }
0x1a: {  	s12 =	sshra.s32 s11, $0x2;
	v10 =	vmul.u32 $0x2710, v3;
	v11 =	vld [tilespmem:s10+$0x40]  }
0x1b: {  	v4 =	vld [tilespmem:s12+$0x4000];
	v6 =	vadd.s32 v6, v8;
	v8 =	vmul.u32 $0x2710, v2  }
0x1c: {  	v3 =	vld [tilespmem:s12+$0x4010];
	[tilespmem:s10+$0x0] =	vst v6;
	v5 =	vadd.s32 v5, v10;
	v6 =	vmul.u32 $0x2710, v1  }
.Ltmp0:
0x1d: {  	v2 =	vld [tilespmem:s12+$0x4020];
	[tilespmem:s10+$0x10] =	vst v5;
	v5 =	vadd.s32 v7, v8;
	v7 =	vmul.u32 $0x2710, v0;
	(pc) =	sbr.rel @p0 .LBB2_2-.Ltmp0, $4  }
0x1e: {  	v1 =	vld [tilespmem:s12+$0x4030];
	[tilespmem:s10+$0x20] =	vst v5;
	v5 =	vadd.s32 v9, v6  }
0x1f: {  	v0 =	vld [tilespmem:s12+$0x4040];
	[tilespmem:s10+$0x30] =	vst v5;
	v5 =	vadd.s32 v11, v7  }
0x20: {  	v6 =	vld [tilespmem:s12+$0x0];
	[tilespmem:s10+$0x40] =	vst v5;
	s10 =	smov.u32 s12  }
0x21: {  	s11 =	sadd.s32 $0x200, s11;
	v5 =	vld [tilespmem:s10+$0x10]  }
0x22: {  	v7 =	vld [tilespmem:s10+$0x20]  }
0x23: {  	v4 =	vmul.u32 $0x2710, v4;
	v8 =	vld [tilespmem:s10+$0x30]  }
0x24: {  	v3 =	vmul.u32 $0x2710, v3;
	v9 =	vld [tilespmem:s10+$0x40]  }
0x25: {  	v2 =	vmul.u32 $0x2710, v2;
	v4 =	vadd.s32 v6, v4  }
0x26: {  	v1 =	vmul.u32 $0x2710, v1;
	[tilespmem:s10+$0x0] =	vst v4;
	v3 =	vadd.s32 v5, v3  }
0x27: {  	v0 =	vmul.u32 $0x2710, v0;
	[tilespmem:s10+$0x10] =	vst v3;
	v2 =	vadd.s32 v7, v2  }
0x28: {  	s9 =	sadd.s32 $0x1, s9;
	v1 =	vadd.s32 v8, v1;
	[tilespmem:s10+$0x20] =	vst v2  }
0x29: {  	p0 =	sne.s32 s9, s6;
	v0 =	vadd.s32 v9, v0;
	[tilespmem:s10+$0x30] =	vst v1  }
.Ltmp1:
0x2a: {  	[tilespmem:s10+$0x40] =	vst v0;
	(pc) =	sbr.rel @p0 .LBB2_1-.Ltmp1, $4  }
0x2b: {  	[hbm4b:s5+s2] =	stream.linear.scatter [tilespmem:s2], [sflag:$0x1], $0x3E80, $0x38;
	[tilespmem:$0x8000] =	vst v63  }
0x2c: {  	_ =	swait.ge [sflag:s7], $0x3E80  }
0x2d: {  	[sflag:s7] =	ssyncset.done $0x0  }
0x2e: {  	[sflag:s7] =	ssyncadd.s32 $0xFFFFC180  }
0x2f: {  	_ =	sfence.sel $0x180000  }
0x30: {  	[bflag:$0x0] =	sbarrier.arrive $0xFFFF  }
0x31: {  	p0 =	sne.s32 s1, $0x0;
	_ =	strace $0x9000004A  }
0x32: {  	s0 =	sadd.s32 @!p0 $0x100000, s0;
	[bflag:$0x2] =	sbarrier.arrive $0xFFFF  }
0x33: {  	[sflag:s0] =	ssyncadd.tile.s32 @!p0 $0x1;
	_ =	shalt  }
.Lfunc_end2:
_tile_overlayer_lowered:
.L_overlay_start_2:
0x34: {  	(tag) =	ssettag $0x2  }
0x35: {  	s0 =	rddreg [dreg:$0x0];
	s2 =	stileid.u32  }
0x36: {  	s1 =	rddreg [dreg:$0x1];
	p0 =	sne.s32 s2, $0x0  }
0x37: {  	s3 =	rddreg [dreg:$0x2];
	[bflag:$0x3] =	sbarrier.arrive $0xFFFF;
	s2 =	simm.s32 @!p0 $0x1C01  }
0x38: {  	[timem:s3], [sflag:s2] =	dma.local @!p0 [hbm:s0], s1  }
0x39: {  	s0 =	simm.s32 @!p0 $0x1  }
0x3a: {  	_ =	swait.ge @!p0 [sflag:s0], s1  }
0x3b: {  	s1 =	ssub.s32 @!p0 $0x0, s1;
	[sflag:s0] =	ssyncset.done @!p0 $0x0  }
0x3c: {  	[sflag:s0] =	ssyncadd.s32 @!p0 s1  }
0x3d: {  	[bflag:$0x3] =	sbarrier.arrive $0xFFFF  }
0x3e: {  	_ =	shalt  }

// kernel: kernel.14.cloned.1.call-start
scs
__scs_entry_jumppad:
0x0: {  	(pc) =	sbr.rel $0x88, $3  }
0x1: {  	(tag) =	ssettag $0x0;
	lr =	simm.s32 $0x1  }
0x2: {  	[smem:$0x3F8A] =	sst lr;
	_ =	strace $0xD0000000  }
0x3: {  	_ = 	snop  }
0x4: {  	_ = 	snop  }
0x5: {  	_ = 	snop  }
0x6: {  	_ = 	snop  }
0x7: {  	_ = 	snop  }
__scs_overlays_trampoline_lowered:
0x8: {  	[smem:$0x3F99] =	sst s0  }
0x9: {  	[smem:$0x3F9A] =	sst s1  }
0xa: {  	[smem:$0x3F9B] =	sst s2  }
0xb: {  	[smem:$0x3F9C] =	sst s3  }
0xc: {  	[smem:$0x3F9D] =	sst s4  }
0xd: {  	[smem:$0x3F9E] =	sst s5  }
0xe: {  	[smem:$0x3F9F] =	sst s6  }
0xf: {  	[smem:$0x3FA0] =	sst s7  }
0x10: {  	[smem:$0x3FA1] =	sst s8  }
0x11: {  	[smem:$0x3FA2] =	sst s9;
	s0 =	simm.s32 @!p0 $0x0  }
0x12: {  	s1 =	sld [smem:$0x3F88];
	s0 =	simm.s32 @p0 $0x1  }
0x13: {  	[smem:$0x3FA3] =	sst s0;
	s0 =	simm.s32 @!p1 $0x0  }
0x14: {  	s2 =	sld [smem:$0x3F87];
	s0 =	simm.s32 @p1 $0x1  }
0x15: {  	[smem:$0x3FA4] =	sst s0;
	s0 =	simm.s32 @!p2 $0x0  }
0x16: {  	s3 =	sld [smem:$0x3FDB];
	s0 =	simm.s32 @p2 $0x1  }
0x17: {  	s4 =	simm.s32 $0x1BF5;
	[smem:$0x3FA6] =	sst s0  }
0x18: {  	s0 =	sld [smem:$0x3F89];
	_ =	swait.ge [sflag:s4], $0x0  }
0x19: {  	s7 =	sld [smem:$0x3F8A]  }
0x1a: {  	s8 =	sadd.s32 $0xFFFFE003, lr  }
0x1b: {  	s9 =	sadd.s32 $0xFFFFFEF7, lr;
	s5 =	simm.s32 $0xFFFFFFFF;
	p2 =	slt.u32 s8, $0xFFFFF086  }
0x1c: {  	p1 =	slt.u32 s9, $0xF7A;
	s5 =	simm.s32 @!p2 $0x0  }
0x1d: {  	s5 =	simm.s32 @p1 $0x1;
	p0 =	seq.s32 s7, s2  }
0x1e: {  	s7 =	smul.u32 @!p0 $0xF7A, s2;
	p2 =	seq.s32 @!p0 s5, $0x0  }
0x1f: {  	s9 =	smul.u32 $0xF7A, s1;
	s8 =	simm.s32 @!p0 $0x1BF5;
	p2 =	por !p2, p0  }
0x20: {  	[sflag:s8] =	ssyncset.s32 @!p0 $0xFFFFF086;
	s6 =	sadd.s32 @!p0 s3, s7;
	s7 =	simm.s32 @!p0 $0x108  }
0x21: {  	s3 =	sadd.s32 s3, s9;
	s6 =	sadd.s32 @!p0 $0x88, s6;
	s7 =	simm.s32 @p2 $0x1082  }
0x22: {  	[simem:s7], [sflag:s8] =	dma.local @!p0 [hbm:s6], $0xF7A  }
0x23: {  	s9 =	sor.u32 $0xD0000000, s2;
	s6 =	simm.s32 $0x108;
	_ =	swait.ge @!p0 [sflag:s8], $0x0  }
0x24: {  	s3 =	sadd.s32 $0x88, s3;
	s6 =	simm.s32 @!p1 $0x1082;
	[sflag:s4] =	ssyncset.s32 $0xFFFFF086  }
0x25: {  	[simem:s6], [sflag:s4] =	dma.local [hbm:s3], $0xF7A  }
0x26: {  	[smem:$0x3F8A] =	sst s1;
	(tag) =	ssettag s2;
	_ =	strace s9  }
0x27: {  	s1 =	sld [smem:$0x3F9A]  }
0x28: {  	s2 =	sld [smem:$0x3F9B]  }
0x29: {  	s4 =	sld [smem:$0x3F9D]  }
0x2a: {  	p0 =	seq.s32 s5, $0x0;
	s5 =	sld [smem:$0x3F9E]  }
0x2b: {  	s6 =	sld [smem:$0x3F9F]  }
0x2c: {  	s7 =	sld [smem:$0x3FA0]  }
0x2d: {  	s3 =	simm.s32 $0x108;
	s8 =	sld [smem:$0x3FA1]  }
0x2e: {  	s3 =	simm.s32 @!p0 $0x1082;
	s9 =	sld [smem:$0x3FA2]  }
0x2f: {  	lr =	sadd.s32 s0, s3;
	s0 =	sld [smem:$0x3F99]  }
0x30: {  	s3 =	sld [smem:$0x3F9C]  }
0x31: {  	[smem:$0x3FA5] =	sst s10  }
0x32: {  	s10 =	sld [smem:$0x3FA3];
	_ =	sdelay $0x3  }
0x33: {  	p0 =	seq.s32 s10, $0x1;
	s10 =	sld [smem:$0x3FA5];
	_ =	sdelay $0x3  }
0x34: {  	[smem:$0x3FA5] =	sst s10  }
0x35: {  	s10 =	sld [smem:$0x3FA4];
	_ =	sdelay $0x3  }
0x36: {  	p1 =	seq.s32 s10, $0x1;
	s10 =	sld [smem:$0x3FA5];
	_ =	sdelay $0x3  }
0x37: {  	[smem:$0x3FA5] =	sst s10  }
0x38: {  	s10 =	sld [smem:$0x3FA6]  }
0x39: {  	_ = 	snop;
	(pc) =	sbr.ind lr, $3  }
0x3a: {  	_ = 	snop  }
0x3b: {  	_ = 	snop  }
0x3c: {  	p2 =	seq.s32 s10, $0x1;
	s10 =	sld [smem:$0x3FA5]  }
0x3d: {  	_ =	shalt  }
0x3e: {  	_ =	shalt  }
0x3f: {  	_ =	shalt  }
0x40: {  	_ =	shalt  }
0x41: {  	_ =	shalt  }
0x42: {  	_ =	shalt  }
0x43: {  	_ =	shalt  }
0x44: {  	_ =	shalt  }
0x45: {  	_ =	shalt  }
0x46: {  	_ =	shalt  }
0x47: {  	_ =	shalt  }
0x48: {  	_ =	shalt  }
0x49: {  	_ =	shalt  }
0x4a: {  	_ =	shalt  }
0x4b: {  	_ =	shalt  }
0x4c: {  	_ =	shalt  }
0x4d: {  	_ =	shalt  }
0x4e: {  	_ =	shalt  }
0x4f: {  	_ =	shalt  }
0x50: {  	_ =	shalt  }
0x51: {  	_ =	shalt  }
0x52: {  	_ =	shalt  }
0x53: {  	_ =	shalt  }
0x54: {  	_ =	shalt  }
0x55: {  	_ =	shalt  }
0x56: {  	_ =	shalt  }
0x57: {  	_ =	shalt  }
0x58: {  	_ =	shalt  }
0x59: {  	_ =	shalt  }
0x5a: {  	_ =	shalt  }
0x5b: {  	_ =	shalt  }
0x5c: {  	_ =	shalt  }
0x5d: {  	_ =	shalt  }
0x5e: {  	_ =	shalt  }
0x5f: {  	_ =	shalt  }
0x60: {  	_ =	shalt  }
0x61: {  	_ =	shalt  }
0x62: {  	_ =	shalt  }
0x63: {  	_ =	shalt  }
0x64: {  	_ =	shalt  }
0x65: {  	_ =	shalt  }
0x66: {  	_ =	shalt  }
0x67: {  	_ =	shalt  }
0x68: {  	_ =	shalt  }
0x69: {  	_ =	shalt  }
0x6a: {  	_ =	shalt  }
0x6b: {  	_ =	shalt  }
0x6c: {  	_ =	shalt  }
0x6d: {  	_ =	shalt  }
0x6e: {  	_ =	shalt  }
0x6f: {  	_ =	shalt  }
0x70: {  	_ =	shalt  }
0x71: {  	_ =	shalt  }
0x72: {  	_ =	shalt  }
0x73: {  	_ =	shalt  }
0x74: {  	_ =	shalt  }
0x75: {  	_ =	shalt  }
0x76: {  	_ =	shalt  }
0x77: {  	_ =	shalt  }
0x78: {  	_ =	shalt  }
0x79: {  	_ =	shalt  }
0x7a: {  	_ =	shalt  }
0x7b: {  	_ =	shalt  }
0x7c: {  	_ =	shalt  }
0x7d: {  	_ =	shalt  }
0x7e: {  	_ =	shalt  }
0x7f: {  	_ =	shalt  }
0x80: {  	_ =	shalt  }
0x81: {  	_ =	shalt  }
0x82: {  	_ =	shalt  }
0x83: {  	_ =	shalt  }
0x84: {  	_ =	shalt  }
0x85: {  	_ =	shalt  }
0x86: {  	_ =	shalt  }
0x87: {  	_ =	shalt  }
.Lfunc_end0:
.L_simem_size_0:
called_computation.1_lowered:
.L_overlay_start_0:
0x88: {  	s2 =	sld [smem:$0x3FD9]  }
0x89: {  	s3 =	sld [smem:$0x3FFE];
	_ =	sdelay $0x1  }
0x8a: {  	s1 =	srdreg.scid  }
0x8b: {  	s0 =	sand.u32 $0x1, s1  }
0x8c: {  	s16 =	sshll.u32 s0, $0xA;
	s2 =	sadd.s32 s3, s2  }
0x8d: {  	s2 =	sadd.s32 s2, s16  }
0x8e: {  	[smem:$0x3FB1] =	sst s2  }
0x8f: {  	_ = 	snop  }
0x90: {  	(tm) =	ssettm $0x1  }
0x91: {  	s17 =	sld [smem:$0x3FFB];
	_ =	sdelay $0x3  }
0x92: {  	_ =	strace s17  }
0x93: {  	s2 =	sld [smem:$0x3FFC];
	_ =	sdelay $0x3  }
0x94: {  	_ =	strace s2  }
0x95: {  	s2 =	sld [smem:$0x3FFD];
	_ =	sdelay $0x3  }
0x96: {  	_ =	strace s2  }
0x97: {  	_ =	strace $0x8FFFFFFF  }
0x98: {  	s18 =	sld [smem:$0x3FDB];
	_ =	sdelay $0x1  }
0x99: {  	s19 =	simm.s32 $_scs_section_size  }
0x9a: {  	s4 =	simm.s32 $_size__tile_overlayer_lowered;
	s5 =	simm.s32 $_tile_overlayer_lowered  }
0x9b: {  	s22 =	simm.s32 $0x1BFF;
	s21 =	sshll.u32 s5, $0x1;
	s2 =	sadd.s32 s19, s18  }
0x9c: {  	s6 =	simm.s32 $0x0;
	s20 =	sshll.u32 s4, $0x1;
	s4 =	sadd.s32 s21, s2  }
0x9d: {  	[timem:s6], [sflag:s22] =	dma.local [hbm:s4], s20  }
0x9e: {  	_ =	swait.ge [sflag:s22], s20  }
0x9f: {  	s3 =	ssub.s32 $0x0, s20;
	[sflag:s22] =	ssyncset.done $0x0  }
0xa0: {  	[sflag:s22] =	ssyncadd.s32 s3;
	_ =	sdelay $0x1  }
0xa1: {  	s23 =	simm.s32 $0x1B8B  }
0xa2: {  	_ =	swait.ge [sflag:s23], $0x1  }
0xa3: {  	[sflag:s23] =	ssyncset.done $0x0  }
0xa4: {  	s25 =	simm.s32 $0x1B8E;
	s24 =	sld [smem:$0x3FFE];
	[sflag:s23] =	ssyncadd.s32 $0xFFFFFFFF  }
0xa5: {  	s26 =	simm.s32 $execute0_lowered;
	[smem:$0x3FD2] =	sst s25  }
0xa6: {  	s4 =	sshll.u32 s26, $0x1;
	_ =	strace $0x80000046;
	[dreg:$0x1] =	wrdreg $0xFFFFFFFF  }
0xa7: {  	s28 =	simm.s32 $_size_execute0_lowered;
	s2 =	sadd.s32 s2, s4;
	[dreg:$0x0] =	wrdreg $0x0  }
0xa8: {  	s4 =	sshll.u32 s28, $0x1;
	[dreg:$0x2] =	wrdreg s2  }
0xa9: {  	[dreg:$0x3] =	wrdreg s4  }
0xaa: {  	[dreg:$0x4] =	wrdreg $0xC0  }
0xab: {  	_ =	task [dreg:s6], $0x5FFFF  }
0xac: {  	[dreg:$0x1] =	wrdreg $0xFFFFFFFF  }
0xad: {  	[dreg:$0x0] =	wrdreg $0x60  }
0xae: {  	[dreg:$0x2] =	wrdreg s24  }
0xaf: {  	[dreg:$0x3] =	wrdreg $0xA1000  }
0xb0: {  	[dreg:$0x4] =	wrdreg $0xA  }
0xb1: {  	_ =	task.clear_ibuf [dreg:s6], $0x5FFFF;
	_ =	strace $0x90000046  }
0xb2: {  	s29 =	simm.s32 $0xA;
	_ =	strace $0x80000048  }
0xb3: {  	_ =	swait.ge [sflag:s29], $0x1  }
0xb4: {  	[sflag:s29] =	ssyncadd.s32 $0xFFFFFFFF  }
0xb5: {  	_ =	strace $0x90000048  }
0xb6: {  	_ =	sfence  }
0xb7: {  	s30 =	sld [smem:$0x0];
	_ =	sdelay $0x2  }
0xb8: {  	s31 =	sshll.u32 s1, $0xD;
	s1 =	sshrl.u32 s1, $0x2  }
0xb9: {  	s3 =	sand.u32 $0x4000, s31;
	s1 =	sadd.s32 s1, s30  }
0xba: {  	s0 =	sor.u32 s3, s0;
	s1 =	sshll.u32 s1, $0x11  }
0xbb: {  	s0 =	sor.u32 s1, s0  }
0xbc: {  	s0 =	sadd.s32 $0x8F2B, s0  }
0xbd: {  	[sflag:s0] =	ssyncadd.remote.s32 $0x1  }
0xbe: {  	_ =	sfence.sel $0xFFFF  }
0xbf: {  	[dreg:$0x0] =	wrdreg $0xFFFFFFFF;
	(pc) =	sbr.abs _section_cstart, $3  }
0xc0: {  	[dreg:$0x1] =	wrdreg $0xFFFFFFFF  }
0xc1: {  	_ =	task.clear_ibuf [dreg:s6], $0x2FFFF;
	_ =	strace $0x9FFFFFFF  }
0xc2: {  	(tm) =	ssettm $0x7FFFFFFF  }
0xc3: {  	_ =	shalt  }
tec
execute0_lowered:
.L_overlay_start_1:
0x0: {  	(tag) =	ssettag $0x1  }
0x1: {  	s11 =	rddreg [dreg:$0x0]  }
0x2: {  	s1 =	rddreg [dreg:$0x1]  }
0x3: {  	s0 =	rddreg [dreg:$0x2];
	s3 =	simm.s32 $0x0  }
0x4: {  	s4 =	srdreg.scid;
	s2 =	stileid.u32;
	s14 =	simm.s32 $0x1FA00  }
0x5: {  	s16 =	simm.s32 $0x100;
	s17 =	simm.s32 $0x1;
	s18 =	simm.s32 $0x2  }
0x6: {  	s19 =	simm.s32 $0x50;
	[smem:$0x7FF] =	sst s3;
	s8 =	sand.u32 $0x1, s4  }
0x7: {  	s5 =	sshll.u32 s2, $0x1;
	s6 =	smul.u32 $0x50000, s2;
	s4 =	sadd.s32 $0x501A00, s11  }
0x8: {  	s15 =	smul.u32 $0x2800, s2;
	_ =	strace $0x80000047;
	s12 =	sor.u32 s8, s5  }
0x9: {  	s7 =	ssub.s32 $0x2, s8;
	p0 =	seq.s32 s8, $0x1;
	s5 =	sshll.u32 s12, $0xB  }
0xa: {  	s6 =	sshrl.u32 s6, $0x2;
	s9 =	sshrl.u32 s7, $0x1;
	s31 =	smul.u32 $0x27100, s12  }
0xb: {  	s14 =	simm.s32 @!p0 $0x47A00;
	s10 =	sadd.s32 s5, s11;
	s5 =	sadd.s32 s6, s1  }
0xc: {  	s13 =	ssub.s32 s7, s9;
	s14 =	sadd.s32 s14, s11;
	s11 =	smul.u32 $0x7D, s12  }
0xd: {  	s6 =	sadd.s32 $0x5000, s5;
	s7 =	sadd.s32 $0xA000, s5;
	s8 =	sadd.s32 $0xF000, s5  }
0xe: {  	s9 =	sadd.s32 s4, s31;
	s10 =	sadd.s32 $0xFA00, s10;
	s12 =	smax.u32 s13, $0x1  }
0xf: {  	v0 =	vimm.f32 $0.0e+00;
	s13 =	sadd.s32 s14, s15;
	s14 =	simm.s32 $0x5100;
	s15 =	simm.s32 $0x3  }
.LBB2_1:
0x10: {  	s20 =	simm.s32 $0x0;
	s21 =	simm.s32 $0x200  }
.LBB2_2:
0x11: {  	p0 =	sne.s32 s21, $0x13E00;
	[tilespmem:s20+$0x5170] =	vst v0  }
0x12: {  	[tilespmem:s20+$0x5100] =	vst v0  }
0x13: {  	[tilespmem:s20+$0x5110] =	vst v0  }
.Ltmp0:
0x14: {  	[tilespmem:s20+$0x5120] =	vst v0;
	(pc) =	sbr.rel @p0 .LBB2_2-.Ltmp0, $4  }
0x15: {  	[tilespmem:s20+$0x5130] =	vst v0  }
0x16: {  	[tilespmem:s20+$0x5140] =	vst v0  }
0x17: {  	[tilespmem:s20+$0x5150] =	vst v0  }
0x18: {  	[tilespmem:s20+$0x5160] =	vst v0;
	s20 =	sshra.s32 s21, $0x2;
	s21 =	sadd.s32 $0x200, s21  }
0x19: {  	[tilespmem:s20+$0x5170] =	vst v0  }
0x1a: {  	[tilespmem:s20+$0x5100] =	vst v0  }
0x1b: {  	[tilespmem:s20+$0x5110] =	vst v0  }
0x1c: {  	[tilespmem:s20+$0x5120] =	vst v0  }
0x1d: {  	[tilespmem:s20+$0x5130] =	vst v0  }
0x1e: {  	[tilespmem:s20+$0x5140] =	vst v0  }
0x1f: {  	[tilespmem:s20+$0x5150] =	vst v0  }
0x20: {  	[tilespmem:s20+$0x5160] =	vst v0  }
0x21: {  	[spmem:s5] =	stream.linear.scatter [tilespmem:s14], [sflag:$0x3], $0x5000, $0x38;
	[tilespmem:$0x1E100] =	vst v63  }
0x22: {  	_ =	swait.ge [sflag:s15], $0x5000  }
0x23: {  	[sflag:s15] =	ssyncset.done $0x0  }
0x24: {  	[sflag:s15] =	ssyncadd.s32 $0xFFFFB000  }
0x25: {  	[spmem:s6] =	stream.linear.scatter [tilespmem:s14], [sflag:$0x3], $0x5000, $0x38;
	[tilespmem:$0x1E100] =	vst v63  }
0x26: {  	_ =	swait.ge [sflag:s15], $0x5000  }
0x27: {  	[sflag:s15] =	ssyncset.done $0x0  }
0x28: {  	[sflag:s15] =	ssyncadd.s32 $0xFFFFB000  }
0x29: {  	[spmem:s7] =	stream.linear.scatter [tilespmem:s14], [sflag:$0x3], $0x5000, $0x38;
	[tilespmem:$0x1E100] =	vst v63  }
0x2a: {  	_ =	swait.ge [sflag:s15], $0x5000  }
0x2b: {  	[sflag:s15] =	ssyncset.done $0x0  }
0x2c: {  	[sflag:s15] =	ssyncadd.s32 $0xFFFFB000  }
0x2d: {  	[spmem:s8] =	stream.linear.scatter [tilespmem:s14], [sflag:$0x3], $0x5000, $0x38;
	[tilespmem:$0x1E100] =	vst v63  }
0x2e: {  	_ =	swait.ge [sflag:s15], $0x5000  }
0x2f: {  	[sflag:s15] =	ssyncset.done $0x0  }
0x30: {  	[sflag:s15] =	ssyncadd.s32 $0xFFFFB000  }
0x31: {  	s20 =	simm.s32 $0x0;
	[bflag:$0x0] =	sbarrier.arrive $0xFFFF  }
0x32: {  	[tilespmem:s16], [sflag:$0x1] =	stream.linear.gather [hbm4b:s9+s20], $0x2800, $0x38;
	[tilespmem:$0x1E100] =	vst v63  }
0x33: {  	p0 =	por $0x0, $0x0  }
0x34: {  	[tilespmem:s20], [sflag:$0x2] =	stream.linear.gather [hbm4b:s10+s20], $0x80, $0x38;
	[tilespmem:$0x1E100] =	vst v63  }
.LBB2_4:
0x35: {  	s21 =	smov.u32 s20;
	_ =	swait.ge [sflag:s17], $0x2800  }
0x36: {  	s20 =	sadd.s32 $0x1, s20;
	s25 =	simm.s32 $0x1;
	p1 =	seq.s32 s21, $0x7C  }
0x37: {  	[sflag:s17] =	ssyncset.done $0x0;
	s25 =	simm.s32 @!p0 $0x0;
	s22 =	sand.u32 @!p1 $0x1, s20  }
0x38: {  	[sflag:s17] =	ssyncadd.s32 $0xFFFFD800;
	s23 =	sadd.s32 @!p1 s11, s20;
	s24 =	smul.u32 @!p1 $0xA000, s22  }
0x39: {  	s26 =	simm.s32 @!p1 $0x0;
	_ =	swait.ge [sflag:s18], $0x80;
	s23 =	smul.u32 @!p1 $0x500, s23  }
0x3a: {  	s29 =	smul.u32 $0xA000, s25;
	[sflag:s18] =	ssyncset.done $0x0;
	s24 =	sshrl.u32 @!p1 s24, $0x2  }
0x3b: {  	[sflag:s18] =	ssyncadd.s32 $0xFFFFFF80;
	s23 =	sadd.s32 @!p1 s4, s23;
	s24 =	sor.u32 @!p1 $0x100, s24  }
0x3c: {  	[tilespmem:s24], [sflag:$0x1] =	stream.linear.gather @!p1 [hbm4b:s23+s26], $0x2800, $0x38;
	[tilespmem:$0x1E100] =	vst v63  }
0x3d: {  	s24 =	sshrl.u32 s29, $0x2  }
0x3e: {  	s23 =	sshll.u32 @!p1 s20, $0x4;
	s30 =	sor.u32 $0x100, s24  }
0x3f: {  	s25 =	sand.u32 @!p1 $0xF80, s23;
	v2 =	vmov s30  }
0x40: {  	s23 =	sand.u32 @!p1 $0x70, s23;
	s25 =	sadd.s32 @!p1 s25, s10  }
0x41: {  	s22 =	sshll.u32 @!p1 s22, $0x7;
	s31 =	sadd.s32 $0x5100, s24;
	s23 =	sadd.s32 @!p1 s23, s25  }
0x42: {  	[tilespmem:s22], [sflag:$0x2] =	stream.linear.gather @!p1 [hbm4b:s23+s26], $0x80, $0x38;
	[tilespmem:$0x1E100] =	vst v63  }
0x43: {  	s21 =	sand.u32 $0x1, s21;
	v1 =	vmov s31;
	s22 =	simm.s32 $0x0;
	s23 =	simm.s32 $0x200  }
.LBB2_5:
0x44: {  	p1 =	sne.s32 s23, $0x9E00;
	v3 =	vld.idx.msk [tilespmem:v2+s22+$0x0 ss:$0x1], $0xffff;
	_ =	sdelay $0x1  }
.Ltmp1:
0x45: {  	(pc) =	sbr.rel @p1 .LBB2_5-.Ltmp1, $2  }
0x46: {  	_ =	sdelay $0x2  }
0x47: {  	[tilespmem:v1+s22+$0x0 ss:$0x1] =	vst.idx.msk $0xffff, v3;
	s22 =	sshra.s32 s23, $0x2;
	s23 =	sadd.s32 $0x200, s23  }
0x48: {  	_ =	sdelay $0x3  }
0x49: {  	v2 =	vld.idx.msk [tilespmem:v2+s22+$0x0 ss:$0x1], $0xffff;
	_ =	sdelay $0x1  }
0x4a: {  	s23 =	smul.u32 $0xA000, s21;
	_ =	sdelay $0x1  }
0x4b: {  	p1 =	sne.s32 s20, $0x7D;
	s23 =	sshrl.u32 s23, $0x2  }
.Ltmp2:
0x4c: {  	s31 =	sshll.u32 s21, $0x7;
	s30 =	sadd.s32 $0x5100, s23;
	[tilespmem:v1+s22+$0x0 ss:$0x1] =	vst.idx.msk $0xffff, v2;
	(pc) =	sbr.rel @p1 .LBB2_4-.Ltmp2, $4  }
0x4d: {  	[spmem:s1] =	stream.indirect.scatter.add.f32 [tilespmem:s30], [sflag:$0x3], $0x80, s31, s19, $0xb8;
	[tilespmem:$0x1E100] =	vst v63  }
0x4e: {  	_ =	swait.ge [sflag:s15], $0x2800  }
0x4f: {  	[sflag:s15] =	ssyncset.done $0x0  }
0x50: {  	p0 =	por !p0, !p0;
	[sflag:s15] =	ssyncadd.s32 $0xFFFFD800  }
0x51: {  	s3 =	sadd.s32 $0x1, s3  }
0x52: {  	s20 =	sshll.u32 s2, $0x6;
	[bflag:$0x0] =	sbarrier.arrive $0xFFFF;
	p0 =	sne.s32 s3, s12  }
.Ltmp3:
0x53: {  	s21 =	sshrl.u32 s5, $0x3;
	s20 =	sor.u32 $0x1C03, s20;
	(pc) =	sbr.rel @p0 .LBB2_1-.Ltmp3, $4  }
0x54: {  	[hbm:s13], [sflag:s20] =	dma.local [spmem:s21], $0x2800  }
0x55: {  	_ =	swait.ge [sflag:s15], $0x2800  }
0x56: {  	[sflag:s15] =	ssyncset.done $0x0  }
0x57: {  	[sflag:s15] =	ssyncadd.s32 $0xFFFFD800  }
0x58: {  	_ =	sfence.sel $0x180000  }
0x59: {  	[bflag:$0x0] =	sbarrier.arrive $0xFFFF  }
0x5a: {  	p0 =	sne.s32 s2, $0x0;
	_ =	strace $0x90000047  }
0x5b: {  	s0 =	sadd.s32 @!p0 $0x100000, s0;
	[bflag:$0x2] =	sbarrier.arrive $0xFFFF  }
0x5c: {  	[sflag:s0] =	ssyncadd.tile.s32 @!p0 $0x1;
	_ =	shalt  }
.Lfunc_end2:
_tile_overlayer_lowered:
.L_overlay_start_2:
0x5d: {  	(tag) =	ssettag $0x2  }
0x5e: {  	s0 =	rddreg [dreg:$0x0];
	s2 =	stileid.u32  }
0x5f: {  	s1 =	rddreg [dreg:$0x1];
	p0 =	sne.s32 s2, $0x0  }
0x60: {  	s3 =	rddreg [dreg:$0x2];
	[bflag:$0x3] =	sbarrier.arrive $0xFFFF;
	s2 =	simm.s32 @!p0 $0x1C03  }
0x61: {  	[timem:s3], [sflag:s2] =	dma.local @!p0 [hbm:s0], s1  }
0x62: {  	s0 =	simm.s32 @!p0 $0x3  }
0x63: {  	_ =	swait.ge @!p0 [sflag:s0], s1  }
0x64: {  	s1 =	ssub.s32 @!p0 $0x0, s1;
	[sflag:s0] =	ssyncset.done @!p0 $0x0  }
0x65: {  	[sflag:s0] =	ssyncadd.s32 @!p0 s1  }
0x66: {  	[bflag:$0x3] =	sbarrier.arrive $0xFFFF  }
0x67: {  	_ =	shalt  }

// kernel: kernel.17.cloned.1.call-start
scs
__scs_entry_jumppad:
0x0: {  	(pc) =	sbr.rel $0x88, $3  }
0x1: {  	(tag) =	ssettag $0x0;
	lr =	simm.s32 $0x1  }
0x2: {  	[smem:$0x3F8A] =	sst lr;
	_ =	strace $0xD0000000  }
0x3: {  	_ = 	snop  }
0x4: {  	_ = 	snop  }
0x5: {  	_ = 	snop  }
0x6: {  	_ = 	snop  }
0x7: {  	_ = 	snop  }
__scs_overlays_trampoline_lowered:
0x8: {  	[smem:$0x3F99] =	sst s0  }
0x9: {  	[smem:$0x3F9A] =	sst s1  }
0xa: {  	[smem:$0x3F9B] =	sst s2  }
0xb: {  	[smem:$0x3F9C] =	sst s3  }
0xc: {  	[smem:$0x3F9D] =	sst s4  }
0xd: {  	[smem:$0x3F9E] =	sst s5  }
0xe: {  	[smem:$0x3F9F] =	sst s6  }
0xf: {  	[smem:$0x3FA0] =	sst s7  }
0x10: {  	[smem:$0x3FA1] =	sst s8  }
0x11: {  	[smem:$0x3FA2] =	sst s9;
	s0 =	simm.s32 @!p0 $0x0  }
0x12: {  	s1 =	sld [smem:$0x3F88];
	s0 =	simm.s32 @p0 $0x1  }
0x13: {  	[smem:$0x3FA3] =	sst s0;
	s0 =	simm.s32 @!p1 $0x0  }
0x14: {  	s2 =	sld [smem:$0x3F87];
	s0 =	simm.s32 @p1 $0x1  }
0x15: {  	[smem:$0x3FA4] =	sst s0;
	s0 =	simm.s32 @!p2 $0x0  }
0x16: {  	s3 =	sld [smem:$0x3FDB];
	s0 =	simm.s32 @p2 $0x1  }
0x17: {  	s4 =	simm.s32 $0x1BF5;
	[smem:$0x3FA6] =	sst s0  }
0x18: {  	s0 =	sld [smem:$0x3F89];
	_ =	swait.ge [sflag:s4], $0x0  }
0x19: {  	s7 =	sld [smem:$0x3F8A]  }
0x1a: {  	s8 =	sadd.s32 $0xFFFFE003, lr  }
0x1b: {  	s9 =	sadd.s32 $0xFFFFFEF7, lr;
	s5 =	simm.s32 $0xFFFFFFFF;
	p2 =	slt.u32 s8, $0xFFFFF086  }
0x1c: {  	p1 =	slt.u32 s9, $0xF7A;
	s5 =	simm.s32 @!p2 $0x0  }
0x1d: {  	s5 =	simm.s32 @p1 $0x1;
	p0 =	seq.s32 s7, s2  }
0x1e: {  	s7 =	smul.u32 @!p0 $0xF7A, s2;
	p2 =	seq.s32 @!p0 s5, $0x0  }
0x1f: {  	s9 =	smul.u32 $0xF7A, s1;
	s8 =	simm.s32 @!p0 $0x1BF5;
	p2 =	por !p2, p0  }
0x20: {  	[sflag:s8] =	ssyncset.s32 @!p0 $0xFFFFF086;
	s6 =	sadd.s32 @!p0 s3, s7;
	s7 =	simm.s32 @!p0 $0x108  }
0x21: {  	s3 =	sadd.s32 s3, s9;
	s6 =	sadd.s32 @!p0 $0x88, s6;
	s7 =	simm.s32 @p2 $0x1082  }
0x22: {  	[simem:s7], [sflag:s8] =	dma.local @!p0 [hbm:s6], $0xF7A  }
0x23: {  	s9 =	sor.u32 $0xD0000000, s2;
	s6 =	simm.s32 $0x108;
	_ =	swait.ge @!p0 [sflag:s8], $0x0  }
0x24: {  	s3 =	sadd.s32 $0x88, s3;
	s6 =	simm.s32 @!p1 $0x1082;
	[sflag:s4] =	ssyncset.s32 $0xFFFFF086  }
0x25: {  	[simem:s6], [sflag:s4] =	dma.local [hbm:s3], $0xF7A  }
0x26: {  	[smem:$0x3F8A] =	sst s1;
	(tag) =	ssettag s2;
	_ =	strace s9  }
0x27: {  	s1 =	sld [smem:$0x3F9A]  }
0x28: {  	s2 =	sld [smem:$0x3F9B]  }
0x29: {  	s4 =	sld [smem:$0x3F9D]  }
0x2a: {  	p0 =	seq.s32 s5, $0x0;
	s5 =	sld [smem:$0x3F9E]  }
0x2b: {  	s6 =	sld [smem:$0x3F9F]  }
0x2c: {  	s7 =	sld [smem:$0x3FA0]  }
0x2d: {  	s3 =	simm.s32 $0x108;
	s8 =	sld [smem:$0x3FA1]  }
0x2e: {  	s3 =	simm.s32 @!p0 $0x1082;
	s9 =	sld [smem:$0x3FA2]  }
0x2f: {  	lr =	sadd.s32 s0, s3;
	s0 =	sld [smem:$0x3F99]  }
0x30: {  	s3 =	sld [smem:$0x3F9C]  }
0x31: {  	[smem:$0x3FA5] =	sst s10  }
0x32: {  	s10 =	sld [smem:$0x3FA3];
	_ =	sdelay $0x3  }
0x33: {  	p0 =	seq.s32 s10, $0x1;
	s10 =	sld [smem:$0x3FA5];
	_ =	sdelay $0x3  }
0x34: {  	[smem:$0x3FA5] =	sst s10  }
0x35: {  	s10 =	sld [smem:$0x3FA4];
	_ =	sdelay $0x3  }
0x36: {  	p1 =	seq.s32 s10, $0x1;
	s10 =	sld [smem:$0x3FA5];
	_ =	sdelay $0x3  }
0x37: {  	[smem:$0x3FA5] =	sst s10  }
0x38: {  	s10 =	sld [smem:$0x3FA6]  }
0x39: {  	_ = 	snop;
	(pc) =	sbr.ind lr, $3  }
0x3a: {  	_ = 	snop  }
0x3b: {  	_ = 	snop  }
0x3c: {  	p2 =	seq.s32 s10, $0x1;
	s10 =	sld [smem:$0x3FA5]  }
0x3d: {  	_ =	shalt  }
0x3e: {  	_ =	shalt  }
0x3f: {  	_ =	shalt  }
0x40: {  	_ =	shalt  }
0x41: {  	_ =	shalt  }
0x42: {  	_ =	shalt  }
0x43: {  	_ =	shalt  }
0x44: {  	_ =	shalt  }
0x45: {  	_ =	shalt  }
0x46: {  	_ =	shalt  }
0x47: {  	_ =	shalt  }
0x48: {  	_ =	shalt  }
0x49: {  	_ =	shalt  }
0x4a: {  	_ =	shalt  }
0x4b: {  	_ =	shalt  }
0x4c: {  	_ =	shalt  }
0x4d: {  	_ =	shalt  }
0x4e: {  	_ =	shalt  }
0x4f: {  	_ =	shalt  }
0x50: {  	_ =	shalt  }
0x51: {  	_ =	shalt  }
0x52: {  	_ =	shalt  }
0x53: {  	_ =	shalt  }
0x54: {  	_ =	shalt  }
0x55: {  	_ =	shalt  }
0x56: {  	_ =	shalt  }
0x57: {  	_ =	shalt  }
0x58: {  	_ =	shalt  }
0x59: {  	_ =	shalt  }
0x5a: {  	_ =	shalt  }
0x5b: {  	_ =	shalt  }
0x5c: {  	_ =	shalt  }
0x5d: {  	_ =	shalt  }
0x5e: {  	_ =	shalt  }
0x5f: {  	_ =	shalt  }
0x60: {  	_ =	shalt  }
0x61: {  	_ =	shalt  }
0x62: {  	_ =	shalt  }
0x63: {  	_ =	shalt  }
0x64: {  	_ =	shalt  }
0x65: {  	_ =	shalt  }
0x66: {  	_ =	shalt  }
0x67: {  	_ =	shalt  }
0x68: {  	_ =	shalt  }
0x69: {  	_ =	shalt  }
0x6a: {  	_ =	shalt  }
0x6b: {  	_ =	shalt  }
0x6c: {  	_ =	shalt  }
0x6d: {  	_ =	shalt  }
0x6e: {  	_ =	shalt  }
0x6f: {  	_ =	shalt  }
0x70: {  	_ =	shalt  }
0x71: {  	_ =	shalt  }
0x72: {  	_ =	shalt  }
0x73: {  	_ =	shalt  }
0x74: {  	_ =	shalt  }
0x75: {  	_ =	shalt  }
0x76: {  	_ =	shalt  }
0x77: {  	_ =	shalt  }
0x78: {  	_ =	shalt  }
0x79: {  	_ =	shalt  }
0x7a: {  	_ =	shalt  }
0x7b: {  	_ =	shalt  }
0x7c: {  	_ =	shalt  }
0x7d: {  	_ =	shalt  }
0x7e: {  	_ =	shalt  }
0x7f: {  	_ =	shalt  }
0x80: {  	_ =	shalt  }
0x81: {  	_ =	shalt  }
0x82: {  	_ =	shalt  }
0x83: {  	_ =	shalt  }
0x84: {  	_ =	shalt  }
0x85: {  	_ =	shalt  }
0x86: {  	_ =	shalt  }
0x87: {  	_ =	shalt  }
.Lfunc_end0:
.L_simem_size_0:
called_computation.2_lowered:
.L_overlay_start_0:
0x88: {  	s2 =	sld [smem:$0x3FD9]  }
0x89: {  	s3 =	sld [smem:$0x3FFE];
	_ =	sdelay $0x1  }
0x8a: {  	s1 =	srdreg.scid  }
0x8b: {  	s0 =	sand.u32 $0x1, s1  }
0x8c: {  	s16 =	sshll.u32 s0, $0xA;
	s2 =	sadd.s32 s3, s2  }
0x8d: {  	s2 =	sadd.s32 s2, s16  }
0x8e: {  	[smem:$0x3FB1] =	sst s2  }
0x8f: {  	_ = 	snop  }
0x90: {  	(tm) =	ssettm $0x1  }
0x91: {  	s17 =	sld [smem:$0x3FFB];
	_ =	sdelay $0x3  }
0x92: {  	_ =	strace s17  }
0x93: {  	s2 =	sld [smem:$0x3FFC];
	_ =	sdelay $0x3  }
0x94: {  	_ =	strace s2  }
0x95: {  	s2 =	sld [smem:$0x3FFD];
	_ =	sdelay $0x3  }
0x96: {  	_ =	strace s2  }
0x97: {  	_ =	strace $0x8FFFFFFF  }
0x98: {  	s18 =	sld [smem:$0x3FDB];
	_ =	sdelay $0x1  }
0x99: {  	s19 =	simm.s32 $_scs_section_size  }
0x9a: {  	s4 =	simm.s32 $_size__tile_overlayer_lowered;
	s5 =	simm.s32 $_tile_overlayer_lowered  }
0x9b: {  	s22 =	simm.s32 $0x1BFF;
	s21 =	sshll.u32 s5, $0x1;
	s2 =	sadd.s32 s19, s18  }
0x9c: {  	s6 =	simm.s32 $0x0;
	s20 =	sshll.u32 s4, $0x1;
	s4 =	sadd.s32 s21, s2  }
0x9d: {  	[timem:s6], [sflag:s22] =	dma.local [hbm:s4], s20  }
0x9e: {  	_ =	swait.ge [sflag:s22], s20  }
0x9f: {  	s3 =	ssub.s32 $0x0, s20;
	[sflag:s22] =	ssyncset.done $0x0  }
0xa0: {  	[sflag:s22] =	ssyncadd.s32 s3;
	_ =	sdelay $0x1  }
0xa1: {  	s23 =	simm.s32 $0x1B8B  }
0xa2: {  	_ =	swait.ge [sflag:s23], $0x1  }
0xa3: {  	[sflag:s23] =	ssyncset.done $0x0  }
0xa4: {  	s25 =	simm.s32 $0x1B8E;
	s24 =	sld [smem:$0x3FFE];
	[sflag:s23] =	ssyncadd.s32 $0xFFFFFFFF  }
0xa5: {  	s26 =	simm.s32 $execute0_lowered;
	[smem:$0x3FD2] =	sst s25  }
0xa6: {  	s4 =	sshll.u32 s26, $0x1;
	_ =	strace $0x8000004C;
	[dreg:$0x1] =	wrdreg $0xFFFFFFFF  }
0xa7: {  	s28 =	simm.s32 $_size_execute0_lowered;
	s2 =	sadd.s32 s2, s4;
	[dreg:$0x0] =	wrdreg $0x0  }
0xa8: {  	s4 =	sshll.u32 s28, $0x1;
	[dreg:$0x2] =	wrdreg s2  }
0xa9: {  	[dreg:$0x3] =	wrdreg s4  }
0xaa: {  	[dreg:$0x4] =	wrdreg $0xC0  }
0xab: {  	_ =	task [dreg:s6], $0x5FFFF  }
0xac: {  	[dreg:$0x1] =	wrdreg $0xFFFFFFFF  }
0xad: {  	[dreg:$0x0] =	wrdreg $0x60  }
0xae: {  	[dreg:$0x2] =	wrdreg s24  }
0xaf: {  	[dreg:$0x3] =	wrdreg $0x7C000  }
0xb0: {  	[dreg:$0x4] =	wrdreg $0x9  }
0xb1: {  	_ =	task.clear_ibuf [dreg:s6], $0x5FFFF;
	_ =	strace $0x9000004C  }
0xb2: {  	s29 =	simm.s32 $0x9;
	_ =	strace $0x8000004E  }
0xb3: {  	_ =	swait.ge [sflag:s29], $0x1  }
0xb4: {  	[sflag:s29] =	ssyncadd.s32 $0xFFFFFFFF  }
0xb5: {  	_ =	strace $0x9000004E  }
0xb6: {  	_ =	sfence  }
0xb7: {  	s30 =	sld [smem:$0x0];
	_ =	sdelay $0x2  }
0xb8: {  	s31 =	sshll.u32 s1, $0xD;
	s1 =	sshrl.u32 s1, $0x2  }
0xb9: {  	s3 =	sand.u32 $0x4000, s31;
	s1 =	sadd.s32 s1, s30  }
0xba: {  	s0 =	sor.u32 s3, s0;
	s1 =	sshll.u32 s1, $0x11  }
0xbb: {  	s0 =	sor.u32 s1, s0  }
0xbc: {  	s0 =	sadd.s32 $0x8F2B, s0  }
0xbd: {  	[sflag:s0] =	ssyncadd.remote.s32 $0x1  }
0xbe: {  	_ =	sfence.sel $0xFFFF  }
0xbf: {  	[dreg:$0x0] =	wrdreg $0xFFFFFFFF;
	(pc) =	sbr.abs _section_cstart, $3  }
0xc0: {  	[dreg:$0x1] =	wrdreg $0xFFFFFFFF  }
0xc1: {  	_ =	task.clear_ibuf [dreg:s6], $0x2FFFF;
	_ =	strace $0x9FFFFFFF  }
0xc2: {  	(tm) =	ssettm $0x7FFFFFFF  }
0xc3: {  	_ =	shalt  }
tec
execute0_lowered:
.L_overlay_start_1:
0x0: {  	(tag) =	ssettag $0x1  }
0x1: {  	s0 =	rddreg [dreg:$0x0]  }
0x2: {  	s1 =	rddreg [dreg:$0x1];
	s3 =	simm.s32 $0x0;
	s2 =	srdreg.scid  }
0x3: {  	s13 =	stileid.u32;
	s17 =	simm.s32 $0x400;
	s18 =	simm.s32 $0x3  }
0x4: {  	s20 =	simm.s32 $0x80;
	s22 =	simm.s32 $0x2;
	s23 =	simm.s32 $0x50  }
0x5: {  	s25 =	simm.s32 $0x1;
	[smem:$0x7FF] =	sst s3;
	s2 =	sand.u32 $0x1, s2  }
0x6: {  	s4 =	sadd.s32 $0x9FA00, s0;
	s8 =	smul.u32 $0x50000, s13;
	s5 =	sadd.s32 $0x8FA00, s0  }
0x7: {  	s6 =	sadd.s32 $0xFA00, s0;
	s10 =	sshll.u32 s13, $0xF;
	s16 =	smul.u32 $0x2800, s13  }
0x8: {  	_ =	strace $0x8000004D;
	s7 =	ssub.s32 $0x2, s2;
	s11 =	sshll.u32 s2, $0xE  }
0x9: {  	p0 =	seq.s32 s2, $0x1;
	s9 =	sshrl.u32 s7, $0x1;
	s8 =	sshrl.u32 s8, $0x2  }
0xa: {  	s2 =	simm.s32 $0x163E00;
	s9 =	ssub.s32 s7, s9;
	s7 =	sadd.s32 s8, s1  }
0xb: {  	s2 =	simm.s32 @!p0 $0x13BE00;
	s8 =	sor.u32 s11, s10;
	s26 =	sadd.s32 $0x7800, s7  }
0xc: {  	s28 =	sadd.s32 $0xF000, s7;
	s12 =	sshrl.u32 s8, $0x3;
	[dreg:$0x3] =	wrdreg s26  }
0xd: {  	s0 =	sadd.s32 s2, s0;
	[dreg:$0x4] =	wrdreg s28;
	s29 =	sadd.s32 s5, s12  }
0xe: {  	s14 =	sor.u32 $0x10, s12;
	s30 =	sadd.s32 s6, s12;
	[dreg:$0x5] =	wrdreg s29  }
0xf: {  	s15 =	smax.u32 s9, $0x1;
	[dreg:$0x6] =	wrdreg s30;
	s31 =	sadd.s32 s5, s14  }
0x10: {  	v0 =	vimm.f32 $0.0e+00;
	s16 =	sadd.s32 s0, s16;
	s14 =	sadd.s32 s6, s14;
	[dreg:$0x7] =	wrdreg s31  }
.LBB2_1:
0x11: {  	s0 =	simm.s32 $0x0;
	s2 =	simm.s32 $0x200  }
.LBB2_2:
0x12: {  	p0 =	sne.s32 s2, $0x1DE00;
	[tilespmem:s0+$0x470] =	vst v0  }
0x13: {  	[tilespmem:s0+$0x400] =	vst v0  }
0x14: {  	[tilespmem:s0+$0x410] =	vst v0  }
.Ltmp0:
0x15: {  	[tilespmem:s0+$0x420] =	vst v0;
	(pc) =	sbr.rel @p0 .LBB2_2-.Ltmp0, $4  }
0x16: {  	[tilespmem:s0+$0x430] =	vst v0  }
0x17: {  	[tilespmem:s0+$0x440] =	vst v0  }
0x18: {  	[tilespmem:s0+$0x450] =	vst v0  }
0x19: {  	[tilespmem:s0+$0x460] =	vst v0;
	s0 =	sshra.s32 s2, $0x2;
	s2 =	sadd.s32 $0x200, s2  }
0x1a: {  	[tilespmem:s0+$0x470] =	vst v0  }
0x1b: {  	[tilespmem:s0+$0x400] =	vst v0  }
0x1c: {  	[tilespmem:s0+$0x410] =	vst v0  }
0x1d: {  	[tilespmem:s0+$0x420] =	vst v0  }
0x1e: {  	[tilespmem:s0+$0x430] =	vst v0  }
0x1f: {  	[tilespmem:s0+$0x440] =	vst v0  }
0x20: {  	[tilespmem:s0+$0x450] =	vst v0  }
0x21: {  	[tilespmem:s0+$0x460] =	vst v0  }
0x22: {  	[spmem:s7] =	stream.linear.scatter [tilespmem:s17], [sflag:$0x3], $0x7800, $0x38;
	[tilespmem:$0x1BC00] =	vst v63  }
0x23: {  	_ =	swait.ge [sflag:s18], $0x7800  }
0x24: {  	[sflag:s18] =	ssyncset.done $0x0  }
0x25: {  	s12 =	rddreg [dreg:$0x3];
	[sflag:s18] =	ssyncadd.s32 $0xFFFF8800  }
0x26: {  	[spmem:s12] =	stream.linear.scatter [tilespmem:s17], [sflag:$0x3], $0x7800, $0x38;
	[tilespmem:$0x1BC00] =	vst v63  }
0x27: {  	_ =	swait.ge [sflag:s18], $0x7800  }
0x28: {  	[sflag:s18] =	ssyncset.done $0x0  }
0x29: {  	s13 =	rddreg [dreg:$0x4];
	[sflag:s18] =	ssyncadd.s32 $0xFFFF8800  }
0x2a: {  	[spmem:s13] =	stream.linear.scatter [tilespmem:s17], [sflag:$0x3], $0x5000, $0x38;
	[tilespmem:$0x1BC00] =	vst v63  }
0x2b: {  	_ =	swait.ge [sflag:s18], $0x5000  }
0x2c: {  	[sflag:s18] =	ssyncset.done $0x0  }
0x2d: {  	[sflag:s18] =	ssyncadd.s32 $0xFFFFB000  }
0x2e: {  	s0 =	simm.s32 $0x0;
	[bflag:$0x0] =	sbarrier.arrive $0xFFFF  }
0x2f: {  	s9 =	simm.s32 $0x200;
	s24 =	simm.s32 $0x280;
	s2 =	rddreg [dreg:$0x5]  }
0x30: {  	[tilespmem:s0], [sflag:$0x2] =	stream.linear.gather [hbm4b:s2+s0], $0x80, $0x38;
	[tilespmem:$0x1BC00] =	vst v63  }
0x31: {  	p0 =	por $0x0, $0x0;
	s26 =	simm.s32 $0x2C00;
	s19 =	rddreg [dreg:$0x6]  }
0x32: {  	[tilespmem:s9], [sflag:$0x2] =	stream.linear.gather [hbm4b:s19+s0], $0x80, $0x38;
	[tilespmem:$0x1BC00] =	vst v63  }
0x33: {  	s30 =	simm.s32 $0x180;
	s29 =	simm.s32 @p0 $0x3;
	s21 =	rddreg [dreg:$0x7]  }
0x34: {  	[tilespmem:s20], [sflag:$0x2] =	stream.linear.gather [hbm4b:s21+s0], $0x80, $0x38;
	[tilespmem:$0x1BC00] =	vst v63  }
0x35: {  	s28 =	simm.s32 @p0 $0x50;
	s31 =	simm.s32 @!p0 $0x50;
	s2 =	smul.u32 @p0 $0xAB, s0  }
0x36: {  	[tilespmem:s24], [sflag:$0x2] =	stream.linear.gather [hbm4b:s14+s0], $0x80, $0x38;
	[tilespmem:$0x1BC00] =	vst v63  }
0x37: {  	p2 =	por p0, p0;
	s2 =	sshrl.u32 @p0 s2, $0x9;
	_ =	swait.ge [sflag:s22], $0x80  }
0x38: {  	s9 =	simm.s32 $0x100;
	s2 =	sand.u32 @p0 $0x7F, s2;
	[sflag:s22] =	ssyncset.done $0x0  }
0x39: {  	s19 =	sand.u32 @!p0 $0x7C00, s9;
	s2 =	smul.u32 @p0 $0x3, s2;
	[sflag:s22] =	ssyncadd.s32 $0xFFFFFF80  }
0x3a: {  	s9 =	sand.u32 @!p0 $0x380, s9;
	s19 =	sadd.s32 @!p0 s8, s19;
	_ =	swait.ge [sflag:s22], $0x80  }
0x3b: {  	s9 =	sor.u32 @!p0 s9, s19;
	s2 =	ssub.s32 @p0 $0x0, s2;
	[sflag:s22] =	ssyncset.done $0x0  }
0x3c: {  	s24 =	simm.s32 @!p0 $0x0;
	s9 =	sshrl.u32 @!p0 s9, $0x3;
	[sflag:s22] =	ssyncadd.s32 $0xFFFFFF80  }
0x3d: {  	[tilespmem:s17], [sflag:$0x1] =	stream.indirect.gather [hbm4b:s4+s23], $0x80, s0, s23, $0xb8;
	[tilespmem:$0x1BC00] =	vst v63  }
0x3e: {  	s2 =	sand.u32 @p0 $0xFF, s2;
	s0 =	smul.u32 @!p0 $0xAB, s0;
	_ =	swait.ge [sflag:s22], $0x80  }
0x3f: {  	s19 =	smul.u32 @p0 $0xA000, s2;
	s2 =	sshll.u32 @p0 s2, $0x7;
	[sflag:s22] =	ssyncset.done $0x0  }
0x40: {  	s2 =	sor.u32 @p0 $0x200, s2;
	s21 =	sadd.s32 @!p0 $0x156, s0;
	[sflag:s22] =	ssyncadd.s32 $0xFFFFFF80  }
0x41: {  	s19 =	sshrl.u32 @p0 s19, $0x2;
	s21 =	sshrl.u32 @!p0 s21, $0x9;
	_ =	swait.ge [sflag:s22], $0x80  }
0x42: {  	s0 =	sshrl.u32 @!p0 s0, $0x9;
	s21 =	sand.u32 @!p0 $0x7F, s21;
	[sflag:s22] =	ssyncset.done $0x0  }
0x43: {  	s0 =	sand.u32 @!p0 $0x7F, s0;
	s21 =	smul.u32 @!p0 $0x3, s21;
	[sflag:s22] =	ssyncadd.s32 $0xFFFFFF80  }
0x44: {  	[tilespmem:s26], [sflag:$0x1] =	stream.indirect.gather [hbm4b:s4+s23], $0x80, s20, s23, $0xb8;
	[tilespmem:$0x1BC00] =	vst v63  }
0x45: {  	s0 =	smul.u32 @!p0 $0x3, s0;
	s21 =	ssub.s32 @!p0 $0x0, s21;
	_ =	swait.ge [sflag:s25], $0x2800  }
0x46: {  	s19 =	sor.u32 @p0 $0x400, s19;
	s21 =	sadd.s32 @!p0 $0x2, s21;
	[sflag:s25] =	ssyncset.done $0x0  }
0x47: {  	s0 =	ssub.s32 @!p0 $0x0, s0;
	s21 =	sand.u32 @!p0 $0xFF, s21;
	[sflag:s25] =	ssyncadd.s32 $0xFFFFD800  }
0x48: {  	[spmem:s1] =	stream.indirect.scatter.add.f32 @p0 [tilespmem:s19], [sflag:$0x3], $0x80, s2, s28, $0xb8;
	[tilespmem:$0x1BC00] =	vst v63  }
0x49: {  	s0 =	sand.u32 @!p0 $0xFF, s0;
	s28 =	sshll.u32 @!p0 s21, $0x7;
	_ =	swait.ge @p0 [sflag:s29], $0x2800  }
0x4a: {  	s2 =	sadd.s32 @!p0 s5, s9;
	s21 =	smul.u32 @!p0 $0xA000, s21;
	[sflag:s29] =	ssyncset.done @p0 $0x0  }
0x4b: {  	s9 =	sadd.s32 @!p0 s6, s9;
	[sflag:s29] =	ssyncadd.s32 @p0 $0xFFFFD800;
	s29 =	smul.u32 @!p0 $0xA000, s0  }
0x4c: {  	[tilespmem:s28], [sflag:$0x2] =	stream.linear.gather @!p0 [hbm4b:s2+s24], $0x80, $0x38;
	[tilespmem:$0x1BC00] =	vst v63  }
0x4d: {  	s19 =	sor.u32 @!p0 $0x200, s28;
	s0 =	sshll.u32 @!p0 s0, $0x7;
	s29 =	sshrl.u32 @!p0 s29, $0x2  }
0x4e: {  	[tilespmem:s19], [sflag:$0x2] =	stream.linear.gather @!p0 [hbm4b:s9+s24], $0x80, $0x38;
	[tilespmem:$0x1BC00] =	vst v63  }
0x4f: {  	s2 =	simm.s32 @!p0 $0x3;
	s0 =	sor.u32 @!p0 $0x200, s0;
	s19 =	sor.u32 @!p0 $0x400, s29  }
0x50: {  	[spmem:s1] =	stream.indirect.scatter.add.f32 @!p0 [tilespmem:s19], [sflag:$0x3], $0x80, s0, s31, $0xb8;
	[tilespmem:$0x1BC00] =	vst v63  }
0x51: {  	s26 =	simm.s32 $0x1;
	s9 =	sshrl.u32 @!p0 s21, $0x2;
	_ =	swait.ge @!p0 [sflag:s2], $0x2800  }
0x52: {  	s29 =	simm.s32 $0x2;
	s21 =	simm.s32 @!p2 $0x2;
	[sflag:s2] =	ssyncset.done @!p0 $0x0  }
0x53: {  	s0 =	sor.u32 @!p0 $0x400, s9;
	p0 =	por $0x0, $0x0;
	[sflag:s2] =	ssyncadd.s32 @!p2 $0xFFFFD800  }
0x54: {  	s19 =	smul.u32 @p0 $0xAB, s26;
	s2 =	sand.u32 @!p0 $0x7C00, s30;
	_ =	swait.ge @!p2 [sflag:s21], $0x80  }
0x55: {  	s9 =	smul.u32 @!p0 $0xAB, s26;
	s2 =	sadd.s32 @!p0 s8, s2;
	[sflag:s21] =	ssyncset.done @!p2 $0x0  }
.LBB2_4:
0x56: {  	s24 =	sshrl.u32 @p0 s19, $0x9  }
0x57: {  	s10 =	sand.u32 @!p0 $0x380, s30;
	s19 =	smov.u32 s29;
	s29 =	sadd.s32 $0x1, s29  }
0x58: {  	s11 =	sand.u32 @p0 $0x7F, s24;
	s12 =	sadd.s32 @!p0 $0x156, s9;
	s24 =	simm.s32 @!p0 $0x0  }
0x59: {  	p1 =	sne.s32 s29, $0x7D;
	s11 =	smul.u32 @p0 $0x3, s11;
	s12 =	sshrl.u32 @!p0 s12, $0x9  }
0x5a: {  	s9 =	sshrl.u32 @!p0 s9, $0x9;
	s12 =	sand.u32 @!p0 $0x7F, s12;
	[sflag:s21] =	ssyncadd.s32 @!p2 $0xFFFFFF80  }
0x5b: {  	s2 =	sor.u32 @!p0 s10, s2;
	s9 =	sand.u32 @!p0 $0x7F, s9;
	s11 =	ssub.s32 @p0 s26, s11  }
0x5c: {  	s12 =	smul.u32 @!p0 $0x3, s12;
	s10 =	sand.u32 @p0 $0xFF, s11;
	s11 =	simm.s32 @p0 $0x3  }
0x5d: {  	s13 =	smul.u32 @p0 $0xA000, s10;
	s10 =	sshll.u32 @p0 s10, $0x7;
	_ =	swait.ge @!p2 [sflag:s21], $0x80  }
0x5e: {  	s12 =	ssub.s32 @!p0 s26, s12;
	s10 =	sor.u32 @p0 $0x200, s10;
	[sflag:s21] =	ssyncset.done @!p2 $0x0  }
0x5f: {  	s12 =	sadd.s32 @!p0 $0x2, s12;
	s13 =	sshrl.u32 @p0 s13, $0x2;
	[sflag:s21] =	ssyncadd.s32 @!p2 $0xFFFFFF80  }
0x60: {  	[tilespmem:s0], [sflag:$0x1] =	stream.indirect.gather @!p2 [hbm4b:s4+s31], $0x80, s28, s31, $0xb8;
	[tilespmem:$0x1BC00] =	vst v63  }
0x61: {  	s9 =	smul.u32 @!p0 $0x3, s9;
	s0 =	sor.u32 @p0 $0x400, s13;
	_ =	swait.ge [sflag:s25], $0x2800  }
0x62: {  	s12 =	sand.u32 @!p0 $0xFF, s12;
	s13 =	simm.s32 @p0 $0x50;
	[sflag:s25] =	ssyncset.done $0x0  }
0x63: {  	s2 =	sshrl.u32 @!p0 s2, $0x3;
	s28 =	sshll.u32 @!p0 s12, $0x7;
	[sflag:s25] =	ssyncadd.s32 $0xFFFFD800  }
0x64: {  	[spmem:s1] =	stream.indirect.scatter.add.f32 @p0 [tilespmem:s0], [sflag:$0x3], $0x80, s10, s13, $0xb8;
	[tilespmem:$0x1BC00] =	vst v63  }
0x65: {  	s0 =	sadd.s32 @!p0 s5, s2;
	s2 =	sadd.s32 @!p0 s6, s2;
	_ =	swait.ge @p0 [sflag:s11], $0x2800  }
0x66: {  	s9 =	ssub.s32 @!p0 s26, s9;
	s10 =	sor.u32 @!p0 $0x200, s28;
	[sflag:s11] =	ssyncset.done @p0 $0x0  }
0x67: {  	s9 =	sand.u32 @!p0 $0xFF, s9;
	[sflag:s11] =	ssyncadd.s32 @p0 $0xFFFFD800;
	s11 =	smul.u32 @!p0 $0xA000, s12  }
0x68: {  	s13 =	simm.s32 @!p0 $0x3;
	s12 =	smul.u32 @!p0 $0xA000, s9;
	s9 =	sshll.u32 @!p0 s9, $0x7  }
0x69: {  	[tilespmem:s28], [sflag:$0x2] =	stream.linear.gather @!p0 [hbm4b:s0+s24], $0x80, $0x38;
	[tilespmem:$0x1BC00] =	vst v63  }
0x6a: {  	s9 =	sor.u32 @!p0 $0x200, s9;
	s0 =	sshrl.u32 @!p0 s12, $0x2;
	s11 =	sshrl.u32 @!p0 s11, $0x2  }
0x6b: {  	[tilespmem:s10], [sflag:$0x2] =	stream.linear.gather @!p0 [hbm4b:s2+s24], $0x80, $0x38;
	[tilespmem:$0x1BC00] =	vst v63  }
0x6c: {  	s31 =	simm.s32 @!p0 $0x50;
	s2 =	sor.u32 @!p0 $0x400, s0;
	s0 =	sor.u32 @!p0 $0x400, s11  }
0x6d: {  	[spmem:s1] =	stream.indirect.scatter.add.f32 @!p0 [tilespmem:s2], [sflag:$0x3], $0x80, s9, s31, $0xb8;
	[tilespmem:$0x1BC00] =	vst v63  }
.Ltmp1:
0x6e: {  	s26 =	smov.u32 s19;
	_ =	swait.ge @!p0 [sflag:s13], $0x2800;
	(pc) =	sbr.rel @p1 .LBB2_4-.Ltmp1, $4  }
0x6f: {  	s30 =	sadd.s32 $0x80, s30;
	p2 =	por p0, p0;
	[sflag:s13] =	ssyncset.done @!p0 $0x0  }
0x70: {  	s21 =	simm.s32 @!p2 $0x2;
	p0 =	sgt.u32 s26, $0x7A;
	[sflag:s13] =	ssyncadd.s32 @!p2 $0xFFFFD800  }
0x71: {  	s19 =	smul.u32 @p0 $0xAB, s26;
	s2 =	sand.u32 @!p0 $0x7C00, s30;
	_ =	swait.ge @!p2 [sflag:s21], $0x80  }
0x72: {  	s9 =	smul.u32 @!p0 $0xAB, s26;
	s2 =	sadd.s32 @!p0 s8, s2;
	[sflag:s21] =	ssyncset.done @!p2 $0x0  }
0x73: {  	s10 =	sshrl.u32 @p0 s19, $0x9  }
0x74: {  	s11 =	sand.u32 @!p0 $0x380, s30;
	s13 =	simm.s32 @!p0 $0x0;
	[sflag:s21] =	ssyncadd.s32 @!p2 $0xFFFFFF80  }
0x75: {  	s10 =	sand.u32 @p0 $0x7F, s10;
	s12 =	sadd.s32 @!p0 $0x156, s9;
	s9 =	sshrl.u32 @!p0 s9, $0x9  }
0x76: {  	s2 =	sor.u32 @!p0 s11, s2;
	s11 =	simm.s32 @p0 $0x3;
	_ =	swait.ge @!p2 [sflag:s21], $0x80  }
0x77: {  	s10 =	smul.u32 @p0 $0x3, s10;
	s12 =	sshrl.u32 @!p0 s12, $0x9;
	s9 =	sand.u32 @!p0 $0x7F, s9  }
0x78: {  	[sflag:s21] =	ssyncset.done @!p2 $0x0;
	s2 =	sshrl.u32 @!p0 s2, $0x3;
	s12 =	sand.u32 @!p0 $0x7F, s12  }
0x79: {  	[sflag:s21] =	ssyncadd.s32 @!p2 $0xFFFFFF80;
	s9 =	smul.u32 @!p0 $0x3, s9;
	s10 =	ssub.s32 @p0 s26, s10  }
0x7a: {  	[tilespmem:s0], [sflag:$0x1] =	stream.indirect.gather @!p2 [hbm4b:s4+s31], $0x80, s28, s31, $0xb8;
	[tilespmem:$0x1BC00] =	vst v63  }
0x7b: {  	s12 =	smul.u32 @!p0 $0x3, s12;
	s10 =	sand.u32 @p0 $0xFF, s10;
	_ =	swait.ge [sflag:s25], $0x2800  }
0x7c: {  	s9 =	ssub.s32 @!p0 s26, s9;
	s19 =	smul.u32 @p0 $0xA000, s10;
	s10 =	sshll.u32 @p0 s10, $0x7  }
0x7d: {  	s12 =	ssub.s32 @!p0 s26, s12;
	[sflag:s25] =	ssyncset.done $0x0;
	s10 =	sor.u32 @p0 $0x200, s10  }
0x7e: {  	s12 =	sadd.s32 @!p0 $0x2, s12;
	[sflag:s25] =	ssyncadd.s32 $0xFFFFD800;
	s19 =	sshrl.u32 @p0 s19, $0x2  }
0x7f: {  	s12 =	sand.u32 @!p0 $0xFF, s12;
	s0 =	sor.u32 @p0 $0x400, s19;
	s19 =	simm.s32 @p0 $0x50  }
0x80: {  	[spmem:s1] =	stream.indirect.scatter.add.f32 @p0 [tilespmem:s0], [sflag:$0x3], $0x80, s10, s19, $0xb8;
	[tilespmem:$0x1BC00] =	vst v63  }
0x81: {  	s9 =	sand.u32 @!p0 $0xFF, s9;
	s21 =	sshll.u32 @!p0 s12, $0x7;
	_ =	swait.ge @p0 [sflag:s11], $0x2800  }
0x82: {  	s0 =	sadd.s32 @!p0 s5, s2;
	s2 =	sadd.s32 @!p0 s6, s2;
	[sflag:s11] =	ssyncset.done @p0 $0x0  }
0x83: {  	s10 =	sor.u32 @!p0 $0x200, s21;
	[sflag:s11] =	ssyncadd.s32 @p0 $0xFFFFD800;
	s11 =	smul.u32 @!p0 $0xA000, s9  }
0x84: {  	[tilespmem:s21], [sflag:$0x2] =	stream.linear.gather @!p0 [hbm4b:s0+s13], $0x80, $0x38;
	[tilespmem:$0x1BC00] =	vst v63  }
0x85: {  	s0 =	sshll.u32 @!p0 s9, $0x7;
	s9 =	simm.s32 @!p0 $0x3;
	s11 =	sshrl.u32 @!p0 s11, $0x2  }
0x86: {  	[tilespmem:s10], [sflag:$0x2] =	stream.linear.gather @!p0 [hbm4b:s2+s13], $0x80, $0x38;
	[tilespmem:$0x1BC00] =	vst v63  }
0x87: {  	s0 =	sor.u32 @!p0 $0x200, s0;
	s2 =	sor.u32 @!p0 $0x400, s11;
	s10 =	simm.s32 @!p0 $0x50  }
0x88: {  	[spmem:s1] =	stream.indirect.scatter.add.f32 @!p0 [tilespmem:s2], [sflag:$0x3], $0x80, s0, s10, $0xb8;
	[tilespmem:$0x1BC00] =	vst v63  }
0x89: {  	_ =	swait.ge @!p0 [sflag:s9], $0x2800  }
0x8a: {  	p1 =	por p0, p0;
	[sflag:s9] =	ssyncset.done @!p0 $0x0  }
0x8b: {  	s0 =	simm.s32 @!p1 $0x2;
	[sflag:s9] =	ssyncadd.s32 @!p1 $0xFFFFD800  }
0x8c: {  	_ =	swait.ge @!p1 [sflag:s0], $0x80  }
0x8d: {  	s2 =	smul.u32 @!p0 $0xA000, s12;
	[sflag:s0] =	ssyncset.done @!p1 $0x0  }
0x8e: {  	s30 =	stileid.u32;
	[sflag:s0] =	ssyncadd.s32 @!p1 $0xFFFFFF80  }
0x8f: {  	s3 =	sadd.s32 $0x1, s3;
	s2 =	sshrl.u32 @!p0 s2, $0x2;
	_ =	swait.ge @!p1 [sflag:s0], $0x80  }
0x90: {  	s31 =	sshrl.u32 s7, $0x3;
	s2 =	sor.u32 @!p0 $0x400, s2;
	[sflag:s0] =	ssyncset.done @!p1 $0x0  }
0x91: {  	p0 =	sne.s32 s3, s15;
	[sflag:s0] =	ssyncadd.s32 @!p1 $0xFFFFFF80;
	s0 =	sshll.u32 s30, $0x6  }
0x92: {  	[tilespmem:s2], [sflag:$0x1] =	stream.indirect.gather @!p1 [hbm4b:s4+s10], $0x80, s21, s10, $0xb8;
	[tilespmem:$0x1BC00] =	vst v63  }
.Ltmp2:
0x93: {  	s0 =	sor.u32 $0x1C03, s0;
	[bflag:$0x0] =	sbarrier.arrive $0xFFFF;
	(pc) =	sbr.rel @p0 .LBB2_1-.Ltmp2, $4  }
0x94: {  	[hbm:s16], [sflag:s0] =	dma.local [spmem:s31], $0x2800  }
0x95: {  	_ =	swait.ge [sflag:s18], $0x2800  }
0x96: {  	[sflag:s18] =	ssyncset.done $0x0  }
0x97: {  	[sflag:s18] =	ssyncadd.s32 $0xFFFFD800  }
0x98: {  	_ =	sfence.sel $0x180000  }
0x99: {  	[bflag:$0x0] =	sbarrier.arrive $0xFFFF  }
0x9a: {  	_ =	strace $0x9000004D  }
0x9b: {  	s0 =	stileid.u32;
	[bflag:$0x2] =	sbarrier.arrive $0xFFFF  }
0x9c: {  	p0 =	sne.s32 s0, $0x0;
	s0 =	rddreg [dreg:$0x2]  }
0x9d: {  	s0 =	sadd.s32 @!p0 $0x100000, s0  }
0x9e: {  	[sflag:s0] =	ssyncadd.tile.s32 @!p0 $0x1;
	_ =	shalt  }
.Lfunc_end2:
_tile_overlayer_lowered:
.L_overlay_start_2:
0x9f: {  	(tag) =	ssettag $0x2  }
0xa0: {  	s0 =	rddreg [dreg:$0x0];
	s2 =	stileid.u32  }
0xa1: {  	s1 =	rddreg [dreg:$0x1];
	p0 =	sne.s32 s2, $0x0  }
0xa2: {  	s3 =	rddreg [dreg:$0x2];
	[bflag:$0x3] =	sbarrier.arrive $0xFFFF;
	s2 =	simm.s32 @!p0 $0x1C03  }
0xa3: {  	[timem:s3], [sflag:s2] =	dma.local @!p0 [hbm:s0], s1  }
0xa4: {  	s0 =	simm.s32 @!p0 $0x3  }
0xa5: {  	_ =	swait.ge @!p0 [sflag:s0], s1  }
0xa6: {  	s1 =	ssub.s32 @!p0 $0x0, s1;
	[sflag:s0] =	ssyncset.done @!p0 $0x0  }
0xa7: {  	[sflag:s0] =	ssyncadd.s32 @!p0 s1  }
0xa8: {  	[bflag:$0x3] =	sbarrier.arrive $0xFFFF  }
0xa9: {  	_ =	shalt  }

// kernel: kernel.20.cloned.1.call-start
scs
__scs_entry_jumppad:
0x0: {  	(pc) =	sbr.rel $0x88, $3  }
0x1: {  	(tag) =	ssettag $0x0;
	lr =	simm.s32 $0x1  }
0x2: {  	[smem:$0x3F8A] =	sst lr;
	_ =	strace $0xD0000000  }
0x3: {  	_ = 	snop  }
0x4: {  	_ = 	snop  }
0x5: {  	_ = 	snop  }
0x6: {  	_ = 	snop  }
0x7: {  	_ = 	snop  }
__scs_overlays_trampoline_lowered:
0x8: {  	[smem:$0x3F99] =	sst s0  }
0x9: {  	[smem:$0x3F9A] =	sst s1  }
0xa: {  	[smem:$0x3F9B] =	sst s2  }
0xb: {  	[smem:$0x3F9C] =	sst s3  }
0xc: {  	[smem:$0x3F9D] =	sst s4  }
0xd: {  	[smem:$0x3F9E] =	sst s5  }
0xe: {  	[smem:$0x3F9F] =	sst s6  }
0xf: {  	[smem:$0x3FA0] =	sst s7  }
0x10: {  	[smem:$0x3FA1] =	sst s8  }
0x11: {  	[smem:$0x3FA2] =	sst s9;
	s0 =	simm.s32 @!p0 $0x0  }
0x12: {  	s1 =	sld [smem:$0x3F88];
	s0 =	simm.s32 @p0 $0x1  }
0x13: {  	[smem:$0x3FA3] =	sst s0;
	s0 =	simm.s32 @!p1 $0x0  }
0x14: {  	s2 =	sld [smem:$0x3F87];
	s0 =	simm.s32 @p1 $0x1  }
0x15: {  	[smem:$0x3FA4] =	sst s0;
	s0 =	simm.s32 @!p2 $0x0  }
0x16: {  	s3 =	sld [smem:$0x3FDB];
	s0 =	simm.s32 @p2 $0x1  }
0x17: {  	s4 =	simm.s32 $0x1BF5;
	[smem:$0x3FA6] =	sst s0  }
0x18: {  	s0 =	sld [smem:$0x3F89];
	_ =	swait.ge [sflag:s4], $0x0  }
0x19: {  	s7 =	sld [smem:$0x3F8A]  }
0x1a: {  	s8 =	sadd.s32 $0xFFFFE003, lr  }
0x1b: {  	s9 =	sadd.s32 $0xFFFFFEF7, lr;
	s5 =	simm.s32 $0xFFFFFFFF;
	p2 =	slt.u32 s8, $0xFFFFF086  }
0x1c: {  	p1 =	slt.u32 s9, $0xF7A;
	s5 =	simm.s32 @!p2 $0x0  }
0x1d: {  	s5 =	simm.s32 @p1 $0x1;
	p0 =	seq.s32 s7, s2  }
0x1e: {  	s7 =	smul.u32 @!p0 $0xF7A, s2;
	p2 =	seq.s32 @!p0 s5, $0x0  }
0x1f: {  	s9 =	smul.u32 $0xF7A, s1;
	s8 =	simm.s32 @!p0 $0x1BF5;
	p2 =	por !p2, p0  }
0x20: {  	[sflag:s8] =	ssyncset.s32 @!p0 $0xFFFFF086;
	s6 =	sadd.s32 @!p0 s3, s7;
	s7 =	simm.s32 @!p0 $0x108  }
0x21: {  	s3 =	sadd.s32 s3, s9;
	s6 =	sadd.s32 @!p0 $0x88, s6;
	s7 =	simm.s32 @p2 $0x1082  }
0x22: {  	[simem:s7], [sflag:s8] =	dma.local @!p0 [hbm:s6], $0xF7A  }
0x23: {  	s9 =	sor.u32 $0xD0000000, s2;
	s6 =	simm.s32 $0x108;
	_ =	swait.ge @!p0 [sflag:s8], $0x0  }
0x24: {  	s3 =	sadd.s32 $0x88, s3;
	s6 =	simm.s32 @!p1 $0x1082;
	[sflag:s4] =	ssyncset.s32 $0xFFFFF086  }
0x25: {  	[simem:s6], [sflag:s4] =	dma.local [hbm:s3], $0xF7A  }
0x26: {  	[smem:$0x3F8A] =	sst s1;
	(tag) =	ssettag s2;
	_ =	strace s9  }
0x27: {  	s1 =	sld [smem:$0x3F9A]  }
0x28: {  	s2 =	sld [smem:$0x3F9B]  }
0x29: {  	s4 =	sld [smem:$0x3F9D]  }
0x2a: {  	p0 =	seq.s32 s5, $0x0;
	s5 =	sld [smem:$0x3F9E]  }
0x2b: {  	s6 =	sld [smem:$0x3F9F]  }
0x2c: {  	s7 =	sld [smem:$0x3FA0]  }
0x2d: {  	s3 =	simm.s32 $0x108;
	s8 =	sld [smem:$0x3FA1]  }
0x2e: {  	s3 =	simm.s32 @!p0 $0x1082;
	s9 =	sld [smem:$0x3FA2]  }
0x2f: {  	lr =	sadd.s32 s0, s3;
	s0 =	sld [smem:$0x3F99]  }
0x30: {  	s3 =	sld [smem:$0x3F9C]  }
0x31: {  	[smem:$0x3FA5] =	sst s10  }
0x32: {  	s10 =	sld [smem:$0x3FA3];
	_ =	sdelay $0x3  }
0x33: {  	p0 =	seq.s32 s10, $0x1;
	s10 =	sld [smem:$0x3FA5];
	_ =	sdelay $0x3  }
0x34: {  	[smem:$0x3FA5] =	sst s10  }
0x35: {  	s10 =	sld [smem:$0x3FA4];
	_ =	sdelay $0x3  }
0x36: {  	p1 =	seq.s32 s10, $0x1;
	s10 =	sld [smem:$0x3FA5];
	_ =	sdelay $0x3  }
0x37: {  	[smem:$0x3FA5] =	sst s10  }
0x38: {  	s10 =	sld [smem:$0x3FA6]  }
0x39: {  	_ = 	snop;
	(pc) =	sbr.ind lr, $3  }
0x3a: {  	_ = 	snop  }
0x3b: {  	_ = 	snop  }
0x3c: {  	p2 =	seq.s32 s10, $0x1;
	s10 =	sld [smem:$0x3FA5]  }
0x3d: {  	_ =	shalt  }
0x3e: {  	_ =	shalt  }
0x3f: {  	_ =	shalt  }
0x40: {  	_ =	shalt  }
0x41: {  	_ =	shalt  }
0x42: {  	_ =	shalt  }
0x43: {  	_ =	shalt  }
0x44: {  	_ =	shalt  }
0x45: {  	_ =	shalt  }
0x46: {  	_ =	shalt  }
0x47: {  	_ =	shalt  }
0x48: {  	_ =	shalt  }
0x49: {  	_ =	shalt  }
0x4a: {  	_ =	shalt  }
0x4b: {  	_ =	shalt  }
0x4c: {  	_ =	shalt  }
0x4d: {  	_ =	shalt  }
0x4e: {  	_ =	shalt  }
0x4f: {  	_ =	shalt  }
0x50: {  	_ =	shalt  }
0x51: {  	_ =	shalt  }
0x52: {  	_ =	shalt  }
0x53: {  	_ =	shalt  }
0x54: {  	_ =	shalt  }
0x55: {  	_ =	shalt  }
0x56: {  	_ =	shalt  }
0x57: {  	_ =	shalt  }
0x58: {  	_ =	shalt  }
0x59: {  	_ =	shalt  }
0x5a: {  	_ =	shalt  }
0x5b: {  	_ =	shalt  }
0x5c: {  	_ =	shalt  }
0x5d: {  	_ =	shalt  }
0x5e: {  	_ =	shalt  }
0x5f: {  	_ =	shalt  }
0x60: {  	_ =	shalt  }
0x61: {  	_ =	shalt  }
0x62: {  	_ =	shalt  }
0x63: {  	_ =	shalt  }
0x64: {  	_ =	shalt  }
0x65: {  	_ =	shalt  }
0x66: {  	_ =	shalt  }
0x67: {  	_ =	shalt  }
0x68: {  	_ =	shalt  }
0x69: {  	_ =	shalt  }
0x6a: {  	_ =	shalt  }
0x6b: {  	_ =	shalt  }
0x6c: {  	_ =	shalt  }
0x6d: {  	_ =	shalt  }
0x6e: {  	_ =	shalt  }
0x6f: {  	_ =	shalt  }
0x70: {  	_ =	shalt  }
0x71: {  	_ =	shalt  }
0x72: {  	_ =	shalt  }
0x73: {  	_ =	shalt  }
0x74: {  	_ =	shalt  }
0x75: {  	_ =	shalt  }
0x76: {  	_ =	shalt  }
0x77: {  	_ =	shalt  }
0x78: {  	_ =	shalt  }
0x79: {  	_ =	shalt  }
0x7a: {  	_ =	shalt  }
0x7b: {  	_ =	shalt  }
0x7c: {  	_ =	shalt  }
0x7d: {  	_ =	shalt  }
0x7e: {  	_ =	shalt  }
0x7f: {  	_ =	shalt  }
0x80: {  	_ =	shalt  }
0x81: {  	_ =	shalt  }
0x82: {  	_ =	shalt  }
0x83: {  	_ =	shalt  }
0x84: {  	_ =	shalt  }
0x85: {  	_ =	shalt  }
0x86: {  	_ =	shalt  }
0x87: {  	_ =	shalt  }
.Lfunc_end0:
.L_simem_size_0:
called_computation.3_lowered:
.L_overlay_start_0:
0x88: {  	s2 =	sld [smem:$0x3FD9]  }
0x89: {  	s3 =	sld [smem:$0x3FFE];
	_ =	sdelay $0x1  }
0x8a: {  	s1 =	srdreg.scid  }
0x8b: {  	s0 =	sand.u32 $0x1, s1  }
0x8c: {  	s16 =	sshll.u32 s0, $0xA;
	s2 =	sadd.s32 s3, s2  }
0x8d: {  	s2 =	sadd.s32 s2, s16  }
0x8e: {  	[smem:$0x3FB1] =	sst s2  }
0x8f: {  	_ = 	snop  }
0x90: {  	(tm) =	ssettm $0x1  }
0x91: {  	s17 =	sld [smem:$0x3FFB];
	_ =	sdelay $0x3  }
0x92: {  	_ =	strace s17  }
0x93: {  	s2 =	sld [smem:$0x3FFC];
	_ =	sdelay $0x3  }
0x94: {  	_ =	strace s2  }
0x95: {  	s2 =	sld [smem:$0x3FFD];
	_ =	sdelay $0x3  }
0x96: {  	_ =	strace s2  }
0x97: {  	_ =	strace $0x8FFFFFFF  }
0x98: {  	s18 =	sld [smem:$0x3FDB];
	_ =	sdelay $0x1  }
0x99: {  	s19 =	simm.s32 $_scs_section_size  }
0x9a: {  	s4 =	simm.s32 $_size__tile_overlayer_lowered;
	s5 =	simm.s32 $_tile_overlayer_lowered  }
0x9b: {  	s22 =	simm.s32 $0x1BFF;
	s21 =	sshll.u32 s5, $0x1;
	s2 =	sadd.s32 s19, s18  }
0x9c: {  	s6 =	simm.s32 $0x0;
	s20 =	sshll.u32 s4, $0x1;
	s4 =	sadd.s32 s21, s2  }
0x9d: {  	[timem:s6], [sflag:s22] =	dma.local [hbm:s4], s20  }
0x9e: {  	_ =	swait.ge [sflag:s22], s20  }
0x9f: {  	s3 =	ssub.s32 $0x0, s20;
	[sflag:s22] =	ssyncset.done $0x0  }
0xa0: {  	[sflag:s22] =	ssyncadd.s32 s3;
	_ =	sdelay $0x1  }
0xa1: {  	s23 =	simm.s32 $0x1B8B  }
0xa2: {  	_ =	swait.ge [sflag:s23], $0x1  }
0xa3: {  	[sflag:s23] =	ssyncset.done $0x0  }
0xa4: {  	s25 =	simm.s32 $0x1B8E;
	s24 =	sld [smem:$0x3FFE];
	[sflag:s23] =	ssyncadd.s32 $0xFFFFFFFF  }
0xa5: {  	s26 =	simm.s32 $execute0_lowered;
	[smem:$0x3FD2] =	sst s25  }
0xa6: {  	s4 =	sshll.u32 s26, $0x1;
	_ =	strace $0x8000004F;
	[dreg:$0x1] =	wrdreg $0xFFFFFFFF  }
0xa7: {  	s28 =	simm.s32 $_size_execute0_lowered;
	s2 =	sadd.s32 s2, s4;
	[dreg:$0x0] =	wrdreg $0x0  }
0xa8: {  	s4 =	sshll.u32 s28, $0x1;
	[dreg:$0x2] =	wrdreg s2  }
0xa9: {  	[dreg:$0x3] =	wrdreg s4  }
0xaa: {  	[dreg:$0x4] =	wrdreg $0xC0  }
0xab: {  	_ =	task [dreg:s6], $0x5FFFF  }
0xac: {  	[dreg:$0x1] =	wrdreg $0xFFFFFFFF  }
0xad: {  	[dreg:$0x0] =	wrdreg $0x60  }
0xae: {  	[dreg:$0x2] =	wrdreg s24  }
0xaf: {  	[dreg:$0x3] =	wrdreg $0x7C000  }
0xb0: {  	[dreg:$0x4] =	wrdreg $0x9  }
0xb1: {  	_ =	task.clear_ibuf [dreg:s6], $0x5FFFF;
	_ =	strace $0x9000004F  }
0xb2: {  	s29 =	simm.s32 $0x9;
	_ =	strace $0x80000051  }
0xb3: {  	_ =	swait.ge [sflag:s29], $0x1  }
0xb4: {  	[sflag:s29] =	ssyncadd.s32 $0xFFFFFFFF  }
0xb5: {  	_ =	strace $0x90000051  }
0xb6: {  	_ =	sfence  }
0xb7: {  	s30 =	sld [smem:$0x0];
	_ =	sdelay $0x2  }
0xb8: {  	s31 =	sshll.u32 s1, $0xD;
	s1 =	sshrl.u32 s1, $0x2  }
0xb9: {  	s3 =	sand.u32 $0x4000, s31;
	s1 =	sadd.s32 s1, s30  }
0xba: {  	s0 =	sor.u32 s3, s0;
	s1 =	sshll.u32 s1, $0x11  }
0xbb: {  	s0 =	sor.u32 s1, s0  }
0xbc: {  	s0 =	sadd.s32 $0x8F2B, s0  }
0xbd: {  	[sflag:s0] =	ssyncadd.remote.s32 $0x1  }
0xbe: {  	_ =	sfence.sel $0xFFFF  }
0xbf: {  	[dreg:$0x0] =	wrdreg $0xFFFFFFFF;
	(pc) =	sbr.abs _section_cstart, $3  }
0xc0: {  	[dreg:$0x1] =	wrdreg $0xFFFFFFFF  }
0xc1: {  	_ =	task.clear_ibuf [dreg:s6], $0x2FFFF;
	_ =	strace $0x9FFFFFFF  }
0xc2: {  	(tm) =	ssettm $0x7FFFFFFF  }
0xc3: {  	_ =	shalt  }
tec
execute0_lowered:
.L_overlay_start_1:
0x0: {  	(tag) =	ssettag $0x1  }
0x1: {  	s0 =	rddreg [dreg:$0x0]  }
0x2: {  	s1 =	rddreg [dreg:$0x1];
	s3 =	simm.s32 $0x0;
	s2 =	srdreg.scid  }
0x3: {  	s13 =	stileid.u32;
	s17 =	simm.s32 $0x400;
	s18 =	simm.s32 $0x3  }
0x4: {  	s20 =	simm.s32 $0x80;
	s22 =	simm.s32 $0x2;
	s23 =	simm.s32 $0x50  }
0x5: {  	s25 =	simm.s32 $0x1;
	[smem:$0x7FF] =	sst s3;
	s2 =	sand.u32 $0x1, s2  }
0x6: {  	s4 =	sadd.s32 $0x9FA00, s0;
	s8 =	smul.u32 $0x50000, s13;
	s5 =	sadd.s32 $0x8FA00, s0  }
0x7: {  	s6 =	sadd.s32 $0xFA00, s0;
	s10 =	sshll.u32 s13, $0xF;
	s16 =	smul.u32 $0x2800, s13  }
0x8: {  	_ =	strace $0x80000050;
	s7 =	ssub.s32 $0x2, s2;
	s11 =	sshll.u32 s2, $0xE  }
0x9: {  	p0 =	seq.s32 s2, $0x1;
	s9 =	sshrl.u32 s7, $0x1;
	s8 =	sshrl.u32 s8, $0x2  }
0xa: {  	s2 =	simm.s32 $0x18B000;
	s9 =	ssub.s32 s7, s9;
	s7 =	sadd.s32 s8, s1  }
0xb: {  	s2 =	simm.s32 @!p0 $0x163000;
	s8 =	sor.u32 s11, s10;
	s26 =	sadd.s32 $0x7800, s7  }
0xc: {  	s28 =	sadd.s32 $0xF000, s7;
	s12 =	sshrl.u32 s8, $0x3;
	[dreg:$0x3] =	wrdreg s26  }
0xd: {  	s0 =	sadd.s32 s2, s0;
	[dreg:$0x4] =	wrdreg s28;
	s29 =	sadd.s32 s5, s12  }
0xe: {  	s14 =	sor.u32 $0x10, s12;
	s30 =	sadd.s32 s6, s12;
	[dreg:$0x5] =	wrdreg s29  }
0xf: {  	s15 =	smax.u32 s9, $0x1;
	[dreg:$0x6] =	wrdreg s30;
	s31 =	sadd.s32 s5, s14  }
0x10: {  	v0 =	vimm.f32 $0.0e+00;
	s16 =	sadd.s32 s0, s16;
	s14 =	sadd.s32 s6, s14;
	[dreg:$0x7] =	wrdreg s31  }
.LBB2_1:
0x11: {  	s0 =	simm.s32 $0x0;
	s2 =	simm.s32 $0x200  }
.LBB2_2:
0x12: {  	p0 =	sne.s32 s2, $0x1DE00;
	[tilespmem:s0+$0x470] =	vst v0  }
0x13: {  	[tilespmem:s0+$0x400] =	vst v0  }
0x14: {  	[tilespmem:s0+$0x410] =	vst v0  }
.Ltmp0:
0x15: {  	[tilespmem:s0+$0x420] =	vst v0;
	(pc) =	sbr.rel @p0 .LBB2_2-.Ltmp0, $4  }
0x16: {  	[tilespmem:s0+$0x430] =	vst v0  }
0x17: {  	[tilespmem:s0+$0x440] =	vst v0  }
0x18: {  	[tilespmem:s0+$0x450] =	vst v0  }
0x19: {  	[tilespmem:s0+$0x460] =	vst v0;
	s0 =	sshra.s32 s2, $0x2;
	s2 =	sadd.s32 $0x200, s2  }
0x1a: {  	[tilespmem:s0+$0x470] =	vst v0  }
0x1b: {  	[tilespmem:s0+$0x400] =	vst v0  }
0x1c: {  	[tilespmem:s0+$0x410] =	vst v0  }
0x1d: {  	[tilespmem:s0+$0x420] =	vst v0  }
0x1e: {  	[tilespmem:s0+$0x430] =	vst v0  }
0x1f: {  	[tilespmem:s0+$0x440] =	vst v0  }
0x20: {  	[tilespmem:s0+$0x450] =	vst v0  }
0x21: {  	[tilespmem:s0+$0x460] =	vst v0  }
0x22: {  	[spmem:s7] =	stream.linear.scatter [tilespmem:s17], [sflag:$0x3], $0x7800, $0x38;
	[tilespmem:$0x1BC00] =	vst v63  }
0x23: {  	_ =	swait.ge [sflag:s18], $0x7800  }
0x24: {  	[sflag:s18] =	ssyncset.done $0x0  }
0x25: {  	s12 =	rddreg [dreg:$0x3];
	[sflag:s18] =	ssyncadd.s32 $0xFFFF8800  }
0x26: {  	[spmem:s12] =	stream.linear.scatter [tilespmem:s17], [sflag:$0x3], $0x7800, $0x38;
	[tilespmem:$0x1BC00] =	vst v63  }
0x27: {  	_ =	swait.ge [sflag:s18], $0x7800  }
0x28: {  	[sflag:s18] =	ssyncset.done $0x0  }
0x29: {  	s13 =	rddreg [dreg:$0x4];
	[sflag:s18] =	ssyncadd.s32 $0xFFFF8800  }
0x2a: {  	[spmem:s13] =	stream.linear.scatter [tilespmem:s17], [sflag:$0x3], $0x5000, $0x38;
	[tilespmem:$0x1BC00] =	vst v63  }
0x2b: {  	_ =	swait.ge [sflag:s18], $0x5000  }
0x2c: {  	[sflag:s18] =	ssyncset.done $0x0  }
0x2d: {  	[sflag:s18] =	ssyncadd.s32 $0xFFFFB000  }
0x2e: {  	s0 =	simm.s32 $0x0;
	[bflag:$0x0] =	sbarrier.arrive $0xFFFF  }
0x2f: {  	s9 =	simm.s32 $0x200;
	s24 =	simm.s32 $0x280;
	s2 =	rddreg [dreg:$0x5]  }
0x30: {  	[tilespmem:s0], [sflag:$0x2] =	stream.linear.gather [hbm4b:s2+s0], $0x80, $0x38;
	[tilespmem:$0x1BC00] =	vst v63  }
0x31: {  	p0 =	por $0x0, $0x0;
	s26 =	simm.s32 $0x2C00;
	s19 =	rddreg [dreg:$0x6]  }
0x32: {  	[tilespmem:s9], [sflag:$0x2] =	stream.linear.gather [hbm4b:s19+s0], $0x80, $0x38;
	[tilespmem:$0x1BC00] =	vst v63  }
0x33: {  	s30 =	simm.s32 $0x180;
	s29 =	simm.s32 @p0 $0x3;
	s21 =	rddreg [dreg:$0x7]  }
0x34: {  	[tilespmem:s20], [sflag:$0x2] =	stream.linear.gather [hbm4b:s21+s0], $0x80, $0x38;
	[tilespmem:$0x1BC00] =	vst v63  }
0x35: {  	s28 =	simm.s32 @p0 $0x50;
	s31 =	simm.s32 @!p0 $0x50;
	s2 =	smul.u32 @p0 $0xAB, s0  }
0x36: {  	[tilespmem:s24], [sflag:$0x2] =	stream.linear.gather [hbm4b:s14+s0], $0x80, $0x38;
	[tilespmem:$0x1BC00] =	vst v63  }
0x37: {  	p2 =	por p0, p0;
	s2 =	sshrl.u32 @p0 s2, $0x9;
	_ =	swait.ge [sflag:s22], $0x80  }
0x38: {  	s9 =	simm.s32 $0x100;
	s2 =	sand.u32 @p0 $0x7F, s2;
	[sflag:s22] =	ssyncset.done $0x0  }
0x39: {  	s19 =	sand.u32 @!p0 $0x7C00, s9;
	s2 =	smul.u32 @p0 $0x3, s2;
	[sflag:s22] =	ssyncadd.s32 $0xFFFFFF80  }
0x3a: {  	s9 =	sand.u32 @!p0 $0x380, s9;
	s19 =	sadd.s32 @!p0 s8, s19;
	_ =	swait.ge [sflag:s22], $0x80  }
0x3b: {  	s9 =	sor.u32 @!p0 s9, s19;
	s2 =	ssub.s32 @p0 $0x0, s2;
	[sflag:s22] =	ssyncset.done $0x0  }
0x3c: {  	s24 =	simm.s32 @!p0 $0x0;
	s9 =	sshrl.u32 @!p0 s9, $0x3;
	[sflag:s22] =	ssyncadd.s32 $0xFFFFFF80  }
0x3d: {  	[tilespmem:s17], [sflag:$0x1] =	stream.indirect.gather [hbm4b:s4+s23], $0x80, s0, s23, $0xb8;
	[tilespmem:$0x1BC00] =	vst v63  }
0x3e: {  	s2 =	sand.u32 @p0 $0xFF, s2;
	s0 =	smul.u32 @!p0 $0xAB, s0;
	_ =	swait.ge [sflag:s22], $0x80  }
0x3f: {  	s19 =	smul.u32 @p0 $0xA000, s2;
	s2 =	sshll.u32 @p0 s2, $0x7;
	[sflag:s22] =	ssyncset.done $0x0  }
0x40: {  	s2 =	sor.u32 @p0 $0x200, s2;
	s21 =	sadd.s32 @!p0 $0x156, s0;
	[sflag:s22] =	ssyncadd.s32 $0xFFFFFF80  }
0x41: {  	s19 =	sshrl.u32 @p0 s19, $0x2;
	s21 =	sshrl.u32 @!p0 s21, $0x9;
	_ =	swait.ge [sflag:s22], $0x80  }
0x42: {  	s0 =	sshrl.u32 @!p0 s0, $0x9;
	s21 =	sand.u32 @!p0 $0x7F, s21;
	[sflag:s22] =	ssyncset.done $0x0  }
0x43: {  	s0 =	sand.u32 @!p0 $0x7F, s0;
	s21 =	smul.u32 @!p0 $0x3, s21;
	[sflag:s22] =	ssyncadd.s32 $0xFFFFFF80  }
0x44: {  	[tilespmem:s26], [sflag:$0x1] =	stream.indirect.gather [hbm4b:s4+s23], $0x80, s20, s23, $0xb8;
	[tilespmem:$0x1BC00] =	vst v63  }
0x45: {  	s0 =	smul.u32 @!p0 $0x3, s0;
	s21 =	ssub.s32 @!p0 $0x0, s21;
	_ =	swait.ge [sflag:s25], $0x2800  }
0x46: {  	s19 =	sor.u32 @p0 $0x400, s19;
	s21 =	sadd.s32 @!p0 $0x2, s21;
	[sflag:s25] =	ssyncset.done $0x0  }
0x47: {  	s0 =	ssub.s32 @!p0 $0x0, s0;
	s21 =	sand.u32 @!p0 $0xFF, s21;
	[sflag:s25] =	ssyncadd.s32 $0xFFFFD800  }
0x48: {  	[spmem:s1] =	stream.indirect.scatter.add.f32 @p0 [tilespmem:s19], [sflag:$0x3], $0x80, s2, s28, $0xb8;
	[tilespmem:$0x1BC00] =	vst v63  }
0x49: {  	s0 =	sand.u32 @!p0 $0xFF, s0;
	s28 =	sshll.u32 @!p0 s21, $0x7;
	_ =	swait.ge @p0 [sflag:s29], $0x2800  }
0x4a: {  	s2 =	sadd.s32 @!p0 s5, s9;
	s21 =	smul.u32 @!p0 $0xA000, s21;
	[sflag:s29] =	ssyncset.done @p0 $0x0  }
0x4b: {  	s9 =	sadd.s32 @!p0 s6, s9;
	[sflag:s29] =	ssyncadd.s32 @p0 $0xFFFFD800;
	s29 =	smul.u32 @!p0 $0xA000, s0  }
0x4c: {  	[tilespmem:s28], [sflag:$0x2] =	stream.linear.gather @!p0 [hbm4b:s2+s24], $0x80, $0x38;
	[tilespmem:$0x1BC00] =	vst v63  }
0x4d: {  	s19 =	sor.u32 @!p0 $0x200, s28;
	s0 =	sshll.u32 @!p0 s0, $0x7;
	s29 =	sshrl.u32 @!p0 s29, $0x2  }
0x4e: {  	[tilespmem:s19], [sflag:$0x2] =	stream.linear.gather @!p0 [hbm4b:s9+s24], $0x80, $0x38;
	[tilespmem:$0x1BC00] =	vst v63  }
0x4f: {  	s2 =	simm.s32 @!p0 $0x3;
	s0 =	sor.u32 @!p0 $0x200, s0;
	s19 =	sor.u32 @!p0 $0x400, s29  }
0x50: {  	[spmem:s1] =	stream.indirect.scatter.add.f32 @!p0 [tilespmem:s19], [sflag:$0x3], $0x80, s0, s31, $0xb8;
	[tilespmem:$0x1BC00] =	vst v63  }
0x51: {  	s26 =	simm.s32 $0x1;
	s9 =	sshrl.u32 @!p0 s21, $0x2;
	_ =	swait.ge @!p0 [sflag:s2], $0x2800  }
0x52: {  	s29 =	simm.s32 $0x2;
	s21 =	simm.s32 @!p2 $0x2;
	[sflag:s2] =	ssyncset.done @!p0 $0x0  }
0x53: {  	s0 =	sor.u32 @!p0 $0x400, s9;
	p0 =	por $0x0, $0x0;
	[sflag:s2] =	ssyncadd.s32 @!p2 $0xFFFFD800  }
0x54: {  	s19 =	smul.u32 @p0 $0xAB, s26;
	s2 =	sand.u32 @!p0 $0x7C00, s30;
	_ =	swait.ge @!p2 [sflag:s21], $0x80  }
0x55: {  	s9 =	smul.u32 @!p0 $0xAB, s26;
	s2 =	sadd.s32 @!p0 s8, s2;
	[sflag:s21] =	ssyncset.done @!p2 $0x0  }
.LBB2_4:
0x56: {  	s24 =	sshrl.u32 @p0 s19, $0x9  }
0x57: {  	s10 =	sand.u32 @!p0 $0x380, s30;
	s19 =	smov.u32 s29;
	s29 =	sadd.s32 $0x1, s29  }
0x58: {  	s11 =	sand.u32 @p0 $0x7F, s24;
	s12 =	sadd.s32 @!p0 $0x156, s9;
	s24 =	simm.s32 @!p0 $0x0  }
0x59: {  	p1 =	sne.s32 s29, $0x7D;
	s11 =	smul.u32 @p0 $0x3, s11;
	s12 =	sshrl.u32 @!p0 s12, $0x9  }
0x5a: {  	s9 =	sshrl.u32 @!p0 s9, $0x9;
	s12 =	sand.u32 @!p0 $0x7F, s12;
	[sflag:s21] =	ssyncadd.s32 @!p2 $0xFFFFFF80  }
0x5b: {  	s2 =	sor.u32 @!p0 s10, s2;
	s9 =	sand.u32 @!p0 $0x7F, s9;
	s11 =	ssub.s32 @p0 s26, s11  }
0x5c: {  	s12 =	smul.u32 @!p0 $0x3, s12;
	s10 =	sand.u32 @p0 $0xFF, s11;
	s11 =	simm.s32 @p0 $0x3  }
0x5d: {  	s13 =	smul.u32 @p0 $0xA000, s10;
	s10 =	sshll.u32 @p0 s10, $0x7;
	_ =	swait.ge @!p2 [sflag:s21], $0x80  }
0x5e: {  	s12 =	ssub.s32 @!p0 s26, s12;
	s10 =	sor.u32 @p0 $0x200, s10;
	[sflag:s21] =	ssyncset.done @!p2 $0x0  }
0x5f: {  	s12 =	sadd.s32 @!p0 $0x2, s12;
	s13 =	sshrl.u32 @p0 s13, $0x2;
	[sflag:s21] =	ssyncadd.s32 @!p2 $0xFFFFFF80  }
0x60: {  	[tilespmem:s0], [sflag:$0x1] =	stream.indirect.gather @!p2 [hbm4b:s4+s31], $0x80, s28, s31, $0xb8;
	[tilespmem:$0x1BC00] =	vst v63  }
0x61: {  	s9 =	smul.u32 @!p0 $0x3, s9;
	s0 =	sor.u32 @p0 $0x400, s13;
	_ =	swait.ge [sflag:s25], $0x2800  }
0x62: {  	s12 =	sand.u32 @!p0 $0xFF, s12;
	s13 =	simm.s32 @p0 $0x50;
	[sflag:s25] =	ssyncset.done $0x0  }
0x63: {  	s2 =	sshrl.u32 @!p0 s2, $0x3;
	s28 =	sshll.u32 @!p0 s12, $0x7;
	[sflag:s25] =	ssyncadd.s32 $0xFFFFD800  }
0x64: {  	[spmem:s1] =	stream.indirect.scatter.add.f32 @p0 [tilespmem:s0], [sflag:$0x3], $0x80, s10, s13, $0xb8;
	[tilespmem:$0x1BC00] =	vst v63  }
0x65: {  	s0 =	sadd.s32 @!p0 s5, s2;
	s2 =	sadd.s32 @!p0 s6, s2;
	_ =	swait.ge @p0 [sflag:s11], $0x2800  }
0x66: {  	s9 =	ssub.s32 @!p0 s26, s9;
	s10 =	sor.u32 @!p0 $0x200, s28;
	[sflag:s11] =	ssyncset.done @p0 $0x0  }
0x67: {  	s9 =	sand.u32 @!p0 $0xFF, s9;
	[sflag:s11] =	ssyncadd.s32 @p0 $0xFFFFD800;
	s11 =	smul.u32 @!p0 $0xA000, s12  }
0x68: {  	s13 =	simm.s32 @!p0 $0x3;
	s12 =	smul.u32 @!p0 $0xA000, s9;
	s9 =	sshll.u32 @!p0 s9, $0x7  }
0x69: {  	[tilespmem:s28], [sflag:$0x2] =	stream.linear.gather @!p0 [hbm4b:s0+s24], $0x80, $0x38;
	[tilespmem:$0x1BC00] =	vst v63  }
0x6a: {  	s9 =	sor.u32 @!p0 $0x200, s9;
	s0 =	sshrl.u32 @!p0 s12, $0x2;
	s11 =	sshrl.u32 @!p0 s11, $0x2  }
0x6b: {  	[tilespmem:s10], [sflag:$0x2] =	stream.linear.gather @!p0 [hbm4b:s2+s24], $0x80, $0x38;
	[tilespmem:$0x1BC00] =	vst v63  }
0x6c: {  	s31 =	simm.s32 @!p0 $0x50;
	s2 =	sor.u32 @!p0 $0x400, s0;
	s0 =	sor.u32 @!p0 $0x400, s11  }
0x6d: {  	[spmem:s1] =	stream.indirect.scatter.add.f32 @!p0 [tilespmem:s2], [sflag:$0x3], $0x80, s9, s31, $0xb8;
	[tilespmem:$0x1BC00] =	vst v63  }
.Ltmp1:
0x6e: {  	s26 =	smov.u32 s19;
	_ =	swait.ge @!p0 [sflag:s13], $0x2800;
	(pc) =	sbr.rel @p1 .LBB2_4-.Ltmp1, $4  }
0x6f: {  	s30 =	sadd.s32 $0x80, s30;
	p2 =	por p0, p0;
	[sflag:s13] =	ssyncset.done @!p0 $0x0  }
0x70: {  	s21 =	simm.s32 @!p2 $0x2;
	p0 =	sgt.u32 s26, $0x7A;
	[sflag:s13] =	ssyncadd.s32 @!p2 $0xFFFFD800  }
0x71: {  	s19 =	smul.u32 @p0 $0xAB, s26;
	s2 =	sand.u32 @!p0 $0x7C00, s30;
	_ =	swait.ge @!p2 [sflag:s21], $0x80  }
0x72: {  	s9 =	smul.u32 @!p0 $0xAB, s26;
	s2 =	sadd.s32 @!p0 s8, s2;
	[sflag:s21] =	ssyncset.done @!p2 $0x0  }
0x73: {  	s10 =	sshrl.u32 @p0 s19, $0x9  }
0x74: {  	s11 =	sand.u32 @!p0 $0x380, s30;
	s13 =	simm.s32 @!p0 $0x0;
	[sflag:s21] =	ssyncadd.s32 @!p2 $0xFFFFFF80  }
0x75: {  	s10 =	sand.u32 @p0 $0x7F, s10;
	s12 =	sadd.s32 @!p0 $0x156, s9;
	s9 =	sshrl.u32 @!p0 s9, $0x9  }
0x76: {  	s2 =	sor.u32 @!p0 s11, s2;
	s11 =	simm.s32 @p0 $0x3;
	_ =	swait.ge @!p2 [sflag:s21], $0x80  }
0x77: {  	s10 =	smul.u32 @p0 $0x3, s10;
	s12 =	sshrl.u32 @!p0 s12, $0x9;
	s9 =	sand.u32 @!p0 $0x7F, s9  }
0x78: {  	[sflag:s21] =	ssyncset.done @!p2 $0x0;
	s2 =	sshrl.u32 @!p0 s2, $0x3;
	s12 =	sand.u32 @!p0 $0x7F, s12  }
0x79: {  	[sflag:s21] =	ssyncadd.s32 @!p2 $0xFFFFFF80;
	s9 =	smul.u32 @!p0 $0x3, s9;
	s10 =	ssub.s32 @p0 s26, s10  }
0x7a: {  	[tilespmem:s0], [sflag:$0x1] =	stream.indirect.gather @!p2 [hbm4b:s4+s31], $0x80, s28, s31, $0xb8;
	[tilespmem:$0x1BC00] =	vst v63  }
0x7b: {  	s12 =	smul.u32 @!p0 $0x3, s12;
	s10 =	sand.u32 @p0 $0xFF, s10;
	_ =	swait.ge [sflag:s25], $0x2800  }
0x7c: {  	s9 =	ssub.s32 @!p0 s26, s9;
	s19 =	smul.u32 @p0 $0xA000, s10;
	s10 =	sshll.u32 @p0 s10, $0x7  }
0x7d: {  	s12 =	ssub.s32 @!p0 s26, s12;
	[sflag:s25] =	ssyncset.done $0x0;
	s10 =	sor.u32 @p0 $0x200, s10  }
0x7e: {  	s12 =	sadd.s32 @!p0 $0x2, s12;
	[sflag:s25] =	ssyncadd.s32 $0xFFFFD800;
	s19 =	sshrl.u32 @p0 s19, $0x2  }
0x7f: {  	s12 =	sand.u32 @!p0 $0xFF, s12;
	s0 =	sor.u32 @p0 $0x400, s19;
	s19 =	simm.s32 @p0 $0x50  }
0x80: {  	[spmem:s1] =	stream.indirect.scatter.add.f32 @p0 [tilespmem:s0], [sflag:$0x3], $0x80, s10, s19, $0xb8;
	[tilespmem:$0x1BC00] =	vst v63  }
0x81: {  	s9 =	sand.u32 @!p0 $0xFF, s9;
	s21 =	sshll.u32 @!p0 s12, $0x7;
	_ =	swait.ge @p0 [sflag:s11], $0x2800  }
0x82: {  	s0 =	sadd.s32 @!p0 s5, s2;
	s2 =	sadd.s32 @!p0 s6, s2;
	[sflag:s11] =	ssyncset.done @p0 $0x0  }
0x83: {  	s10 =	sor.u32 @!p0 $0x200, s21;
	[sflag:s11] =	ssyncadd.s32 @p0 $0xFFFFD800;
	s11 =	smul.u32 @!p0 $0xA000, s9  }
0x84: {  	[tilespmem:s21], [sflag:$0x2] =	stream.linear.gather @!p0 [hbm4b:s0+s13], $0x80, $0x38;
	[tilespmem:$0x1BC00] =	vst v63  }
0x85: {  	s0 =	sshll.u32 @!p0 s9, $0x7;
	s9 =	simm.s32 @!p0 $0x3;
	s11 =	sshrl.u32 @!p0 s11, $0x2  }
0x86: {  	[tilespmem:s10], [sflag:$0x2] =	stream.linear.gather @!p0 [hbm4b:s2+s13], $0x80, $0x38;
	[tilespmem:$0x1BC00] =	vst v63  }
0x87: {  	s0 =	sor.u32 @!p0 $0x200, s0;
	s2 =	sor.u32 @!p0 $0x400, s11;
	s10 =	simm.s32 @!p0 $0x50  }
0x88: {  	[spmem:s1] =	stream.indirect.scatter.add.f32 @!p0 [tilespmem:s2], [sflag:$0x3], $0x80, s0, s10, $0xb8;
	[tilespmem:$0x1BC00] =	vst v63  }
0x89: {  	_ =	swait.ge @!p0 [sflag:s9], $0x2800  }
0x8a: {  	p1 =	por p0, p0;
	[sflag:s9] =	ssyncset.done @!p0 $0x0  }
0x8b: {  	s0 =	simm.s32 @!p1 $0x2;
	[sflag:s9] =	ssyncadd.s32 @!p1 $0xFFFFD800  }
0x8c: {  	_ =	swait.ge @!p1 [sflag:s0], $0x80  }
0x8d: {  	s2 =	smul.u32 @!p0 $0xA000, s12;
	[sflag:s0] =	ssyncset.done @!p1 $0x0  }
0x8e: {  	s30 =	stileid.u32;
	[sflag:s0] =	ssyncadd.s32 @!p1 $0xFFFFFF80  }
0x8f: {  	s3 =	sadd.s32 $0x1, s3;
	s2 =	sshrl.u32 @!p0 s2, $0x2;
	_ =	swait.ge @!p1 [sflag:s0], $0x80  }
0x90: {  	s31 =	sshrl.u32 s7, $0x3;
	s2 =	sor.u32 @!p0 $0x400, s2;
	[sflag:s0] =	ssyncset.done @!p1 $0x0  }
0x91: {  	p0 =	sne.s32 s3, s15;
	[sflag:s0] =	ssyncadd.s32 @!p1 $0xFFFFFF80;
	s0 =	sshll.u32 s30, $0x6  }
0x92: {  	[tilespmem:s2], [sflag:$0x1] =	stream.indirect.gather @!p1 [hbm4b:s4+s10], $0x80, s21, s10, $0xb8;
	[tilespmem:$0x1BC00] =	vst v63  }
.Ltmp2:
0x93: {  	s0 =	sor.u32 $0x1C03, s0;
	[bflag:$0x0] =	sbarrier.arrive $0xFFFF;
	(pc) =	sbr.rel @p0 .LBB2_1-.Ltmp2, $4  }
0x94: {  	[hbm:s16], [sflag:s0] =	dma.local [spmem:s31], $0x2800  }
0x95: {  	_ =	swait.ge [sflag:s18], $0x2800  }
0x96: {  	[sflag:s18] =	ssyncset.done $0x0  }
0x97: {  	[sflag:s18] =	ssyncadd.s32 $0xFFFFD800  }
0x98: {  	_ =	sfence.sel $0x180000  }
0x99: {  	[bflag:$0x0] =	sbarrier.arrive $0xFFFF  }
0x9a: {  	_ =	strace $0x90000050  }
0x9b: {  	s0 =	stileid.u32;
	[bflag:$0x2] =	sbarrier.arrive $0xFFFF  }
0x9c: {  	p0 =	sne.s32 s0, $0x0;
	s0 =	rddreg [dreg:$0x2]  }
0x9d: {  	s0 =	sadd.s32 @!p0 $0x100000, s0  }
0x9e: {  	[sflag:s0] =	ssyncadd.tile.s32 @!p0 $0x1;
	_ =	shalt  }
.Lfunc_end2:
_tile_overlayer_lowered:
.L_overlay_start_2:
0x9f: {  	(tag) =	ssettag $0x2  }
0xa0: {  	s0 =	rddreg [dreg:$0x0];
	s2 =	stileid.u32  }
0xa1: {  	s1 =	rddreg [dreg:$0x1];
	p0 =	sne.s32 s2, $0x0  }
0xa2: {  	s3 =	rddreg [dreg:$0x2];
	[bflag:$0x3] =	sbarrier.arrive $0xFFFF;
	s2 =	simm.s32 @!p0 $0x1C03  }
0xa3: {  	[timem:s3], [sflag:s2] =	dma.local @!p0 [hbm:s0], s1  }
0xa4: {  	s0 =	simm.s32 @!p0 $0x3  }
0xa5: {  	_ =	swait.ge @!p0 [sflag:s0], s1  }
0xa6: {  	s1 =	ssub.s32 @!p0 $0x0, s1;
	[sflag:s0] =	ssyncset.done @!p0 $0x0  }
0xa7: {  	[sflag:s0] =	ssyncadd.s32 @!p0 s1  }
0xa8: {  	[bflag:$0x3] =	sbarrier.arrive $0xFFFF  }
0xa9: {  	_ =	shalt  }

// kernel: kernel.23.cloned.1.call-start
scs
__scs_entry_jumppad:
0x0: {  	(pc) =	sbr.rel $0x88, $3  }
0x1: {  	(tag) =	ssettag $0x0;
	lr =	simm.s32 $0x1  }
0x2: {  	[smem:$0x3F8A] =	sst lr;
	_ =	strace $0xD0000000  }
0x3: {  	_ = 	snop  }
0x4: {  	_ = 	snop  }
0x5: {  	_ = 	snop  }
0x6: {  	_ = 	snop  }
0x7: {  	_ = 	snop  }
__scs_overlays_trampoline_lowered:
0x8: {  	[smem:$0x3F99] =	sst s0  }
0x9: {  	[smem:$0x3F9A] =	sst s1  }
0xa: {  	[smem:$0x3F9B] =	sst s2  }
0xb: {  	[smem:$0x3F9C] =	sst s3  }
0xc: {  	[smem:$0x3F9D] =	sst s4  }
0xd: {  	[smem:$0x3F9E] =	sst s5  }
0xe: {  	[smem:$0x3F9F] =	sst s6  }
0xf: {  	[smem:$0x3FA0] =	sst s7  }
0x10: {  	[smem:$0x3FA1] =	sst s8  }
0x11: {  	[smem:$0x3FA2] =	sst s9;
	s0 =	simm.s32 @!p0 $0x0  }
0x12: {  	s1 =	sld [smem:$0x3F88];
	s0 =	simm.s32 @p0 $0x1  }
0x13: {  	[smem:$0x3FA3] =	sst s0;
	s0 =	simm.s32 @!p1 $0x0  }
0x14: {  	s2 =	sld [smem:$0x3F87];
	s0 =	simm.s32 @p1 $0x1  }
0x15: {  	[smem:$0x3FA4] =	sst s0;
	s0 =	simm.s32 @!p2 $0x0  }
0x16: {  	s3 =	sld [smem:$0x3FDB];
	s0 =	simm.s32 @p2 $0x1  }
0x17: {  	s4 =	simm.s32 $0x1BF5;
	[smem:$0x3FA6] =	sst s0  }
0x18: {  	s0 =	sld [smem:$0x3F89];
	_ =	swait.ge [sflag:s4], $0x0  }
0x19: {  	s7 =	sld [smem:$0x3F8A]  }
0x1a: {  	s8 =	sadd.s32 $0xFFFFE003, lr  }
0x1b: {  	s9 =	sadd.s32 $0xFFFFFEF7, lr;
	s5 =	simm.s32 $0xFFFFFFFF;
	p2 =	slt.u32 s8, $0xFFFFF086  }
0x1c: {  	p1 =	slt.u32 s9, $0xF7A;
	s5 =	simm.s32 @!p2 $0x0  }
0x1d: {  	s5 =	simm.s32 @p1 $0x1;
	p0 =	seq.s32 s7, s2  }
0x1e: {  	s7 =	smul.u32 @!p0 $0xF7A, s2;
	p2 =	seq.s32 @!p0 s5, $0x0  }
0x1f: {  	s9 =	smul.u32 $0xF7A, s1;
	s8 =	simm.s32 @!p0 $0x1BF5;
	p2 =	por !p2, p0  }
0x20: {  	[sflag:s8] =	ssyncset.s32 @!p0 $0xFFFFF086;
	s6 =	sadd.s32 @!p0 s3, s7;
	s7 =	simm.s32 @!p0 $0x108  }
0x21: {  	s3 =	sadd.s32 s3, s9;
	s6 =	sadd.s32 @!p0 $0x88, s6;
	s7 =	simm.s32 @p2 $0x1082  }
0x22: {  	[simem:s7], [sflag:s8] =	dma.local @!p0 [hbm:s6], $0xF7A  }
0x23: {  	s9 =	sor.u32 $0xD0000000, s2;
	s6 =	simm.s32 $0x108;
	_ =	swait.ge @!p0 [sflag:s8], $0x0  }
0x24: {  	s3 =	sadd.s32 $0x88, s3;
	s6 =	simm.s32 @!p1 $0x1082;
	[sflag:s4] =	ssyncset.s32 $0xFFFFF086  }
0x25: {  	[simem:s6], [sflag:s4] =	dma.local [hbm:s3], $0xF7A  }
0x26: {  	[smem:$0x3F8A] =	sst s1;
	(tag) =	ssettag s2;
	_ =	strace s9  }
0x27: {  	s1 =	sld [smem:$0x3F9A]  }
0x28: {  	s2 =	sld [smem:$0x3F9B]  }
0x29: {  	s4 =	sld [smem:$0x3F9D]  }
0x2a: {  	p0 =	seq.s32 s5, $0x0;
	s5 =	sld [smem:$0x3F9E]  }
0x2b: {  	s6 =	sld [smem:$0x3F9F]  }
0x2c: {  	s7 =	sld [smem:$0x3FA0]  }
0x2d: {  	s3 =	simm.s32 $0x108;
	s8 =	sld [smem:$0x3FA1]  }
0x2e: {  	s3 =	simm.s32 @!p0 $0x1082;
	s9 =	sld [smem:$0x3FA2]  }
0x2f: {  	lr =	sadd.s32 s0, s3;
	s0 =	sld [smem:$0x3F99]  }
0x30: {  	s3 =	sld [smem:$0x3F9C]  }
0x31: {  	[smem:$0x3FA5] =	sst s10  }
0x32: {  	s10 =	sld [smem:$0x3FA3];
	_ =	sdelay $0x3  }
0x33: {  	p0 =	seq.s32 s10, $0x1;
	s10 =	sld [smem:$0x3FA5];
	_ =	sdelay $0x3  }
0x34: {  	[smem:$0x3FA5] =	sst s10  }
0x35: {  	s10 =	sld [smem:$0x3FA4];
	_ =	sdelay $0x3  }
0x36: {  	p1 =	seq.s32 s10, $0x1;
	s10 =	sld [smem:$0x3FA5];
	_ =	sdelay $0x3  }
0x37: {  	[smem:$0x3FA5] =	sst s10  }
0x38: {  	s10 =	sld [smem:$0x3FA6]  }
0x39: {  	_ = 	snop;
	(pc) =	sbr.ind lr, $3  }
0x3a: {  	_ = 	snop  }
0x3b: {  	_ = 	snop  }
0x3c: {  	p2 =	seq.s32 s10, $0x1;
	s10 =	sld [smem:$0x3FA5]  }
0x3d: {  	_ =	shalt  }
0x3e: {  	_ =	shalt  }
0x3f: {  	_ =	shalt  }
0x40: {  	_ =	shalt  }
0x41: {  	_ =	shalt  }
0x42: {  	_ =	shalt  }
0x43: {  	_ =	shalt  }
0x44: {  	_ =	shalt  }
0x45: {  	_ =	shalt  }
0x46: {  	_ =	shalt  }
0x47: {  	_ =	shalt  }
0x48: {  	_ =	shalt  }
0x49: {  	_ =	shalt  }
0x4a: {  	_ =	shalt  }
0x4b: {  	_ =	shalt  }
0x4c: {  	_ =	shalt  }
0x4d: {  	_ =	shalt  }
0x4e: {  	_ =	shalt  }
0x4f: {  	_ =	shalt  }
0x50: {  	_ =	shalt  }
0x51: {  	_ =	shalt  }
0x52: {  	_ =	shalt  }
0x53: {  	_ =	shalt  }
0x54: {  	_ =	shalt  }
0x55: {  	_ =	shalt  }
0x56: {  	_ =	shalt  }
0x57: {  	_ =	shalt  }
0x58: {  	_ =	shalt  }
0x59: {  	_ =	shalt  }
0x5a: {  	_ =	shalt  }
0x5b: {  	_ =	shalt  }
0x5c: {  	_ =	shalt  }
0x5d: {  	_ =	shalt  }
0x5e: {  	_ =	shalt  }
0x5f: {  	_ =	shalt  }
0x60: {  	_ =	shalt  }
0x61: {  	_ =	shalt  }
0x62: {  	_ =	shalt  }
0x63: {  	_ =	shalt  }
0x64: {  	_ =	shalt  }
0x65: {  	_ =	shalt  }
0x66: {  	_ =	shalt  }
0x67: {  	_ =	shalt  }
0x68: {  	_ =	shalt  }
0x69: {  	_ =	shalt  }
0x6a: {  	_ =	shalt  }
0x6b: {  	_ =	shalt  }
0x6c: {  	_ =	shalt  }
0x6d: {  	_ =	shalt  }
0x6e: {  	_ =	shalt  }
0x6f: {  	_ =	shalt  }
0x70: {  	_ =	shalt  }
0x71: {  	_ =	shalt  }
0x72: {  	_ =	shalt  }
0x73: {  	_ =	shalt  }
0x74: {  	_ =	shalt  }
0x75: {  	_ =	shalt  }
0x76: {  	_ =	shalt  }
0x77: {  	_ =	shalt  }
0x78: {  	_ =	shalt  }
0x79: {  	_ =	shalt  }
0x7a: {  	_ =	shalt  }
0x7b: {  	_ =	shalt  }
0x7c: {  	_ =	shalt  }
0x7d: {  	_ =	shalt  }
0x7e: {  	_ =	shalt  }
0x7f: {  	_ =	shalt  }
0x80: {  	_ =	shalt  }
0x81: {  	_ =	shalt  }
0x82: {  	_ =	shalt  }
0x83: {  	_ =	shalt  }
0x84: {  	_ =	shalt  }
0x85: {  	_ =	shalt  }
0x86: {  	_ =	shalt  }
0x87: {  	_ =	shalt  }
.Lfunc_end0:
.L_simem_size_0:
called_computation.4_lowered:
.L_overlay_start_0:
0x88: {  	s2 =	sld [smem:$0x3FD9]  }
0x89: {  	s3 =	sld [smem:$0x3FFE];
	_ =	sdelay $0x1  }
0x8a: {  	s1 =	srdreg.scid  }
0x8b: {  	s0 =	sand.u32 $0x1, s1  }
0x8c: {  	s17 =	sshll.u32 s0, $0xA;
	s2 =	sadd.s32 s3, s2  }
0x8d: {  	s2 =	sadd.s32 s2, s17  }
0x8e: {  	[smem:$0x3FB1] =	sst s2  }
0x8f: {  	_ = 	snop  }
0x90: {  	s2 =	sld [smem:$0x3FC9]  }
0x91: {  	s18 =	sld [smem:$0x3FC5];
	(tm) =	ssettm $0x1  }
0x92: {  	s4 =	sld [smem:$0x3FFB];
	_ =	sdelay $0x3  }
0x93: {  	_ =	strace s4  }
0x94: {  	s4 =	sld [smem:$0x3FFC];
	_ =	sdelay $0x3  }
0x95: {  	_ =	strace s4  }
0x96: {  	s4 =	sld [smem:$0x3FFD];
	_ =	sdelay $0x3  }
0x97: {  	_ =	strace s4  }
0x98: {  	_ =	strace $0x8FFFFFFF  }
0x99: {  	s19 =	sld [smem:$0x3FDB];
	_ =	sdelay $0x1  }
0x9a: {  	s5 =	simm.s32 $_scs_section_size  }
0x9b: {  	s6 =	simm.s32 $_size__tile_overlayer_lowered;
	s7 =	simm.s32 $_tile_overlayer_lowered  }
0x9c: {  	s22 =	simm.s32 $0x1BFF;
	s21 =	sshll.u32 s7, $0x1;
	s4 =	sadd.s32 s5, s19  }
0x9d: {  	s8 =	simm.s32 $0x0;
	s20 =	sshll.u32 s6, $0x1;
	s6 =	sadd.s32 s21, s4  }
0x9e: {  	[timem:s8], [sflag:s22] =	dma.local [hbm:s6], s20  }
0x9f: {  	_ =	swait.ge [sflag:s22], s20  }
0xa0: {  	s5 =	ssub.s32 $0x0, s20;
	[sflag:s22] =	ssyncset.done $0x0  }
0xa1: {  	[sflag:s22] =	ssyncadd.s32 s5;
	_ =	sdelay $0x1  }
0xa2: {  	s23 =	simm.s32 $0x1B8B  }
0xa3: {  	_ =	swait.ge [sflag:s23], $0x1  }
0xa4: {  	[sflag:s23] =	ssyncset.done $0x0  }
0xa5: {  	s25 =	simm.s32 $0x1B8E;
	s24 =	sld [smem:$0x3FFE];
	[sflag:s23] =	ssyncadd.s32 $0xFFFFFFFF  }
0xa6: {  	s26 =	simm.s32 $execute0_lowered;
	[smem:$0x3FD2] =	sst s25  }
0xa7: {  	s6 =	sshll.u32 s26, $0x1;
	_ =	strace $0x80000052;
	[dreg:$0x1] =	wrdreg $0xFFFFFFFF  }
0xa8: {  	s28 =	simm.s32 $_size_execute0_lowered;
	s4 =	sadd.s32 s4, s6;
	[dreg:$0x0] =	wrdreg $0x0  }
0xa9: {  	s6 =	sshll.u32 s28, $0x1;
	[dreg:$0x2] =	wrdreg s4  }
0xaa: {  	[dreg:$0x3] =	wrdreg s6  }
0xab: {  	[dreg:$0x4] =	wrdreg $0xC0  }
0xac: {  	_ =	task [dreg:s8], $0x5FFFF  }
0xad: {  	[dreg:$0x1] =	wrdreg $0xFFFFFFFF  }
0xae: {  	[dreg:$0x0] =	wrdreg $0x60  }
0xaf: {  	[dreg:$0x2] =	wrdreg s2  }
0xb0: {  	[dreg:$0x3] =	wrdreg s24  }
0xb1: {  	[dreg:$0x4] =	wrdreg s18  }
0xb2: {  	[dreg:$0x5] =	wrdreg $0x9  }
0xb3: {  	_ =	task.clear_ibuf [dreg:s8], $0x6FFFF;
	_ =	strace $0x90000052  }
0xb4: {  	s29 =	simm.s32 $0x9;
	_ =	strace $0x80000054  }
0xb5: {  	_ =	swait.ge [sflag:s29], $0x1  }
0xb6: {  	[sflag:s29] =	ssyncadd.s32 $0xFFFFFFFF  }
0xb7: {  	_ =	strace $0x90000054  }
0xb8: {  	_ =	sfence  }
0xb9: {  	s30 =	sld [smem:$0x0];
	_ =	sdelay $0x2  }
0xba: {  	s31 =	sshll.u32 s1, $0xD;
	s1 =	sshrl.u32 s1, $0x2  }
0xbb: {  	s3 =	sand.u32 $0x4000, s31;
	s1 =	sadd.s32 s1, s30  }
0xbc: {  	s0 =	sor.u32 s3, s0;
	s1 =	sshll.u32 s1, $0x11  }
0xbd: {  	s0 =	sor.u32 s1, s0  }
0xbe: {  	s0 =	sadd.s32 $0x8F2B, s0  }
0xbf: {  	[sflag:s0] =	ssyncadd.remote.s32 $0x1  }
0xc0: {  	_ =	sfence.sel $0xFFFF  }
0xc1: {  	[dreg:$0x0] =	wrdreg $0xFFFFFFFF;
	(pc) =	sbr.abs _section_cstart, $3  }
0xc2: {  	[dreg:$0x1] =	wrdreg $0xFFFFFFFF  }
0xc3: {  	_ =	task.clear_ibuf [dreg:s8], $0x2FFFF;
	_ =	strace $0x9FFFFFFF  }
0xc4: {  	(tm) =	ssettm $0x7FFFFFFF  }
0xc5: {  	_ =	shalt  }
tec
execute0_lowered:
.L_overlay_start_1:
0x0: {  	(tag) =	ssettag $0x1  }
0x1: {  	s1 =	rddreg [dreg:$0x0];
	s2 =	srdreg.scid  }
0x2: {  	s16 =	rddreg [dreg:$0x1];
	s0 =	stileid.u32;
	s17 =	sand.u32 $0x1, s2  }
0x3: {  	s4 =	rddreg [dreg:$0x2];
	s5 =	sshll.u32 s0, $0x5;
	s6 =	sshll.u32 s17, $0x4  }
0x4: {  	s3 =	simm.s32 $0x0;
	s2 =	rddreg [dreg:$0x3];
	s9 =	sor.u32 s6, s5  }
0x5: {  	[smem:$0x7FF] =	sst s3;
	s5 =	sshrl.u32 s9, $0x3  }
0x6: {  	_ =	strace $0x80000053;
	s5 =	sadd.s32 s4, s5;
	s4 =	simm.s32 $0x2  }
0x7: {  	[tilespmem:s3], [sflag:$0x2] =	stream.linear.gather [hbm4b:s5+s3], $0x10, $0x38;
	[tilespmem:$0x880] =	vst v63  }
0x8: {  	_ =	swait.ge [sflag:s4], $0x10  }
0x9: {  	s7 =	simm.s32 $0x80;
	[sflag:s4] =	ssyncset.done $0x0  }
0xa: {  	s8 =	simm.s32 $0x1;
	s6 =	simm.s32 $0x10;
	[sflag:s4] =	ssyncadd.s32 $0xFFFFFFF0  }
0xb: {  	[tilespmem:s7], [sflag:$0x1] =	stream.indirect.gather [hbm4b:s1+s6], $0x80, s3, s6, $0xb8;
	[tilespmem:$0x880] =	vst v63  }
0xc: {  	s9 =	sshll.u32 s9, $0x4;
	_ =	swait.ge [sflag:s8], $0x800  }
0xd: {  	s18 =	sadd.s32 s9, s16;
	[sflag:s8] =	ssyncset.done $0x0  }
0xe: {  	s9 =	sadd.s32 $0x5C00, s18;
	[sflag:s8] =	ssyncadd.s32 $0xFFFFF800  }
0xf: {  	[hbm4b:s9+s3] =	stream.linear.scatter [tilespmem:s7], [sflag:$0x2], $0x800, $0x38;
	[tilespmem:$0x880] =	vst v63  }
0x10: {  	_ =	swait.ge [sflag:s4], $0x800  }
0x11: {  	[sflag:s4] =	ssyncset.done $0x0  }
0x12: {  	s10 =	sadd.s32 $0x1FA00, s16;
	[sflag:s4] =	ssyncadd.s32 $0xFFFFF800  }
0x13: {  	[tilespmem:s7], [sflag:$0x1] =	stream.indirect.gather [hbm4b:s10+s6], $0x80, s3, s6, $0xb8;
	[tilespmem:$0x880] =	vst v63  }
0x14: {  	_ =	swait.ge [sflag:s8], $0x800  }
0x15: {  	[sflag:s8] =	ssyncset.done $0x0  }
0x16: {  	s11 =	sadd.s32 $0x7C00, s18;
	[sflag:s8] =	ssyncadd.s32 $0xFFFFF800  }
0x17: {  	[hbm4b:s11+s3] =	stream.linear.scatter [tilespmem:s7], [sflag:$0x2], $0x800, $0x38;
	[tilespmem:$0x880] =	vst v63  }
0x18: {  	_ =	swait.ge [sflag:s4], $0x800  }
0x19: {  	[sflag:s4] =	ssyncset.done $0x0  }
0x1a: {  	s12 =	sadd.s32 $0x163000, s16;
	[sflag:s4] =	ssyncadd.s32 $0xFFFFF800  }
0x1b: {  	[tilespmem:s7], [sflag:$0x1] =	stream.indirect.gather [hbm4b:s12+s6], $0x80, s3, s6, $0xb8;
	[tilespmem:$0x880] =	vst v63  }
0x1c: {  	_ =	swait.ge [sflag:s8], $0x800  }
0x1d: {  	[sflag:s8] =	ssyncset.done $0x0  }
0x1e: {  	s13 =	sadd.s32 $0x9C00, s18;
	[sflag:s8] =	ssyncadd.s32 $0xFFFFF800  }
0x1f: {  	[hbm4b:s13+s3] =	stream.linear.scatter [tilespmem:s7], [sflag:$0x2], $0x800, $0x38;
	[tilespmem:$0x880] =	vst v63  }
0x20: {  	_ =	swait.ge [sflag:s4], $0x800  }
0x21: {  	[sflag:s4] =	ssyncset.done $0x0  }
0x22: {  	s14 =	sadd.s32 $0x18B000, s16;
	[sflag:s4] =	ssyncadd.s32 $0xFFFFF800  }
0x23: {  	[tilespmem:s7], [sflag:$0x1] =	stream.indirect.gather [hbm4b:s14+s6], $0x80, s3, s6, $0xb8;
	[tilespmem:$0x880] =	vst v63  }
0x24: {  	_ =	swait.ge [sflag:s8], $0x800  }
0x25: {  	[sflag:s8] =	ssyncset.done $0x0  }
0x26: {  	s17 =	ssub.s32 $0x2, s17;
	s15 =	sadd.s32 $0xBC00, s18;
	[sflag:s8] =	ssyncadd.s32 $0xFFFFF800  }
0x27: {  	[hbm4b:s15+s3] =	stream.linear.scatter [tilespmem:s7], [sflag:$0x2], $0x800, $0x38;
	[tilespmem:$0x880] =	vst v63  }
0x28: {  	s19 =	sshrl.u32 s17, $0x1;
	_ =	swait.ge [sflag:s4], $0x800  }
0x29: {  	s19 =	ssub.s32 s17, s19;
	[sflag:s4] =	ssyncset.done $0x0  }
0x2a: {  	s16 =	sadd.s32 $0x13BE00, s16;
	s31 =	smax.u32 s19, $0x1;
	[sflag:s4] =	ssyncadd.s32 $0xFFFFF800  }
0x2b: {  	[tilespmem:s7], [sflag:$0x1] =	stream.indirect.gather [hbm4b:s16+s6], $0x80, s3, s6, $0xb8;
	[tilespmem:$0x880] =	vst v63  }
0x2c: {  	p0 =	sne.s32 s31, $0x1;
	_ =	swait.ge [sflag:s8], $0x800  }
.Ltmp0:
0x2d: {  	[sflag:s8] =	ssyncset.done $0x0;
	(pc) =	sbr.rel @!p0 .LBB2_2-.Ltmp0, $4  }
0x2e: {  	s17 =	sadd.s32 $0xDC00, s18;
	[sflag:s8] =	ssyncadd.s32 $0xFFFFF800  }
0x2f: {  	[hbm4b:s17+s3] =	stream.linear.scatter [tilespmem:s7], [sflag:$0x2], $0x800, $0x38;
	[tilespmem:$0x880] =	vst v63  }
0x30: {  	_ =	swait.ge [sflag:s4], $0x800  }
0x31: {  	s18 =	sadd.s32 $0xFFFFFFFF, s31;
	[sflag:s4] =	ssyncset.done $0x0  }
.LBB2_1:
0x32: {  	p0 =	sne.s32 s18, $0x1;
	s18 =	sadd.s32 $0xFFFFFFFF, s18;
	[sflag:s4] =	ssyncadd.s32 $0xFFFFF800  }
0x33: {  	[tilespmem:s3], [sflag:$0x2] =	stream.linear.gather [hbm4b:s5+s3], $0x10, $0x38;
	[tilespmem:$0x880] =	vst v63  }
0x34: {  	_ =	swait.ge [sflag:s4], $0x10  }
0x35: {  	[sflag:s4] =	ssyncset.done $0x0  }
0x36: {  	[sflag:s4] =	ssyncadd.s32 $0xFFFFFFF0  }
0x37: {  	[tilespmem:s7], [sflag:$0x1] =	stream.indirect.gather [hbm4b:s1+s6], $0x80, s3, s6, $0xb8;
	[tilespmem:$0x880] =	vst v63  }
0x38: {  	_ =	swait.ge [sflag:s8], $0x800  }
0x39: {  	[sflag:s8] =	ssyncset.done $0x0  }
0x3a: {  	[sflag:s8] =	ssyncadd.s32 $0xFFFFF800  }
0x3b: {  	[hbm4b:s9+s3] =	stream.linear.scatter [tilespmem:s7], [sflag:$0x2], $0x800, $0x38;
	[tilespmem:$0x880] =	vst v63  }
0x3c: {  	_ =	swait.ge [sflag:s4], $0x800  }
0x3d: {  	[sflag:s4] =	ssyncset.done $0x0  }
0x3e: {  	[sflag:s4] =	ssyncadd.s32 $0xFFFFF800  }
0x3f: {  	[tilespmem:s7], [sflag:$0x1] =	stream.indirect.gather [hbm4b:s10+s6], $0x80, s3, s6, $0xb8;
	[tilespmem:$0x880] =	vst v63  }
0x40: {  	_ =	swait.ge [sflag:s8], $0x800  }
0x41: {  	[sflag:s8] =	ssyncset.done $0x0  }
0x42: {  	[sflag:s8] =	ssyncadd.s32 $0xFFFFF800  }
0x43: {  	[hbm4b:s11+s3] =	stream.linear.scatter [tilespmem:s7], [sflag:$0x2], $0x800, $0x38;
	[tilespmem:$0x880] =	vst v63  }
0x44: {  	_ =	swait.ge [sflag:s4], $0x800  }
0x45: {  	[sflag:s4] =	ssyncset.done $0x0  }
0x46: {  	[sflag:s4] =	ssyncadd.s32 $0xFFFFF800  }
0x47: {  	[tilespmem:s7], [sflag:$0x1] =	stream.indirect.gather [hbm4b:s12+s6], $0x80, s3, s6, $0xb8;
	[tilespmem:$0x880] =	vst v63  }
0x48: {  	_ =	swait.ge [sflag:s8], $0x800  }
0x49: {  	[sflag:s8] =	ssyncset.done $0x0  }
0x4a: {  	[sflag:s8] =	ssyncadd.s32 $0xFFFFF800  }
0x4b: {  	[hbm4b:s13+s3] =	stream.linear.scatter [tilespmem:s7], [sflag:$0x2], $0x800, $0x38;
	[tilespmem:$0x880] =	vst v63  }
0x4c: {  	_ =	swait.ge [sflag:s4], $0x800  }
0x4d: {  	[sflag:s4] =	ssyncset.done $0x0  }
0x4e: {  	[sflag:s4] =	ssyncadd.s32 $0xFFFFF800  }
0x4f: {  	[tilespmem:s7], [sflag:$0x1] =	stream.indirect.gather [hbm4b:s14+s6], $0x80, s3, s6, $0xb8;
	[tilespmem:$0x880] =	vst v63  }
0x50: {  	_ =	swait.ge [sflag:s8], $0x800  }
0x51: {  	[sflag:s8] =	ssyncset.done $0x0  }
0x52: {  	[sflag:s8] =	ssyncadd.s32 $0xFFFFF800  }
0x53: {  	[hbm4b:s15+s3] =	stream.linear.scatter [tilespmem:s7], [sflag:$0x2], $0x800, $0x38;
	[tilespmem:$0x880] =	vst v63  }
0x54: {  	_ =	swait.ge [sflag:s4], $0x800  }
0x55: {  	[sflag:s4] =	ssyncset.done $0x0  }
0x56: {  	[sflag:s4] =	ssyncadd.s32 $0xFFFFF800  }
0x57: {  	[tilespmem:s7], [sflag:$0x1] =	stream.indirect.gather [hbm4b:s16+s6], $0x80, s3, s6, $0xb8;
	[tilespmem:$0x880] =	vst v63  }
0x58: {  	_ =	swait.ge [sflag:s8], $0x800  }
.Ltmp1:
0x59: {  	[sflag:s8] =	ssyncset.done $0x0;
	(pc) =	sbr.rel @p0 .LBB2_1-.Ltmp1, $4  }
0x5a: {  	[sflag:s8] =	ssyncadd.s32 $0xFFFFF800  }
0x5b: {  	[hbm4b:s17+s3] =	stream.linear.scatter [tilespmem:s7], [sflag:$0x2], $0x800, $0x38;
	[tilespmem:$0x880] =	vst v63  }
0x5c: {  	_ =	swait.ge [sflag:s4], $0x800  }
0x5d: {  	[sflag:s4] =	ssyncset.done $0x0  }
.LBB2_2:
0x5e: {  	[sflag:s4] =	ssyncadd.s32 $0xFFFFF800  }
0x5f: {  	_ =	sfence.sel $0x180000  }
0x60: {  	[bflag:$0x0] =	sbarrier.arrive $0xFFFF  }
0x61: {  	p0 =	sne.s32 s0, $0x0;
	_ =	strace $0x90000053  }
0x62: {  	s0 =	sadd.s32 @!p0 $0x100000, s2;
	[bflag:$0x2] =	sbarrier.arrive $0xFFFF  }
0x63: {  	[sflag:s0] =	ssyncadd.tile.s32 @!p0 $0x1;
	_ =	shalt  }
.Lfunc_end2:
_tile_overlayer_lowered:
.L_overlay_start_2:
0x64: {  	(tag) =	ssettag $0x2  }
0x65: {  	s0 =	rddreg [dreg:$0x0];
	s2 =	stileid.u32  }
0x66: {  	s1 =	rddreg [dreg:$0x1];
	p0 =	sne.s32 s2, $0x0  }
0x67: {  	s3 =	rddreg [dreg:$0x2];
	[bflag:$0x3] =	sbarrier.arrive $0xFFFF;
	s2 =	simm.s32 @!p0 $0x1C02  }
0x68: {  	[timem:s3], [sflag:s2] =	dma.local @!p0 [hbm:s0], s1  }
0x69: {  	s0 =	simm.s32 @!p0 $0x2  }
0x6a: {  	_ =	swait.ge @!p0 [sflag:s0], s1  }
0x6b: {  	s1 =	ssub.s32 @!p0 $0x0, s1;
	[sflag:s0] =	ssyncset.done @!p0 $0x0  }
0x6c: {  	[sflag:s0] =	ssyncadd.s32 @!p0 s1  }
0x6d: {  	[bflag:$0x3] =	sbarrier.arrive $0xFFFF  }
0x6e: {  	_ =	shalt  }

</sc_bundles>
